<compile_context>
chip_gen: v7x
topology: tpu7x:2x2x1
jax: 0.10.2.dev20260603
libtpu: 0.0.44.dev20260713+nightly
codegen_flags: <defaults>
</compile_context>

<pallas_src>
import functools

import jax
import jax.numpy as jnp
from jax import lax
from jax.experimental import pallas as pl
from jax.experimental.pallas import tpu as pltpu
from jax.experimental.pallas import tpu_sc as plsc

N = 10000
E = 320000
H = 128
G = 16

NC = 2
NS = 16
NW = NC * NS
EP = E // NW
CH = 80
NJ = EP // CH
NP = 10240
EH = E // 2
CHh = 40
NJh = (EH // NW) // CHh
RS = NP // NS

TE = 1280
GE = E // TE
TN = 1000
GN = N // TN
TBC = 8000

_f32 = jnp.float32


def _mesh():
    return plsc.VectorSubcoreMesh(core_axis_name="c", subcore_axis_name="s",
                                  num_cores=NC, num_subcores=NS)


@functools.lru_cache(maxsize=None)
def _get_sc_gather(es, ch, nj):
    eps = es // NW

    @functools.partial(
        pl.kernel,
        out_type=(jax.ShapeDtypeStruct((es, H), _f32),
                  jax.ShapeDtypeStruct((es, H), _f32)),
        mesh=_mesh(),
        scratch_types=[
            pltpu.VMEM((nj, ch), jnp.int32),
            pltpu.VMEM((nj, ch), jnp.int32),
            pltpu.VMEM((ch, H), _f32),
            pltpu.VMEM((ch, H), _f32),
            pltpu.SemaphoreType.DMA,
            pltpu.SemaphoreType.DMA,
        ],
    )
    def k(xi_hbm, xj_hbm, dst3_hbm, src3_hbm, outa_hbm, outb_hbm,
          idxd, idxs, bufa, bufb, sema, semb):
        c = lax.axis_index("c")
        s = lax.axis_index("s")
        wid = s * NC + c
        base = wid * eps
        pltpu.sync_copy(dst3_hbm.at[wid], idxd)
        pltpu.sync_copy(src3_hbm.at[wid], idxs)

        def body(j, carry):
            a = pltpu.async_copy(xi_hbm.at[idxd.at[j]], bufa, sema)
            b = pltpu.async_copy(xj_hbm.at[idxs.at[j]], bufb, semb)
            a.wait()
            b.wait()
            pltpu.sync_copy(bufa, outa_hbm.at[pl.ds(base + j * ch, ch)])
            pltpu.sync_copy(bufb, outb_hbm.at[pl.ds(base + j * ch, ch)])
            return carry

        lax.fori_loop(0, nj, body, 0)

    return k


def _sc_gather2(xi, xj, dst3, src3):
    es = dst3.shape[0] * dst3.shape[1] * dst3.shape[2]
    return _get_sc_gather(es, dst3.shape[2], dst3.shape[1])(
        xi, xj, dst3, src3)


@functools.lru_cache(maxsize=None)
def _get_sc_scatter(es, ch, nj):
    eps = es // NW

    @functools.partial(
        pl.kernel,
        out_type=jax.ShapeDtypeStruct((NC, NP, H), _f32),
        mesh=_mesh(),
        scratch_types=[
            pltpu.VMEM((nj, ch), jnp.int32),
            pltpu.VMEM((ch, H), _f32),
            pltpu.VMEM_SHARED((NP, H), _f32),
        ],
    )
    def k(vals_hbm, idx3_hbm, zeros_hbm, out_hbm, idxv, chunk, acc):
        c = lax.axis_index("c")
        s = lax.axis_index("s")
        wid = s * NC + c
        base = wid * eps
        pltpu.sync_copy(idx3_hbm.at[wid], idxv)
        pltpu.sync_copy(zeros_hbm.at[pl.ds(s * RS, RS)],
                        acc.at[pl.ds(s * RS, RS)])
        plsc.subcore_barrier()

        def body(j, carry):
            pltpu.sync_copy(vals_hbm.at[pl.ds(base + j * ch, ch)], chunk)
            pltpu.sync_copy(chunk, acc.at[idxv.at[j]], add=True)
            return carry

        lax.fori_loop(0, nj, body, 0)
        plsc.subcore_barrier()
        pltpu.sync_copy(acc.at[pl.ds(s * RS, RS)],
                        out_hbm.at[c, pl.ds(s * RS, RS)])

    return k


def _sc_scatter(vals, idx3, zeros):
    es = idx3.shape[0] * idx3.shape[1] * idx3.shape[2]
    return _get_sc_scatter(es, idx3.shape[2], idx3.shape[1])(
        vals, idx3, zeros)


@functools.lru_cache(maxsize=None)
def _get_sc_hist():
    @functools.partial(
        pl.kernel,
        out_type=jax.ShapeDtypeStruct((NW, 8, H), _f32),
        mesh=_mesh(),
        scratch_types=[
            pltpu.VMEM((NJ, CH), jnp.int32),
            pltpu.VMEM((CH, H), _f32),
            pltpu.VMEM((8, H), _f32),
            pltpu.SemaphoreType.DMA,
        ],
    )
    def k(tab_hbm, src3_hbm, zeros8_hbm, out_hbm, idxs, buf, accv, sem):
        c = lax.axis_index("c")
        s = lax.axis_index("s")
        wid = s * NC + c
        pltpu.sync_copy(src3_hbm.at[wid], idxs)
        pltpu.sync_copy(zeros8_hbm, accv)

        def body(j, acc):
            pltpu.async_copy(tab_hbm.at[idxs.at[j]], buf, sem).wait()
            for r in range(CH):
                acc = acc + buf[r, pl.ds(0, 16)]
            return acc

        acc = lax.fori_loop(0, NJ, body, jnp.zeros((16,), _f32))
        accv[0, pl.ds(0, 16)] = acc
        pltpu.sync_copy(accv, out_hbm.at[wid])

    return k


def _sc_hist(onehot128, src3, zeros8):
    return _get_sc_hist()(onehot128, src3, zeros8)


def _dot(a, b):
    return jnp.dot(a, b, preferred_element_type=_f32)


def _dotx(a, b):
    return jnp.dot(a, b, preferred_element_type=_f32,
                   precision=lax.Precision.HIGHEST)


def _wspec(shape):
    return pl.BlockSpec(shape, lambda i: (0,) * len(shape))


def _tc_node0(xpad, w1, w2, w3, bmat, wi, wj):
    def body(x_ref, w1_ref, w2_ref, w3_ref, b_ref, wi_ref, wj_ref,
             x0_ref, xi_ref, xj_ref):
        h = jnp.maximum(x_ref[:, 0:1] * w1_ref[0:1, :] + b_ref[0], 0.0)
        h = jnp.maximum(_dot(h, w2_ref[...]) + b_ref[1], 0.0)
        x0 = _dot(h, w3_ref[...]) + b_ref[2]
        x0_ref[...] = x0
        xi_ref[...] = _dot(x0, wi_ref[...])
        xj_ref[...] = _dot(x0, wj_ref[...])

    return pl.pallas_call(
        body,
        grid=(GN,),
        in_specs=[
            pl.BlockSpec((TN, 8), lambda i: (i, 0)),
            _wspec((8, H)), _wspec((H, H)), _wspec((H, H)),
            _wspec((8, H)), _wspec((H, H)), _wspec((H, H)),
        ],
        out_specs=[pl.BlockSpec((TN, H), lambda i: (i, 0))] * 3,
        out_shape=[jax.ShapeDtypeStruct((N, H), _f32)] * 3,
    )(xpad, w1, w2, w3, bmat, wi, wj)


def _tc_edge1(attr8, ga, gb, wa1, wa2, wa3, we1ef, we2, we3, gfe, starts8,
              ends8, bmat, pos_off):
    def body(a_ref, ga_ref, gb_ref, wa1_ref, wa2_ref, wa3_ref, wef_ref,
             we2_ref, we3_ref, gfe_ref, st_ref, en_ref, b_ref,
             ef0_ref, msg_ref):
        i = pl.program_id(0)
        a = a_ref[...]
        h = jnp.maximum(_dot(a, wa1_ref[...]) + b_ref[0], 0.0)
        h = jnp.maximum(_dot(h, wa2_ref[...]) + b_ref[1], 0.0)
        ef0 = _dot(h, wa3_ref[...]) + b_ref[2]
        ef0_ref[...] = ef0
        pos = (lax.broadcasted_iota(jnp.int32, (TE, 1), 0)
               + (i * TE + pos_off)).astype(_f32)
        st = st_ref[0:1, 0:G]
        en = en_ref[0:1, 0:G]
        oh = ((pos >= st) & (pos < en)).astype(_f32)
        gfm = _dotx(oh, gfe_ref[...])
        h1 = jnp.maximum((ga_ref[...] + gb_ref[...]) + _dot(ef0, wef_ref[...])
                         + gfm + b_ref[3], 0.0)
        h2 = jnp.maximum(_dot(h1, we2_ref[...]) + b_ref[4], 0.0)
        msg_ref[...] = _dot(h2, we3_ref[...]) + b_ref[5]

    es = attr8.shape[0]
    return pl.pallas_call(
        body,
        grid=(es // TE,),
        in_specs=[
            pl.BlockSpec((TE, 8), lambda i: (i, 0)),
            pl.BlockSpec((TE, H), lambda i: (i, 0)),
            pl.BlockSpec((TE, H), lambda i: (i, 0)),
            _wspec((8, H)), _wspec((H, H)), _wspec((H, H)),
            _wspec((H, H)), _wspec((H, H)), _wspec((H, H)),
            _wspec((G, H)), _wspec((8, 32)), _wspec((8, 32)),
            _wspec((8, H)),
        ],
        out_specs=[pl.BlockSpec((TE, H), lambda i: (i, 0))] * 2,
        out_shape=[jax.ShapeDtypeStruct((es, H), _f32)] * 2,
    )(attr8, ga, gb, wa1, wa2, wa3, we1ef, we2, we3, gfe, starts8, ends8,
      bmat)


def _tc_node1(x0, sega, segb, onehotn, wx, wa, gfn, w2, w3, bmat, wi, wj):
    def body(x_ref, sega_ref, segb_ref, oh_ref, wx_ref, wa_ref, gfn_ref,
             w2_ref, w3_ref, b_ref, wi_ref, wj_ref, x1_ref, xi_ref, xj_ref):
        x = x_ref[...]
        aggr = (sega_ref[0] + sega_ref[1]) + (segb_ref[0] + segb_ref[1])
        gfm = _dotx(oh_ref[...], gfn_ref[...])
        h = jnp.maximum(_dot(x, wx_ref[...]) + _dot(aggr, wa_ref[...])
                        + gfm + b_ref[0], 0.0)
        h = jnp.maximum(_dot(h, w2_ref[...]) + b_ref[1], 0.0)
        x1 = x + _dot(h, w3_ref[...]) + b_ref[2]
        x1_ref[...] = x1
        xi_ref[...] = _dot(x1, wi_ref[...])
        xj_ref[...] = _dot(x1, wj_ref[...])

    return pl.pallas_call(
        body,
        grid=(GN,),
        in_specs=[
            pl.BlockSpec((TN, H), lambda i: (i, 0)),
            pl.BlockSpec((NC, TN, H), lambda i: (0, i, 0)),
            pl.BlockSpec((NC, TN, H), lambda i: (0, i, 0)),
            pl.BlockSpec((TN, G), lambda i: (i, 0)),
            _wspec((H, H)), _wspec((H, H)), _wspec((G, H)),
            _wspec((H, H)), _wspec((H, H)), _wspec((8, H)),
            _wspec((H, H)), _wspec((H, H)),
        ],
        out_specs=[pl.BlockSpec((TN, H), lambda i: (i, 0))] * 3,
        out_shape=[jax.ShapeDtypeStruct((N, H), _f32)] * 3,
    )(x0, sega, segb, onehotn, wx, wa, gfn, w2, w3, bmat, wi, wj)


def _tc_edge2(ef0, msg1, ga, gb, we1ef, we2, we3, gfe, starts8, ends8, bmat,
              pos_off):
    def body(ef0_ref, m1_ref, ga_ref, gb_ref, wef_ref, we2_ref, we3_ref,
             gfe_ref, st_ref, en_ref, b_ref, msg_ref):
        i = pl.program_id(0)
        ef1 = ef0_ref[...] + m1_ref[...]
        pos = (lax.broadcasted_iota(jnp.int32, (TE, 1), 0)
               + (i * TE + pos_off)).astype(_f32)
        st = st_ref[0:1, 0:G]
        en = en_ref[0:1, 0:G]
        oh = ((pos >= st) & (pos < en)).astype(_f32)
        gfm = _dotx(oh, gfe_ref[...])
        h1 = jnp.maximum((ga_ref[...] + gb_ref[...]) + _dot(ef1, wef_ref[...])
                         + gfm + b_ref[0], 0.0)
        h2 = jnp.maximum(_dot(h1, we2_ref[...]) + b_ref[1], 0.0)
        msg_ref[...] = _dot(h2, we3_ref[...]) + b_ref[2]

    es = ef0.shape[0]
    return pl.pallas_call(
        body,
        grid=(es // TE,),
        in_specs=[
            pl.BlockSpec((TE, H), lambda i: (i, 0)),
            pl.BlockSpec((TE, H), lambda i: (i, 0)),
            pl.BlockSpec((TE, H), lambda i: (i, 0)),
            pl.BlockSpec((TE, H), lambda i: (i, 0)),
            _wspec((H, H)), _wspec((H, H)), _wspec((H, H)),
            _wspec((G, H)), _wspec((8, 32)), _wspec((8, 32)),
            _wspec((8, H)),
        ],
        out_specs=pl.BlockSpec((TE, H), lambda i: (i, 0)),
        out_shape=jax.ShapeDtypeStruct((es, H), _f32),
    )(ef0, msg1, ga, gb, we1ef, we2, we3, gfe, starts8, ends8, bmat)


def _tc_node2(x1, sega, segb, onehotn, wx, wa, gfn, w2, w3, bmat, wact1,
              wact2, wact3p, bact):
    def body(x_ref, sega_ref, segb_ref, oh_ref, wx_ref, wa_ref, gfn_ref,
             w2_ref, w3_ref, b_ref, a1_ref, a2_ref, a3_ref, ba_ref, out_ref):
        x = x_ref[...]
        aggr = (sega_ref[0] + sega_ref[1]) + (segb_ref[0] + segb_ref[1])
        gfm = _dotx(oh_ref[...], gfn_ref[...])
        h = jnp.maximum(_dot(x, wx_ref[...]) + _dot(aggr, wa_ref[...])
                        + gfm + b_ref[0], 0.0)
        h = jnp.maximum(_dot(h, w2_ref[...]) + b_ref[1], 0.0)
        x2 = x + _dot(h, w3_ref[...]) + b_ref[2]
        a = jnp.maximum(_dot(x2, a1_ref[...]) + ba_ref[0], 0.0)
        a = jnp.maximum(_dot(a, a2_ref[...]) + ba_ref[1], 0.0)
        out_ref[...] = _dot(a, a3_ref[...]) + ba_ref[2]

    return pl.pallas_call(
        body,
        grid=(GN,),
        in_specs=[
            pl.BlockSpec((TN, H), lambda i: (i, 0)),
            pl.BlockSpec((NC, TN, H), lambda i: (0, i, 0)),
            pl.BlockSpec((NC, TN, H), lambda i: (0, i, 0)),
            pl.BlockSpec((TN, G), lambda i: (i, 0)),
            _wspec((H, H)), _wspec((H, H)), _wspec((G, H)),
            _wspec((H, H)), _wspec((H, H)), _wspec((8, H)),
            _wspec((H, H)), _wspec((H, H)), _wspec((H, H)),
            _wspec((8, H)),
        ],
        out_specs=pl.BlockSpec((TN, H), lambda i: (i, 0)),
        out_shape=jax.ShapeDtypeStruct((N, H), _f32),
    )(x1, sega, segb, onehotn, wx, wa, gfn, w2, w3, bmat, wact1, wact2,
      wact3p, bact)


def _bias_mat(*bs):
    m = jnp.zeros((8, H), _f32)
    for r, b in enumerate(bs):
        m = m.at[r, : b.shape[0]].set(b)
    return m


def _pad_rows(w, rows):
    return jnp.zeros((rows, w.shape[1]), _f32).at[: w.shape[0]].set(w)


def kernel(contact_node, contact_force, initial_edge_delta, length,
           parent2child, branch, stiffness, edge_index, batch, params):
    src = edge_index[0].astype(jnp.int32)
    dst = edge_index[1].astype(jnp.int32)
    src3 = src.reshape(NW, NJ, CH)
    dst3a = dst[:EH].reshape(NW, NJh, CHh)
    dst3b = dst[EH:].reshape(NW, NJh, CHh)
    src3a = src[:EH].reshape(NW, NJh, CHh)
    src3b = src[EH:].reshape(NW, NJh, CHh)

    attr8 = jnp.concatenate(
        [initial_edge_delta, length[:, None], parent2child[:, None],
         branch[:, None], stiffness[:, None], jnp.zeros((E, 1), _f32)],
        axis=1)
    xpad = jnp.pad(contact_node[:, None].astype(_f32), ((0, 0), (0, 7)))
    onehotn = (batch[:, None] == jnp.arange(G, dtype=batch.dtype)[None, :]
               ).astype(_f32)
    zerosH = jnp.zeros((NP, H), _f32)
    gf = contact_force.reshape(G, 3)

    (wn01, bn01), (wn02, bn02), (wn03, bn03) = params['node_in']
    (wa1, ba1), (wa2, ba2), (wa3, ba3) = params['edge_in']
    (wc1, bc1), (wc2, bc2), (wc3, bc3) = params['node_action']
    in1, in2 = params['IN'][0], params['IN'][1]
    (e11, be11), (e12, be12), (e13, be13) = in1['lin_edge']
    (n11, bn11), (n12, bn12), (n13, bn13) = in1['lin_node']
    (e21, be21), (e22, be22), (e23, be23) = in2['lin_edge']
    (n21, bn21), (n22, bn22), (n23, bn23) = in2['lin_node']

    w1i_1, w1j_1, w1e_1, w1g_1 = e11[:H], e11[H:2*H], e11[2*H:3*H], e11[3*H:]
    w1i_2, w1j_2, w1e_2, w1g_2 = e21[:H], e21[H:2*H], e21[2*H:3*H], e21[3*H:]
    nx1, na1, ng1 = n11[:H], n11[H:2*H], n11[2*H:]
    nx2, na2, ng2 = n21[:H], n21[H:2*H], n21[2*H:]

    gfe1 = _dot(gf, w1g_1)
    gfe2 = _dot(gf, w1g_2)
    gfn1 = _dot(gf, ng1)
    gfn2 = _dot(gf, ng2)

    onehot128 = jnp.pad(onehotn, ((0, 0), (0, H - G)))
    hist = _sc_hist(onehot128, src3, jnp.zeros((8, H), _f32))
    counts = jnp.sum(hist, axis=(0, 1))[:G]
    ends_v = jnp.cumsum(counts)
    starts_v = ends_v - counts
    starts8 = jnp.broadcast_to(
        jnp.zeros((32,), _f32).at[:G].set(starts_v), (8, 32))
    ends8 = jnp.broadcast_to(
        jnp.zeros((32,), _f32).at[:G].set(ends_v), (8, 32))

    x0, xi1, xj1 = _tc_node0(
        xpad, _pad_rows(wn01, 8), wn02, wn03,
        _bias_mat(bn01, bn02, bn03), w1i_1, w1j_1)

    eb1 = _bias_mat(ba1, ba2, ba3, be11, be12, be13)
    ga1a, gb1a = _sc_gather2(xi1, xj1, dst3a, src3a)
    ga1b, gb1b = _sc_gather2(xi1, xj1, dst3b, src3b)
    ef0a, msg1a = _tc_edge1(
        attr8[:EH], ga1a, gb1a, _pad_rows(wa1, 8), wa2, wa3, w1e_1, e12,
        e13, gfe1, starts8, ends8, eb1, 0)
    ef0b, msg1b = _tc_edge1(
        attr8[EH:], ga1b, gb1b, _pad_rows(wa1, 8), wa2, wa3, w1e_1, e12,
        e13, gfe1, starts8, ends8, eb1, EH)
    seg1a = _sc_scatter(msg1a, dst3a, zerosH)
    seg1b = _sc_scatter(msg1b, dst3b, zerosH)
    x1, xi2, xj2 = _tc_node1(
        x0, seg1a, seg1b, onehotn, nx1, na1, gfn1, n12, n13,
        _bias_mat(bn11, bn12, bn13), w1i_2, w1j_2)

    eb2 = _bias_mat(be21, be22, be23)
    ga2a, gb2a = _sc_gather2(xi2, xj2, dst3a, src3a)
    ga2b, gb2b = _sc_gather2(xi2, xj2, dst3b, src3b)
    msg2a = _tc_edge2(ef0a, msg1a, ga2a, gb2a, w1e_2, e22, e23, gfe2,
                      starts8, ends8, eb2, 0)
    msg2b = _tc_edge2(ef0b, msg1b, ga2b, gb2b, w1e_2, e22, e23, gfe2,
                      starts8, ends8, eb2, EH)
    seg2a = _sc_scatter(msg2a, dst3a, zerosH)
    seg2b = _sc_scatter(msg2b, dst3b, zerosH)

    wc3p = jnp.zeros((H, H), _f32).at[:, :3].set(wc3)
    bc3p = jnp.zeros((H,), _f32).at[:3].set(bc3)
    out = _tc_node2(
        x1, seg2a, seg2b, onehotn, nx2, na2, gfn2, n22, n23,
        _bias_mat(bn21, bn22, bn23), wc1, wc2, wc3p,
        _bias_mat(bc1, bc2, bc3p))
    return out[:, :3]

# --- scband reference (transcript-rebuilt; emitter-appended) ---
"""Pipeline reference for scband-gnnsimulator-76321568850178 (READ-ONLY COPY).

The authoritative reference and input builder live on the scoring server;
editing this copy changes nothing except your own understanding.
"""

import jax, jax.numpy as jnp
import numpy as np

H = 128
N = 10000
E = 320000
G = 16
NUM_IN_LAYERS = 2


def _mlp_params(key, sizes):
    ps = []
    for i in range(len(sizes) - 1):
        key, k1 = jax.random.split(key)
        W = jax.random.normal(k1, (sizes[i], sizes[i + 1]), dtype=jnp.float32) * (1.0 / np.sqrt(sizes[i]))
        b = jnp.zeros((sizes[i + 1],), dtype=jnp.float32)
        ps.append((W, b))
    return ps


def _mlp_apply(ps, x):
    n = len(ps)
    for i, (W, b) in enumerate(ps):
        x = x @ W + b
        if i != n - 1:
            x = jax.nn.relu(x)
    return x


def setup_inputs(seed: int = 0):
    key = jax.random.key(seed)
    ks = jax.random.split(key, 14)
    contact_node = jax.random.uniform(ks[0], (N,), dtype=jnp.float32)
    contact_force = jax.random.normal(ks[1], (G, 3), dtype=jnp.float32)
    initial_edge_delta = jax.random.normal(ks[2], (E, 3), dtype=jnp.float32)
    length = jax.random.uniform(ks[3], (E,), dtype=jnp.float32)
    parent2child = jax.random.uniform(ks[4], (E,), dtype=jnp.float32)
    branch = jax.random.uniform(ks[5], (E,), dtype=jnp.float32)
    stiffness = jax.random.uniform(ks[6], (E,), dtype=jnp.float32)
    edge_index = jax.random.randint(ks[7], (2, E), 0, N)
    batch = jnp.sort(jax.random.randint(ks[8], (N,), 0, G))
    params = {
        'node_in': _mlp_params(ks[9], [1, H, H, H]),
        'edge_in': _mlp_params(ks[10], [7, H, H, H]),
        'node_action': _mlp_params(ks[11], [H, H, H, 3]),
        'IN': [
            {
                'lin_edge': _mlp_params(jax.random.fold_in(ks[12], i), [3 * H + 3, H, H, H]),
                'lin_node': _mlp_params(jax.random.fold_in(ks[13], i), [2 * H + 3, H, H, H]),
            }
            for i in range(NUM_IN_LAYERS)
        ],
    }
    return {
        'contact_node': contact_node,
        'contact_force': contact_force,
        'initial_edge_delta': initial_edge_delta,
        'length': length,
        'parent2child': parent2child,
        'branch': branch,
        'stiffness': stiffness,
        'edge_index': edge_index,
        'batch': batch,
        'params': params,
    }


def _in_layer(p, x, edge_index, edge_feature, graph_feature, batch):
    gf = graph_feature.reshape(-1, 3)
    src = edge_index[0]
    dst = edge_index[1]
    num_nodes_per_graph = jnp.bincount(batch, length=G)
    num_edges_per_graph = jnp.bincount(batch[src], length=G)
    gf_node = jnp.repeat(gf, num_nodes_per_graph, axis=0, total_repeat_length=x.shape[0])
    gf_edge = jnp.repeat(gf, num_edges_per_graph, axis=0, total_repeat_length=src.shape[0])
    x_i = x[dst]
    x_j = x[src]
    msg = _mlp_apply(p['lin_edge'], jnp.concatenate([x_i, x_j, edge_feature, gf_edge], axis=-1))
    aggr = jax.ops.segment_sum(msg, dst, num_segments=x.shape[0])
    node_out = _mlp_apply(p['lin_node'], jnp.concatenate([x, aggr, gf_node], axis=-1))
    return x + node_out, edge_feature + msg


def reference(contact_node, contact_force, initial_edge_delta, length, parent2child, branch, stiffness, edge_index, batch, params):
    x = contact_node[:, None]
    graph_feature = contact_force
    edge_attr = jnp.concatenate([
        initial_edge_delta,
        length[:, None],
        parent2child[:, None],
        branch[:, None],
        stiffness[:, None],
    ], axis=-1)
    node_feature = _mlp_apply(params['node_in'], x)
    edge_feature = _mlp_apply(params['edge_in'], edge_attr)
    for p in params['IN']:
        node_feature, edge_feature = _in_layer(p, node_feature, edge_index, edge_feature, graph_feature, batch)
    action = _mlp_apply(params['node_action'], node_feature)
    return action

if __name__ == "__main__":
    import jax
    _d = setup_inputs()
    print(jax.jit(kernel)(*tuple(_d.values())))

</pallas_src>

<mosaic_0001>
#map = affine_map<(d0, d1) -> (0, 0)>
#map1 = affine_map<(d0, d1) -> (0, 0, 0)>
module attributes {stable_mosaic.version = 14 : i64} {
  func.func @k(%arg0: i32, %arg1: i32, %arg2: memref<10000x128xf32, #tpu.memory_space<hbm>>, %arg3: memref<32x125x80xi32, #tpu.memory_space<hbm>>, %arg4: memref<8x128xf32, #tpu.memory_space<hbm>>, %arg5: memref<32x8x128xf32, #tpu.memory_space<hbm>>, %arg6: memref<125x80xi32, #tpu.memory_space<vmem>>, %arg7: memref<80x128xf32, #tpu.memory_space<vmem>>, %arg8: memref<8x128xf32, #tpu.memory_space<vmem>>, %arg9: memref<!tpu.dma_semaphore, #tpu.memory_space<semaphore_mem>>) attributes {dimension_semantics = [#tpu.dimension_semantics<core_parallel>, #tpu.dimension_semantics<subcore_parallel>], iteration_bounds = array<i64: 2, 16>, scalar_prefetch = 0 : i64, scratch_operands = 4 : i64, tpu.core_type = #tpu.core_type<sc_vector_subcore>, window_params = [{transform_indices = #map}, {transform_indices = #map1}, {transform_indices = #map}, {transform_indices = #map1}]} {
    %mul3A = arith.constant 2 : i32
    %mul3A_0 = arith.muli %arg1, %mul3A : i32
    %add3A = arith.addi %mul3A_0, %arg0 : i32
    "tpu.region"() ({
      %run_scoped3A = tpu.sem_alloc : memref<!tpu.dma_semaphore, #tpu.memory_space<semaphore_mem>>
      %dma_start3A = arith.constant 0 : i32
      %dma_start3A_12 = arith.constant 0 : i32
      %dma_start3A_13 = tpu.memref_slice %arg3[%add3A, %dma_start3A, %dma_start3A_12] : memref<32x125x80xi32, #tpu.memory_space<hbm>> -> memref<1x125x80xi32, #tpu.memory_space<hbm>>
      %dma_start3A_14 = tpu.memref_squeeze %dma_start3A_13 : memref<1x125x80xi32, #tpu.memory_space<hbm>> -> memref<125x80xi32, #tpu.memory_space<hbm>>
      %dma_start3A_15 = arith.constant 0 : i32
      %dma_start3A_16 = arith.constant 0 : i32
      %dma_start3A_17 = tpu.memref_slice %arg3[%add3A, %dma_start3A_15, %dma_start3A_16] : memref<32x125x80xi32, #tpu.memory_space<hbm>> -> memref<1x125x80xi32, #tpu.memory_space<hbm>>
      %dma_start3A_18 = tpu.memref_squeeze %dma_start3A_17 : memref<1x125x80xi32, #tpu.memory_space<hbm>> -> memref<125x80xi32, #tpu.memory_space<hbm>>
      tpu.enqueue_dma source(%dma_start3A_18 : memref<125x80xi32, #tpu.memory_space<hbm>>) target(%arg6 : memref<125x80xi32, #tpu.memory_space<vmem>>) target_semaphore(%run_scoped3A : memref<!tpu.dma_semaphore, #tpu.memory_space<semaphore_mem>>)
      %dma_wait3A = arith.constant 0 : i32
      %dma_wait3A_19 = arith.constant 0 : i32
      %dma_wait3A_20 = tpu.memref_slice %arg3[%add3A, %dma_wait3A, %dma_wait3A_19] : memref<32x125x80xi32, #tpu.memory_space<hbm>> -> memref<1x125x80xi32, #tpu.memory_space<hbm>>
      %dma_wait3A_21 = tpu.memref_squeeze %dma_wait3A_20 : memref<1x125x80xi32, #tpu.memory_space<hbm>> -> memref<125x80xi32, #tpu.memory_space<hbm>>
      %dma_wait3A_22 = arith.constant 0 : i32
      %dma_wait3A_23 = arith.constant 0 : i32
      %dma_wait3A_24 = tpu.memref_slice %arg3[%add3A, %dma_wait3A_22, %dma_wait3A_23] : memref<32x125x80xi32, #tpu.memory_space<hbm>> -> memref<1x125x80xi32, #tpu.memory_space<hbm>>
      %dma_wait3A_25 = tpu.memref_squeeze %dma_wait3A_24 : memref<1x125x80xi32, #tpu.memory_space<hbm>> -> memref<125x80xi32, #tpu.memory_space<hbm>>
      tpu.wait_dma2 semaphore(%run_scoped3A : memref<!tpu.dma_semaphore, #tpu.memory_space<semaphore_mem>>) src(%dma_wait3A_25 : memref<125x80xi32, #tpu.memory_space<hbm>>) dst(%arg6 : memref<125x80xi32, #tpu.memory_space<vmem>>)
      tpu.yield
    }) : () -> ()
    "tpu.region"() ({
      %run_scoped3A = tpu.sem_alloc : memref<!tpu.dma_semaphore, #tpu.memory_space<semaphore_mem>>
      tpu.enqueue_dma source(%arg4 : memref<8x128xf32, #tpu.memory_space<hbm>>) target(%arg8 : memref<8x128xf32, #tpu.memory_space<vmem>>) target_semaphore(%run_scoped3A : memref<!tpu.dma_semaphore, #tpu.memory_space<semaphore_mem>>)
      tpu.wait_dma2 semaphore(%run_scoped3A : memref<!tpu.dma_semaphore, #tpu.memory_space<semaphore_mem>>) src(%arg4 : memref<8x128xf32, #tpu.memory_space<hbm>>) dst(%arg8 : memref<8x128xf32, #tpu.memory_space<vmem>>)
      tpu.yield
    }) : () -> ()
    %broadcast_in_dim3A = arith.constant 0.000000e+00 : f32
    %broadcast_in_dim3A_1 = vector.broadcast %broadcast_in_dim3A : f32 to vector<16xf32>
    %scan3A = arith.constant 0 : i32
    %scan3A_2 = arith.constant 125 : i32
    %scan3A_3 = arith.addi %scan3A, %scan3A_2 : i32
    %scan3A_4 = arith.constant 1 : i32
    %scan3A_5 = scf.for %scan3A_12 = %scan3A to %scan3A_3 step %scan3A_4 iter_args(%scan3A_13 = %broadcast_in_dim3A_1) -> (vector<16xf32>)  : i32 {
      %dma_start3A = arith.constant 0 : i32
      %dma_start3A_14 = tpu.memref_slice %arg6[%scan3A_12, %dma_start3A] : memref<125x80xi32, #tpu.memory_space<vmem>> -> memref<1x80xi32, #tpu.memory_space<vmem>>
      %dma_start3A_15 = tpu.memref_squeeze %dma_start3A_14 : memref<1x80xi32, #tpu.memory_space<vmem>> -> memref<80xi32, #tpu.memory_space<vmem>>
      %dma_start3A_16 = arith.constant 0 : i32
      %dma_start3A_17 = arith.constant 0 : i32
      %dma_start3A_18 = tpu.memref_slice %arg2[%dma_start3A_16, %dma_start3A_17] : memref<10000x128xf32, #tpu.memory_space<hbm>> -> memref<10000x128xf32, #tpu.memory_space<hbm>>
      tpu.enqueue_indirect_dma source(%dma_start3A_18 : memref<10000x128xf32, #tpu.memory_space<hbm>>) target(%arg7 : memref<80x128xf32, #tpu.memory_space<vmem>>) offsets(%dma_start3A_15 : memref<80xi32, #tpu.memory_space<vmem>>) semaphore(%arg9 : memref<!tpu.dma_semaphore, #tpu.memory_space<semaphore_mem>>)
      %dma_wait3A = arith.constant 0 : i32
      %dma_wait3A_19 = tpu.memref_slice %arg6[%scan3A_12, %dma_wait3A] : memref<125x80xi32, #tpu.memory_space<vmem>> -> memref<1x80xi32, #tpu.memory_space<vmem>>
      %dma_wait3A_20 = tpu.memref_squeeze %dma_wait3A_19 : memref<1x80xi32, #tpu.memory_space<vmem>> -> memref<80xi32, #tpu.memory_space<vmem>>
      %dma_wait3A_21 = arith.constant 0 : i32
      %dma_wait3A_22 = arith.constant 0 : i32
      %dma_wait3A_23 = tpu.memref_slice %arg2[%dma_wait3A_21, %dma_wait3A_22] : memref<10000x128xf32, #tpu.memory_space<hbm>> -> memref<10000x128xf32, #tpu.memory_space<hbm>>
      tpu.wait_indirect_dma semaphore(%arg9 : memref<!tpu.dma_semaphore, #tpu.memory_space<semaphore_mem>>) src(%dma_wait3A_23 : memref<10000x128xf32, #tpu.memory_space<hbm>>) dst(%arg7 : memref<80x128xf32, #tpu.memory_space<vmem>>)
      %get3A = arith.constant 0 : i32
      %get3A_24 = arith.index_cast %get3A : i32 to index
      %get3A_25 = arith.constant 0 : index
      %get3A_26 = tpu.vector_load %arg7[%get3A_24, %get3A_25] {strides = array<i32>} : memref<80x128xf32, #tpu.memory_space<vmem>>, vector<1x16xf32>,
      %get3A_27 = vector.shape_cast %get3A_26 : vector<1x16xf32> to vector<16xf32>
      %add3A_28 = arith.addf %scan3A_13, %get3A_27 : vector<16xf32>
      %get3A_29 = arith.constant 1 : i32
      %get3A_30 = arith.index_cast %get3A_29 : i32 to index
      %get3A_31 = arith.constant 0 : index
      %get3A_32 = tpu.vector_load %arg7[%get3A_30, %get3A_31] {strides = array<i32>} : memref<80x128xf32, #tpu.memory_space<vmem>>, vector<1x16xf32>,
      %get3A_33 = vector.shape_cast %get3A_32 : vector<1x16xf32> to vector<16xf32>
      %add3A_34 = arith.addf %add3A_28, %get3A_33 : vector<16xf32>
      %get3A_35 = arith.constant 2 : i32
      %get3A_36 = arith.index_cast %get3A_35 : i32 to index
      %get3A_37 = arith.constant 0 : index
      %get3A_38 = tpu.vector_load %arg7[%get3A_36, %get3A_37] {strides = array<i32>} : memref<80x128xf32, #tpu.memory_space<vmem>>, vector<1x16xf32>,
      %get3A_39 = vector.shape_cast %get3A_38 : vector<1x16xf32> to vector<16xf32>
      %add3A_40 = arith.addf %add3A_34, %get3A_39 : vector<16xf32>
      %get3A_41 = arith.constant 3 : i32
      %get3A_42 = arith.index_cast %get3A_41 : i32 to index
      %get3A_43 = arith.constant 0 : index
      %get3A_44 = tpu.vector_load %arg7[%get3A_42, %get3A_43] {strides = array<i32>} : memref<80x128xf32, #tpu.memory_space<vmem>>, vector<1x16xf32>,
      %get3A_45 = vector.shape_cast %get3A_44 : vector<1x16xf32> to vector<16xf32>
      %add3A_46 = arith.addf %add3A_40, %get3A_45 : vector<16xf32>
      %get3A_47 = arith.constant 4 : i32
      %get3A_48 = arith.index_cast %get3A_47 : i32 to index
      %get3A_49 = arith.constant 0 : index
      %get3A_50 = tpu.vector_load %arg7[%get3A_48, %get3A_49] {strides = array<i32>} : memref<80x128xf32, #tpu.memory_space<vmem>>, vector<1x16xf32>,
      %get3A_51 = vector.shape_cast %get3A_50 : vector<1x16xf32> to vector<16xf32>
      %add3A_52 = arith.addf %add3A_46, %get3A_51 : vector<16xf32>
      %get3A_53 = arith.constant 5 : i32
      %get3A_54 = arith.index_cast %get3A_53 : i32 to index
      %get3A_55 = arith.constant 0 : index
      %get3A_56 = tpu.vector_load %arg7[%get3A_54, %get3A_55] {strides = array<i32>} : memref<80x128xf32, #tpu.memory_space<vmem>>, vector<1x16xf32>,
      %get3A_57 = vector.shape_cast %get3A_56 : vector<1x16xf32> to vector<16xf32>
      %add3A_58 = arith.addf %add3A_52, %get3A_57 : vector<16xf32>
      %get3A_59 = arith.constant 6 : i32
      %get3A_60 = arith.index_cast %get3A_59 : i32 to index
      %get3A_61 = arith.constant 0 : index
      %get3A_62 = tpu.vector_load %arg7[%get3A_60, %get3A_61] {strides = array<i32>} : memref<80x128xf32, #tpu.memory_space<vmem>>, vector<1x16xf32>,
      %get3A_63 = vector.shape_cast %get3A_62 : vector<1x16xf32> to vector<16xf32>
      %add3A_64 = arith.addf %add3A_58, %get3A_63 : vector<16xf32>
      %get3A_65 = arith.constant 7 : i32
      %get3A_66 = arith.index_cast %get3A_65 : i32 to index
      %get3A_67 = arith.constant 0 : index
      %get3A_68 = tpu.vector_load %arg7[%get3A_66, %get3A_67] {strides = array<i32>} : memref<80x128xf32, #tpu.memory_space<vmem>>, vector<1x16xf32>,
      %get3A_69 = vector.shape_cast %get3A_68 : vector<1x16xf32> to vector<16xf32>
      %add3A_70 = arith.addf %add3A_64, %get3A_69 : vector<16xf32>
      %get3A_71 = arith.constant 8 : i32
      %get3A_72 = arith.index_cast %get3A_71 : i32 to index
      %get3A_73 = arith.constant 0 : index
      %get3A_74 = tpu.vector_load %arg7[%get3A_72, %get3A_73] {strides = array<i32>} : memref<80x128xf32, #tpu.memory_space<vmem>>, vector<1x16xf32>,
      %get3A_75 = vector.shape_cast %get3A_74 : vector<1x16xf32> to vector<16xf32>
      %add3A_76 = arith.addf %add3A_70, %get3A_75 : vector<16xf32>
      %get3A_77 = arith.constant 9 : i32
      %get3A_78 = arith.index_cast %get3A_77 : i32 to index
      %get3A_79 = arith.constant 0 : index
      %get3A_80 = tpu.vector_load %arg7[%get3A_78, %get3A_79] {strides = array<i32>} : memref<80x128xf32, #tpu.memory_space<vmem>>, vector<1x16xf32>,
      %get3A_81 = vector.shape_cast %get3A_80 : vector<1x16xf32> to vector<16xf32>
      %add3A_82 = arith.addf %add3A_76, %get3A_81 : vector<16xf32>
      %get3A_83 = arith.constant 10 : i32
      %get3A_84 = arith.index_cast %get3A_83 : i32 to index
      %get3A_85 = arith.constant 0 : index
      %get3A_86 = tpu.vector_load %arg7[%get3A_84, %get3A_85] {strides = array<i32>} : memref<80x128xf32, #tpu.memory_space<vmem>>, vector<1x16xf32>,
      %get3A_87 = vector.shape_cast %get3A_86 : vector<1x16xf32> to vector<16xf32>
      %add3A_88 = arith.addf %add3A_82, %get3A_87 : vector<16xf32>
      %get3A_89 = arith.constant 11 : i32
      %get3A_90 = arith.index_cast %get3A_89 : i32 to index
      %get3A_91 = arith.constant 0 : index
      %get3A_92 = tpu.vector_load %arg7[%get3A_90, %get3A_91] {strides = array<i32>} : memref<80x128xf32, #tpu.memory_space<vmem>>, vector<1x16xf32>,
      %get3A_93 = vector.shape_cast %get3A_92 : vector<1x16xf32> to vector<16xf32>
      %add3A_94 = arith.addf %add3A_88, %get3A_93 : vector<16xf32>
      %get3A_95 = arith.constant 12 : i32
      %get3A_96 = arith.index_cast %get3A_95 : i32 to index
      %get3A_97 = arith.constant 0 : index
      %get3A_98 = tpu.vector_load %arg7[%get3A_96, %get3A_97] {strides = array<i32>} : memref<80x128xf32, #tpu.memory_space<vmem>>, vector<1x16xf32>,
      %get3A_99 = vector.shape_cast %get3A_98 : vector<1x16xf32> to vector<16xf32>
      %add3A_100 = arith.addf %add3A_94, %get3A_99 : vector<16xf32>
      %get3A_101 = arith.constant 13 : i32
      %get3A_102 = arith.index_cast %get3A_101 : i32 to index
      %get3A_103 = arith.constant 0 : index
      %get3A_104 = tpu.vector_load %arg7[%get3A_102, %get3A_103] {strides = array<i32>} : memref<80x128xf32, #tpu.memory_space<vmem>>, vector<1x16xf32>,
      %get3A_105 = vector.shape_cast %get3A_104 : vector<1x16xf32> to vector<16xf32>
      %add3A_106 = arith.addf %add3A_100, %get3A_105 : vector<16xf32>
      %get3A_107 = arith.constant 14 : i32
      %get3A_108 = arith.index_cast %get3A_107 : i32 to index
      %get3A_109 = arith.constant 0 : index
      %get3A_110 = tpu.vector_load %arg7[%get3A_108, %get3A_109] {strides = array<i32>} : memref<80x128xf32, #tpu.memory_space<vmem>>, vector<1x16xf32>,
      %get3A_111 = vector.shape_cast %get3A_110 : vector<1x16xf32> to vector<16xf32>
      %add3A_112 = arith.addf %add3A_106, %get3A_111 : vector<16xf32>
      %get3A_113 = arith.constant 15 : i32
      %get3A_114 = arith.index_cast %get3A_113 : i32 to index
      %get3A_115 = arith.constant 0 : index
      %get3A_116 = tpu.vector_load %arg7[%get3A_114, %get3A_115] {strides = array<i32>} : memref<80x128xf32, #tpu.memory_space<vmem>>, vector<1x16xf32>,
      %get3A_117 = vector.shape_cast %get3A_116 : vector<1x16xf32> to vector<16xf32>
      %add3A_118 = arith.addf %add3A_112, %get3A_117 : vector<16xf32>
      %get3A_119 = arith.constant 16 : i32
      %get3A_120 = arith.index_cast %get3A_119 : i32 to index
      %get3A_121 = arith.constant 0 : index
      %get3A_122 = tpu.vector_load %arg7[%get3A_120, %get3A_121] {strides = array<i32>} : memref<80x128xf32, #tpu.memory_space<vmem>>, vector<1x16xf32>,
      %get3A_123 = vector.shape_cast %get3A_122 : vector<1x16xf32> to vector<16xf32>
      %add3A_124 = arith.addf %add3A_118, %get3A_123 : vector<16xf32>
      %get3A_125 = arith.constant 17 : i32
      %get3A_126 = arith.index_cast %get3A_125 : i32 to index
      %get3A_127 = arith.constant 0 : index
      %get3A_128 = tpu.vector_load %arg7[%get3A_126, %get3A_127] {strides = array<i32>} : memref<80x128xf32, #tpu.memory_space<vmem>>, vector<1x16xf32>,
      %get3A_129 = vector.shape_cast %get3A_128 : vector<1x16xf32> to vector<16xf32>
      %add3A_130 = arith.addf %add3A_124, %get3A_129 : vector<16xf32>
      %get3A_131 = arith.constant 18 : i32
      %get3A_132 = arith.index_cast %get3A_131 : i32 to index
      %get3A_133 = arith.constant 0 : index
      %get3A_134 = tpu.vector_load %arg7[%get3A_132, %get3A_133] {strides = array<i32>} : memref<80x128xf32, #tpu.memory_space<vmem>>, vector<1x16xf32>,
      %get3A_135 = vector.shape_cast %get3A_134 : vector<1x16xf32> to vector<16xf32>
      %add3A_136 = arith.addf %add3A_130, %get3A_135 : vector<16xf32>
      %get3A_137 = arith.constant 19 : i32
      %get3A_138 = arith.index_cast %get3A_137 : i32 to index
      %get3A_139 = arith.constant 0 : index
      %get3A_140 = tpu.vector_load %arg7[%get3A_138, %get3A_139] {strides = array<i32>} : memref<80x128xf32, #tpu.memory_space<vmem>>, vector<1x16xf32>,
      %get3A_141 = vector.shape_cast %get3A_140 : vector<1x16xf32> to vector<16xf32>
      %add3A_142 = arith.addf %add3A_136, %get3A_141 : vector<16xf32>
      %get3A_143 = arith.constant 20 : i32
      %get3A_144 = arith.index_cast %get3A_143 : i32 to index
      %get3A_145 = arith.constant 0 : index
      %get3A_146 = tpu.vector_load %arg7[%get3A_144, %get3A_145] {strides = array<i32>} : memref<80x128xf32, #tpu.memory_space<vmem>>, vector<1x16xf32>,
      %get3A_147 = vector.shape_cast %get3A_146 : vector<1x16xf32> to vector<16xf32>
      %add3A_148 = arith.addf %add3A_142, %get3A_147 : vector<16xf32>
      %get3A_149 = arith.constant 21 : i32
      %get3A_150 = arith.index_cast %get3A_149 : i32 to index
      %get3A_151 = arith.constant 0 : index
      %get3A_152 = tpu.vector_load %arg7[%get3A_150, %get3A_151] {strides = array<i32>} : memref<80x128xf32, #tpu.memory_space<vmem>>, vector<1x16xf32>,
      %get3A_153 = vector.shape_cast %get3A_152 : vector<1x16xf32> to vector<16xf32>
      %add3A_154 = arith.addf %add3A_148, %get3A_153 : vector<16xf32>
      %get3A_155 = arith.constant 22 : i32
      %get3A_156 = arith.index_cast %get3A_155 : i32 to index
      %get3A_157 = arith.constant 0 : index
      %get3A_158 = tpu.vector_load %arg7[%get3A_156, %get3A_157] {strides = array<i32>} : memref<80x128xf32, #tpu.memory_space<vmem>>, vector<1x16xf32>,
      %get3A_159 = vector.shape_cast %get3A_158 : vector<1x16xf32> to vector<16xf32>
      %add3A_160 = arith.addf %add3A_154, %get3A_159 : vector<16xf32>
      %get3A_161 = arith.constant 23 : i32
      %get3A_162 = arith.index_cast %get3A_161 : i32 to index
      %get3A_163 = arith.constant 0 : index
      %get3A_164 = tpu.vector_load %arg7[%get3A_162, %get3A_163] {strides = array<i32>} : memref<80x128xf32, #tpu.memory_space<vmem>>, vector<1x16xf32>,
      %get3A_165 = vector.shape_cast %get3A_164 : vector<1x16xf32> to vector<16xf32>
      %add3A_166 = arith.addf %add3A_160, %get3A_165 : vector<16xf32>
      %get3A_167 = arith.constant 24 : i32
      %get3A_168 = arith.index_cast %get3A_167 : i32 to index
      %get3A_169 = arith.constant 0 : index
      %get3A_170 = tpu.vector_load %arg7[%get3A_168, %get3A_169] {strides = array<i32>} : memref<80x128xf32, #tpu.memory_space<vmem>>, vector<1x16xf32>,
      %get3A_171 = vector.shape_cast %get3A_170 : vector<1x16xf32> to vector<16xf32>
      %add3A_172 = arith.addf %add3A_166, %get3A_171 : vector<16xf32>
      %get3A_173 = arith.constant 25 : i32
      %get3A_174 = arith.index_cast %get3A_173 : i32 to index
      %get3A_175 = arith.constant 0 : index
      %get3A_176 = tpu.vector_load %arg7[%get3A_174, %get3A_175] {strides = array<i32>} : memref<80x128xf32, #tpu.memory_space<vmem>>, vector<1x16xf32>,
      %get3A_177 = vector.shape_cast %get3A_176 : vector<1x16xf32> to vector<16xf32>
      %add3A_178 = arith.addf %add3A_172, %get3A_177 : vector<16xf32>
      %get3A_179 = arith.constant 26 : i32
      %get3A_180 = arith.index_cast %get3A_179 : i32 to index
      %get3A_181 = arith.constant 0 : index
      %get3A_182 = tpu.vector_load %arg7[%get3A_180, %get3A_181] {strides = array<i32>} : memref<80x128xf32, #tpu.memory_space<vmem>>, vector<1x16xf32>,
      %get3A_183 = vector.shape_cast %get3A_182 : vector<1x16xf32> to vector<16xf32>
      %add3A_184 = arith.addf %add3A_178, %get3A_183 : vector<16xf32>
      %get3A_185 = arith.constant 27 : i32
      %get3A_186 = arith.index_cast %get3A_185 : i32 to index
      %get3A_187 = arith.constant 0 : index
      %get3A_188 = tpu.vector_load %arg7[%get3A_186, %get3A_187] {strides = array<i32>} : memref<80x128xf32, #tpu.memory_space<vmem>>, vector<1x16xf32>,
      %get3A_189 = vector.shape_cast %get3A_188 : vector<1x16xf32> to vector<16xf32>
      %add3A_190 = arith.addf %add3A_184, %get3A_189 : vector<16xf32>
      %get3A_191 = arith.constant 28 : i32
      %get3A_192 = arith.index_cast %get3A_191 : i32 to index
      %get3A_193 = arith.constant 0 : index
      %get3A_194 = tpu.vector_load %arg7[%get3A_192, %get3A_193] {strides = array<i32>} : memref<80x128xf32, #tpu.memory_space<vmem>>, vector<1x16xf32>,
      %get3A_195 = vector.shape_cast %get3A_194 : vector<1x16xf32> to vector<16xf32>
      %add3A_196 = arith.addf %add3A_190, %get3A_195 : vector<16xf32>
      %get3A_197 = arith.constant 29 : i32
      %get3A_198 = arith.index_cast %get3A_197 : i32 to index
      %get3A_199 = arith.constant 0 : index
      %get3A_200 = tpu.vector_load %arg7[%get3A_198, %get3A_199] {strides = array<i32>} : memref<80x128xf32, #tpu.memory_space<vmem>>, vector<1x16xf32>,
      %get3A_201 = vector.shape_cast %get3A_200 : vector<1x16xf32> to vector<16xf32>
      %add3A_202 = arith.addf %add3A_196, %get3A_201 : vector<16xf32>
      %get3A_203 = arith.constant 30 : i32
      %get3A_204 = arith.index_cast %get3A_203 : i32 to index
      %get3A_205 = arith.constant 0 : index
      %get3A_206 = tpu.vector_load %arg7[%get3A_204, %get3A_205] {strides = array<i32>} : memref<80x128xf32, #tpu.memory_space<vmem>>, vector<1x16xf32>,
      %get3A_207 = vector.shape_cast %get3A_206 : vector<1x16xf32> to vector<16xf32>
      %add3A_208 = arith.addf %add3A_202, %get3A_207 : vector<16xf32>
      %get3A_209 = arith.constant 31 : i32
      %get3A_210 = arith.index_cast %get3A_209 : i32 to index
      %get3A_211 = arith.constant 0 : index
      %get3A_212 = tpu.vector_load %arg7[%get3A_210, %get3A_211] {strides = array<i32>} : memref<80x128xf32, #tpu.memory_space<vmem>>, vector<1x16xf32>,
      %get3A_213 = vector.shape_cast %get3A_212 : vector<1x16xf32> to vector<16xf32>
      %add3A_214 = arith.addf %add3A_208, %get3A_213 : vector<16xf32>
      %get3A_215 = arith.constant 32 : i32
      %get3A_216 = arith.index_cast %get3A_215 : i32 to index
      %get3A_217 = arith.constant 0 : index
      %get3A_218 = tpu.vector_load %arg7[%get3A_216, %get3A_217] {strides = array<i32>} : memref<80x128xf32, #tpu.memory_space<vmem>>, vector<1x16xf32>,
      %get3A_219 = vector.shape_cast %get3A_218 : vector<1x16xf32> to vector<16xf32>
      %add3A_220 = arith.addf %add3A_214, %get3A_219 : vector<16xf32>
      %get3A_221 = arith.constant 33 : i32
      %get3A_222 = arith.index_cast %get3A_221 : i32 to index
      %get3A_223 = arith.constant 0 : index
      %get3A_224 = tpu.vector_load %arg7[%get3A_222, %get3A_223] {strides = array<i32>} : memref<80x128xf32, #tpu.memory_space<vmem>>, vector<1x16xf32>,
      %get3A_225 = vector.shape_cast %get3A_224 : vector<1x16xf32> to vector<16xf32>
      %add3A_226 = arith.addf %add3A_220, %get3A_225 : vector<16xf32>
      %get3A_227 = arith.constant 34 : i32
      %get3A_228 = arith.index_cast %get3A_227 : i32 to index
      %get3A_229 = arith.constant 0 : index
      %get3A_230 = tpu.vector_load %arg7[%get3A_228, %get3A_229] {strides = array<i32>} : memref<80x128xf32, #tpu.memory_space<vmem>>, vector<1x16xf32>,
      %get3A_231 = vector.shape_cast %get3A_230 : vector<1x16xf32> to vector<16xf32>
      %add3A_232 = arith.addf %add3A_226, %get3A_231 : vector<16xf32>
      %get3A_233 = arith.constant 35 : i32
      %get3A_234 = arith.index_cast %get3A_233 : i32 to index
      %get3A_235 = arith.constant 0 : index
      %get3A_236 = tpu.vector_load %arg7[%get3A_234, %get3A_235] {strides = array<i32>} : memref<80x128xf32, #tpu.memory_space<vmem>>, vector<1x16xf32>,
      %get3A_237 = vector.shape_cast %get3A_236 : vector<1x16xf32> to vector<16xf32>
      %add3A_238 = arith.addf %add3A_232, %get3A_237 : vector<16xf32>
      %get3A_239 = arith.constant 36 : i32
      %get3A_240 = arith.index_cast %get3A_239 : i32 to index
      %get3A_241 = arith.constant 0 : index
      %get3A_242 = tpu.vector_load %arg7[%get3A_240, %get3A_241] {strides = array<i32>} : memref<80x128xf32, #tpu.memory_space<vmem>>, vector<1x16xf32>,
      %get3A_243 = vector.shape_cast %get3A_242 : vector<1x16xf32> to vector<16xf32>
      %add3A_244 = arith.addf %add3A_238, %get3A_243 : vector<16xf32>
      %get3A_245 = arith.constant 37 : i32
      %get3A_246 = arith.index_cast %get3A_245 : i32 to index
      %get3A_247 = arith.constant 0 : index
      %get3A_248 = tpu.vector_load %arg7[%get3A_246, %get3A_247] {strides = array<i32>} : memref<80x128xf32, #tpu.memory_space<vmem>>, vector<1x16xf32>,
      %get3A_249 = vector.shape_cast %get3A_248 : vector<1x16xf32> to vector<16xf32>
      %add3A_250 = arith.addf %add3A_244, %get3A_249 : vector<16xf32>
      %get3A_251 = arith.constant 38 : i32
      %get3A_252 = arith.index_cast %get3A_251 : i32 to index
      %get3A_253 = arith.constant 0 : index
      %get3A_254 = tpu.vector_load %arg7[%get3A_252, %get3A_253] {strides = array<i32>} : memref<80x128xf32, #tpu.memory_space<vmem>>, vector<1x16xf32>,
      %get3A_255 = vector.shape_cast %get3A_254 : vector<1x16xf32> to vector<16xf32>
      %add3A_256 = arith.addf %add3A_250, %get3A_255 : vector<16xf32>
      %get3A_257 = arith.constant 39 : i32
      %get3A_258 = arith.index_cast %get3A_257 : i32 to index
      %get3A_259 = arith.constant 0 : index
      %get3A_260 = tpu.vector_load %arg7[%get3A_258, %get3A_259] {strides = array<i32>} : memref<80x128xf32, #tpu.memory_space<vmem>>, vector<1x16xf32>,
      %get3A_261 = vector.shape_cast %get3A_260 : vector<1x16xf32> to vector<16xf32>
      %add3A_262 = arith.addf %add3A_256, %get3A_261 : vector<16xf32>
      %get3A_263 = arith.constant 40 : i32
      %get3A_264 = arith.index_cast %get3A_263 : i32 to index
      %get3A_265 = arith.constant 0 : index
      %get3A_266 = tpu.vector_load %arg7[%get3A_264, %get3A_265] {strides = array<i32>} : memref<80x128xf32, #tpu.memory_space<vmem>>, vector<1x16xf32>,
      %get3A_267 = vector.shape_cast %get3A_266 : vector<1x16xf32> to vector<16xf32>
      %add3A_268 = arith.addf %add3A_262, %get3A_267 : vector<16xf32>
      %get3A_269 = arith.constant 41 : i32
      %get3A_270 = arith.index_cast %get3A_269 : i32 to index
      %get3A_271 = arith.constant 0 : index
      %get3A_272 = tpu.vector_load %arg7[%get3A_270, %get3A_271] {strides = array<i32>} : memref<80x128xf32, #tpu.memory_space<vmem>>, vector<1x16xf32>,
      %get3A_273 = vector.shape_cast %get3A_272 : vector<1x16xf32> to vector<16xf32>
      %add3A_274 = arith.addf %add3A_268, %get3A_273 : vector<16xf32>
      %get3A_275 = arith.constant 42 : i32
      %get3A_276 = arith.index_cast %get3A_275 : i32 to index
      %get3A_277 = arith.constant 0 : index
      %get3A_278 = tpu.vector_load %arg7[%get3A_276, %get3A_277] {strides = array<i32>} : memref<80x128xf32, #tpu.memory_space<vmem>>, vector<1x16xf32>,
      %get3A_279 = vector.shape_cast %get3A_278 : vector<1x16xf32> to vector<16xf32>
      %add3A_280 = arith.addf %add3A_274, %get3A_279 : vector<16xf32>
      %get3A_281 = arith.constant 43 : i32
      %get3A_282 = arith.index_cast %get3A_281 : i32 to index
      %get3A_283 = arith.constant 0 : index
      %get3A_284 = tpu.vector_load %arg7[%get3A_282, %get3A_283] {strides = array<i32>} : memref<80x128xf32, #tpu.memory_space<vmem>>, vector<1x16xf32>,
      %get3A_285 = vector.shape_cast %get3A_284 : vector<1x16xf32> to vector<16xf32>
      %add3A_286 = arith.addf %add3A_280, %get3A_285 : vector<16xf32>
      %get3A_287 = arith.constant 44 : i32
      %get3A_288 = arith.index_cast %get3A_287 : i32 to index
      %get3A_289 = arith.constant 0 : index
      %get3A_290 = tpu.vector_load %arg7[%get3A_288, %get3A_289] {strides = array<i32>} : memref<80x128xf32, #tpu.memory_space<vmem>>, vector<1x16xf32>,
      %get3A_291 = vector.shape_cast %get3A_290 : vector<1x16xf32> to vector<16xf32>
      %add3A_292 = arith.addf %add3A_286, %get3A_291 : vector<16xf32>
      %get3A_293 = arith.constant 45 : i32
      %get3A_294 = arith.index_cast %get3A_293 : i32 to index
      %get3A_295 = arith.constant 0 : index
      %get3A_296 = tpu.vector_load %arg7[%get3A_294, %get3A_295] {strides = array<i32>} : memref<80x128xf32, #tpu.memory_space<vmem>>, vector<1x16xf32>,
      %get3A_297 = vector.shape_cast %get3A_296 : vector<1x16xf32> to vector<16xf32>
      %add3A_298 = arith.addf %add3A_292, %get3A_297 : vector<16xf32>
      %get3A_299 = arith.constant 46 : i32
      %get3A_300 = arith.index_cast %get3A_299 : i32 to index
      %get3A_301 = arith.constant 0 : index
      %get3A_302 = tpu.vector_load %arg7[%get3A_300, %get3A_301] {strides = array<i32>} : memref<80x128xf32, #tpu.memory_space<vmem>>, vector<1x16xf32>,
      %get3A_303 = vector.shape_cast %get3A_302 : vector<1x16xf32> to vector<16xf32>
      %add3A_304 = arith.addf %add3A_298, %get3A_303 : vector<16xf32>
      %get3A_305 = arith.constant 47 : i32
      %get3A_306 = arith.index_cast %get3A_305 : i32 to index
      %get3A_307 = arith.constant 0 : index
      %get3A_308 = tpu.vector_load %arg7[%get3A_306, %get3A_307] {strides = array<i32>} : memref<80x128xf32, #tpu.memory_space<vmem>>, vector<1x16xf32>,
      %get3A_309 = vector.shape_cast %get3A_308 : vector<1x16xf32> to vector<16xf32>
      %add3A_310 = arith.addf %add3A_304, %get3A_309 : vector<16xf32>
      %get3A_311 = arith.constant 48 : i32
      %get3A_312 = arith.index_cast %get3A_311 : i32 to index
      %get3A_313 = arith.constant 0 : index
      %get3A_314 = tpu.vector_load %arg7[%get3A_312, %get3A_313] {strides = array<i32>} : memref<80x128xf32, #tpu.memory_space<vmem>>, vector<1x16xf32>,
      %get3A_315 = vector.shape_cast %get3A_314 : vector<1x16xf32> to vector<16xf32>
      %add3A_316 = arith.addf %add3A_310, %get3A_315 : vector<16xf32>
      %get3A_317 = arith.constant 49 : i32
      %get3A_318 = arith.index_cast %get3A_317 : i32 to index
      %get3A_319 = arith.constant 0 : index
      %get3A_320 = tpu.vector_load %arg7[%get3A_318, %get3A_319] {strides = array<i32>} : memref<80x128xf32, #tpu.memory_space<vmem>>, vector<1x16xf32>,
      %get3A_321 = vector.shape_cast %get3A_320 : vector<1x16xf32> to vector<16xf32>
      %add3A_322 = arith.addf %add3A_316, %get3A_321 : vector<16xf32>
      %get3A_323 = arith.constant 50 : i32
      %get3A_324 = arith.index_cast %get3A_323 : i32 to index
      %get3A_325 = arith.constant 0 : index
      %get3A_326 = tpu.vector_load %arg7[%get3A_324, %get3A_325] {strides = array<i32>} : memref<80x128xf32, #tpu.memory_space<vmem>>, vector<1x16xf32>,
      %get3A_327 = vector.shape_cast %get3A_326 : vector<1x16xf32> to vector<16xf32>
      %add3A_328 = arith.addf %add3A_322, %get3A_327 : vector<16xf32>
      %get3A_329 = arith.constant 51 : i32
      %get3A_330 = arith.index_cast %get3A_329 : i32 to index
      %get3A_331 = arith.constant 0 : index
      %get3A_332 = tpu.vector_load %arg7[%get3A_330, %get3A_331] {strides = array<i32>} : memref<80x128xf32, #tpu.memory_space<vmem>>, vector<1x16xf32>,
      %get3A_333 = vector.shape_cast %get3A_332 : vector<1x16xf32> to vector<16xf32>
      %add3A_334 = arith.addf %add3A_328, %get3A_333 : vector<16xf32>
      %get3A_335 = arith.constant 52 : i32
      %get3A_336 = arith.index_cast %get3A_335 : i32 to index
      %get3A_337 = arith.constant 0 : index
      %get3A_338 = tpu.vector_load %arg7[%get3A_336, %get3A_337] {strides = array<i32>} : memref<80x128xf32, #tpu.memory_space<vmem>>, vector<1x16xf32>,
      %get3A_339 = vector.shape_cast %get3A_338 : vector<1x16xf32> to vector<16xf32>
      %add3A_340 = arith.addf %add3A_334, %get3A_339 : vector<16xf32>
      %get3A_341 = arith.constant 53 : i32
      %get3A_342 = arith.index_cast %get3A_341 : i32 to index
      %get3A_343 = arith.constant 0 : index
      %get3A_344 = tpu.vector_load %arg7[%get3A_342, %get3A_343] {strides = array<i32>} : memref<80x128xf32, #tpu.memory_space<vmem>>, vector<1x16xf32>,
      %get3A_345 = vector.shape_cast %get3A_344 : vector<1x16xf32> to vector<16xf32>
      %add3A_346 = arith.addf %add3A_340, %get3A_345 : vector<16xf32>
      %get3A_347 = arith.constant 54 : i32
      %get3A_348 = arith.index_cast %get3A_347 : i32 to index
      %get3A_349 = arith.constant 0 : index
      %get3A_350 = tpu.vector_load %arg7[%get3A_348, %get3A_349] {strides = array<i32>} : memref<80x128xf32, #tpu.memory_space<vmem>>, vector<1x16xf32>,
      %get3A_351 = vector.shape_cast %get3A_350 : vector<1x16xf32> to vector<16xf32>
      %add3A_352 = arith.addf %add3A_346, %get3A_351 : vector<16xf32>
      %get3A_353 = arith.constant 55 : i32
      %get3A_354 = arith.index_cast %get3A_353 : i32 to index
      %get3A_355 = arith.constant 0 : index
      %get3A_356 = tpu.vector_load %arg7[%get3A_354, %get3A_355] {strides = array<i32>} : memref<80x128xf32, #tpu.memory_space<vmem>>, vector<1x16xf32>,
      %get3A_357 = vector.shape_cast %get3A_356 : vector<1x16xf32> to vector<16xf32>
      %add3A_358 = arith.addf %add3A_352, %get3A_357 : vector<16xf32>
      %get3A_359 = arith.constant 56 : i32
      %get3A_360 = arith.index_cast %get3A_359 : i32 to index
      %get3A_361 = arith.constant 0 : index
      %get3A_362 = tpu.vector_load %arg7[%get3A_360, %get3A_361] {strides = array<i32>} : memref<80x128xf32, #tpu.memory_space<vmem>>, vector<1x16xf32>,
      %get3A_363 = vector.shape_cast %get3A_362 : vector<1x16xf32> to vector<16xf32>
      %add3A_364 = arith.addf %add3A_358, %get3A_363 : vector<16xf32>
      %get3A_365 = arith.constant 57 : i32
      %get3A_366 = arith.index_cast %get3A_365 : i32 to index
      %get3A_367 = arith.constant 0 : index
      %get3A_368 = tpu.vector_load %arg7[%get3A_366, %get3A_367] {strides = array<i32>} : memref<80x128xf32, #tpu.memory_space<vmem>>, vector<1x16xf32>,
      %get3A_369 = vector.shape_cast %get3A_368 : vector<1x16xf32> to vector<16xf32>
      %add3A_370 = arith.addf %add3A_364, %get3A_369 : vector<16xf32>
      %get3A_371 = arith.constant 58 : i32
      %get3A_372 = arith.index_cast %get3A_371 : i32 to index
      %get3A_373 = arith.constant 0 : index
      %get3A_374 = tpu.vector_load %arg7[%get3A_372, %get3A_373] {strides = array<i32>} : memref<80x128xf32, #tpu.memory_space<vmem>>, vector<1x16xf32>,
      %get3A_375 = vector.shape_cast %get3A_374 : vector<1x16xf32> to vector<16xf32>
      %add3A_376 = arith.addf %add3A_370, %get3A_375 : vector<16xf32>
      %get3A_377 = arith.constant 59 : i32
      %get3A_378 = arith.index_cast %get3A_377 : i32 to index
      %get3A_379 = arith.constant 0 : index
      %get3A_380 = tpu.vector_load %arg7[%get3A_378, %get3A_379] {strides = array<i32>} : memref<80x128xf32, #tpu.memory_space<vmem>>, vector<1x16xf32>,
      %get3A_381 = vector.shape_cast %get3A_380 : vector<1x16xf32> to vector<16xf32>
      %add3A_382 = arith.addf %add3A_376, %get3A_381 : vector<16xf32>
      %get3A_383 = arith.constant 60 : i32
      %get3A_384 = arith.index_cast %get3A_383 : i32 to index
      %get3A_385 = arith.constant 0 : index
      %get3A_386 = tpu.vector_load %arg7[%get3A_384, %get3A_385] {strides = array<i32>} : memref<80x128xf32, #tpu.memory_space<vmem>>, vector<1x16xf32>,
      %get3A_387 = vector.shape_cast %get3A_386 : vector<1x16xf32> to vector<16xf32>
      %add3A_388 = arith.addf %add3A_382, %get3A_387 : vector<16xf32>
      %get3A_389 = arith.constant 61 : i32
      %get3A_390 = arith.index_cast %get3A_389 : i32 to index
      %get3A_391 = arith.constant 0 : index
      %get3A_392 = tpu.vector_load %arg7[%get3A_390, %get3A_391] {strides = array<i32>} : memref<80x128xf32, #tpu.memory_space<vmem>>, vector<1x16xf32>,
      %get3A_393 = vector.shape_cast %get3A_392 : vector<1x16xf32> to vector<16xf32>
      %add3A_394 = arith.addf %add3A_388, %get3A_393 : vector<16xf32>
      %get3A_395 = arith.constant 62 : i32
      %get3A_396 = arith.index_cast %get3A_395 : i32 to index
      %get3A_397 = arith.constant 0 : index
      %get3A_398 = tpu.vector_load %arg7[%get3A_396, %get3A_397] {strides = array<i32>} : memref<80x128xf32, #tpu.memory_space<vmem>>, vector<1x16xf32>,
      %get3A_399 = vector.shape_cast %get3A_398 : vector<1x16xf32> to vector<16xf32>
      %add3A_400 = arith.addf %add3A_394, %get3A_399 : vector<16xf32>
      %get3A_401 = arith.constant 63 : i32
      %get3A_402 = arith.index_cast %get3A_401 : i32 to index
      %get3A_403 = arith.constant 0 : index
      %get3A_404 = tpu.vector_load %arg7[%get3A_402, %get3A_403] {strides = array<i32>} : memref<80x128xf32, #tpu.memory_space<vmem>>, vector<1x16xf32>,
      %get3A_405 = vector.shape_cast %get3A_404 : vector<1x16xf32> to vector<16xf32>
      %add3A_406 = arith.addf %add3A_400, %get3A_405 : vector<16xf32>
      %get3A_407 = arith.constant 64 : i32
      %get3A_408 = arith.index_cast %get3A_407 : i32 to index
      %get3A_409 = arith.constant 0 : index
      %get3A_410 = tpu.vector_load %arg7[%get3A_408, %get3A_409] {strides = array<i32>} : memref<80x128xf32, #tpu.memory_space<vmem>>, vector<1x16xf32>,
      %get3A_411 = vector.shape_cast %get3A_410 : vector<1x16xf32> to vector<16xf32>
      %add3A_412 = arith.addf %add3A_406, %get3A_411 : vector<16xf32>
      %get3A_413 = arith.constant 65 : i32
      %get3A_414 = arith.index_cast %get3A_413 : i32 to index
      %get3A_415 = arith.constant 0 : index
      %get3A_416 = tpu.vector_load %arg7[%get3A_414, %get3A_415] {strides = array<i32>} : memref<80x128xf32, #tpu.memory_space<vmem>>, vector<1x16xf32>,
      %get3A_417 = vector.shape_cast %get3A_416 : vector<1x16xf32> to vector<16xf32>
      %add3A_418 = arith.addf %add3A_412, %get3A_417 : vector<16xf32>
      %get3A_419 = arith.constant 66 : i32
      %get3A_420 = arith.index_cast %get3A_419 : i32 to index
      %get3A_421 = arith.constant 0 : index
      %get3A_422 = tpu.vector_load %arg7[%get3A_420, %get3A_421] {strides = array<i32>} : memref<80x128xf32, #tpu.memory_space<vmem>>, vector<1x16xf32>,
      %get3A_423 = vector.shape_cast %get3A_422 : vector<1x16xf32> to vector<16xf32>
      %add3A_424 = arith.addf %add3A_418, %get3A_423 : vector<16xf32>
      %get3A_425 = arith.constant 67 : i32
      %get3A_426 = arith.index_cast %get3A_425 : i32 to index
      %get3A_427 = arith.constant 0 : index
      %get3A_428 = tpu.vector_load %arg7[%get3A_426, %get3A_427] {strides = array<i32>} : memref<80x128xf32, #tpu.memory_space<vmem>>, vector<1x16xf32>,
      %get3A_429 = vector.shape_cast %get3A_428 : vector<1x16xf32> to vector<16xf32>
      %add3A_430 = arith.addf %add3A_424, %get3A_429 : vector<16xf32>
      %get3A_431 = arith.constant 68 : i32
      %get3A_432 = arith.index_cast %get3A_431 : i32 to index
      %get3A_433 = arith.constant 0 : index
      %get3A_434 = tpu.vector_load %arg7[%get3A_432, %get3A_433] {strides = array<i32>} : memref<80x128xf32, #tpu.memory_space<vmem>>, vector<1x16xf32>,
      %get3A_435 = vector.shape_cast %get3A_434 : vector<1x16xf32> to vector<16xf32>
      %add3A_436 = arith.addf %add3A_430, %get3A_435 : vector<16xf32>
      %get3A_437 = arith.constant 69 : i32
      %get3A_438 = arith.index_cast %get3A_437 : i32 to index
      %get3A_439 = arith.constant 0 : index
      %get3A_440 = tpu.vector_load %arg7[%get3A_438, %get3A_439] {strides = array<i32>} : memref<80x128xf32, #tpu.memory_space<vmem>>, vector<1x16xf32>,
      %get3A_441 = vector.shape_cast %get3A_440 : vector<1x16xf32> to vector<16xf32>
      %add3A_442 = arith.addf %add3A_436, %get3A_441 : vector<16xf32>
      %get3A_443 = arith.constant 70 : i32
      %get3A_444 = arith.index_cast %get3A_443 : i32 to index
      %get3A_445 = arith.constant 0 : index
      %get3A_446 = tpu.vector_load %arg7[%get3A_444, %get3A_445] {strides = array<i32>} : memref<80x128xf32, #tpu.memory_space<vmem>>, vector<1x16xf32>,
      %get3A_447 = vector.shape_cast %get3A_446 : vector<1x16xf32> to vector<16xf32>
      %add3A_448 = arith.addf %add3A_442, %get3A_447 : vector<16xf32>
      %get3A_449 = arith.constant 71 : i32
      %get3A_450 = arith.index_cast %get3A_449 : i32 to index
      %get3A_451 = arith.constant 0 : index
      %get3A_452 = tpu.vector_load %arg7[%get3A_450, %get3A_451] {strides = array<i32>} : memref<80x128xf32, #tpu.memory_space<vmem>>, vector<1x16xf32>,
      %get3A_453 = vector.shape_cast %get3A_452 : vector<1x16xf32> to vector<16xf32>
      %add3A_454 = arith.addf %add3A_448, %get3A_453 : vector<16xf32>
      %get3A_455 = arith.constant 72 : i32
      %get3A_456 = arith.index_cast %get3A_455 : i32 to index
      %get3A_457 = arith.constant 0 : index
      %get3A_458 = tpu.vector_load %arg7[%get3A_456, %get3A_457] {strides = array<i32>} : memref<80x128xf32, #tpu.memory_space<vmem>>, vector<1x16xf32>,
      %get3A_459 = vector.shape_cast %get3A_458 : vector<1x16xf32> to vector<16xf32>
      %add3A_460 = arith.addf %add3A_454, %get3A_459 : vector<16xf32>
      %get3A_461 = arith.constant 73 : i32
      %get3A_462 = arith.index_cast %get3A_461 : i32 to index
      %get3A_463 = arith.constant 0 : index
      %get3A_464 = tpu.vector_load %arg7[%get3A_462, %get3A_463] {strides = array<i32>} : memref<80x128xf32, #tpu.memory_space<vmem>>, vector<1x16xf32>,
      %get3A_465 = vector.shape_cast %get3A_464 : vector<1x16xf32> to vector<16xf32>
      %add3A_466 = arith.addf %add3A_460, %get3A_465 : vector<16xf32>
      %get3A_467 = arith.constant 74 : i32
      %get3A_468 = arith.index_cast %get3A_467 : i32 to index
      %get3A_469 = arith.constant 0 : index
      %get3A_470 = tpu.vector_load %arg7[%get3A_468, %get3A_469] {strides = array<i32>} : memref<80x128xf32, #tpu.memory_space<vmem>>, vector<1x16xf32>,
      %get3A_471 = vector.shape_cast %get3A_470 : vector<1x16xf32> to vector<16xf32>
      %add3A_472 = arith.addf %add3A_466, %get3A_471 : vector<16xf32>
      %get3A_473 = arith.constant 75 : i32
      %get3A_474 = arith.index_cast %get3A_473 : i32 to index
      %get3A_475 = arith.constant 0 : index
      %get3A_476 = tpu.vector_load %arg7[%get3A_474, %get3A_475] {strides = array<i32>} : memref<80x128xf32, #tpu.memory_space<vmem>>, vector<1x16xf32>,
      %get3A_477 = vector.shape_cast %get3A_476 : vector<1x16xf32> to vector<16xf32>
      %add3A_478 = arith.addf %add3A_472, %get3A_477 : vector<16xf32>
      %get3A_479 = arith.constant 76 : i32
      %get3A_480 = arith.index_cast %get3A_479 : i32 to index
      %get3A_481 = arith.constant 0 : index
      %get3A_482 = tpu.vector_load %arg7[%get3A_480, %get3A_481] {strides = array<i32>} : memref<80x128xf32, #tpu.memory_space<vmem>>, vector<1x16xf32>,
      %get3A_483 = vector.shape_cast %get3A_482 : vector<1x16xf32> to vector<16xf32>
      %add3A_484 = arith.addf %add3A_478, %get3A_483 : vector<16xf32>
      %get3A_485 = arith.constant 77 : i32
      %get3A_486 = arith.index_cast %get3A_485 : i32 to index
      %get3A_487 = arith.constant 0 : index
      %get3A_488 = tpu.vector_load %arg7[%get3A_486, %get3A_487] {strides = array<i32>} : memref<80x128xf32, #tpu.memory_space<vmem>>, vector<1x16xf32>,
      %get3A_489 = vector.shape_cast %get3A_488 : vector<1x16xf32> to vector<16xf32>
      %add3A_490 = arith.addf %add3A_484, %get3A_489 : vector<16xf32>
      %get3A_491 = arith.constant 78 : i32
      %get3A_492 = arith.index_cast %get3A_491 : i32 to index
      %get3A_493 = arith.constant 0 : index
      %get3A_494 = tpu.vector_load %arg7[%get3A_492, %get3A_493] {strides = array<i32>} : memref<80x128xf32, #tpu.memory_space<vmem>>, vector<1x16xf32>,
      %get3A_495 = vector.shape_cast %get3A_494 : vector<1x16xf32> to vector<16xf32>
      %add3A_496 = arith.addf %add3A_490, %get3A_495 : vector<16xf32>
      %get3A_497 = arith.constant 79 : i32
      %get3A_498 = arith.index_cast %get3A_497 : i32 to index
      %get3A_499 = arith.constant 0 : index
      %get3A_500 = tpu.vector_load %arg7[%get3A_498, %get3A_499] {strides = array<i32>} : memref<80x128xf32, #tpu.memory_space<vmem>>, vector<1x16xf32>,
      %get3A_501 = vector.shape_cast %get3A_500 : vector<1x16xf32> to vector<16xf32>
      %add3A_502 = arith.addf %add3A_496, %get3A_501 : vector<16xf32>
      scf.yield %add3A_502 : vector<16xf32>
    }
    %scan3A_6 = arith.constant 125 : i32
    %swap3A = arith.constant 0 : i32
    %swap3A_7 = arith.index_cast %swap3A : i32 to index
    %swap3A_8 = arith.constant 0 : index
    %swap3A_9 = tpu.vector_load %arg8[%swap3A_7, %swap3A_8] {strides = array<i32>} : memref<8x128xf32, #tpu.memory_space<vmem>>, vector<1x16xf32>,
    %swap3A_10 = vector.shape_cast %swap3A_9 : vector<1x16xf32> to vector<16xf32>
    %swap3A_11 = vector.shape_cast %scan3A_5 : vector<16xf32> to vector<1x16xf32>
    tpu.vector_store %arg8[%swap3A_7, %swap3A_8], %swap3A_11 {strides = array<i32>} : memref<8x128xf32, #tpu.memory_space<vmem>>, vector<1x16xf32>,
    "tpu.region"() ({
      %run_scoped3A = tpu.sem_alloc : memref<!tpu.dma_semaphore, #tpu.memory_space<semaphore_mem>>
      %dma_start3A = arith.constant 0 : i32
      %dma_start3A_12 = arith.constant 0 : i32
      %dma_start3A_13 = tpu.memref_slice %arg5[%add3A, %dma_start3A, %dma_start3A_12] : memref<32x8x128xf32, #tpu.memory_space<hbm>> -> memref<1x8x128xf32, #tpu.memory_space<hbm>>
      %dma_start3A_14 = tpu.memref_squeeze %dma_start3A_13 : memref<1x8x128xf32, #tpu.memory_space<hbm>> -> memref<8x128xf32, #tpu.memory_space<hbm>>
      %dma_start3A_15 = arith.constant 0 : i32
      %dma_start3A_16 = arith.constant 0 : i32
      %dma_start3A_17 = tpu.memref_slice %arg5[%add3A, %dma_start3A_15, %dma_start3A_16] : memref<32x8x128xf32, #tpu.memory_space<hbm>> -> memref<1x8x128xf32, #tpu.memory_space<hbm>>
      %dma_start3A_18 = tpu.memref_squeeze %dma_start3A_17 : memref<1x8x128xf32, #tpu.memory_space<hbm>> -> memref<8x128xf32, #tpu.memory_space<hbm>>
      tpu.enqueue_dma source(%arg8 : memref<8x128xf32, #tpu.memory_space<vmem>>) target(%dma_start3A_18 : memref<8x128xf32, #tpu.memory_space<hbm>>) target_semaphore(%run_scoped3A : memref<!tpu.dma_semaphore, #tpu.memory_space<semaphore_mem>>)
      %dma_wait3A = arith.constant 0 : i32
      %dma_wait3A_19 = arith.constant 0 : i32
      %dma_wait3A_20 = tpu.memref_slice %arg5[%add3A, %dma_wait3A, %dma_wait3A_19] : memref<32x8x128xf32, #tpu.memory_space<hbm>> -> memref<1x8x128xf32, #tpu.memory_space<hbm>>
      %dma_wait3A_21 = tpu.memref_squeeze %dma_wait3A_20 : memref<1x8x128xf32, #tpu.memory_space<hbm>> -> memref<8x128xf32, #tpu.memory_space<hbm>>
      %dma_wait3A_22 = arith.constant 0 : i32
      %dma_wait3A_23 = arith.constant 0 : i32
      %dma_wait3A_24 = tpu.memref_slice %arg5[%add3A, %dma_wait3A_22, %dma_wait3A_23] : memref<32x8x128xf32, #tpu.memory_space<hbm>> -> memref<1x8x128xf32, #tpu.memory_space<hbm>>
      %dma_wait3A_25 = tpu.memref_squeeze %dma_wait3A_24 : memref<1x8x128xf32, #tpu.memory_space<hbm>> -> memref<8x128xf32, #tpu.memory_space<hbm>>
      tpu.wait_dma2 semaphore(%run_scoped3A : memref<!tpu.dma_semaphore, #tpu.memory_space<semaphore_mem>>) src(%arg8 : memref<8x128xf32, #tpu.memory_space<vmem>>) dst(%dma_wait3A_25 : memref<8x128xf32, #tpu.memory_space<hbm>>)
      tpu.yield
    }) : () -> ()
    return
  }
}

#map = affine_map<(d0, d1) -> (0, 0)>
#map1 = affine_map<(d0, d1) -> (0, 0, 0)>
module attributes {stable_mosaic.version = 14 : i64} {
  func.func @k(%arg0: i32, %arg1: i32, %arg2: memref<10000x128xf32, #tpu.memory_space<hbm>>, %arg3: memref<10000x128xf32, #tpu.memory_space<hbm>>, %arg4: memref<32x125x40xi32, #tpu.memory_space<hbm>>, %arg5: memref<32x125x40xi32, #tpu.memory_space<hbm>>, %arg6: memref<160000x128xf32, #tpu.memory_space<hbm>>, %arg7: memref<160000x128xf32, #tpu.memory_space<hbm>>, %arg8: memref<125x40xi32, #tpu.memory_space<vmem>>, %arg9: memref<125x40xi32, #tpu.memory_space<vmem>>, %arg10: memref<40x128xf32, #tpu.memory_space<vmem>>, %arg11: memref<40x128xf32, #tpu.memory_space<vmem>>, %arg12: memref<!tpu.dma_semaphore, #tpu.memory_space<semaphore_mem>>, %arg13: memref<!tpu.dma_semaphore, #tpu.memory_space<semaphore_mem>>) attributes {dimension_semantics = [#tpu.dimension_semantics<core_parallel>, #tpu.dimension_semantics<subcore_parallel>], iteration_bounds = array<i64: 2, 16>, scalar_prefetch = 0 : i64, scratch_operands = 6 : i64, tpu.core_type = #tpu.core_type<sc_vector_subcore>, window_params = [{transform_indices = #map}, {transform_indices = #map}, {transform_indices = #map1}, {transform_indices = #map1}, {transform_indices = #map}, {transform_indices = #map}]} {
    %mul3A = arith.constant 2 : i32
    %mul3A_0 = arith.muli %arg1, %mul3A : i32
    %add3A = arith.addi %mul3A_0, %arg0 : i32
    %mul3A_1 = arith.constant 5000 : i32
    %mul3A_2 = arith.muli %add3A, %mul3A_1 : i32
    "tpu.region"() ({
      %run_scoped3A = tpu.sem_alloc : memref<!tpu.dma_semaphore, #tpu.memory_space<semaphore_mem>>
      %dma_start3A = arith.constant 0 : i32
      %dma_start3A_8 = arith.constant 0 : i32
      %dma_start3A_9 = tpu.memref_slice %arg4[%add3A, %dma_start3A, %dma_start3A_8] : memref<32x125x40xi32, #tpu.memory_space<hbm>> -> memref<1x125x40xi32, #tpu.memory_space<hbm>>
      %dma_start3A_10 = tpu.memref_squeeze %dma_start3A_9 : memref<1x125x40xi32, #tpu.memory_space<hbm>> -> memref<125x40xi32, #tpu.memory_space<hbm>>
      %dma_start3A_11 = arith.constant 0 : i32
      %dma_start3A_12 = arith.constant 0 : i32
      %dma_start3A_13 = tpu.memref_slice %arg4[%add3A, %dma_start3A_11, %dma_start3A_12] : memref<32x125x40xi32, #tpu.memory_space<hbm>> -> memref<1x125x40xi32, #tpu.memory_space<hbm>>
      %dma_start3A_14 = tpu.memref_squeeze %dma_start3A_13 : memref<1x125x40xi32, #tpu.memory_space<hbm>> -> memref<125x40xi32, #tpu.memory_space<hbm>>
      tpu.enqueue_dma source(%dma_start3A_14 : memref<125x40xi32, #tpu.memory_space<hbm>>) target(%arg8 : memref<125x40xi32, #tpu.memory_space<vmem>>) target_semaphore(%run_scoped3A : memref<!tpu.dma_semaphore, #tpu.memory_space<semaphore_mem>>)
      %dma_wait3A = arith.constant 0 : i32
      %dma_wait3A_15 = arith.constant 0 : i32
      %dma_wait3A_16 = tpu.memref_slice %arg4[%add3A, %dma_wait3A, %dma_wait3A_15] : memref<32x125x40xi32, #tpu.memory_space<hbm>> -> memref<1x125x40xi32, #tpu.memory_space<hbm>>
      %dma_wait3A_17 = tpu.memref_squeeze %dma_wait3A_16 : memref<1x125x40xi32, #tpu.memory_space<hbm>> -> memref<125x40xi32, #tpu.memory_space<hbm>>
      %dma_wait3A_18 = arith.constant 0 : i32
      %dma_wait3A_19 = arith.constant 0 : i32
      %dma_wait3A_20 = tpu.memref_slice %arg4[%add3A, %dma_wait3A_18, %dma_wait3A_19] : memref<32x125x40xi32, #tpu.memory_space<hbm>> -> memref<1x125x40xi32, #tpu.memory_space<hbm>>
      %dma_wait3A_21 = tpu.memref_squeeze %dma_wait3A_20 : memref<1x125x40xi32, #tpu.memory_space<hbm>> -> memref<125x40xi32, #tpu.memory_space<hbm>>
      tpu.wait_dma2 semaphore(%run_scoped3A : memref<!tpu.dma_semaphore, #tpu.memory_space<semaphore_mem>>) src(%dma_wait3A_21 : memref<125x40xi32, #tpu.memory_space<hbm>>) dst(%arg8 : memref<125x40xi32, #tpu.memory_space<vmem>>)
      tpu.yield
    }) : () -> ()
    "tpu.region"() ({
      %run_scoped3A = tpu.sem_alloc : memref<!tpu.dma_semaphore, #tpu.memory_space<semaphore_mem>>
      %dma_start3A = arith.constant 0 : i32
      %dma_start3A_8 = arith.constant 0 : i32
      %dma_start3A_9 = tpu.memref_slice %arg5[%add3A, %dma_start3A, %dma_start3A_8] : memref<32x125x40xi32, #tpu.memory_space<hbm>> -> memref<1x125x40xi32, #tpu.memory_space<hbm>>
      %dma_start3A_10 = tpu.memref_squeeze %dma_start3A_9 : memref<1x125x40xi32, #tpu.memory_space<hbm>> -> memref<125x40xi32, #tpu.memory_space<hbm>>
      %dma_start3A_11 = arith.constant 0 : i32
      %dma_start3A_12 = arith.constant 0 : i32
      %dma_start3A_13 = tpu.memref_slice %arg5[%add3A, %dma_start3A_11, %dma_start3A_12] : memref<32x125x40xi32, #tpu.memory_space<hbm>> -> memref<1x125x40xi32, #tpu.memory_space<hbm>>
      %dma_start3A_14 = tpu.memref_squeeze %dma_start3A_13 : memref<1x125x40xi32, #tpu.memory_space<hbm>> -> memref<125x40xi32, #tpu.memory_space<hbm>>
      tpu.enqueue_dma source(%dma_start3A_14 : memref<125x40xi32, #tpu.memory_space<hbm>>) target(%arg9 : memref<125x40xi32, #tpu.memory_space<vmem>>) target_semaphore(%run_scoped3A : memref<!tpu.dma_semaphore, #tpu.memory_space<semaphore_mem>>)
      %dma_wait3A = arith.constant 0 : i32
      %dma_wait3A_15 = arith.constant 0 : i32
      %dma_wait3A_16 = tpu.memref_slice %arg5[%add3A, %dma_wait3A, %dma_wait3A_15] : memref<32x125x40xi32, #tpu.memory_space<hbm>> -> memref<1x125x40xi32, #tpu.memory_space<hbm>>
      %dma_wait3A_17 = tpu.memref_squeeze %dma_wait3A_16 : memref<1x125x40xi32, #tpu.memory_space<hbm>> -> memref<125x40xi32, #tpu.memory_space<hbm>>
      %dma_wait3A_18 = arith.constant 0 : i32
      %dma_wait3A_19 = arith.constant 0 : i32
      %dma_wait3A_20 = tpu.memref_slice %arg5[%add3A, %dma_wait3A_18, %dma_wait3A_19] : memref<32x125x40xi32, #tpu.memory_space<hbm>> -> memref<1x125x40xi32, #tpu.memory_space<hbm>>
      %dma_wait3A_21 = tpu.memref_squeeze %dma_wait3A_20 : memref<1x125x40xi32, #tpu.memory_space<hbm>> -> memref<125x40xi32, #tpu.memory_space<hbm>>
      tpu.wait_dma2 semaphore(%run_scoped3A : memref<!tpu.dma_semaphore, #tpu.memory_space<semaphore_mem>>) src(%dma_wait3A_21 : memref<125x40xi32, #tpu.memory_space<hbm>>) dst(%arg9 : memref<125x40xi32, #tpu.memory_space<vmem>>)
      tpu.yield
    }) : () -> ()
    %scan3A = arith.constant 0 : i32
    %scan3A_3 = arith.constant 0 : i32
    %scan3A_4 = arith.constant 125 : i32
    %scan3A_5 = arith.addi %scan3A_3, %scan3A_4 : i32
    %scan3A_6 = arith.constant 1 : i32
    scf.for %scan3A_8 = %scan3A_3 to %scan3A_5 step %scan3A_6  : i32 {
      %dma_start3A = arith.constant 0 : i32
      %dma_start3A_9 = tpu.memref_slice %arg8[%scan3A_8, %dma_start3A] : memref<125x40xi32, #tpu.memory_space<vmem>> -> memref<1x40xi32, #tpu.memory_space<vmem>>
      %dma_start3A_10 = tpu.memref_squeeze %dma_start3A_9 : memref<1x40xi32, #tpu.memory_space<vmem>> -> memref<40xi32, #tpu.memory_space<vmem>>
      %dma_start3A_11 = arith.constant 0 : i32
      %dma_start3A_12 = arith.constant 0 : i32
      %dma_start3A_13 = tpu.memref_slice %arg2[%dma_start3A_11, %dma_start3A_12] : memref<10000x128xf32, #tpu.memory_space<hbm>> -> memref<10000x128xf32, #tpu.memory_space<hbm>>
      tpu.enqueue_indirect_dma source(%dma_start3A_13 : memref<10000x128xf32, #tpu.memory_space<hbm>>) target(%arg10 : memref<40x128xf32, #tpu.memory_space<vmem>>) offsets(%dma_start3A_10 : memref<40xi32, #tpu.memory_space<vmem>>) semaphore(%arg12 : memref<!tpu.dma_semaphore, #tpu.memory_space<semaphore_mem>>)
      %dma_start3A_14 = arith.constant 0 : i32
      %dma_start3A_15 = tpu.memref_slice %arg9[%scan3A_8, %dma_start3A_14] : memref<125x40xi32, #tpu.memory_space<vmem>> -> memref<1x40xi32, #tpu.memory_space<vmem>>
      %dma_start3A_16 = tpu.memref_squeeze %dma_start3A_15 : memref<1x40xi32, #tpu.memory_space<vmem>> -> memref<40xi32, #tpu.memory_space<vmem>>
      %dma_start3A_17 = arith.constant 0 : i32
      %dma_start3A_18 = arith.constant 0 : i32
      %dma_start3A_19 = tpu.memref_slice %arg3[%dma_start3A_17, %dma_start3A_18] : memref<10000x128xf32, #tpu.memory_space<hbm>> -> memref<10000x128xf32, #tpu.memory_space<hbm>>
      tpu.enqueue_indirect_dma source(%dma_start3A_19 : memref<10000x128xf32, #tpu.memory_space<hbm>>) target(%arg11 : memref<40x128xf32, #tpu.memory_space<vmem>>) offsets(%dma_start3A_16 : memref<40xi32, #tpu.memory_space<vmem>>) semaphore(%arg13 : memref<!tpu.dma_semaphore, #tpu.memory_space<semaphore_mem>>)
      %dma_wait3A = arith.constant 0 : i32
      %dma_wait3A_20 = tpu.memref_slice %arg8[%scan3A_8, %dma_wait3A] : memref<125x40xi32, #tpu.memory_space<vmem>> -> memref<1x40xi32, #tpu.memory_space<vmem>>
      %dma_wait3A_21 = tpu.memref_squeeze %dma_wait3A_20 : memref<1x40xi32, #tpu.memory_space<vmem>> -> memref<40xi32, #tpu.memory_space<vmem>>
      %dma_wait3A_22 = arith.constant 0 : i32
      %dma_wait3A_23 = arith.constant 0 : i32
      %dma_wait3A_24 = tpu.memref_slice %arg2[%dma_wait3A_22, %dma_wait3A_23] : memref<10000x128xf32, #tpu.memory_space<hbm>> -> memref<10000x128xf32, #tpu.memory_space<hbm>>
      tpu.wait_indirect_dma semaphore(%arg12 : memref<!tpu.dma_semaphore, #tpu.memory_space<semaphore_mem>>) src(%dma_wait3A_24 : memref<10000x128xf32, #tpu.memory_space<hbm>>) dst(%arg10 : memref<40x128xf32, #tpu.memory_space<vmem>>)
      %dma_wait3A_25 = arith.constant 0 : i32
      %dma_wait3A_26 = tpu.memref_slice %arg9[%scan3A_8, %dma_wait3A_25] : memref<125x40xi32, #tpu.memory_space<vmem>> -> memref<1x40xi32, #tpu.memory_space<vmem>>
      %dma_wait3A_27 = tpu.memref_squeeze %dma_wait3A_26 : memref<1x40xi32, #tpu.memory_space<vmem>> -> memref<40xi32, #tpu.memory_space<vmem>>
      %dma_wait3A_28 = arith.constant 0 : i32
      %dma_wait3A_29 = arith.constant 0 : i32
      %dma_wait3A_30 = tpu.memref_slice %arg3[%dma_wait3A_28, %dma_wait3A_29] : memref<10000x128xf32, #tpu.memory_space<hbm>> -> memref<10000x128xf32, #tpu.memory_space<hbm>>
      tpu.wait_indirect_dma semaphore(%arg13 : memref<!tpu.dma_semaphore, #tpu.memory_space<semaphore_mem>>) src(%dma_wait3A_30 : memref<10000x128xf32, #tpu.memory_space<hbm>>) dst(%arg11 : memref<40x128xf32, #tpu.memory_space<vmem>>)
      %mul3A_31 = arith.constant 40 : i32
      %mul3A_32 = arith.muli %scan3A_8, %mul3A_31 : i32
      %add3A_33 = arith.addi %mul3A_2, %mul3A_32 : i32
      "tpu.region"() ({
        %run_scoped3A = tpu.sem_alloc : memref<!tpu.dma_semaphore, #tpu.memory_space<semaphore_mem>>
        %dma_start3A_37 = arith.constant 0 : i32
        %dma_start3A_38 = tpu.memref_slice %arg6[%add3A_33, %dma_start3A_37] : memref<160000x128xf32, #tpu.memory_space<hbm>> -> memref<40x128xf32, #tpu.memory_space<hbm>>
        %dma_start3A_39 = arith.constant 0 : i32
        %dma_start3A_40 = tpu.memref_slice %arg6[%add3A_33, %dma_start3A_39] : memref<160000x128xf32, #tpu.memory_space<hbm>> -> memref<40x128xf32, #tpu.memory_space<hbm>>
        tpu.enqueue_dma source(%arg10 : memref<40x128xf32, #tpu.memory_space<vmem>>) target(%dma_start3A_40 : memref<40x128xf32, #tpu.memory_space<hbm>>) target_semaphore(%run_scoped3A : memref<!tpu.dma_semaphore, #tpu.memory_space<semaphore_mem>>)
        %dma_wait3A_41 = arith.constant 0 : i32
        %dma_wait3A_42 = tpu.memref_slice %arg6[%add3A_33, %dma_wait3A_41] : memref<160000x128xf32, #tpu.memory_space<hbm>> -> memref<40x128xf32, #tpu.memory_space<hbm>>
        %dma_wait3A_43 = arith.constant 0 : i32
        %dma_wait3A_44 = tpu.memref_slice %arg6[%add3A_33, %dma_wait3A_43] : memref<160000x128xf32, #tpu.memory_space<hbm>> -> memref<40x128xf32, #tpu.memory_space<hbm>>
        tpu.wait_dma2 semaphore(%run_scoped3A : memref<!tpu.dma_semaphore, #tpu.memory_space<semaphore_mem>>) src(%arg10 : memref<40x128xf32, #tpu.memory_space<vmem>>) dst(%dma_wait3A_44 : memref<40x128xf32, #tpu.memory_space<hbm>>)
        tpu.yield
      }) : () -> ()
      %mul3A_34 = arith.constant 40 : i32
      %mul3A_35 = arith.muli %scan3A_8, %mul3A_34 : i32
      %add3A_36 = arith.addi %mul3A_2, %mul3A_35 : i32
      "tpu.region"() ({
        %run_scoped3A = tpu.sem_alloc : memref<!tpu.dma_semaphore, #tpu.memory_space<semaphore_mem>>
        %dma_start3A_37 = arith.constant 0 : i32
        %dma_start3A_38 = tpu.memref_slice %arg7[%add3A_36, %dma_start3A_37] : memref<160000x128xf32, #tpu.memory_space<hbm>> -> memref<40x128xf32, #tpu.memory_space<hbm>>
        %dma_start3A_39 = arith.constant 0 : i32
        %dma_start3A_40 = tpu.memref_slice %arg7[%add3A_36, %dma_start3A_39] : memref<160000x128xf32, #tpu.memory_space<hbm>> -> memref<40x128xf32, #tpu.memory_space<hbm>>
        tpu.enqueue_dma source(%arg11 : memref<40x128xf32, #tpu.memory_space<vmem>>) target(%dma_start3A_40 : memref<40x128xf32, #tpu.memory_space<hbm>>) target_semaphore(%run_scoped3A : memref<!tpu.dma_semaphore, #tpu.memory_space<semaphore_mem>>)
        %dma_wait3A_41 = arith.constant 0 : i32
        %dma_wait3A_42 = tpu.memref_slice %arg7[%add3A_36, %dma_wait3A_41] : memref<160000x128xf32, #tpu.memory_space<hbm>> -> memref<40x128xf32, #tpu.memory_space<hbm>>
        %dma_wait3A_43 = arith.constant 0 : i32
        %dma_wait3A_44 = tpu.memref_slice %arg7[%add3A_36, %dma_wait3A_43] : memref<160000x128xf32, #tpu.memory_space<hbm>> -> memref<40x128xf32, #tpu.memory_space<hbm>>
        tpu.wait_dma2 semaphore(%run_scoped3A : memref<!tpu.dma_semaphore, #tpu.memory_space<semaphore_mem>>) src(%arg11 : memref<40x128xf32, #tpu.memory_space<vmem>>) dst(%dma_wait3A_44 : memref<40x128xf32, #tpu.memory_space<hbm>>)
        tpu.yield
      }) : () -> ()
    }
    %scan3A_7 = arith.constant 125 : i32
    return
  }
}

#map = affine_map<(d0, d1) -> (0, 0)>
#map1 = affine_map<(d0, d1) -> (0, 0, 0)>
module attributes {stable_mosaic.version = 14 : i64} {
  func.func @k(%arg0: i32, %arg1: i32, %arg2: memref<10000x128xf32, #tpu.memory_space<hbm>>, %arg3: memref<10000x128xf32, #tpu.memory_space<hbm>>, %arg4: memref<32x125x40xi32, #tpu.memory_space<hbm>>, %arg5: memref<32x125x40xi32, #tpu.memory_space<hbm>>, %arg6: memref<160000x128xf32, #tpu.memory_space<hbm>>, %arg7: memref<160000x128xf32, #tpu.memory_space<hbm>>, %arg8: memref<125x40xi32, #tpu.memory_space<vmem>>, %arg9: memref<125x40xi32, #tpu.memory_space<vmem>>, %arg10: memref<40x128xf32, #tpu.memory_space<vmem>>, %arg11: memref<40x128xf32, #tpu.memory_space<vmem>>, %arg12: memref<!tpu.dma_semaphore, #tpu.memory_space<semaphore_mem>>, %arg13: memref<!tpu.dma_semaphore, #tpu.memory_space<semaphore_mem>>) attributes {dimension_semantics = [#tpu.dimension_semantics<core_parallel>, #tpu.dimension_semantics<subcore_parallel>], iteration_bounds = array<i64: 2, 16>, scalar_prefetch = 0 : i64, scratch_operands = 6 : i64, tpu.core_type = #tpu.core_type<sc_vector_subcore>, window_params = [{transform_indices = #map}, {transform_indices = #map}, {transform_indices = #map1}, {transform_indices = #map1}, {transform_indices = #map}, {transform_indices = #map}]} {
    %mul3A = arith.constant 2 : i32
    %mul3A_0 = arith.muli %arg1, %mul3A : i32
    %add3A = arith.addi %mul3A_0, %arg0 : i32
    %mul3A_1 = arith.constant 5000 : i32
    %mul3A_2 = arith.muli %add3A, %mul3A_1 : i32
    "tpu.region"() ({
      %run_scoped3A = tpu.sem_alloc : memref<!tpu.dma_semaphore, #tpu.memory_space<semaphore_mem>>
      %dma_start3A = arith.constant 0 : i32
      %dma_start3A_8 = arith.constant 0 : i32
      %dma_start3A_9 = tpu.memref_slice %arg4[%add3A, %dma_start3A, %dma_start3A_8] : memref<32x125x40xi32, #tpu.memory_space<hbm>> -> memref<1x125x40xi32, #tpu.memory_space<hbm>>
      %dma_start3A_10 = tpu.memref_squeeze %dma_start3A_9 : memref<1x125x40xi32, #tpu.memory_space<hbm>> -> memref<125x40xi32, #tpu.memory_space<hbm>>
      %dma_start3A_11 = arith.constant 0 : i32
      %dma_start3A_12 = arith.constant 0 : i32
      %dma_start3A_13 = tpu.memref_slice %arg4[%add3A, %dma_start3A_11, %dma_start3A_12] : memref<32x125x40xi32, #tpu.memory_space<hbm>> -> memref<1x125x40xi32, #tpu.memory_space<hbm>>
      %dma_start3A_14 = tpu.memref_squeeze %dma_start3A_13 : memref<1x125x40xi32, #tpu.memory_space<hbm>> -> memref<125x40xi32, #tpu.memory_space<hbm>>
      tpu.enqueue_dma source(%dma_start3A_14 : memref<125x40xi32, #tpu.memory_space<hbm>>) target(%arg8 : memref<125x40xi32, #tpu.memory_space<vmem>>) target_semaphore(%run_scoped3A : memref<!tpu.dma_semaphore, #tpu.memory_space<semaphore_mem>>)
      %dma_wait3A = arith.constant 0 : i32
      %dma_wait3A_15 = arith.constant 0 : i32
      %dma_wait3A_16 = tpu.memref_slice %arg4[%add3A, %dma_wait3A, %dma_wait3A_15] : memref<32x125x40xi32, #tpu.memory_space<hbm>> -> memref<1x125x40xi32, #tpu.memory_space<hbm>>
      %dma_wait3A_17 = tpu.memref_squeeze %dma_wait3A_16 : memref<1x125x40xi32, #tpu.memory_space<hbm>> -> memref<125x40xi32, #tpu.memory_space<hbm>>
      %dma_wait3A_18 = arith.constant 0 : i32
      %dma_wait3A_19 = arith.constant 0 : i32
      %dma_wait3A_20 = tpu.memref_slice %arg4[%add3A, %dma_wait3A_18, %dma_wait3A_19] : memref<32x125x40xi32, #tpu.memory_space<hbm>> -> memref<1x125x40xi32, #tpu.memory_space<hbm>>
      %dma_wait3A_21 = tpu.memref_squeeze %dma_wait3A_20 : memref<1x125x40xi32, #tpu.memory_space<hbm>> -> memref<125x40xi32, #tpu.memory_space<hbm>>
      tpu.wait_dma2 semaphore(%run_scoped3A : memref<!tpu.dma_semaphore, #tpu.memory_space<semaphore_mem>>) src(%dma_wait3A_21 : memref<125x40xi32, #tpu.memory_space<hbm>>) dst(%arg8 : memref<125x40xi32, #tpu.memory_space<vmem>>)
      tpu.yield
    }) : () -> ()
    "tpu.region"() ({
      %run_scoped3A = tpu.sem_alloc : memref<!tpu.dma_semaphore, #tpu.memory_space<semaphore_mem>>
      %dma_start3A = arith.constant 0 : i32
      %dma_start3A_8 = arith.constant 0 : i32
      %dma_start3A_9 = tpu.memref_slice %arg5[%add3A, %dma_start3A, %dma_start3A_8] : memref<32x125x40xi32, #tpu.memory_space<hbm>> -> memref<1x125x40xi32, #tpu.memory_space<hbm>>
      %dma_start3A_10 = tpu.memref_squeeze %dma_start3A_9 : memref<1x125x40xi32, #tpu.memory_space<hbm>> -> memref<125x40xi32, #tpu.memory_space<hbm>>
      %dma_start3A_11 = arith.constant 0 : i32
      %dma_start3A_12 = arith.constant 0 : i32
      %dma_start3A_13 = tpu.memref_slice %arg5[%add3A, %dma_start3A_11, %dma_start3A_12] : memref<32x125x40xi32, #tpu.memory_space<hbm>> -> memref<1x125x40xi32, #tpu.memory_space<hbm>>
      %dma_start3A_14 = tpu.memref_squeeze %dma_start3A_13 : memref<1x125x40xi32, #tpu.memory_space<hbm>> -> memref<125x40xi32, #tpu.memory_space<hbm>>
      tpu.enqueue_dma source(%dma_start3A_14 : memref<125x40xi32, #tpu.memory_space<hbm>>) target(%arg9 : memref<125x40xi32, #tpu.memory_space<vmem>>) target_semaphore(%run_scoped3A : memref<!tpu.dma_semaphore, #tpu.memory_space<semaphore_mem>>)
      %dma_wait3A = arith.constant 0 : i32
      %dma_wait3A_15 = arith.constant 0 : i32
      %dma_wait3A_16 = tpu.memref_slice %arg5[%add3A, %dma_wait3A, %dma_wait3A_15] : memref<32x125x40xi32, #tpu.memory_space<hbm>> -> memref<1x125x40xi32, #tpu.memory_space<hbm>>
      %dma_wait3A_17 = tpu.memref_squeeze %dma_wait3A_16 : memref<1x125x40xi32, #tpu.memory_space<hbm>> -> memref<125x40xi32, #tpu.memory_space<hbm>>
      %dma_wait3A_18 = arith.constant 0 : i32
      %dma_wait3A_19 = arith.constant 0 : i32
      %dma_wait3A_20 = tpu.memref_slice %arg5[%add3A, %dma_wait3A_18, %dma_wait3A_19] : memref<32x125x40xi32, #tpu.memory_space<hbm>> -> memref<1x125x40xi32, #tpu.memory_space<hbm>>
      %dma_wait3A_21 = tpu.memref_squeeze %dma_wait3A_20 : memref<1x125x40xi32, #tpu.memory_space<hbm>> -> memref<125x40xi32, #tpu.memory_space<hbm>>
      tpu.wait_dma2 semaphore(%run_scoped3A : memref<!tpu.dma_semaphore, #tpu.memory_space<semaphore_mem>>) src(%dma_wait3A_21 : memref<125x40xi32, #tpu.memory_space<hbm>>) dst(%arg9 : memref<125x40xi32, #tpu.memory_space<vmem>>)
      tpu.yield
    }) : () -> ()
    %scan3A = arith.constant 0 : i32
    %scan3A_3 = arith.constant 0 : i32
    %scan3A_4 = arith.constant 125 : i32
    %scan3A_5 = arith.addi %scan3A_3, %scan3A_4 : i32
    %scan3A_6 = arith.constant 1 : i32
    scf.for %scan3A_8 = %scan3A_3 to %scan3A_5 step %scan3A_6  : i32 {
      %dma_start3A = arith.constant 0 : i32
      %dma_start3A_9 = tpu.memref_slice %arg8[%scan3A_8, %dma_start3A] : memref<125x40xi32, #tpu.memory_space<vmem>> -> memref<1x40xi32, #tpu.memory_space<vmem>>
      %dma_start3A_10 = tpu.memref_squeeze %dma_start3A_9 : memref<1x40xi32, #tpu.memory_space<vmem>> -> memref<40xi32, #tpu.memory_space<vmem>>
      %dma_start3A_11 = arith.constant 0 : i32
      %dma_start3A_12 = arith.constant 0 : i32
      %dma_start3A_13 = tpu.memref_slice %arg2[%dma_start3A_11, %dma_start3A_12] : memref<10000x128xf32, #tpu.memory_space<hbm>> -> memref<10000x128xf32, #tpu.memory_space<hbm>>
      tpu.enqueue_indirect_dma source(%dma_start3A_13 : memref<10000x128xf32, #tpu.memory_space<hbm>>) target(%arg10 : memref<40x128xf32, #tpu.memory_space<vmem>>) offsets(%dma_start3A_10 : memref<40xi32, #tpu.memory_space<vmem>>) semaphore(%arg12 : memref<!tpu.dma_semaphore, #tpu.memory_space<semaphore_mem>>)
      %dma_start3A_14 = arith.constant 0 : i32
      %dma_start3A_15 = tpu.memref_slice %arg9[%scan3A_8, %dma_start3A_14] : memref<125x40xi32, #tpu.memory_space<vmem>> -> memref<1x40xi32, #tpu.memory_space<vmem>>
      %dma_start3A_16 = tpu.memref_squeeze %dma_start3A_15 : memref<1x40xi32, #tpu.memory_space<vmem>> -> memref<40xi32, #tpu.memory_space<vmem>>
      %dma_start3A_17 = arith.constant 0 : i32
      %dma_start3A_18 = arith.constant 0 : i32
      %dma_start3A_19 = tpu.memref_slice %arg3[%dma_start3A_17, %dma_start3A_18] : memref<10000x128xf32, #tpu.memory_space<hbm>> -> memref<10000x128xf32, #tpu.memory_space<hbm>>
      tpu.enqueue_indirect_dma source(%dma_start3A_19 : memref<10000x128xf32, #tpu.memory_space<hbm>>) target(%arg11 : memref<40x128xf32, #tpu.memory_space<vmem>>) offsets(%dma_start3A_16 : memref<40xi32, #tpu.memory_space<vmem>>) semaphore(%arg13 : memref<!tpu.dma_semaphore, #tpu.memory_space<semaphore_mem>>)
      %dma_wait3A = arith.constant 0 : i32
      %dma_wait3A_20 = tpu.memref_slice %arg8[%scan3A_8, %dma_wait3A] : memref<125x40xi32, #tpu.memory_space<vmem>> -> memref<1x40xi32, #tpu.memory_space<vmem>>
      %dma_wait3A_21 = tpu.memref_squeeze %dma_wait3A_20 : memref<1x40xi32, #tpu.memory_space<vmem>> -> memref<40xi32, #tpu.memory_space<vmem>>
      %dma_wait3A_22 = arith.constant 0 : i32
      %dma_wait3A_23 = arith.constant 0 : i32
      %dma_wait3A_24 = tpu.memref_slice %arg2[%dma_wait3A_22, %dma_wait3A_23] : memref<10000x128xf32, #tpu.memory_space<hbm>> -> memref<10000x128xf32, #tpu.memory_space<hbm>>
      tpu.wait_indirect_dma semaphore(%arg12 : memref<!tpu.dma_semaphore, #tpu.memory_space<semaphore_mem>>) src(%dma_wait3A_24 : memref<10000x128xf32, #tpu.memory_space<hbm>>) dst(%arg10 : memref<40x128xf32, #tpu.memory_space<vmem>>)
      %dma_wait3A_25 = arith.constant 0 : i32
      %dma_wait3A_26 = tpu.memref_slice %arg9[%scan3A_8, %dma_wait3A_25] : memref<125x40xi32, #tpu.memory_space<vmem>> -> memref<1x40xi32, #tpu.memory_space<vmem>>
      %dma_wait3A_27 = tpu.memref_squeeze %dma_wait3A_26 : memref<1x40xi32, #tpu.memory_space<vmem>> -> memref<40xi32, #tpu.memory_space<vmem>>
      %dma_wait3A_28 = arith.constant 0 : i32
      %dma_wait3A_29 = arith.constant 0 : i32
      %dma_wait3A_30 = tpu.memref_slice %arg3[%dma_wait3A_28, %dma_wait3A_29] : memref<10000x128xf32, #tpu.memory_space<hbm>> -> memref<10000x128xf32, #tpu.memory_space<hbm>>
      tpu.wait_indirect_dma semaphore(%arg13 : memref<!tpu.dma_semaphore, #tpu.memory_space<semaphore_mem>>) src(%dma_wait3A_30 : memref<10000x128xf32, #tpu.memory_space<hbm>>) dst(%arg11 : memref<40x128xf32, #tpu.memory_space<vmem>>)
      %mul3A_31 = arith.constant 40 : i32
      %mul3A_32 = arith.muli %scan3A_8, %mul3A_31 : i32
      %add3A_33 = arith.addi %mul3A_2, %mul3A_32 : i32
      "tpu.region"() ({
        %run_scoped3A = tpu.sem_alloc : memref<!tpu.dma_semaphore, #tpu.memory_space<semaphore_mem>>
        %dma_start3A_37 = arith.constant 0 : i32
        %dma_start3A_38 = tpu.memref_slice %arg6[%add3A_33, %dma_start3A_37] : memref<160000x128xf32, #tpu.memory_space<hbm>> -> memref<40x128xf32, #tpu.memory_space<hbm>>
        %dma_start3A_39 = arith.constant 0 : i32
        %dma_start3A_40 = tpu.memref_slice %arg6[%add3A_33, %dma_start3A_39] : memref<160000x128xf32, #tpu.memory_space<hbm>> -> memref<40x128xf32, #tpu.memory_space<hbm>>
        tpu.enqueue_dma source(%arg10 : memref<40x128xf32, #tpu.memory_space<vmem>>) target(%dma_start3A_40 : memref<40x128xf32, #tpu.memory_space<hbm>>) target_semaphore(%run_scoped3A : memref<!tpu.dma_semaphore, #tpu.memory_space<semaphore_mem>>)
        %dma_wait3A_41 = arith.constant 0 : i32
        %dma_wait3A_42 = tpu.memref_slice %arg6[%add3A_33, %dma_wait3A_41] : memref<160000x128xf32, #tpu.memory_space<hbm>> -> memref<40x128xf32, #tpu.memory_space<hbm>>
        %dma_wait3A_43 = arith.constant 0 : i32
        %dma_wait3A_44 = tpu.memref_slice %arg6[%add3A_33, %dma_wait3A_43] : memref<160000x128xf32, #tpu.memory_space<hbm>> -> memref<40x128xf32, #tpu.memory_space<hbm>>
        tpu.wait_dma2 semaphore(%run_scoped3A : memref<!tpu.dma_semaphore, #tpu.memory_space<semaphore_mem>>) src(%arg10 : memref<40x128xf32, #tpu.memory_space<vmem>>) dst(%dma_wait3A_44 : memref<40x128xf32, #tpu.memory_space<hbm>>)
        tpu.yield
      }) : () -> ()
      %mul3A_34 = arith.constant 40 : i32
      %mul3A_35 = arith.muli %scan3A_8, %mul3A_34 : i32
      %add3A_36 = arith.addi %mul3A_2, %mul3A_35 : i32
      "tpu.region"() ({
        %run_scoped3A = tpu.sem_alloc : memref<!tpu.dma_semaphore, #tpu.memory_space<semaphore_mem>>
        %dma_start3A_37 = arith.constant 0 : i32
        %dma_start3A_38 = tpu.memref_slice %arg7[%add3A_36, %dma_start3A_37] : memref<160000x128xf32, #tpu.memory_space<hbm>> -> memref<40x128xf32, #tpu.memory_space<hbm>>
        %dma_start3A_39 = arith.constant 0 : i32
        %dma_start3A_40 = tpu.memref_slice %arg7[%add3A_36, %dma_start3A_39] : memref<160000x128xf32, #tpu.memory_space<hbm>> -> memref<40x128xf32, #tpu.memory_space<hbm>>
        tpu.enqueue_dma source(%arg11 : memref<40x128xf32, #tpu.memory_space<vmem>>) target(%dma_start3A_40 : memref<40x128xf32, #tpu.memory_space<hbm>>) target_semaphore(%run_scoped3A : memref<!tpu.dma_semaphore, #tpu.memory_space<semaphore_mem>>)
        %dma_wait3A_41 = arith.constant 0 : i32
        %dma_wait3A_42 = tpu.memref_slice %arg7[%add3A_36, %dma_wait3A_41] : memref<160000x128xf32, #tpu.memory_space<hbm>> -> memref<40x128xf32, #tpu.memory_space<hbm>>
        %dma_wait3A_43 = arith.constant 0 : i32
        %dma_wait3A_44 = tpu.memref_slice %arg7[%add3A_36, %dma_wait3A_43] : memref<160000x128xf32, #tpu.memory_space<hbm>> -> memref<40x128xf32, #tpu.memory_space<hbm>>
        tpu.wait_dma2 semaphore(%run_scoped3A : memref<!tpu.dma_semaphore, #tpu.memory_space<semaphore_mem>>) src(%arg11 : memref<40x128xf32, #tpu.memory_space<vmem>>) dst(%dma_wait3A_44 : memref<40x128xf32, #tpu.memory_space<hbm>>)
        tpu.yield
      }) : () -> ()
    }
    %scan3A_7 = arith.constant 125 : i32
    return
  }
}

#map = affine_map<(d0, d1) -> (0, 0)>
#map1 = affine_map<(d0, d1) -> (0, 0, 0)>
module attributes {stable_mosaic.version = 14 : i64} {
  func.func @k(%arg0: i32, %arg1: i32, %arg2: memref<160000x128xf32, #tpu.memory_space<hbm>>, %arg3: memref<32x125x40xi32, #tpu.memory_space<hbm>>, %arg4: memref<10240x128xf32, #tpu.memory_space<hbm>>, %arg5: memref<2x10240x128xf32, #tpu.memory_space<hbm>>, %arg6: memref<125x40xi32, #tpu.memory_space<vmem>>, %arg7: memref<40x128xf32, #tpu.memory_space<vmem>>, %arg8: memref<10240x128xf32, #tpu.memory_space<vmem_shared>>) attributes {dimension_semantics = [#tpu.dimension_semantics<core_parallel>, #tpu.dimension_semantics<subcore_parallel>], iteration_bounds = array<i64: 2, 16>, scalar_prefetch = 0 : i64, scratch_operands = 3 : i64, tpu.core_type = #tpu.core_type<sc_vector_subcore>, window_params = [{transform_indices = #map}, {transform_indices = #map1}, {transform_indices = #map}, {transform_indices = #map1}]} {
    %mul3A = arith.constant 2 : i32
    %mul3A_0 = arith.muli %arg1, %mul3A : i32
    %add3A = arith.addi %mul3A_0, %arg0 : i32
    %mul3A_1 = arith.constant 5000 : i32
    %mul3A_2 = arith.muli %add3A, %mul3A_1 : i32
    "tpu.region"() ({
      %run_scoped3A = tpu.sem_alloc : memref<!tpu.dma_semaphore, #tpu.memory_space<semaphore_mem>>
      %dma_start3A = arith.constant 0 : i32
      %dma_start3A_17 = arith.constant 0 : i32
      %dma_start3A_18 = tpu.memref_slice %arg3[%add3A, %dma_start3A, %dma_start3A_17] : memref<32x125x40xi32, #tpu.memory_space<hbm>> -> memref<1x125x40xi32, #tpu.memory_space<hbm>>
      %dma_start3A_19 = tpu.memref_squeeze %dma_start3A_18 : memref<1x125x40xi32, #tpu.memory_space<hbm>> -> memref<125x40xi32, #tpu.memory_space<hbm>>
      %dma_start3A_20 = arith.constant 0 : i32
      %dma_start3A_21 = arith.constant 0 : i32
      %dma_start3A_22 = tpu.memref_slice %arg3[%add3A, %dma_start3A_20, %dma_start3A_21] : memref<32x125x40xi32, #tpu.memory_space<hbm>> -> memref<1x125x40xi32, #tpu.memory_space<hbm>>
      %dma_start3A_23 = tpu.memref_squeeze %dma_start3A_22 : memref<1x125x40xi32, #tpu.memory_space<hbm>> -> memref<125x40xi32, #tpu.memory_space<hbm>>
      tpu.enqueue_dma source(%dma_start3A_23 : memref<125x40xi32, #tpu.memory_space<hbm>>) target(%arg6 : memref<125x40xi32, #tpu.memory_space<vmem>>) target_semaphore(%run_scoped3A : memref<!tpu.dma_semaphore, #tpu.memory_space<semaphore_mem>>)
      %dma_wait3A = arith.constant 0 : i32
      %dma_wait3A_24 = arith.constant 0 : i32
      %dma_wait3A_25 = tpu.memref_slice %arg3[%add3A, %dma_wait3A, %dma_wait3A_24] : memref<32x125x40xi32, #tpu.memory_space<hbm>> -> memref<1x125x40xi32, #tpu.memory_space<hbm>>
      %dma_wait3A_26 = tpu.memref_squeeze %dma_wait3A_25 : memref<1x125x40xi32, #tpu.memory_space<hbm>> -> memref<125x40xi32, #tpu.memory_space<hbm>>
      %dma_wait3A_27 = arith.constant 0 : i32
      %dma_wait3A_28 = arith.constant 0 : i32
      %dma_wait3A_29 = tpu.memref_slice %arg3[%add3A, %dma_wait3A_27, %dma_wait3A_28] : memref<32x125x40xi32, #tpu.memory_space<hbm>> -> memref<1x125x40xi32, #tpu.memory_space<hbm>>
      %dma_wait3A_30 = tpu.memref_squeeze %dma_wait3A_29 : memref<1x125x40xi32, #tpu.memory_space<hbm>> -> memref<125x40xi32, #tpu.memory_space<hbm>>
      tpu.wait_dma2 semaphore(%run_scoped3A : memref<!tpu.dma_semaphore, #tpu.memory_space<semaphore_mem>>) src(%dma_wait3A_30 : memref<125x40xi32, #tpu.memory_space<hbm>>) dst(%arg6 : memref<125x40xi32, #tpu.memory_space<vmem>>)
      tpu.yield
    }) : () -> ()
    %mul3A_3 = arith.constant 640 : i32
    %mul3A_4 = arith.muli %arg1, %mul3A_3 : i32
    %mul3A_5 = arith.constant 640 : i32
    %mul3A_6 = arith.muli %arg1, %mul3A_5 : i32
    "tpu.region"() ({
      %run_scoped3A = tpu.sem_alloc : memref<!tpu.dma_semaphore, #tpu.memory_space<semaphore_mem>>
      %dma_start3A = arith.constant 0 : i32
      %dma_start3A_17 = tpu.memref_slice %arg8[%mul3A_6, %dma_start3A] : memref<10240x128xf32, #tpu.memory_space<vmem_shared>> -> memref<640x128xf32, #tpu.memory_space<vmem_shared>>
      %dma_start3A_18 = arith.constant 0 : i32
      %dma_start3A_19 = tpu.memref_slice %arg4[%mul3A_4, %dma_start3A_18] : memref<10240x128xf32, #tpu.memory_space<hbm>> -> memref<640x128xf32, #tpu.memory_space<hbm>>
      tpu.enqueue_dma source(%dma_start3A_19 : memref<640x128xf32, #tpu.memory_space<hbm>>) target(%dma_start3A_17 : memref<640x128xf32, #tpu.memory_space<vmem_shared>>) target_semaphore(%run_scoped3A : memref<!tpu.dma_semaphore, #tpu.memory_space<semaphore_mem>>)
      %dma_wait3A = arith.constant 0 : i32
      %dma_wait3A_20 = tpu.memref_slice %arg8[%mul3A_6, %dma_wait3A] : memref<10240x128xf32, #tpu.memory_space<vmem_shared>> -> memref<640x128xf32, #tpu.memory_space<vmem_shared>>
      %dma_wait3A_21 = arith.constant 0 : i32
      %dma_wait3A_22 = tpu.memref_slice %arg4[%mul3A_4, %dma_wait3A_21] : memref<10240x128xf32, #tpu.memory_space<hbm>> -> memref<640x128xf32, #tpu.memory_space<hbm>>
      tpu.wait_dma2 semaphore(%run_scoped3A : memref<!tpu.dma_semaphore, #tpu.memory_space<semaphore_mem>>) src(%dma_wait3A_22 : memref<640x128xf32, #tpu.memory_space<hbm>>) dst(%dma_wait3A_20 : memref<640x128xf32, #tpu.memory_space<vmem_shared>>)
      tpu.yield
    }) : () -> ()
    %barrier3A = arith.constant 0 : index
    tpu.barrier barrier_id(%barrier3A)
    %scan3A = arith.constant 0 : i32
    %scan3A_7 = arith.constant 0 : i32
    %scan3A_8 = arith.constant 125 : i32
    %scan3A_9 = arith.addi %scan3A_7, %scan3A_8 : i32
    %scan3A_10 = arith.constant 1 : i32
    scf.for %scan3A_17 = %scan3A_7 to %scan3A_9 step %scan3A_10  : i32 {
      %mul3A_18 = arith.constant 40 : i32
      %mul3A_19 = arith.muli %scan3A_17, %mul3A_18 : i32
      %add3A_20 = arith.addi %mul3A_2, %mul3A_19 : i32
      "tpu.region"() ({
        %run_scoped3A = tpu.sem_alloc : memref<!tpu.dma_semaphore, #tpu.memory_space<semaphore_mem>>
        %dma_start3A = arith.constant 0 : i32
        %dma_start3A_21 = tpu.memref_slice %arg2[%add3A_20, %dma_start3A] : memref<160000x128xf32, #tpu.memory_space<hbm>> -> memref<40x128xf32, #tpu.memory_space<hbm>>
        %dma_start3A_22 = arith.constant 0 : i32
        %dma_start3A_23 = tpu.memref_slice %arg2[%add3A_20, %dma_start3A_22] : memref<160000x128xf32, #tpu.memory_space<hbm>> -> memref<40x128xf32, #tpu.memory_space<hbm>>
        tpu.enqueue_dma source(%dma_start3A_23 : memref<40x128xf32, #tpu.memory_space<hbm>>) target(%arg7 : memref<40x128xf32, #tpu.memory_space<vmem>>) target_semaphore(%run_scoped3A : memref<!tpu.dma_semaphore, #tpu.memory_space<semaphore_mem>>)
        %dma_wait3A = arith.constant 0 : i32
        %dma_wait3A_24 = tpu.memref_slice %arg2[%add3A_20, %dma_wait3A] : memref<160000x128xf32, #tpu.memory_space<hbm>> -> memref<40x128xf32, #tpu.memory_space<hbm>>
        %dma_wait3A_25 = arith.constant 0 : i32
        %dma_wait3A_26 = tpu.memref_slice %arg2[%add3A_20, %dma_wait3A_25] : memref<160000x128xf32, #tpu.memory_space<hbm>> -> memref<40x128xf32, #tpu.memory_space<hbm>>
        tpu.wait_dma2 semaphore(%run_scoped3A : memref<!tpu.dma_semaphore, #tpu.memory_space<semaphore_mem>>) src(%dma_wait3A_26 : memref<40x128xf32, #tpu.memory_space<hbm>>) dst(%arg7 : memref<40x128xf32, #tpu.memory_space<vmem>>)
        tpu.yield
      }) : () -> ()
      "tpu.region"() ({
        %run_scoped3A = tpu.sem_alloc : memref<!tpu.dma_semaphore, #tpu.memory_space<semaphore_mem>>
        %dma_start3A = arith.constant 0 : i32
        %dma_start3A_21 = tpu.memref_slice %arg6[%scan3A_17, %dma_start3A] : memref<125x40xi32, #tpu.memory_space<vmem>> -> memref<1x40xi32, #tpu.memory_space<vmem>>
        %dma_start3A_22 = tpu.memref_squeeze %dma_start3A_21 : memref<1x40xi32, #tpu.memory_space<vmem>> -> memref<40xi32, #tpu.memory_space<vmem>>
        %dma_start3A_23 = arith.constant 0 : i32
        %dma_start3A_24 = arith.constant 0 : i32
        %dma_start3A_25 = tpu.memref_slice %arg8[%dma_start3A_23, %dma_start3A_24] : memref<10240x128xf32, #tpu.memory_space<vmem_shared>> -> memref<10240x128xf32, #tpu.memory_space<vmem_shared>>
        tpu.enqueue_indirect_dma source(%arg7 : memref<40x128xf32, #tpu.memory_space<vmem>>) target(%dma_start3A_25 : memref<10240x128xf32, #tpu.memory_space<vmem_shared>>) offsets(%dma_start3A_22 : memref<40xi32, #tpu.memory_space<vmem>>) semaphore(%run_scoped3A : memref<!tpu.dma_semaphore, #tpu.memory_space<semaphore_mem>>) {add = true}
        %dma_wait3A = arith.constant 0 : i32
        %dma_wait3A_26 = tpu.memref_slice %arg6[%scan3A_17, %dma_wait3A] : memref<125x40xi32, #tpu.memory_space<vmem>> -> memref<1x40xi32, #tpu.memory_space<vmem>>
        %dma_wait3A_27 = tpu.memref_squeeze %dma_wait3A_26 : memref<1x40xi32, #tpu.memory_space<vmem>> -> memref<40xi32, #tpu.memory_space<vmem>>
        %dma_wait3A_28 = arith.constant 0 : i32
        %dma_wait3A_29 = arith.constant 0 : i32
        %dma_wait3A_30 = tpu.memref_slice %arg8[%dma_wait3A_28, %dma_wait3A_29] : memref<10240x128xf32, #tpu.memory_space<vmem_shared>> -> memref<10240x128xf32, #tpu.memory_space<vmem_shared>>
        tpu.wait_indirect_dma semaphore(%run_scoped3A : memref<!tpu.dma_semaphore, #tpu.memory_space<semaphore_mem>>) src(%arg7 : memref<40x128xf32, #tpu.memory_space<vmem>>) dst(%dma_wait3A_30 : memref<10240x128xf32, #tpu.memory_space<vmem_shared>>)
        tpu.yield
      }) : () -> ()
    }
    %scan3A_11 = arith.constant 125 : i32
    %barrier3A_12 = arith.constant 0 : index
    tpu.barrier barrier_id(%barrier3A_12)
    %mul3A_13 = arith.constant 640 : i32
    %mul3A_14 = arith.muli %arg1, %mul3A_13 : i32
    %mul3A_15 = arith.constant 640 : i32
    %mul3A_16 = arith.muli %arg1, %mul3A_15 : i32
    "tpu.region"() ({
      %run_scoped3A = tpu.sem_alloc : memref<!tpu.dma_semaphore, #tpu.memory_space<semaphore_mem>>
      %dma_start3A = arith.constant 0 : i32
      %dma_start3A_17 = tpu.memref_slice %arg5[%arg0, %mul3A_16, %dma_start3A] : memref<2x10240x128xf32, #tpu.memory_space<hbm>> -> memref<1x640x128xf32, #tpu.memory_space<hbm>>
      %dma_start3A_18 = tpu.memref_squeeze %dma_start3A_17 : memref<1x640x128xf32, #tpu.memory_space<hbm>> -> memref<640x128xf32, #tpu.memory_space<hbm>>
      %dma_start3A_19 = arith.constant 0 : i32
      %dma_start3A_20 = tpu.memref_slice %arg8[%mul3A_14, %dma_start3A_19] : memref<10240x128xf32, #tpu.memory_space<vmem_shared>> -> memref<640x128xf32, #tpu.memory_space<vmem_shared>>
      tpu.enqueue_dma source(%dma_start3A_20 : memref<640x128xf32, #tpu.memory_space<vmem_shared>>) target(%dma_start3A_18 : memref<640x128xf32, #tpu.memory_space<hbm>>) target_semaphore(%run_scoped3A : memref<!tpu.dma_semaphore, #tpu.memory_space<semaphore_mem>>)
      %dma_wait3A = arith.constant 0 : i32
      %dma_wait3A_21 = tpu.memref_slice %arg5[%arg0, %mul3A_16, %dma_wait3A] : memref<2x10240x128xf32, #tpu.memory_space<hbm>> -> memref<1x640x128xf32, #tpu.memory_space<hbm>>
      %dma_wait3A_22 = tpu.memref_squeeze %dma_wait3A_21 : memref<1x640x128xf32, #tpu.memory_space<hbm>> -> memref<640x128xf32, #tpu.memory_space<hbm>>
      %dma_wait3A_23 = arith.constant 0 : i32
      %dma_wait3A_24 = tpu.memref_slice %arg8[%mul3A_14, %dma_wait3A_23] : memref<10240x128xf32, #tpu.memory_space<vmem_shared>> -> memref<640x128xf32, #tpu.memory_space<vmem_shared>>
      tpu.wait_dma2 semaphore(%run_scoped3A : memref<!tpu.dma_semaphore, #tpu.memory_space<semaphore_mem>>) src(%dma_wait3A_24 : memref<640x128xf32, #tpu.memory_space<vmem_shared>>) dst(%dma_wait3A_22 : memref<640x128xf32, #tpu.memory_space<hbm>>)
      tpu.yield
    }) : () -> ()
    return
  }
}

#map = affine_map<(d0, d1) -> (0, 0)>
#map1 = affine_map<(d0, d1) -> (0, 0, 0)>
module attributes {stable_mosaic.version = 14 : i64} {
  func.func @k(%arg0: i32, %arg1: i32, %arg2: memref<10000x128xf32, #tpu.memory_space<hbm>>, %arg3: memref<10000x128xf32, #tpu.memory_space<hbm>>, %arg4: memref<32x125x40xi32, #tpu.memory_space<hbm>>, %arg5: memref<32x125x40xi32, #tpu.memory_space<hbm>>, %arg6: memref<160000x128xf32, #tpu.memory_space<hbm>>, %arg7: memref<160000x128xf32, #tpu.memory_space<hbm>>, %arg8: memref<125x40xi32, #tpu.memory_space<vmem>>, %arg9: memref<125x40xi32, #tpu.memory_space<vmem>>, %arg10: memref<40x128xf32, #tpu.memory_space<vmem>>, %arg11: memref<40x128xf32, #tpu.memory_space<vmem>>, %arg12: memref<!tpu.dma_semaphore, #tpu.memory_space<semaphore_mem>>, %arg13: memref<!tpu.dma_semaphore, #tpu.memory_space<semaphore_mem>>) attributes {dimension_semantics = [#tpu.dimension_semantics<core_parallel>, #tpu.dimension_semantics<subcore_parallel>], iteration_bounds = array<i64: 2, 16>, scalar_prefetch = 0 : i64, scratch_operands = 6 : i64, tpu.core_type = #tpu.core_type<sc_vector_subcore>, window_params = [{transform_indices = #map}, {transform_indices = #map}, {transform_indices = #map1}, {transform_indices = #map1}, {transform_indices = #map}, {transform_indices = #map}]} {
    %mul3A = arith.constant 2 : i32
    %mul3A_0 = arith.muli %arg1, %mul3A : i32
    %add3A = arith.addi %mul3A_0, %arg0 : i32
    %mul3A_1 = arith.constant 5000 : i32
    %mul3A_2 = arith.muli %add3A, %mul3A_1 : i32
    "tpu.region"() ({
      %run_scoped3A = tpu.sem_alloc : memref<!tpu.dma_semaphore, #tpu.memory_space<semaphore_mem>>
      %dma_start3A = arith.constant 0 : i32
      %dma_start3A_8 = arith.constant 0 : i32
      %dma_start3A_9 = tpu.memref_slice %arg4[%add3A, %dma_start3A, %dma_start3A_8] : memref<32x125x40xi32, #tpu.memory_space<hbm>> -> memref<1x125x40xi32, #tpu.memory_space<hbm>>
      %dma_start3A_10 = tpu.memref_squeeze %dma_start3A_9 : memref<1x125x40xi32, #tpu.memory_space<hbm>> -> memref<125x40xi32, #tpu.memory_space<hbm>>
      %dma_start3A_11 = arith.constant 0 : i32
      %dma_start3A_12 = arith.constant 0 : i32
      %dma_start3A_13 = tpu.memref_slice %arg4[%add3A, %dma_start3A_11, %dma_start3A_12] : memref<32x125x40xi32, #tpu.memory_space<hbm>> -> memref<1x125x40xi32, #tpu.memory_space<hbm>>
      %dma_start3A_14 = tpu.memref_squeeze %dma_start3A_13 : memref<1x125x40xi32, #tpu.memory_space<hbm>> -> memref<125x40xi32, #tpu.memory_space<hbm>>
      tpu.enqueue_dma source(%dma_start3A_14 : memref<125x40xi32, #tpu.memory_space<hbm>>) target(%arg8 : memref<125x40xi32, #tpu.memory_space<vmem>>) target_semaphore(%run_scoped3A : memref<!tpu.dma_semaphore, #tpu.memory_space<semaphore_mem>>)
      %dma_wait3A = arith.constant 0 : i32
      %dma_wait3A_15 = arith.constant 0 : i32
      %dma_wait3A_16 = tpu.memref_slice %arg4[%add3A, %dma_wait3A, %dma_wait3A_15] : memref<32x125x40xi32, #tpu.memory_space<hbm>> -> memref<1x125x40xi32, #tpu.memory_space<hbm>>
      %dma_wait3A_17 = tpu.memref_squeeze %dma_wait3A_16 : memref<1x125x40xi32, #tpu.memory_space<hbm>> -> memref<125x40xi32, #tpu.memory_space<hbm>>
      %dma_wait3A_18 = arith.constant 0 : i32
      %dma_wait3A_19 = arith.constant 0 : i32
      %dma_wait3A_20 = tpu.memref_slice %arg4[%add3A, %dma_wait3A_18, %dma_wait3A_19] : memref<32x125x40xi32, #tpu.memory_space<hbm>> -> memref<1x125x40xi32, #tpu.memory_space<hbm>>
      %dma_wait3A_21 = tpu.memref_squeeze %dma_wait3A_20 : memref<1x125x40xi32, #tpu.memory_space<hbm>> -> memref<125x40xi32, #tpu.memory_space<hbm>>
      tpu.wait_dma2 semaphore(%run_scoped3A : memref<!tpu.dma_semaphore, #tpu.memory_space<semaphore_mem>>) src(%dma_wait3A_21 : memref<125x40xi32, #tpu.memory_space<hbm>>) dst(%arg8 : memref<125x40xi32, #tpu.memory_space<vmem>>)
      tpu.yield
    }) : () -> ()
    "tpu.region"() ({
      %run_scoped3A = tpu.sem_alloc : memref<!tpu.dma_semaphore, #tpu.memory_space<semaphore_mem>>
      %dma_start3A = arith.constant 0 : i32
      %dma_start3A_8 = arith.constant 0 : i32
      %dma_start3A_9 = tpu.memref_slice %arg5[%add3A, %dma_start3A, %dma_start3A_8] : memref<32x125x40xi32, #tpu.memory_space<hbm>> -> memref<1x125x40xi32, #tpu.memory_space<hbm>>
      %dma_start3A_10 = tpu.memref_squeeze %dma_start3A_9 : memref<1x125x40xi32, #tpu.memory_space<hbm>> -> memref<125x40xi32, #tpu.memory_space<hbm>>
      %dma_start3A_11 = arith.constant 0 : i32
      %dma_start3A_12 = arith.constant 0 : i32
      %dma_start3A_13 = tpu.memref_slice %arg5[%add3A, %dma_start3A_11, %dma_start3A_12] : memref<32x125x40xi32, #tpu.memory_space<hbm>> -> memref<1x125x40xi32, #tpu.memory_space<hbm>>
      %dma_start3A_14 = tpu.memref_squeeze %dma_start3A_13 : memref<1x125x40xi32, #tpu.memory_space<hbm>> -> memref<125x40xi32, #tpu.memory_space<hbm>>
      tpu.enqueue_dma source(%dma_start3A_14 : memref<125x40xi32, #tpu.memory_space<hbm>>) target(%arg9 : memref<125x40xi32, #tpu.memory_space<vmem>>) target_semaphore(%run_scoped3A : memref<!tpu.dma_semaphore, #tpu.memory_space<semaphore_mem>>)
      %dma_wait3A = arith.constant 0 : i32
      %dma_wait3A_15 = arith.constant 0 : i32
      %dma_wait3A_16 = tpu.memref_slice %arg5[%add3A, %dma_wait3A, %dma_wait3A_15] : memref<32x125x40xi32, #tpu.memory_space<hbm>> -> memref<1x125x40xi32, #tpu.memory_space<hbm>>
      %dma_wait3A_17 = tpu.memref_squeeze %dma_wait3A_16 : memref<1x125x40xi32, #tpu.memory_space<hbm>> -> memref<125x40xi32, #tpu.memory_space<hbm>>
      %dma_wait3A_18 = arith.constant 0 : i32
      %dma_wait3A_19 = arith.constant 0 : i32
      %dma_wait3A_20 = tpu.memref_slice %arg5[%add3A, %dma_wait3A_18, %dma_wait3A_19] : memref<32x125x40xi32, #tpu.memory_space<hbm>> -> memref<1x125x40xi32, #tpu.memory_space<hbm>>
      %dma_wait3A_21 = tpu.memref_squeeze %dma_wait3A_20 : memref<1x125x40xi32, #tpu.memory_space<hbm>> -> memref<125x40xi32, #tpu.memory_space<hbm>>
      tpu.wait_dma2 semaphore(%run_scoped3A : memref<!tpu.dma_semaphore, #tpu.memory_space<semaphore_mem>>) src(%dma_wait3A_21 : memref<125x40xi32, #tpu.memory_space<hbm>>) dst(%arg9 : memref<125x40xi32, #tpu.memory_space<vmem>>)
      tpu.yield
    }) : () -> ()
    %scan3A = arith.constant 0 : i32
    %scan3A_3 = arith.constant 0 : i32
    %scan3A_4 = arith.constant 125 : i32
    %scan3A_5 = arith.addi %scan3A_3, %scan3A_4 : i32
    %scan3A_6 = arith.constant 1 : i32
    scf.for %scan3A_8 = %scan3A_3 to %scan3A_5 step %scan3A_6  : i32 {
      %dma_start3A = arith.constant 0 : i32
      %dma_start3A_9 = tpu.memref_slice %arg8[%scan3A_8, %dma_start3A] : memref<125x40xi32, #tpu.memory_space<vmem>> -> memref<1x40xi32, #tpu.memory_space<vmem>>
      %dma_start3A_10 = tpu.memref_squeeze %dma_start3A_9 : memref<1x40xi32, #tpu.memory_space<vmem>> -> memref<40xi32, #tpu.memory_space<vmem>>
      %dma_start3A_11 = arith.constant 0 : i32
      %dma_start3A_12 = arith.constant 0 : i32
      %dma_start3A_13 = tpu.memref_slice %arg2[%dma_start3A_11, %dma_start3A_12] : memref<10000x128xf32, #tpu.memory_space<hbm>> -> memref<10000x128xf32, #tpu.memory_space<hbm>>
      tpu.enqueue_indirect_dma source(%dma_start3A_13 : memref<10000x128xf32, #tpu.memory_space<hbm>>) target(%arg10 : memref<40x128xf32, #tpu.memory_space<vmem>>) offsets(%dma_start3A_10 : memref<40xi32, #tpu.memory_space<vmem>>) semaphore(%arg12 : memref<!tpu.dma_semaphore, #tpu.memory_space<semaphore_mem>>)
      %dma_start3A_14 = arith.constant 0 : i32
      %dma_start3A_15 = tpu.memref_slice %arg9[%scan3A_8, %dma_start3A_14] : memref<125x40xi32, #tpu.memory_space<vmem>> -> memref<1x40xi32, #tpu.memory_space<vmem>>
      %dma_start3A_16 = tpu.memref_squeeze %dma_start3A_15 : memref<1x40xi32, #tpu.memory_space<vmem>> -> memref<40xi32, #tpu.memory_space<vmem>>
      %dma_start3A_17 = arith.constant 0 : i32
      %dma_start3A_18 = arith.constant 0 : i32
      %dma_start3A_19 = tpu.memref_slice %arg3[%dma_start3A_17, %dma_start3A_18] : memref<10000x128xf32, #tpu.memory_space<hbm>> -> memref<10000x128xf32, #tpu.memory_space<hbm>>
      tpu.enqueue_indirect_dma source(%dma_start3A_19 : memref<10000x128xf32, #tpu.memory_space<hbm>>) target(%arg11 : memref<40x128xf32, #tpu.memory_space<vmem>>) offsets(%dma_start3A_16 : memref<40xi32, #tpu.memory_space<vmem>>) semaphore(%arg13 : memref<!tpu.dma_semaphore, #tpu.memory_space<semaphore_mem>>)
      %dma_wait3A = arith.constant 0 : i32
      %dma_wait3A_20 = tpu.memref_slice %arg8[%scan3A_8, %dma_wait3A] : memref<125x40xi32, #tpu.memory_space<vmem>> -> memref<1x40xi32, #tpu.memory_space<vmem>>
      %dma_wait3A_21 = tpu.memref_squeeze %dma_wait3A_20 : memref<1x40xi32, #tpu.memory_space<vmem>> -> memref<40xi32, #tpu.memory_space<vmem>>
      %dma_wait3A_22 = arith.constant 0 : i32
      %dma_wait3A_23 = arith.constant 0 : i32
      %dma_wait3A_24 = tpu.memref_slice %arg2[%dma_wait3A_22, %dma_wait3A_23] : memref<10000x128xf32, #tpu.memory_space<hbm>> -> memref<10000x128xf32, #tpu.memory_space<hbm>>
      tpu.wait_indirect_dma semaphore(%arg12 : memref<!tpu.dma_semaphore, #tpu.memory_space<semaphore_mem>>) src(%dma_wait3A_24 : memref<10000x128xf32, #tpu.memory_space<hbm>>) dst(%arg10 : memref<40x128xf32, #tpu.memory_space<vmem>>)
      %dma_wait3A_25 = arith.constant 0 : i32
      %dma_wait3A_26 = tpu.memref_slice %arg9[%scan3A_8, %dma_wait3A_25] : memref<125x40xi32, #tpu.memory_space<vmem>> -> memref<1x40xi32, #tpu.memory_space<vmem>>
      %dma_wait3A_27 = tpu.memref_squeeze %dma_wait3A_26 : memref<1x40xi32, #tpu.memory_space<vmem>> -> memref<40xi32, #tpu.memory_space<vmem>>
      %dma_wait3A_28 = arith.constant 0 : i32
      %dma_wait3A_29 = arith.constant 0 : i32
      %dma_wait3A_30 = tpu.memref_slice %arg3[%dma_wait3A_28, %dma_wait3A_29] : memref<10000x128xf32, #tpu.memory_space<hbm>> -> memref<10000x128xf32, #tpu.memory_space<hbm>>
      tpu.wait_indirect_dma semaphore(%arg13 : memref<!tpu.dma_semaphore, #tpu.memory_space<semaphore_mem>>) src(%dma_wait3A_30 : memref<10000x128xf32, #tpu.memory_space<hbm>>) dst(%arg11 : memref<40x128xf32, #tpu.memory_space<vmem>>)
      %mul3A_31 = arith.constant 40 : i32
      %mul3A_32 = arith.muli %scan3A_8, %mul3A_31 : i32
      %add3A_33 = arith.addi %mul3A_2, %mul3A_32 : i32
      "tpu.region"() ({
        %run_scoped3A = tpu.sem_alloc : memref<!tpu.dma_semaphore, #tpu.memory_space<semaphore_mem>>
        %dma_start3A_37 = arith.constant 0 : i32
        %dma_start3A_38 = tpu.memref_slice %arg6[%add3A_33, %dma_start3A_37] : memref<160000x128xf32, #tpu.memory_space<hbm>> -> memref<40x128xf32, #tpu.memory_space<hbm>>
        %dma_start3A_39 = arith.constant 0 : i32
        %dma_start3A_40 = tpu.memref_slice %arg6[%add3A_33, %dma_start3A_39] : memref<160000x128xf32, #tpu.memory_space<hbm>> -> memref<40x128xf32, #tpu.memory_space<hbm>>
        tpu.enqueue_dma source(%arg10 : memref<40x128xf32, #tpu.memory_space<vmem>>) target(%dma_start3A_40 : memref<40x128xf32, #tpu.memory_space<hbm>>) target_semaphore(%run_scoped3A : memref<!tpu.dma_semaphore, #tpu.memory_space<semaphore_mem>>)
        %dma_wait3A_41 = arith.constant 0 : i32
        %dma_wait3A_42 = tpu.memref_slice %arg6[%add3A_33, %dma_wait3A_41] : memref<160000x128xf32, #tpu.memory_space<hbm>> -> memref<40x128xf32, #tpu.memory_space<hbm>>
        %dma_wait3A_43 = arith.constant 0 : i32
        %dma_wait3A_44 = tpu.memref_slice %arg6[%add3A_33, %dma_wait3A_43] : memref<160000x128xf32, #tpu.memory_space<hbm>> -> memref<40x128xf32, #tpu.memory_space<hbm>>
        tpu.wait_dma2 semaphore(%run_scoped3A : memref<!tpu.dma_semaphore, #tpu.memory_space<semaphore_mem>>) src(%arg10 : memref<40x128xf32, #tpu.memory_space<vmem>>) dst(%dma_wait3A_44 : memref<40x128xf32, #tpu.memory_space<hbm>>)
        tpu.yield
      }) : () -> ()
      %mul3A_34 = arith.constant 40 : i32
      %mul3A_35 = arith.muli %scan3A_8, %mul3A_34 : i32
      %add3A_36 = arith.addi %mul3A_2, %mul3A_35 : i32
      "tpu.region"() ({
        %run_scoped3A = tpu.sem_alloc : memref<!tpu.dma_semaphore, #tpu.memory_space<semaphore_mem>>
        %dma_start3A_37 = arith.constant 0 : i32
        %dma_start3A_38 = tpu.memref_slice %arg7[%add3A_36, %dma_start3A_37] : memref<160000x128xf32, #tpu.memory_space<hbm>> -> memref<40x128xf32, #tpu.memory_space<hbm>>
        %dma_start3A_39 = arith.constant 0 : i32
        %dma_start3A_40 = tpu.memref_slice %arg7[%add3A_36, %dma_start3A_39] : memref<160000x128xf32, #tpu.memory_space<hbm>> -> memref<40x128xf32, #tpu.memory_space<hbm>>
        tpu.enqueue_dma source(%arg11 : memref<40x128xf32, #tpu.memory_space<vmem>>) target(%dma_start3A_40 : memref<40x128xf32, #tpu.memory_space<hbm>>) target_semaphore(%run_scoped3A : memref<!tpu.dma_semaphore, #tpu.memory_space<semaphore_mem>>)
        %dma_wait3A_41 = arith.constant 0 : i32
        %dma_wait3A_42 = tpu.memref_slice %arg7[%add3A_36, %dma_wait3A_41] : memref<160000x128xf32, #tpu.memory_space<hbm>> -> memref<40x128xf32, #tpu.memory_space<hbm>>
        %dma_wait3A_43 = arith.constant 0 : i32
        %dma_wait3A_44 = tpu.memref_slice %arg7[%add3A_36, %dma_wait3A_43] : memref<160000x128xf32, #tpu.memory_space<hbm>> -> memref<40x128xf32, #tpu.memory_space<hbm>>
        tpu.wait_dma2 semaphore(%run_scoped3A : memref<!tpu.dma_semaphore, #tpu.memory_space<semaphore_mem>>) src(%arg11 : memref<40x128xf32, #tpu.memory_space<vmem>>) dst(%dma_wait3A_44 : memref<40x128xf32, #tpu.memory_space<hbm>>)
        tpu.yield
      }) : () -> ()
    }
    %scan3A_7 = arith.constant 125 : i32
    return
  }
}

#map = affine_map<(d0, d1) -> (0, 0)>
#map1 = affine_map<(d0, d1) -> (0, 0, 0)>
module attributes {stable_mosaic.version = 14 : i64} {
  func.func @k(%arg0: i32, %arg1: i32, %arg2: memref<160000x128xf32, #tpu.memory_space<hbm>>, %arg3: memref<32x125x40xi32, #tpu.memory_space<hbm>>, %arg4: memref<10240x128xf32, #tpu.memory_space<hbm>>, %arg5: memref<2x10240x128xf32, #tpu.memory_space<hbm>>, %arg6: memref<125x40xi32, #tpu.memory_space<vmem>>, %arg7: memref<40x128xf32, #tpu.memory_space<vmem>>, %arg8: memref<10240x128xf32, #tpu.memory_space<vmem_shared>>) attributes {dimension_semantics = [#tpu.dimension_semantics<core_parallel>, #tpu.dimension_semantics<subcore_parallel>], iteration_bounds = array<i64: 2, 16>, scalar_prefetch = 0 : i64, scratch_operands = 3 : i64, tpu.core_type = #tpu.core_type<sc_vector_subcore>, window_params = [{transform_indices = #map}, {transform_indices = #map1}, {transform_indices = #map}, {transform_indices = #map1}]} {
    %mul3A = arith.constant 2 : i32
    %mul3A_0 = arith.muli %arg1, %mul3A : i32
    %add3A = arith.addi %mul3A_0, %arg0 : i32
    %mul3A_1 = arith.constant 5000 : i32
    %mul3A_2 = arith.muli %add3A, %mul3A_1 : i32
    "tpu.region"() ({
      %run_scoped3A = tpu.sem_alloc : memref<!tpu.dma_semaphore, #tpu.memory_space<semaphore_mem>>
      %dma_start3A = arith.constant 0 : i32
      %dma_start3A_17 = arith.constant 0 : i32
      %dma_start3A_18 = tpu.memref_slice %arg3[%add3A, %dma_start3A, %dma_start3A_17] : memref<32x125x40xi32, #tpu.memory_space<hbm>> -> memref<1x125x40xi32, #tpu.memory_space<hbm>>
      %dma_start3A_19 = tpu.memref_squeeze %dma_start3A_18 : memref<1x125x40xi32, #tpu.memory_space<hbm>> -> memref<125x40xi32, #tpu.memory_space<hbm>>
      %dma_start3A_20 = arith.constant 0 : i32
      %dma_start3A_21 = arith.constant 0 : i32
      %dma_start3A_22 = tpu.memref_slice %arg3[%add3A, %dma_start3A_20, %dma_start3A_21] : memref<32x125x40xi32, #tpu.memory_space<hbm>> -> memref<1x125x40xi32, #tpu.memory_space<hbm>>
      %dma_start3A_23 = tpu.memref_squeeze %dma_start3A_22 : memref<1x125x40xi32, #tpu.memory_space<hbm>> -> memref<125x40xi32, #tpu.memory_space<hbm>>
      tpu.enqueue_dma source(%dma_start3A_23 : memref<125x40xi32, #tpu.memory_space<hbm>>) target(%arg6 : memref<125x40xi32, #tpu.memory_space<vmem>>) target_semaphore(%run_scoped3A : memref<!tpu.dma_semaphore, #tpu.memory_space<semaphore_mem>>)
      %dma_wait3A = arith.constant 0 : i32
      %dma_wait3A_24 = arith.constant 0 : i32
      %dma_wait3A_25 = tpu.memref_slice %arg3[%add3A, %dma_wait3A, %dma_wait3A_24] : memref<32x125x40xi32, #tpu.memory_space<hbm>> -> memref<1x125x40xi32, #tpu.memory_space<hbm>>
      %dma_wait3A_26 = tpu.memref_squeeze %dma_wait3A_25 : memref<1x125x40xi32, #tpu.memory_space<hbm>> -> memref<125x40xi32, #tpu.memory_space<hbm>>
      %dma_wait3A_27 = arith.constant 0 : i32
      %dma_wait3A_28 = arith.constant 0 : i32
      %dma_wait3A_29 = tpu.memref_slice %arg3[%add3A, %dma_wait3A_27, %dma_wait3A_28] : memref<32x125x40xi32, #tpu.memory_space<hbm>> -> memref<1x125x40xi32, #tpu.memory_space<hbm>>
      %dma_wait3A_30 = tpu.memref_squeeze %dma_wait3A_29 : memref<1x125x40xi32, #tpu.memory_space<hbm>> -> memref<125x40xi32, #tpu.memory_space<hbm>>
      tpu.wait_dma2 semaphore(%run_scoped3A : memref<!tpu.dma_semaphore, #tpu.memory_space<semaphore_mem>>) src(%dma_wait3A_30 : memref<125x40xi32, #tpu.memory_space<hbm>>) dst(%arg6 : memref<125x40xi32, #tpu.memory_space<vmem>>)
      tpu.yield
    }) : () -> ()
    %mul3A_3 = arith.constant 640 : i32
    %mul3A_4 = arith.muli %arg1, %mul3A_3 : i32
    %mul3A_5 = arith.constant 640 : i32
    %mul3A_6 = arith.muli %arg1, %mul3A_5 : i32
    "tpu.region"() ({
      %run_scoped3A = tpu.sem_alloc : memref<!tpu.dma_semaphore, #tpu.memory_space<semaphore_mem>>
      %dma_start3A = arith.constant 0 : i32
      %dma_start3A_17 = tpu.memref_slice %arg8[%mul3A_6, %dma_start3A] : memref<10240x128xf32, #tpu.memory_space<vmem_shared>> -> memref<640x128xf32, #tpu.memory_space<vmem_shared>>
      %dma_start3A_18 = arith.constant 0 : i32
      %dma_start3A_19 = tpu.memref_slice %arg4[%mul3A_4, %dma_start3A_18] : memref<10240x128xf32, #tpu.memory_space<hbm>> -> memref<640x128xf32, #tpu.memory_space<hbm>>
      tpu.enqueue_dma source(%dma_start3A_19 : memref<640x128xf32, #tpu.memory_space<hbm>>) target(%dma_start3A_17 : memref<640x128xf32, #tpu.memory_space<vmem_shared>>) target_semaphore(%run_scoped3A : memref<!tpu.dma_semaphore, #tpu.memory_space<semaphore_mem>>)
      %dma_wait3A = arith.constant 0 : i32
      %dma_wait3A_20 = tpu.memref_slice %arg8[%mul3A_6, %dma_wait3A] : memref<10240x128xf32, #tpu.memory_space<vmem_shared>> -> memref<640x128xf32, #tpu.memory_space<vmem_shared>>
      %dma_wait3A_21 = arith.constant 0 : i32
      %dma_wait3A_22 = tpu.memref_slice %arg4[%mul3A_4, %dma_wait3A_21] : memref<10240x128xf32, #tpu.memory_space<hbm>> -> memref<640x128xf32, #tpu.memory_space<hbm>>
      tpu.wait_dma2 semaphore(%run_scoped3A : memref<!tpu.dma_semaphore, #tpu.memory_space<semaphore_mem>>) src(%dma_wait3A_22 : memref<640x128xf32, #tpu.memory_space<hbm>>) dst(%dma_wait3A_20 : memref<640x128xf32, #tpu.memory_space<vmem_shared>>)
      tpu.yield
    }) : () -> ()
    %barrier3A = arith.constant 0 : index
    tpu.barrier barrier_id(%barrier3A)
    %scan3A = arith.constant 0 : i32
    %scan3A_7 = arith.constant 0 : i32
    %scan3A_8 = arith.constant 125 : i32
    %scan3A_9 = arith.addi %scan3A_7, %scan3A_8 : i32
    %scan3A_10 = arith.constant 1 : i32
    scf.for %scan3A_17 = %scan3A_7 to %scan3A_9 step %scan3A_10  : i32 {
      %mul3A_18 = arith.constant 40 : i32
      %mul3A_19 = arith.muli %scan3A_17, %mul3A_18 : i32
      %add3A_20 = arith.addi %mul3A_2, %mul3A_19 : i32
      "tpu.region"() ({
        %run_scoped3A = tpu.sem_alloc : memref<!tpu.dma_semaphore, #tpu.memory_space<semaphore_mem>>
        %dma_start3A = arith.constant 0 : i32
        %dma_start3A_21 = tpu.memref_slice %arg2[%add3A_20, %dma_start3A] : memref<160000x128xf32, #tpu.memory_space<hbm>> -> memref<40x128xf32, #tpu.memory_space<hbm>>
        %dma_start3A_22 = arith.constant 0 : i32
        %dma_start3A_23 = tpu.memref_slice %arg2[%add3A_20, %dma_start3A_22] : memref<160000x128xf32, #tpu.memory_space<hbm>> -> memref<40x128xf32, #tpu.memory_space<hbm>>
        tpu.enqueue_dma source(%dma_start3A_23 : memref<40x128xf32, #tpu.memory_space<hbm>>) target(%arg7 : memref<40x128xf32, #tpu.memory_space<vmem>>) target_semaphore(%run_scoped3A : memref<!tpu.dma_semaphore, #tpu.memory_space<semaphore_mem>>)
        %dma_wait3A = arith.constant 0 : i32
        %dma_wait3A_24 = tpu.memref_slice %arg2[%add3A_20, %dma_wait3A] : memref<160000x128xf32, #tpu.memory_space<hbm>> -> memref<40x128xf32, #tpu.memory_space<hbm>>
        %dma_wait3A_25 = arith.constant 0 : i32
        %dma_wait3A_26 = tpu.memref_slice %arg2[%add3A_20, %dma_wait3A_25] : memref<160000x128xf32, #tpu.memory_space<hbm>> -> memref<40x128xf32, #tpu.memory_space<hbm>>
        tpu.wait_dma2 semaphore(%run_scoped3A : memref<!tpu.dma_semaphore, #tpu.memory_space<semaphore_mem>>) src(%dma_wait3A_26 : memref<40x128xf32, #tpu.memory_space<hbm>>) dst(%arg7 : memref<40x128xf32, #tpu.memory_space<vmem>>)
        tpu.yield
      }) : () -> ()
      "tpu.region"() ({
        %run_scoped3A = tpu.sem_alloc : memref<!tpu.dma_semaphore, #tpu.memory_space<semaphore_mem>>
        %dma_start3A = arith.constant 0 : i32
        %dma_start3A_21 = tpu.memref_slice %arg6[%scan3A_17, %dma_start3A] : memref<125x40xi32, #tpu.memory_space<vmem>> -> memref<1x40xi32, #tpu.memory_space<vmem>>
        %dma_start3A_22 = tpu.memref_squeeze %dma_start3A_21 : memref<1x40xi32, #tpu.memory_space<vmem>> -> memref<40xi32, #tpu.memory_space<vmem>>
        %dma_start3A_23 = arith.constant 0 : i32
        %dma_start3A_24 = arith.constant 0 : i32
        %dma_start3A_25 = tpu.memref_slice %arg8[%dma_start3A_23, %dma_start3A_24] : memref<10240x128xf32, #tpu.memory_space<vmem_shared>> -> memref<10240x128xf32, #tpu.memory_space<vmem_shared>>
        tpu.enqueue_indirect_dma source(%arg7 : memref<40x128xf32, #tpu.memory_space<vmem>>) target(%dma_start3A_25 : memref<10240x128xf32, #tpu.memory_space<vmem_shared>>) offsets(%dma_start3A_22 : memref<40xi32, #tpu.memory_space<vmem>>) semaphore(%run_scoped3A : memref<!tpu.dma_semaphore, #tpu.memory_space<semaphore_mem>>) {add = true}
        %dma_wait3A = arith.constant 0 : i32
        %dma_wait3A_26 = tpu.memref_slice %arg6[%scan3A_17, %dma_wait3A] : memref<125x40xi32, #tpu.memory_space<vmem>> -> memref<1x40xi32, #tpu.memory_space<vmem>>
        %dma_wait3A_27 = tpu.memref_squeeze %dma_wait3A_26 : memref<1x40xi32, #tpu.memory_space<vmem>> -> memref<40xi32, #tpu.memory_space<vmem>>
        %dma_wait3A_28 = arith.constant 0 : i32
        %dma_wait3A_29 = arith.constant 0 : i32
        %dma_wait3A_30 = tpu.memref_slice %arg8[%dma_wait3A_28, %dma_wait3A_29] : memref<10240x128xf32, #tpu.memory_space<vmem_shared>> -> memref<10240x128xf32, #tpu.memory_space<vmem_shared>>
        tpu.wait_indirect_dma semaphore(%run_scoped3A : memref<!tpu.dma_semaphore, #tpu.memory_space<semaphore_mem>>) src(%arg7 : memref<40x128xf32, #tpu.memory_space<vmem>>) dst(%dma_wait3A_30 : memref<10240x128xf32, #tpu.memory_space<vmem_shared>>)
        tpu.yield
      }) : () -> ()
    }
    %scan3A_11 = arith.constant 125 : i32
    %barrier3A_12 = arith.constant 0 : index
    tpu.barrier barrier_id(%barrier3A_12)
    %mul3A_13 = arith.constant 640 : i32
    %mul3A_14 = arith.muli %arg1, %mul3A_13 : i32
    %mul3A_15 = arith.constant 640 : i32
    %mul3A_16 = arith.muli %arg1, %mul3A_15 : i32
    "tpu.region"() ({
      %run_scoped3A = tpu.sem_alloc : memref<!tpu.dma_semaphore, #tpu.memory_space<semaphore_mem>>
      %dma_start3A = arith.constant 0 : i32
      %dma_start3A_17 = tpu.memref_slice %arg5[%arg0, %mul3A_16, %dma_start3A] : memref<2x10240x128xf32, #tpu.memory_space<hbm>> -> memref<1x640x128xf32, #tpu.memory_space<hbm>>
      %dma_start3A_18 = tpu.memref_squeeze %dma_start3A_17 : memref<1x640x128xf32, #tpu.memory_space<hbm>> -> memref<640x128xf32, #tpu.memory_space<hbm>>
      %dma_start3A_19 = arith.constant 0 : i32
      %dma_start3A_20 = tpu.memref_slice %arg8[%mul3A_14, %dma_start3A_19] : memref<10240x128xf32, #tpu.memory_space<vmem_shared>> -> memref<640x128xf32, #tpu.memory_space<vmem_shared>>
      tpu.enqueue_dma source(%dma_start3A_20 : memref<640x128xf32, #tpu.memory_space<vmem_shared>>) target(%dma_start3A_18 : memref<640x128xf32, #tpu.memory_space<hbm>>) target_semaphore(%run_scoped3A : memref<!tpu.dma_semaphore, #tpu.memory_space<semaphore_mem>>)
      %dma_wait3A = arith.constant 0 : i32
      %dma_wait3A_21 = tpu.memref_slice %arg5[%arg0, %mul3A_16, %dma_wait3A] : memref<2x10240x128xf32, #tpu.memory_space<hbm>> -> memref<1x640x128xf32, #tpu.memory_space<hbm>>
      %dma_wait3A_22 = tpu.memref_squeeze %dma_wait3A_21 : memref<1x640x128xf32, #tpu.memory_space<hbm>> -> memref<640x128xf32, #tpu.memory_space<hbm>>
      %dma_wait3A_23 = arith.constant 0 : i32
      %dma_wait3A_24 = tpu.memref_slice %arg8[%mul3A_14, %dma_wait3A_23] : memref<10240x128xf32, #tpu.memory_space<vmem_shared>> -> memref<640x128xf32, #tpu.memory_space<vmem_shared>>
      tpu.wait_dma2 semaphore(%run_scoped3A : memref<!tpu.dma_semaphore, #tpu.memory_space<semaphore_mem>>) src(%dma_wait3A_24 : memref<640x128xf32, #tpu.memory_space<vmem_shared>>) dst(%dma_wait3A_22 : memref<640x128xf32, #tpu.memory_space<hbm>>)
      tpu.yield
    }) : () -> ()
    return
  }
}

#map = affine_map<(d0, d1) -> (0, 0)>
#map1 = affine_map<(d0, d1) -> (0, 0, 0)>
module attributes {stable_mosaic.version = 14 : i64} {
  func.func @k(%arg0: i32, %arg1: i32, %arg2: memref<10000x128xf32, #tpu.memory_space<hbm>>, %arg3: memref<10000x128xf32, #tpu.memory_space<hbm>>, %arg4: memref<32x125x40xi32, #tpu.memory_space<hbm>>, %arg5: memref<32x125x40xi32, #tpu.memory_space<hbm>>, %arg6: memref<160000x128xf32, #tpu.memory_space<hbm>>, %arg7: memref<160000x128xf32, #tpu.memory_space<hbm>>, %arg8: memref<125x40xi32, #tpu.memory_space<vmem>>, %arg9: memref<125x40xi32, #tpu.memory_space<vmem>>, %arg10: memref<40x128xf32, #tpu.memory_space<vmem>>, %arg11: memref<40x128xf32, #tpu.memory_space<vmem>>, %arg12: memref<!tpu.dma_semaphore, #tpu.memory_space<semaphore_mem>>, %arg13: memref<!tpu.dma_semaphore, #tpu.memory_space<semaphore_mem>>) attributes {dimension_semantics = [#tpu.dimension_semantics<core_parallel>, #tpu.dimension_semantics<subcore_parallel>], iteration_bounds = array<i64: 2, 16>, scalar_prefetch = 0 : i64, scratch_operands = 6 : i64, tpu.core_type = #tpu.core_type<sc_vector_subcore>, window_params = [{transform_indices = #map}, {transform_indices = #map}, {transform_indices = #map1}, {transform_indices = #map1}, {transform_indices = #map}, {transform_indices = #map}]} {
    %mul3A = arith.constant 2 : i32
    %mul3A_0 = arith.muli %arg1, %mul3A : i32
    %add3A = arith.addi %mul3A_0, %arg0 : i32
    %mul3A_1 = arith.constant 5000 : i32
    %mul3A_2 = arith.muli %add3A, %mul3A_1 : i32
    "tpu.region"() ({
      %run_scoped3A = tpu.sem_alloc : memref<!tpu.dma_semaphore, #tpu.memory_space<semaphore_mem>>
      %dma_start3A = arith.constant 0 : i32
      %dma_start3A_8 = arith.constant 0 : i32
      %dma_start3A_9 = tpu.memref_slice %arg4[%add3A, %dma_start3A, %dma_start3A_8] : memref<32x125x40xi32, #tpu.memory_space<hbm>> -> memref<1x125x40xi32, #tpu.memory_space<hbm>>
      %dma_start3A_10 = tpu.memref_squeeze %dma_start3A_9 : memref<1x125x40xi32, #tpu.memory_space<hbm>> -> memref<125x40xi32, #tpu.memory_space<hbm>>
      %dma_start3A_11 = arith.constant 0 : i32
      %dma_start3A_12 = arith.constant 0 : i32
      %dma_start3A_13 = tpu.memref_slice %arg4[%add3A, %dma_start3A_11, %dma_start3A_12] : memref<32x125x40xi32, #tpu.memory_space<hbm>> -> memref<1x125x40xi32, #tpu.memory_space<hbm>>
      %dma_start3A_14 = tpu.memref_squeeze %dma_start3A_13 : memref<1x125x40xi32, #tpu.memory_space<hbm>> -> memref<125x40xi32, #tpu.memory_space<hbm>>
      tpu.enqueue_dma source(%dma_start3A_14 : memref<125x40xi32, #tpu.memory_space<hbm>>) target(%arg8 : memref<125x40xi32, #tpu.memory_space<vmem>>) target_semaphore(%run_scoped3A : memref<!tpu.dma_semaphore, #tpu.memory_space<semaphore_mem>>)
      %dma_wait3A = arith.constant 0 : i32
      %dma_wait3A_15 = arith.constant 0 : i32
      %dma_wait3A_16 = tpu.memref_slice %arg4[%add3A, %dma_wait3A, %dma_wait3A_15] : memref<32x125x40xi32, #tpu.memory_space<hbm>> -> memref<1x125x40xi32, #tpu.memory_space<hbm>>
      %dma_wait3A_17 = tpu.memref_squeeze %dma_wait3A_16 : memref<1x125x40xi32, #tpu.memory_space<hbm>> -> memref<125x40xi32, #tpu.memory_space<hbm>>
      %dma_wait3A_18 = arith.constant 0 : i32
      %dma_wait3A_19 = arith.constant 0 : i32
      %dma_wait3A_20 = tpu.memref_slice %arg4[%add3A, %dma_wait3A_18, %dma_wait3A_19] : memref<32x125x40xi32, #tpu.memory_space<hbm>> -> memref<1x125x40xi32, #tpu.memory_space<hbm>>
      %dma_wait3A_21 = tpu.memref_squeeze %dma_wait3A_20 : memref<1x125x40xi32, #tpu.memory_space<hbm>> -> memref<125x40xi32, #tpu.memory_space<hbm>>
      tpu.wait_dma2 semaphore(%run_scoped3A : memref<!tpu.dma_semaphore, #tpu.memory_space<semaphore_mem>>) src(%dma_wait3A_21 : memref<125x40xi32, #tpu.memory_space<hbm>>) dst(%arg8 : memref<125x40xi32, #tpu.memory_space<vmem>>)
      tpu.yield
    }) : () -> ()
    "tpu.region"() ({
      %run_scoped3A = tpu.sem_alloc : memref<!tpu.dma_semaphore, #tpu.memory_space<semaphore_mem>>
      %dma_start3A = arith.constant 0 : i32
      %dma_start3A_8 = arith.constant 0 : i32
      %dma_start3A_9 = tpu.memref_slice %arg5[%add3A, %dma_start3A, %dma_start3A_8] : memref<32x125x40xi32, #tpu.memory_space<hbm>> -> memref<1x125x40xi32, #tpu.memory_space<hbm>>
      %dma_start3A_10 = tpu.memref_squeeze %dma_start3A_9 : memref<1x125x40xi32, #tpu.memory_space<hbm>> -> memref<125x40xi32, #tpu.memory_space<hbm>>
      %dma_start3A_11 = arith.constant 0 : i32
      %dma_start3A_12 = arith.constant 0 : i32
      %dma_start3A_13 = tpu.memref_slice %arg5[%add3A, %dma_start3A_11, %dma_start3A_12] : memref<32x125x40xi32, #tpu.memory_space<hbm>> -> memref<1x125x40xi32, #tpu.memory_space<hbm>>
      %dma_start3A_14 = tpu.memref_squeeze %dma_start3A_13 : memref<1x125x40xi32, #tpu.memory_space<hbm>> -> memref<125x40xi32, #tpu.memory_space<hbm>>
      tpu.enqueue_dma source(%dma_start3A_14 : memref<125x40xi32, #tpu.memory_space<hbm>>) target(%arg9 : memref<125x40xi32, #tpu.memory_space<vmem>>) target_semaphore(%run_scoped3A : memref<!tpu.dma_semaphore, #tpu.memory_space<semaphore_mem>>)
      %dma_wait3A = arith.constant 0 : i32
      %dma_wait3A_15 = arith.constant 0 : i32
      %dma_wait3A_16 = tpu.memref_slice %arg5[%add3A, %dma_wait3A, %dma_wait3A_15] : memref<32x125x40xi32, #tpu.memory_space<hbm>> -> memref<1x125x40xi32, #tpu.memory_space<hbm>>
      %dma_wait3A_17 = tpu.memref_squeeze %dma_wait3A_16 : memref<1x125x40xi32, #tpu.memory_space<hbm>> -> memref<125x40xi32, #tpu.memory_space<hbm>>
      %dma_wait3A_18 = arith.constant 0 : i32
      %dma_wait3A_19 = arith.constant 0 : i32
      %dma_wait3A_20 = tpu.memref_slice %arg5[%add3A, %dma_wait3A_18, %dma_wait3A_19] : memref<32x125x40xi32, #tpu.memory_space<hbm>> -> memref<1x125x40xi32, #tpu.memory_space<hbm>>
      %dma_wait3A_21 = tpu.memref_squeeze %dma_wait3A_20 : memref<1x125x40xi32, #tpu.memory_space<hbm>> -> memref<125x40xi32, #tpu.memory_space<hbm>>
      tpu.wait_dma2 semaphore(%run_scoped3A : memref<!tpu.dma_semaphore, #tpu.memory_space<semaphore_mem>>) src(%dma_wait3A_21 : memref<125x40xi32, #tpu.memory_space<hbm>>) dst(%arg9 : memref<125x40xi32, #tpu.memory_space<vmem>>)
      tpu.yield
    }) : () -> ()
    %scan3A = arith.constant 0 : i32
    %scan3A_3 = arith.constant 0 : i32
    %scan3A_4 = arith.constant 125 : i32
    %scan3A_5 = arith.addi %scan3A_3, %scan3A_4 : i32
    %scan3A_6 = arith.constant 1 : i32
    scf.for %scan3A_8 = %scan3A_3 to %scan3A_5 step %scan3A_6  : i32 {
      %dma_start3A = arith.constant 0 : i32
      %dma_start3A_9 = tpu.memref_slice %arg8[%scan3A_8, %dma_start3A] : memref<125x40xi32, #tpu.memory_space<vmem>> -> memref<1x40xi32, #tpu.memory_space<vmem>>
      %dma_start3A_10 = tpu.memref_squeeze %dma_start3A_9 : memref<1x40xi32, #tpu.memory_space<vmem>> -> memref<40xi32, #tpu.memory_space<vmem>>
      %dma_start3A_11 = arith.constant 0 : i32
      %dma_start3A_12 = arith.constant 0 : i32
      %dma_start3A_13 = tpu.memref_slice %arg2[%dma_start3A_11, %dma_start3A_12] : memref<10000x128xf32, #tpu.memory_space<hbm>> -> memref<10000x128xf32, #tpu.memory_space<hbm>>
      tpu.enqueue_indirect_dma source(%dma_start3A_13 : memref<10000x128xf32, #tpu.memory_space<hbm>>) target(%arg10 : memref<40x128xf32, #tpu.memory_space<vmem>>) offsets(%dma_start3A_10 : memref<40xi32, #tpu.memory_space<vmem>>) semaphore(%arg12 : memref<!tpu.dma_semaphore, #tpu.memory_space<semaphore_mem>>)
      %dma_start3A_14 = arith.constant 0 : i32
      %dma_start3A_15 = tpu.memref_slice %arg9[%scan3A_8, %dma_start3A_14] : memref<125x40xi32, #tpu.memory_space<vmem>> -> memref<1x40xi32, #tpu.memory_space<vmem>>
      %dma_start3A_16 = tpu.memref_squeeze %dma_start3A_15 : memref<1x40xi32, #tpu.memory_space<vmem>> -> memref<40xi32, #tpu.memory_space<vmem>>
      %dma_start3A_17 = arith.constant 0 : i32
      %dma_start3A_18 = arith.constant 0 : i32
      %dma_start3A_19 = tpu.memref_slice %arg3[%dma_start3A_17, %dma_start3A_18] : memref<10000x128xf32, #tpu.memory_space<hbm>> -> memref<10000x128xf32, #tpu.memory_space<hbm>>
      tpu.enqueue_indirect_dma source(%dma_start3A_19 : memref<10000x128xf32, #tpu.memory_space<hbm>>) target(%arg11 : memref<40x128xf32, #tpu.memory_space<vmem>>) offsets(%dma_start3A_16 : memref<40xi32, #tpu.memory_space<vmem>>) semaphore(%arg13 : memref<!tpu.dma_semaphore, #tpu.memory_space<semaphore_mem>>)
      %dma_wait3A = arith.constant 0 : i32
      %dma_wait3A_20 = tpu.memref_slice %arg8[%scan3A_8, %dma_wait3A] : memref<125x40xi32, #tpu.memory_space<vmem>> -> memref<1x40xi32, #tpu.memory_space<vmem>>
      %dma_wait3A_21 = tpu.memref_squeeze %dma_wait3A_20 : memref<1x40xi32, #tpu.memory_space<vmem>> -> memref<40xi32, #tpu.memory_space<vmem>>
      %dma_wait3A_22 = arith.constant 0 : i32
      %dma_wait3A_23 = arith.constant 0 : i32
      %dma_wait3A_24 = tpu.memref_slice %arg2[%dma_wait3A_22, %dma_wait3A_23] : memref<10000x128xf32, #tpu.memory_space<hbm>> -> memref<10000x128xf32, #tpu.memory_space<hbm>>
      tpu.wait_indirect_dma semaphore(%arg12 : memref<!tpu.dma_semaphore, #tpu.memory_space<semaphore_mem>>) src(%dma_wait3A_24 : memref<10000x128xf32, #tpu.memory_space<hbm>>) dst(%arg10 : memref<40x128xf32, #tpu.memory_space<vmem>>)
      %dma_wait3A_25 = arith.constant 0 : i32
      %dma_wait3A_26 = tpu.memref_slice %arg9[%scan3A_8, %dma_wait3A_25] : memref<125x40xi32, #tpu.memory_space<vmem>> -> memref<1x40xi32, #tpu.memory_space<vmem>>
      %dma_wait3A_27 = tpu.memref_squeeze %dma_wait3A_26 : memref<1x40xi32, #tpu.memory_space<vmem>> -> memref<40xi32, #tpu.memory_space<vmem>>
      %dma_wait3A_28 = arith.constant 0 : i32
      %dma_wait3A_29 = arith.constant 0 : i32
      %dma_wait3A_30 = tpu.memref_slice %arg3[%dma_wait3A_28, %dma_wait3A_29] : memref<10000x128xf32, #tpu.memory_space<hbm>> -> memref<10000x128xf32, #tpu.memory_space<hbm>>
      tpu.wait_indirect_dma semaphore(%arg13 : memref<!tpu.dma_semaphore, #tpu.memory_space<semaphore_mem>>) src(%dma_wait3A_30 : memref<10000x128xf32, #tpu.memory_space<hbm>>) dst(%arg11 : memref<40x128xf32, #tpu.memory_space<vmem>>)
      %mul3A_31 = arith.constant 40 : i32
      %mul3A_32 = arith.muli %scan3A_8, %mul3A_31 : i32
      %add3A_33 = arith.addi %mul3A_2, %mul3A_32 : i32
      "tpu.region"() ({
        %run_scoped3A = tpu.sem_alloc : memref<!tpu.dma_semaphore, #tpu.memory_space<semaphore_mem>>
        %dma_start3A_37 = arith.constant 0 : i32
        %dma_start3A_38 = tpu.memref_slice %arg6[%add3A_33, %dma_start3A_37] : memref<160000x128xf32, #tpu.memory_space<hbm>> -> memref<40x128xf32, #tpu.memory_space<hbm>>
        %dma_start3A_39 = arith.constant 0 : i32
        %dma_start3A_40 = tpu.memref_slice %arg6[%add3A_33, %dma_start3A_39] : memref<160000x128xf32, #tpu.memory_space<hbm>> -> memref<40x128xf32, #tpu.memory_space<hbm>>
        tpu.enqueue_dma source(%arg10 : memref<40x128xf32, #tpu.memory_space<vmem>>) target(%dma_start3A_40 : memref<40x128xf32, #tpu.memory_space<hbm>>) target_semaphore(%run_scoped3A : memref<!tpu.dma_semaphore, #tpu.memory_space<semaphore_mem>>)
        %dma_wait3A_41 = arith.constant 0 : i32
        %dma_wait3A_42 = tpu.memref_slice %arg6[%add3A_33, %dma_wait3A_41] : memref<160000x128xf32, #tpu.memory_space<hbm>> -> memref<40x128xf32, #tpu.memory_space<hbm>>
        %dma_wait3A_43 = arith.constant 0 : i32
        %dma_wait3A_44 = tpu.memref_slice %arg6[%add3A_33, %dma_wait3A_43] : memref<160000x128xf32, #tpu.memory_space<hbm>> -> memref<40x128xf32, #tpu.memory_space<hbm>>
        tpu.wait_dma2 semaphore(%run_scoped3A : memref<!tpu.dma_semaphore, #tpu.memory_space<semaphore_mem>>) src(%arg10 : memref<40x128xf32, #tpu.memory_space<vmem>>) dst(%dma_wait3A_44 : memref<40x128xf32, #tpu.memory_space<hbm>>)
        tpu.yield
      }) : () -> ()
      %mul3A_34 = arith.constant 40 : i32
      %mul3A_35 = arith.muli %scan3A_8, %mul3A_34 : i32
      %add3A_36 = arith.addi %mul3A_2, %mul3A_35 : i32
      "tpu.region"() ({
        %run_scoped3A = tpu.sem_alloc : memref<!tpu.dma_semaphore, #tpu.memory_space<semaphore_mem>>
        %dma_start3A_37 = arith.constant 0 : i32
        %dma_start3A_38 = tpu.memref_slice %arg7[%add3A_36, %dma_start3A_37] : memref<160000x128xf32, #tpu.memory_space<hbm>> -> memref<40x128xf32, #tpu.memory_space<hbm>>
        %dma_start3A_39 = arith.constant 0 : i32
        %dma_start3A_40 = tpu.memref_slice %arg7[%add3A_36, %dma_start3A_39] : memref<160000x128xf32, #tpu.memory_space<hbm>> -> memref<40x128xf32, #tpu.memory_space<hbm>>
        tpu.enqueue_dma source(%arg11 : memref<40x128xf32, #tpu.memory_space<vmem>>) target(%dma_start3A_40 : memref<40x128xf32, #tpu.memory_space<hbm>>) target_semaphore(%run_scoped3A : memref<!tpu.dma_semaphore, #tpu.memory_space<semaphore_mem>>)
        %dma_wait3A_41 = arith.constant 0 : i32
        %dma_wait3A_42 = tpu.memref_slice %arg7[%add3A_36, %dma_wait3A_41] : memref<160000x128xf32, #tpu.memory_space<hbm>> -> memref<40x128xf32, #tpu.memory_space<hbm>>
        %dma_wait3A_43 = arith.constant 0 : i32
        %dma_wait3A_44 = tpu.memref_slice %arg7[%add3A_36, %dma_wait3A_43] : memref<160000x128xf32, #tpu.memory_space<hbm>> -> memref<40x128xf32, #tpu.memory_space<hbm>>
        tpu.wait_dma2 semaphore(%run_scoped3A : memref<!tpu.dma_semaphore, #tpu.memory_space<semaphore_mem>>) src(%arg11 : memref<40x128xf32, #tpu.memory_space<vmem>>) dst(%dma_wait3A_44 : memref<40x128xf32, #tpu.memory_space<hbm>>)
        tpu.yield
      }) : () -> ()
    }
    %scan3A_7 = arith.constant 125 : i32
    return
  }
}

#map = affine_map<(d0, d1) -> (0, 0)>
#map1 = affine_map<(d0, d1) -> (0, 0, 0)>
module attributes {stable_mosaic.version = 14 : i64} {
  func.func @k(%arg0: i32, %arg1: i32, %arg2: memref<160000x128xf32, #tpu.memory_space<hbm>>, %arg3: memref<32x125x40xi32, #tpu.memory_space<hbm>>, %arg4: memref<10240x128xf32, #tpu.memory_space<hbm>>, %arg5: memref<2x10240x128xf32, #tpu.memory_space<hbm>>, %arg6: memref<125x40xi32, #tpu.memory_space<vmem>>, %arg7: memref<40x128xf32, #tpu.memory_space<vmem>>, %arg8: memref<10240x128xf32, #tpu.memory_space<vmem_shared>>) attributes {dimension_semantics = [#tpu.dimension_semantics<core_parallel>, #tpu.dimension_semantics<subcore_parallel>], iteration_bounds = array<i64: 2, 16>, scalar_prefetch = 0 : i64, scratch_operands = 3 : i64, tpu.core_type = #tpu.core_type<sc_vector_subcore>, window_params = [{transform_indices = #map}, {transform_indices = #map1}, {transform_indices = #map}, {transform_indices = #map1}]} {
    %mul3A = arith.constant 2 : i32
    %mul3A_0 = arith.muli %arg1, %mul3A : i32
    %add3A = arith.addi %mul3A_0, %arg0 : i32
    %mul3A_1 = arith.constant 5000 : i32
    %mul3A_2 = arith.muli %add3A, %mul3A_1 : i32
    "tpu.region"() ({
      %run_scoped3A = tpu.sem_alloc : memref<!tpu.dma_semaphore, #tpu.memory_space<semaphore_mem>>
      %dma_start3A = arith.constant 0 : i32
      %dma_start3A_17 = arith.constant 0 : i32
      %dma_start3A_18 = tpu.memref_slice %arg3[%add3A, %dma_start3A, %dma_start3A_17] : memref<32x125x40xi32, #tpu.memory_space<hbm>> -> memref<1x125x40xi32, #tpu.memory_space<hbm>>
      %dma_start3A_19 = tpu.memref_squeeze %dma_start3A_18 : memref<1x125x40xi32, #tpu.memory_space<hbm>> -> memref<125x40xi32, #tpu.memory_space<hbm>>
      %dma_start3A_20 = arith.constant 0 : i32
      %dma_start3A_21 = arith.constant 0 : i32
      %dma_start3A_22 = tpu.memref_slice %arg3[%add3A, %dma_start3A_20, %dma_start3A_21] : memref<32x125x40xi32, #tpu.memory_space<hbm>> -> memref<1x125x40xi32, #tpu.memory_space<hbm>>
      %dma_start3A_23 = tpu.memref_squeeze %dma_start3A_22 : memref<1x125x40xi32, #tpu.memory_space<hbm>> -> memref<125x40xi32, #tpu.memory_space<hbm>>
      tpu.enqueue_dma source(%dma_start3A_23 : memref<125x40xi32, #tpu.memory_space<hbm>>) target(%arg6 : memref<125x40xi32, #tpu.memory_space<vmem>>) target_semaphore(%run_scoped3A : memref<!tpu.dma_semaphore, #tpu.memory_space<semaphore_mem>>)
      %dma_wait3A = arith.constant 0 : i32
      %dma_wait3A_24 = arith.constant 0 : i32
      %dma_wait3A_25 = tpu.memref_slice %arg3[%add3A, %dma_wait3A, %dma_wait3A_24] : memref<32x125x40xi32, #tpu.memory_space<hbm>> -> memref<1x125x40xi32, #tpu.memory_space<hbm>>
      %dma_wait3A_26 = tpu.memref_squeeze %dma_wait3A_25 : memref<1x125x40xi32, #tpu.memory_space<hbm>> -> memref<125x40xi32, #tpu.memory_space<hbm>>
      %dma_wait3A_27 = arith.constant 0 : i32
      %dma_wait3A_28 = arith.constant 0 : i32
      %dma_wait3A_29 = tpu.memref_slice %arg3[%add3A, %dma_wait3A_27, %dma_wait3A_28] : memref<32x125x40xi32, #tpu.memory_space<hbm>> -> memref<1x125x40xi32, #tpu.memory_space<hbm>>
      %dma_wait3A_30 = tpu.memref_squeeze %dma_wait3A_29 : memref<1x125x40xi32, #tpu.memory_space<hbm>> -> memref<125x40xi32, #tpu.memory_space<hbm>>
      tpu.wait_dma2 semaphore(%run_scoped3A : memref<!tpu.dma_semaphore, #tpu.memory_space<semaphore_mem>>) src(%dma_wait3A_30 : memref<125x40xi32, #tpu.memory_space<hbm>>) dst(%arg6 : memref<125x40xi32, #tpu.memory_space<vmem>>)
      tpu.yield
    }) : () -> ()
    %mul3A_3 = arith.constant 640 : i32
    %mul3A_4 = arith.muli %arg1, %mul3A_3 : i32
    %mul3A_5 = arith.constant 640 : i32
    %mul3A_6 = arith.muli %arg1, %mul3A_5 : i32
    "tpu.region"() ({
      %run_scoped3A = tpu.sem_alloc : memref<!tpu.dma_semaphore, #tpu.memory_space<semaphore_mem>>
      %dma_start3A = arith.constant 0 : i32
      %dma_start3A_17 = tpu.memref_slice %arg8[%mul3A_6, %dma_start3A] : memref<10240x128xf32, #tpu.memory_space<vmem_shared>> -> memref<640x128xf32, #tpu.memory_space<vmem_shared>>
      %dma_start3A_18 = arith.constant 0 : i32
      %dma_start3A_19 = tpu.memref_slice %arg4[%mul3A_4, %dma_start3A_18] : memref<10240x128xf32, #tpu.memory_space<hbm>> -> memref<640x128xf32, #tpu.memory_space<hbm>>
      tpu.enqueue_dma source(%dma_start3A_19 : memref<640x128xf32, #tpu.memory_space<hbm>>) target(%dma_start3A_17 : memref<640x128xf32, #tpu.memory_space<vmem_shared>>) target_semaphore(%run_scoped3A : memref<!tpu.dma_semaphore, #tpu.memory_space<semaphore_mem>>)
      %dma_wait3A = arith.constant 0 : i32
      %dma_wait3A_20 = tpu.memref_slice %arg8[%mul3A_6, %dma_wait3A] : memref<10240x128xf32, #tpu.memory_space<vmem_shared>> -> memref<640x128xf32, #tpu.memory_space<vmem_shared>>
      %dma_wait3A_21 = arith.constant 0 : i32
      %dma_wait3A_22 = tpu.memref_slice %arg4[%mul3A_4, %dma_wait3A_21] : memref<10240x128xf32, #tpu.memory_space<hbm>> -> memref<640x128xf32, #tpu.memory_space<hbm>>
      tpu.wait_dma2 semaphore(%run_scoped3A : memref<!tpu.dma_semaphore, #tpu.memory_space<semaphore_mem>>) src(%dma_wait3A_22 : memref<640x128xf32, #tpu.memory_space<hbm>>) dst(%dma_wait3A_20 : memref<640x128xf32, #tpu.memory_space<vmem_shared>>)
      tpu.yield
    }) : () -> ()
    %barrier3A = arith.constant 0 : index
    tpu.barrier barrier_id(%barrier3A)
    %scan3A = arith.constant 0 : i32
    %scan3A_7 = arith.constant 0 : i32
    %scan3A_8 = arith.constant 125 : i32
    %scan3A_9 = arith.addi %scan3A_7, %scan3A_8 : i32
    %scan3A_10 = arith.constant 1 : i32
    scf.for %scan3A_17 = %scan3A_7 to %scan3A_9 step %scan3A_10  : i32 {
      %mul3A_18 = arith.constant 40 : i32
      %mul3A_19 = arith.muli %scan3A_17, %mul3A_18 : i32
      %add3A_20 = arith.addi %mul3A_2, %mul3A_19 : i32
      "tpu.region"() ({
        %run_scoped3A = tpu.sem_alloc : memref<!tpu.dma_semaphore, #tpu.memory_space<semaphore_mem>>
        %dma_start3A = arith.constant 0 : i32
        %dma_start3A_21 = tpu.memref_slice %arg2[%add3A_20, %dma_start3A] : memref<160000x128xf32, #tpu.memory_space<hbm>> -> memref<40x128xf32, #tpu.memory_space<hbm>>
        %dma_start3A_22 = arith.constant 0 : i32
        %dma_start3A_23 = tpu.memref_slice %arg2[%add3A_20, %dma_start3A_22] : memref<160000x128xf32, #tpu.memory_space<hbm>> -> memref<40x128xf32, #tpu.memory_space<hbm>>
        tpu.enqueue_dma source(%dma_start3A_23 : memref<40x128xf32, #tpu.memory_space<hbm>>) target(%arg7 : memref<40x128xf32, #tpu.memory_space<vmem>>) target_semaphore(%run_scoped3A : memref<!tpu.dma_semaphore, #tpu.memory_space<semaphore_mem>>)
        %dma_wait3A = arith.constant 0 : i32
        %dma_wait3A_24 = tpu.memref_slice %arg2[%add3A_20, %dma_wait3A] : memref<160000x128xf32, #tpu.memory_space<hbm>> -> memref<40x128xf32, #tpu.memory_space<hbm>>
        %dma_wait3A_25 = arith.constant 0 : i32
        %dma_wait3A_26 = tpu.memref_slice %arg2[%add3A_20, %dma_wait3A_25] : memref<160000x128xf32, #tpu.memory_space<hbm>> -> memref<40x128xf32, #tpu.memory_space<hbm>>
        tpu.wait_dma2 semaphore(%run_scoped3A : memref<!tpu.dma_semaphore, #tpu.memory_space<semaphore_mem>>) src(%dma_wait3A_26 : memref<40x128xf32, #tpu.memory_space<hbm>>) dst(%arg7 : memref<40x128xf32, #tpu.memory_space<vmem>>)
        tpu.yield
      }) : () -> ()
      "tpu.region"() ({
        %run_scoped3A = tpu.sem_alloc : memref<!tpu.dma_semaphore, #tpu.memory_space<semaphore_mem>>
        %dma_start3A = arith.constant 0 : i32
        %dma_start3A_21 = tpu.memref_slice %arg6[%scan3A_17, %dma_start3A] : memref<125x40xi32, #tpu.memory_space<vmem>> -> memref<1x40xi32, #tpu.memory_space<vmem>>
        %dma_start3A_22 = tpu.memref_squeeze %dma_start3A_21 : memref<1x40xi32, #tpu.memory_space<vmem>> -> memref<40xi32, #tpu.memory_space<vmem>>
        %dma_start3A_23 = arith.constant 0 : i32
        %dma_start3A_24 = arith.constant 0 : i32
        %dma_start3A_25 = tpu.memref_slice %arg8[%dma_start3A_23, %dma_start3A_24] : memref<10240x128xf32, #tpu.memory_space<vmem_shared>> -> memref<10240x128xf32, #tpu.memory_space<vmem_shared>>
        tpu.enqueue_indirect_dma source(%arg7 : memref<40x128xf32, #tpu.memory_space<vmem>>) target(%dma_start3A_25 : memref<10240x128xf32, #tpu.memory_space<vmem_shared>>) offsets(%dma_start3A_22 : memref<40xi32, #tpu.memory_space<vmem>>) semaphore(%run_scoped3A : memref<!tpu.dma_semaphore, #tpu.memory_space<semaphore_mem>>) {add = true}
        %dma_wait3A = arith.constant 0 : i32
        %dma_wait3A_26 = tpu.memref_slice %arg6[%scan3A_17, %dma_wait3A] : memref<125x40xi32, #tpu.memory_space<vmem>> -> memref<1x40xi32, #tpu.memory_space<vmem>>
        %dma_wait3A_27 = tpu.memref_squeeze %dma_wait3A_26 : memref<1x40xi32, #tpu.memory_space<vmem>> -> memref<40xi32, #tpu.memory_space<vmem>>
        %dma_wait3A_28 = arith.constant 0 : i32
        %dma_wait3A_29 = arith.constant 0 : i32
        %dma_wait3A_30 = tpu.memref_slice %arg8[%dma_wait3A_28, %dma_wait3A_29] : memref<10240x128xf32, #tpu.memory_space<vmem_shared>> -> memref<10240x128xf32, #tpu.memory_space<vmem_shared>>
        tpu.wait_indirect_dma semaphore(%run_scoped3A : memref<!tpu.dma_semaphore, #tpu.memory_space<semaphore_mem>>) src(%arg7 : memref<40x128xf32, #tpu.memory_space<vmem>>) dst(%dma_wait3A_30 : memref<10240x128xf32, #tpu.memory_space<vmem_shared>>)
        tpu.yield
      }) : () -> ()
    }
    %scan3A_11 = arith.constant 125 : i32
    %barrier3A_12 = arith.constant 0 : index
    tpu.barrier barrier_id(%barrier3A_12)
    %mul3A_13 = arith.constant 640 : i32
    %mul3A_14 = arith.muli %arg1, %mul3A_13 : i32
    %mul3A_15 = arith.constant 640 : i32
    %mul3A_16 = arith.muli %arg1, %mul3A_15 : i32
    "tpu.region"() ({
      %run_scoped3A = tpu.sem_alloc : memref<!tpu.dma_semaphore, #tpu.memory_space<semaphore_mem>>
      %dma_start3A = arith.constant 0 : i32
      %dma_start3A_17 = tpu.memref_slice %arg5[%arg0, %mul3A_16, %dma_start3A] : memref<2x10240x128xf32, #tpu.memory_space<hbm>> -> memref<1x640x128xf32, #tpu.memory_space<hbm>>
      %dma_start3A_18 = tpu.memref_squeeze %dma_start3A_17 : memref<1x640x128xf32, #tpu.memory_space<hbm>> -> memref<640x128xf32, #tpu.memory_space<hbm>>
      %dma_start3A_19 = arith.constant 0 : i32
      %dma_start3A_20 = tpu.memref_slice %arg8[%mul3A_14, %dma_start3A_19] : memref<10240x128xf32, #tpu.memory_space<vmem_shared>> -> memref<640x128xf32, #tpu.memory_space<vmem_shared>>
      tpu.enqueue_dma source(%dma_start3A_20 : memref<640x128xf32, #tpu.memory_space<vmem_shared>>) target(%dma_start3A_18 : memref<640x128xf32, #tpu.memory_space<hbm>>) target_semaphore(%run_scoped3A : memref<!tpu.dma_semaphore, #tpu.memory_space<semaphore_mem>>)
      %dma_wait3A = arith.constant 0 : i32
      %dma_wait3A_21 = tpu.memref_slice %arg5[%arg0, %mul3A_16, %dma_wait3A] : memref<2x10240x128xf32, #tpu.memory_space<hbm>> -> memref<1x640x128xf32, #tpu.memory_space<hbm>>
      %dma_wait3A_22 = tpu.memref_squeeze %dma_wait3A_21 : memref<1x640x128xf32, #tpu.memory_space<hbm>> -> memref<640x128xf32, #tpu.memory_space<hbm>>
      %dma_wait3A_23 = arith.constant 0 : i32
      %dma_wait3A_24 = tpu.memref_slice %arg8[%mul3A_14, %dma_wait3A_23] : memref<10240x128xf32, #tpu.memory_space<vmem_shared>> -> memref<640x128xf32, #tpu.memory_space<vmem_shared>>
      tpu.wait_dma2 semaphore(%run_scoped3A : memref<!tpu.dma_semaphore, #tpu.memory_space<semaphore_mem>>) src(%dma_wait3A_24 : memref<640x128xf32, #tpu.memory_space<vmem_shared>>) dst(%dma_wait3A_22 : memref<640x128xf32, #tpu.memory_space<hbm>>)
      tpu.yield
    }) : () -> ()
    return
  }
}

#map = affine_map<(d0, d1) -> (0, 0)>
#map1 = affine_map<(d0, d1) -> (0, 0, 0)>
module attributes {stable_mosaic.version = 14 : i64} {
  func.func @k(%arg0: i32, %arg1: i32, %arg2: memref<160000x128xf32, #tpu.memory_space<hbm>>, %arg3: memref<32x125x40xi32, #tpu.memory_space<hbm>>, %arg4: memref<10240x128xf32, #tpu.memory_space<hbm>>, %arg5: memref<2x10240x128xf32, #tpu.memory_space<hbm>>, %arg6: memref<125x40xi32, #tpu.memory_space<vmem>>, %arg7: memref<40x128xf32, #tpu.memory_space<vmem>>, %arg8: memref<10240x128xf32, #tpu.memory_space<vmem_shared>>) attributes {dimension_semantics = [#tpu.dimension_semantics<core_parallel>, #tpu.dimension_semantics<subcore_parallel>], iteration_bounds = array<i64: 2, 16>, scalar_prefetch = 0 : i64, scratch_operands = 3 : i64, tpu.core_type = #tpu.core_type<sc_vector_subcore>, window_params = [{transform_indices = #map}, {transform_indices = #map1}, {transform_indices = #map}, {transform_indices = #map1}]} {
    %mul3A = arith.constant 2 : i32
    %mul3A_0 = arith.muli %arg1, %mul3A : i32
    %add3A = arith.addi %mul3A_0, %arg0 : i32
    %mul3A_1 = arith.constant 5000 : i32
    %mul3A_2 = arith.muli %add3A, %mul3A_1 : i32
    "tpu.region"() ({
      %run_scoped3A = tpu.sem_alloc : memref<!tpu.dma_semaphore, #tpu.memory_space<semaphore_mem>>
      %dma_start3A = arith.constant 0 : i32
      %dma_start3A_17 = arith.constant 0 : i32
      %dma_start3A_18 = tpu.memref_slice %arg3[%add3A, %dma_start3A, %dma_start3A_17] : memref<32x125x40xi32, #tpu.memory_space<hbm>> -> memref<1x125x40xi32, #tpu.memory_space<hbm>>
      %dma_start3A_19 = tpu.memref_squeeze %dma_start3A_18 : memref<1x125x40xi32, #tpu.memory_space<hbm>> -> memref<125x40xi32, #tpu.memory_space<hbm>>
      %dma_start3A_20 = arith.constant 0 : i32
      %dma_start3A_21 = arith.constant 0 : i32
      %dma_start3A_22 = tpu.memref_slice %arg3[%add3A, %dma_start3A_20, %dma_start3A_21] : memref<32x125x40xi32, #tpu.memory_space<hbm>> -> memref<1x125x40xi32, #tpu.memory_space<hbm>>
      %dma_start3A_23 = tpu.memref_squeeze %dma_start3A_22 : memref<1x125x40xi32, #tpu.memory_space<hbm>> -> memref<125x40xi32, #tpu.memory_space<hbm>>
      tpu.enqueue_dma source(%dma_start3A_23 : memref<125x40xi32, #tpu.memory_space<hbm>>) target(%arg6 : memref<125x40xi32, #tpu.memory_space<vmem>>) target_semaphore(%run_scoped3A : memref<!tpu.dma_semaphore, #tpu.memory_space<semaphore_mem>>)
      %dma_wait3A = arith.constant 0 : i32
      %dma_wait3A_24 = arith.constant 0 : i32
      %dma_wait3A_25 = tpu.memref_slice %arg3[%add3A, %dma_wait3A, %dma_wait3A_24] : memref<32x125x40xi32, #tpu.memory_space<hbm>> -> memref<1x125x40xi32, #tpu.memory_space<hbm>>
      %dma_wait3A_26 = tpu.memref_squeeze %dma_wait3A_25 : memref<1x125x40xi32, #tpu.memory_space<hbm>> -> memref<125x40xi32, #tpu.memory_space<hbm>>
      %dma_wait3A_27 = arith.constant 0 : i32
      %dma_wait3A_28 = arith.constant 0 : i32
      %dma_wait3A_29 = tpu.memref_slice %arg3[%add3A, %dma_wait3A_27, %dma_wait3A_28] : memref<32x125x40xi32, #tpu.memory_space<hbm>> -> memref<1x125x40xi32, #tpu.memory_space<hbm>>
      %dma_wait3A_30 = tpu.memref_squeeze %dma_wait3A_29 : memref<1x125x40xi32, #tpu.memory_space<hbm>> -> memref<125x40xi32, #tpu.memory_space<hbm>>
      tpu.wait_dma2 semaphore(%run_scoped3A : memref<!tpu.dma_semaphore, #tpu.memory_space<semaphore_mem>>) src(%dma_wait3A_30 : memref<125x40xi32, #tpu.memory_space<hbm>>) dst(%arg6 : memref<125x40xi32, #tpu.memory_space<vmem>>)
      tpu.yield
    }) : () -> ()
    %mul3A_3 = arith.constant 640 : i32
    %mul3A_4 = arith.muli %arg1, %mul3A_3 : i32
    %mul3A_5 = arith.constant 640 : i32
    %mul3A_6 = arith.muli %arg1, %mul3A_5 : i32
    "tpu.region"() ({
      %run_scoped3A = tpu.sem_alloc : memref<!tpu.dma_semaphore, #tpu.memory_space<semaphore_mem>>
      %dma_start3A = arith.constant 0 : i32
      %dma_start3A_17 = tpu.memref_slice %arg8[%mul3A_6, %dma_start3A] : memref<10240x128xf32, #tpu.memory_space<vmem_shared>> -> memref<640x128xf32, #tpu.memory_space<vmem_shared>>
      %dma_start3A_18 = arith.constant 0 : i32
      %dma_start3A_19 = tpu.memref_slice %arg4[%mul3A_4, %dma_start3A_18] : memref<10240x128xf32, #tpu.memory_space<hbm>> -> memref<640x128xf32, #tpu.memory_space<hbm>>
      tpu.enqueue_dma source(%dma_start3A_19 : memref<640x128xf32, #tpu.memory_space<hbm>>) target(%dma_start3A_17 : memref<640x128xf32, #tpu.memory_space<vmem_shared>>) target_semaphore(%run_scoped3A : memref<!tpu.dma_semaphore, #tpu.memory_space<semaphore_mem>>)
      %dma_wait3A = arith.constant 0 : i32
      %dma_wait3A_20 = tpu.memref_slice %arg8[%mul3A_6, %dma_wait3A] : memref<10240x128xf32, #tpu.memory_space<vmem_shared>> -> memref<640x128xf32, #tpu.memory_space<vmem_shared>>
      %dma_wait3A_21 = arith.constant 0 : i32
      %dma_wait3A_22 = tpu.memref_slice %arg4[%mul3A_4, %dma_wait3A_21] : memref<10240x128xf32, #tpu.memory_space<hbm>> -> memref<640x128xf32, #tpu.memory_space<hbm>>
      tpu.wait_dma2 semaphore(%run_scoped3A : memref<!tpu.dma_semaphore, #tpu.memory_space<semaphore_mem>>) src(%dma_wait3A_22 : memref<640x128xf32, #tpu.memory_space<hbm>>) dst(%dma_wait3A_20 : memref<640x128xf32, #tpu.memory_space<vmem_shared>>)
      tpu.yield
    }) : () -> ()
    %barrier3A = arith.constant 0 : index
    tpu.barrier barrier_id(%barrier3A)
    %scan3A = arith.constant 0 : i32
    %scan3A_7 = arith.constant 0 : i32
    %scan3A_8 = arith.constant 125 : i32
    %scan3A_9 = arith.addi %scan3A_7, %scan3A_8 : i32
    %scan3A_10 = arith.constant 1 : i32
    scf.for %scan3A_17 = %scan3A_7 to %scan3A_9 step %scan3A_10  : i32 {
      %mul3A_18 = arith.constant 40 : i32
      %mul3A_19 = arith.muli %scan3A_17, %mul3A_18 : i32
      %add3A_20 = arith.addi %mul3A_2, %mul3A_19 : i32
      "tpu.region"() ({
        %run_scoped3A = tpu.sem_alloc : memref<!tpu.dma_semaphore, #tpu.memory_space<semaphore_mem>>
        %dma_start3A = arith.constant 0 : i32
        %dma_start3A_21 = tpu.memref_slice %arg2[%add3A_20, %dma_start3A] : memref<160000x128xf32, #tpu.memory_space<hbm>> -> memref<40x128xf32, #tpu.memory_space<hbm>>
        %dma_start3A_22 = arith.constant 0 : i32
        %dma_start3A_23 = tpu.memref_slice %arg2[%add3A_20, %dma_start3A_22] : memref<160000x128xf32, #tpu.memory_space<hbm>> -> memref<40x128xf32, #tpu.memory_space<hbm>>
        tpu.enqueue_dma source(%dma_start3A_23 : memref<40x128xf32, #tpu.memory_space<hbm>>) target(%arg7 : memref<40x128xf32, #tpu.memory_space<vmem>>) target_semaphore(%run_scoped3A : memref<!tpu.dma_semaphore, #tpu.memory_space<semaphore_mem>>)
        %dma_wait3A = arith.constant 0 : i32
        %dma_wait3A_24 = tpu.memref_slice %arg2[%add3A_20, %dma_wait3A] : memref<160000x128xf32, #tpu.memory_space<hbm>> -> memref<40x128xf32, #tpu.memory_space<hbm>>
        %dma_wait3A_25 = arith.constant 0 : i32
        %dma_wait3A_26 = tpu.memref_slice %arg2[%add3A_20, %dma_wait3A_25] : memref<160000x128xf32, #tpu.memory_space<hbm>> -> memref<40x128xf32, #tpu.memory_space<hbm>>
        tpu.wait_dma2 semaphore(%run_scoped3A : memref<!tpu.dma_semaphore, #tpu.memory_space<semaphore_mem>>) src(%dma_wait3A_26 : memref<40x128xf32, #tpu.memory_space<hbm>>) dst(%arg7 : memref<40x128xf32, #tpu.memory_space<vmem>>)
        tpu.yield
      }) : () -> ()
      "tpu.region"() ({
        %run_scoped3A = tpu.sem_alloc : memref<!tpu.dma_semaphore, #tpu.memory_space<semaphore_mem>>
        %dma_start3A = arith.constant 0 : i32
        %dma_start3A_21 = tpu.memref_slice %arg6[%scan3A_17, %dma_start3A] : memref<125x40xi32, #tpu.memory_space<vmem>> -> memref<1x40xi32, #tpu.memory_space<vmem>>
        %dma_start3A_22 = tpu.memref_squeeze %dma_start3A_21 : memref<1x40xi32, #tpu.memory_space<vmem>> -> memref<40xi32, #tpu.memory_space<vmem>>
        %dma_start3A_23 = arith.constant 0 : i32
        %dma_start3A_24 = arith.constant 0 : i32
        %dma_start3A_25 = tpu.memref_slice %arg8[%dma_start3A_23, %dma_start3A_24] : memref<10240x128xf32, #tpu.memory_space<vmem_shared>> -> memref<10240x128xf32, #tpu.memory_space<vmem_shared>>
        tpu.enqueue_indirect_dma source(%arg7 : memref<40x128xf32, #tpu.memory_space<vmem>>) target(%dma_start3A_25 : memref<10240x128xf32, #tpu.memory_space<vmem_shared>>) offsets(%dma_start3A_22 : memref<40xi32, #tpu.memory_space<vmem>>) semaphore(%run_scoped3A : memref<!tpu.dma_semaphore, #tpu.memory_space<semaphore_mem>>) {add = true}
        %dma_wait3A = arith.constant 0 : i32
        %dma_wait3A_26 = tpu.memref_slice %arg6[%scan3A_17, %dma_wait3A] : memref<125x40xi32, #tpu.memory_space<vmem>> -> memref<1x40xi32, #tpu.memory_space<vmem>>
        %dma_wait3A_27 = tpu.memref_squeeze %dma_wait3A_26 : memref<1x40xi32, #tpu.memory_space<vmem>> -> memref<40xi32, #tpu.memory_space<vmem>>
        %dma_wait3A_28 = arith.constant 0 : i32
        %dma_wait3A_29 = arith.constant 0 : i32
        %dma_wait3A_30 = tpu.memref_slice %arg8[%dma_wait3A_28, %dma_wait3A_29] : memref<10240x128xf32, #tpu.memory_space<vmem_shared>> -> memref<10240x128xf32, #tpu.memory_space<vmem_shared>>
        tpu.wait_indirect_dma semaphore(%run_scoped3A : memref<!tpu.dma_semaphore, #tpu.memory_space<semaphore_mem>>) src(%arg7 : memref<40x128xf32, #tpu.memory_space<vmem>>) dst(%dma_wait3A_30 : memref<10240x128xf32, #tpu.memory_space<vmem_shared>>)
        tpu.yield
      }) : () -> ()
    }
    %scan3A_11 = arith.constant 125 : i32
    %barrier3A_12 = arith.constant 0 : index
    tpu.barrier barrier_id(%barrier3A_12)
    %mul3A_13 = arith.constant 640 : i32
    %mul3A_14 = arith.muli %arg1, %mul3A_13 : i32
    %mul3A_15 = arith.constant 640 : i32
    %mul3A_16 = arith.muli %arg1, %mul3A_15 : i32
    "tpu.region"() ({
      %run_scoped3A = tpu.sem_alloc : memref<!tpu.dma_semaphore, #tpu.memory_space<semaphore_mem>>
      %dma_start3A = arith.constant 0 : i32
      %dma_start3A_17 = tpu.memref_slice %arg5[%arg0, %mul3A_16, %dma_start3A] : memref<2x10240x128xf32, #tpu.memory_space<hbm>> -> memref<1x640x128xf32, #tpu.memory_space<hbm>>
      %dma_start3A_18 = tpu.memref_squeeze %dma_start3A_17 : memref<1x640x128xf32, #tpu.memory_space<hbm>> -> memref<640x128xf32, #tpu.memory_space<hbm>>
      %dma_start3A_19 = arith.constant 0 : i32
      %dma_start3A_20 = tpu.memref_slice %arg8[%mul3A_14, %dma_start3A_19] : memref<10240x128xf32, #tpu.memory_space<vmem_shared>> -> memref<640x128xf32, #tpu.memory_space<vmem_shared>>
      tpu.enqueue_dma source(%dma_start3A_20 : memref<640x128xf32, #tpu.memory_space<vmem_shared>>) target(%dma_start3A_18 : memref<640x128xf32, #tpu.memory_space<hbm>>) target_semaphore(%run_scoped3A : memref<!tpu.dma_semaphore, #tpu.memory_space<semaphore_mem>>)
      %dma_wait3A = arith.constant 0 : i32
      %dma_wait3A_21 = tpu.memref_slice %arg5[%arg0, %mul3A_16, %dma_wait3A] : memref<2x10240x128xf32, #tpu.memory_space<hbm>> -> memref<1x640x128xf32, #tpu.memory_space<hbm>>
      %dma_wait3A_22 = tpu.memref_squeeze %dma_wait3A_21 : memref<1x640x128xf32, #tpu.memory_space<hbm>> -> memref<640x128xf32, #tpu.memory_space<hbm>>
      %dma_wait3A_23 = arith.constant 0 : i32
      %dma_wait3A_24 = tpu.memref_slice %arg8[%mul3A_14, %dma_wait3A_23] : memref<10240x128xf32, #tpu.memory_space<vmem_shared>> -> memref<640x128xf32, #tpu.memory_space<vmem_shared>>
      tpu.wait_dma2 semaphore(%run_scoped3A : memref<!tpu.dma_semaphore, #tpu.memory_space<semaphore_mem>>) src(%dma_wait3A_24 : memref<640x128xf32, #tpu.memory_space<vmem_shared>>) dst(%dma_wait3A_22 : memref<640x128xf32, #tpu.memory_space<hbm>>)
      tpu.yield
    }) : () -> ()
    return
  }
}

module attributes {stable_mosaic.version = 14 : i64} {
  func.func @body(%arg0: i32, %arg1: memref<1000x8xf32, #tpu.memory_space<vmem>>, %arg2: memref<8x128xf32, #tpu.memory_space<vmem>>, %arg3: memref<128x128xf32, #tpu.memory_space<vmem>>, %arg4: memref<128x128xf32, #tpu.memory_space<vmem>>, %arg5: memref<8x128xf32, #tpu.memory_space<vmem>>, %arg6: memref<128x128xf32, #tpu.memory_space<vmem>>, %arg7: memref<128x128xf32, #tpu.memory_space<vmem>>, %arg8: memref<1000x128xf32, #tpu.memory_space<vmem>>, %arg9: memref<1000x128xf32, #tpu.memory_space<vmem>>, %arg10: memref<1000x128xf32, #tpu.memory_space<vmem>>) attributes {dimension_semantics = [#tpu.dimension_semantics<arbitrary>], iteration_bounds = array<i64: 10>, scalar_prefetch = 0 : i64, scratch_operands = 0 : i64, tpu.core_type = #tpu.core_type<tc>, window_params = [{transform_indices = @transform_0, window_bounds = array<i64: 1000, 8>}, {pipeline_mode = #tpu.pipeline_mode<synchronous>, transform_indices = @transform_1, window_bounds = array<i64: 8, 128>}, {pipeline_mode = #tpu.pipeline_mode<synchronous>, transform_indices = @transform_2, window_bounds = array<i64: 128, 128>}, {pipeline_mode = #tpu.pipeline_mode<synchronous>, transform_indices = @transform_3, window_bounds = array<i64: 128, 128>}, {pipeline_mode = #tpu.pipeline_mode<synchronous>, transform_indices = @transform_4, window_bounds = array<i64: 8, 128>}, {pipeline_mode = #tpu.pipeline_mode<synchronous>, transform_indices = @transform_5, window_bounds = array<i64: 128, 128>}, {pipeline_mode = #tpu.pipeline_mode<synchronous>, transform_indices = @transform_6, window_bounds = array<i64: 128, 128>}, {transform_indices = @transform_7, window_bounds = array<i64: 1000, 128>}, {transform_indices = @transform_8, window_bounds = array<i64: 1000, 128>}, {transform_indices = @transform_9, window_bounds = array<i64: 1000, 128>}]} {
    %get3A = arith.constant 0 : index
    %get3A_0 = arith.constant 0 : index
    %get3A_1 = vector.load %arg1[%get3A, %get3A_0] : memref<1000x8xf32, #tpu.memory_space<vmem>>, vector<1000x1xf32>
    %get3A_2 = arith.constant 0 : index
    %get3A_3 = arith.constant 0 : index
    %get3A_4 = vector.load %arg2[%get3A_2, %get3A_3] : memref<8x128xf32, #tpu.memory_space<vmem>>, vector<1x128xf32>
    %mul3A = vector.broadcast %get3A_1 : vector<1000x1xf32> to vector<1000x128xf32>
    %mul3A_5 = vector.broadcast %get3A_4 : vector<1x128xf32> to vector<1000x128xf32>
    %mul3A_6 = arith.mulf %mul3A, %mul3A_5 : vector<1000x128xf32>
    %get3A_7 = arith.constant 0 : index
    %get3A_8 = arith.constant 0 : index
    %get3A_9 = vector.load %arg5[%get3A_7, %get3A_8] : memref<8x128xf32, #tpu.memory_space<vmem>>, vector<1x128xf32>
    %get3A_10 = vector.shape_cast %get3A_9 : vector<1x128xf32> to vector<128xf32>
    %broadcast_in_dim3A = vector.shape_cast %get3A_10 : vector<128xf32> to vector<1x128xf32>
    %add3A = vector.broadcast %broadcast_in_dim3A : vector<1x128xf32> to vector<1000x128xf32>
    %add3A_11 = arith.addf %mul3A_6, %add3A : vector<1000x128xf32>
    %max3A = arith.constant 0.000000e+00 : f32
    %max3A_12 = vector.broadcast %max3A : f32 to vector<1000x128xf32>
    %max3A_13 = arith.maximumf %add3A_11, %max3A_12 : vector<1000x128xf32>
    %get3A_14 = arith.constant 0 : index
    %get3A_15 = arith.constant 0 : index
    %get3A_16 = vector.load %arg3[%get3A_14, %get3A_15] : memref<128x128xf32, #tpu.memory_space<vmem>>, vector<128x128xf32>
    %dot_general3A = arith.constant dense<0.000000e+00> : vector<1000x128xf32>
    %dot_general3A_17 = tpu.matmul %max3A_13, %get3A_16, %dot_general3A {dimension_numbers = #tpu.dot_dimension_numbers<[1], [0], [0], [1], [0, 0, 1, 1], [], []>, transpose_lhs_hint = false} : vector<1000x128xf32>, vector<128x128xf32>, vector<1000x128xf32> -> vector<1000x128xf32>
    %get3A_18 = arith.constant 1 : index
    %get3A_19 = arith.constant 0 : index
    %get3A_20 = vector.load %arg5[%get3A_18, %get3A_19] : memref<8x128xf32, #tpu.memory_space<vmem>>, vector<1x128xf32>
    %get3A_21 = vector.shape_cast %get3A_20 : vector<1x128xf32> to vector<128xf32>
    %broadcast_in_dim3A_22 = vector.shape_cast %get3A_21 : vector<128xf32> to vector<1x128xf32>
    %add3A_23 = vector.broadcast %broadcast_in_dim3A_22 : vector<1x128xf32> to vector<1000x128xf32>
    %add3A_24 = arith.addf %dot_general3A_17, %add3A_23 : vector<1000x128xf32>
    %max3A_25 = arith.constant 0.000000e+00 : f32
    %max3A_26 = vector.broadcast %max3A_25 : f32 to vector<1000x128xf32>
    %max3A_27 = arith.maximumf %add3A_24, %max3A_26 : vector<1000x128xf32>
    %get3A_28 = arith.constant 0 : index
    %get3A_29 = arith.constant 0 : index
    %get3A_30 = vector.load %arg4[%get3A_28, %get3A_29] : memref<128x128xf32, #tpu.memory_space<vmem>>, vector<128x128xf32>
    %dot_general3A_31 = arith.constant dense<0.000000e+00> : vector<1000x128xf32>
    %dot_general3A_32 = tpu.matmul %max3A_27, %get3A_30, %dot_general3A_31 {dimension_numbers = #tpu.dot_dimension_numbers<[1], [0], [0], [1], [0, 0, 1, 1], [], []>, transpose_lhs_hint = false} : vector<1000x128xf32>, vector<128x128xf32>, vector<1000x128xf32> -> vector<1000x128xf32>
    %get3A_33 = arith.constant 2 : index
    %get3A_34 = arith.constant 0 : index
    %get3A_35 = vector.load %arg5[%get3A_33, %get3A_34] : memref<8x128xf32, #tpu.memory_space<vmem>>, vector<1x128xf32>
    %get3A_36 = vector.shape_cast %get3A_35 : vector<1x128xf32> to vector<128xf32>
    %broadcast_in_dim3A_37 = vector.shape_cast %get3A_36 : vector<128xf32> to vector<1x128xf32>
    %add3A_38 = vector.broadcast %broadcast_in_dim3A_37 : vector<1x128xf32> to vector<1000x128xf32>
    %add3A_39 = arith.addf %dot_general3A_32, %add3A_38 : vector<1000x128xf32>
    %swap3A = arith.constant 0 : index
    %swap3A_40 = arith.constant 0 : index
    %swap3A_41 = vector.load %arg8[%swap3A, %swap3A_40] : memref<1000x128xf32, #tpu.memory_space<vmem>>, vector<1000x128xf32>
    tpu.vector_store %arg8[%swap3A, %swap3A_40], %add3A_39 {strides = array<i32>} : memref<1000x128xf32, #tpu.memory_space<vmem>>, vector<1000x128xf32>,
    %get3A_42 = arith.constant 0 : index
    %get3A_43 = arith.constant 0 : index
    %get3A_44 = vector.load %arg6[%get3A_42, %get3A_43] : memref<128x128xf32, #tpu.memory_space<vmem>>, vector<128x128xf32>
    %dot_general3A_45 = arith.constant dense<0.000000e+00> : vector<1000x128xf32>
    %dot_general3A_46 = tpu.matmul %add3A_39, %get3A_44, %dot_general3A_45 {dimension_numbers = #tpu.dot_dimension_numbers<[1], [0], [0], [1], [0, 0, 1, 1], [], []>, transpose_lhs_hint = false} : vector<1000x128xf32>, vector<128x128xf32>, vector<1000x128xf32> -> vector<1000x128xf32>
    %swap3A_47 = arith.constant 0 : index
    %swap3A_48 = arith.constant 0 : index
    %swap3A_49 = vector.load %arg9[%swap3A_47, %swap3A_48] : memref<1000x128xf32, #tpu.memory_space<vmem>>, vector<1000x128xf32>
    tpu.vector_store %arg9[%swap3A_47, %swap3A_48], %dot_general3A_46 {strides = array<i32>} : memref<1000x128xf32, #tpu.memory_space<vmem>>, vector<1000x128xf32>,
    %get3A_50 = arith.constant 0 : index
    %get3A_51 = arith.constant 0 : index
    %get3A_52 = vector.load %arg7[%get3A_50, %get3A_51] : memref<128x128xf32, #tpu.memory_space<vmem>>, vector<128x128xf32>
    %dot_general3A_53 = arith.constant dense<0.000000e+00> : vector<1000x128xf32>
    %dot_general3A_54 = tpu.matmul %add3A_39, %get3A_52, %dot_general3A_53 {dimension_numbers = #tpu.dot_dimension_numbers<[1], [0], [0], [1], [0, 0, 1, 1], [], []>, transpose_lhs_hint = false} : vector<1000x128xf32>, vector<128x128xf32>, vector<1000x128xf32> -> vector<1000x128xf32>
    %swap3A_55 = arith.constant 0 : index
    %swap3A_56 = arith.constant 0 : index
    %swap3A_57 = vector.load %arg10[%swap3A_55, %swap3A_56] : memref<1000x128xf32, #tpu.memory_space<vmem>>, vector<1000x128xf32>
    tpu.vector_store %arg10[%swap3A_55, %swap3A_56], %dot_general3A_54 {strides = array<i32>} : memref<1000x128xf32, #tpu.memory_space<vmem>>, vector<1000x128xf32>,
    return
  }
  func.func @transform_0(%arg0: i32) -> (i32, i32) {
    %c0_i32 = arith.constant 0 : i32
    %c0_i32_0 = arith.constant 0 : i32
    return %arg0, %c0_i32 : i32, i32
  }
  func.func @transform_1(%arg0: i32) -> (i32, i32) {
    %c0_i32 = arith.constant 0 : i32
    %c0_i32_0 = arith.constant 0 : i32
    %c0_i32_1 = arith.constant 0 : i32
    return %c0_i32, %c0_i32_0 : i32, i32
  }
  func.func @transform_2(%arg0: i32) -> (i32, i32) {
    %c0_i32 = arith.constant 0 : i32
    %c0_i32_0 = arith.constant 0 : i32
    %c0_i32_1 = arith.constant 0 : i32
    return %c0_i32, %c0_i32_0 : i32, i32
  }
  func.func @transform_3(%arg0: i32) -> (i32, i32) {
    %c0_i32 = arith.constant 0 : i32
    %c0_i32_0 = arith.constant 0 : i32
    %c0_i32_1 = arith.constant 0 : i32
    return %c0_i32, %c0_i32_0 : i32, i32
  }
  func.func @transform_4(%arg0: i32) -> (i32, i32) {
    %c0_i32 = arith.constant 0 : i32
    %c0_i32_0 = arith.constant 0 : i32
    %c0_i32_1 = arith.constant 0 : i32
    return %c0_i32, %c0_i32_0 : i32, i32
  }
  func.func @transform_5(%arg0: i32) -> (i32, i32) {
    %c0_i32 = arith.constant 0 : i32
    %c0_i32_0 = arith.constant 0 : i32
    %c0_i32_1 = arith.constant 0 : i32
    return %c0_i32, %c0_i32_0 : i32, i32
  }
  func.func @transform_6(%arg0: i32) -> (i32, i32) {
    %c0_i32 = arith.constant 0 : i32
    %c0_i32_0 = arith.constant 0 : i32
    %c0_i32_1 = arith.constant 0 : i32
    return %c0_i32, %c0_i32_0 : i32, i32
  }
  func.func @transform_7(%arg0: i32) -> (i32, i32) {
    %c0_i32 = arith.constant 0 : i32
    %c0_i32_0 = arith.constant 0 : i32
    return %arg0, %c0_i32 : i32, i32
  }
  func.func @transform_8(%arg0: i32) -> (i32, i32) {
    %c0_i32 = arith.constant 0 : i32
    %c0_i32_0 = arith.constant 0 : i32
    return %arg0, %c0_i32 : i32, i32
  }
  func.func @transform_9(%arg0: i32) -> (i32, i32) {
    %c0_i32 = arith.constant 0 : i32
    %c0_i32_0 = arith.constant 0 : i32
    return %arg0, %c0_i32 : i32, i32
  }
}

module attributes {stable_mosaic.version = 14 : i64} {
  func.func @body(%arg0: i32, %arg1: memref<1280x8xf32, #tpu.memory_space<vmem>>, %arg2: memref<1280x128xf32, #tpu.memory_space<vmem>>, %arg3: memref<1280x128xf32, #tpu.memory_space<vmem>>, %arg4: memref<8x128xf32, #tpu.memory_space<vmem>>, %arg5: memref<128x128xf32, #tpu.memory_space<vmem>>, %arg6: memref<128x128xf32, #tpu.memory_space<vmem>>, %arg7: memref<128x128xf32, #tpu.memory_space<vmem>>, %arg8: memref<128x128xf32, #tpu.memory_space<vmem>>, %arg9: memref<128x128xf32, #tpu.memory_space<vmem>>, %arg10: memref<16x128xf32, #tpu.memory_space<vmem>>, %arg11: memref<8x32xf32, #tpu.memory_space<vmem>>, %arg12: memref<8x32xf32, #tpu.memory_space<vmem>>, %arg13: memref<8x128xf32, #tpu.memory_space<vmem>>, %arg14: memref<1280x128xf32, #tpu.memory_space<vmem>>, %arg15: memref<1280x128xf32, #tpu.memory_space<vmem>>) attributes {dimension_semantics = [#tpu.dimension_semantics<arbitrary>], iteration_bounds = array<i64: 125>, scalar_prefetch = 0 : i64, scratch_operands = 0 : i64, tpu.core_type = #tpu.core_type<tc>, window_params = [{transform_indices = @transform_0, window_bounds = array<i64: 1280, 8>}, {transform_indices = @transform_1, window_bounds = array<i64: 1280, 128>}, {transform_indices = @transform_2, window_bounds = array<i64: 1280, 128>}, {pipeline_mode = #tpu.pipeline_mode<synchronous>, transform_indices = @transform_3, window_bounds = array<i64: 8, 128>}, {pipeline_mode = #tpu.pipeline_mode<synchronous>, transform_indices = @transform_4, window_bounds = array<i64: 128, 128>}, {pipeline_mode = #tpu.pipeline_mode<synchronous>, transform_indices = @transform_5, window_bounds = array<i64: 128, 128>}, {pipeline_mode = #tpu.pipeline_mode<synchronous>, transform_indices = @transform_6, window_bounds = array<i64: 128, 128>}, {pipeline_mode = #tpu.pipeline_mode<synchronous>, transform_indices = @transform_7, window_bounds = array<i64: 128, 128>}, {pipeline_mode = #tpu.pipeline_mode<synchronous>, transform_indices = @transform_8, window_bounds = array<i64: 128, 128>}, {pipeline_mode = #tpu.pipeline_mode<synchronous>, transform_indices = @transform_9, window_bounds = array<i64: 16, 128>}, {pipeline_mode = #tpu.pipeline_mode<synchronous>, transform_indices = @transform_10, window_bounds = array<i64: 8, 32>}, {pipeline_mode = #tpu.pipeline_mode<synchronous>, transform_indices = @transform_11, window_bounds = array<i64: 8, 32>}, {pipeline_mode = #tpu.pipeline_mode<synchronous>, transform_indices = @transform_12, window_bounds = array<i64: 8, 128>}, {transform_indices = @transform_13, window_bounds = array<i64: 1280, 128>}, {transform_indices = @transform_14, window_bounds = array<i64: 1280, 128>}]} {
    %get3A = arith.constant 0 : index
    %get3A_0 = arith.constant 0 : index
    %get3A_1 = vector.load %arg1[%get3A, %get3A_0] : memref<1280x8xf32, #tpu.memory_space<vmem>>, vector<1280x8xf32>
    %get3A_2 = arith.constant 0 : index
    %get3A_3 = arith.constant 0 : index
    %get3A_4 = vector.load %arg4[%get3A_2, %get3A_3] : memref<8x128xf32, #tpu.memory_space<vmem>>, vector<8x128xf32>
    %dot_general3A = arith.constant dense<0.000000e+00> : vector<1280x128xf32>
    %dot_general3A_5 = tpu.matmul %get3A_1, %get3A_4, %dot_general3A {dimension_numbers = #tpu.dot_dimension_numbers<[1], [0], [0], [1], [0, 0, 1, 1], [], []>, transpose_lhs_hint = false} : vector<1280x8xf32>, vector<8x128xf32>, vector<1280x128xf32> -> vector<1280x128xf32>
    %get3A_6 = arith.constant 0 : index
    %get3A_7 = arith.constant 0 : index
    %get3A_8 = vector.load %arg13[%get3A_6, %get3A_7] : memref<8x128xf32, #tpu.memory_space<vmem>>, vector<1x128xf32>
    %get3A_9 = vector.shape_cast %get3A_8 : vector<1x128xf32> to vector<128xf32>
    %broadcast_in_dim3A = vector.shape_cast %get3A_9 : vector<128xf32> to vector<1x128xf32>
    %add3A = vector.broadcast %broadcast_in_dim3A : vector<1x128xf32> to vector<1280x128xf32>
    %add3A_10 = arith.addf %dot_general3A_5, %add3A : vector<1280x128xf32>
    %max3A = arith.constant 0.000000e+00 : f32
    %max3A_11 = vector.broadcast %max3A : f32 to vector<1280x128xf32>
    %max3A_12 = arith.maximumf %add3A_10, %max3A_11 : vector<1280x128xf32>
    %get3A_13 = arith.constant 0 : index
    %get3A_14 = arith.constant 0 : index
    %get3A_15 = vector.load %arg5[%get3A_13, %get3A_14] : memref<128x128xf32, #tpu.memory_space<vmem>>, vector<128x128xf32>
    %dot_general3A_16 = arith.constant dense<0.000000e+00> : vector<1280x128xf32>
    %dot_general3A_17 = tpu.matmul %max3A_12, %get3A_15, %dot_general3A_16 {dimension_numbers = #tpu.dot_dimension_numbers<[1], [0], [0], [1], [0, 0, 1, 1], [], []>, transpose_lhs_hint = false} : vector<1280x128xf32>, vector<128x128xf32>, vector<1280x128xf32> -> vector<1280x128xf32>
    %get3A_18 = arith.constant 1 : index
    %get3A_19 = arith.constant 0 : index
    %get3A_20 = vector.load %arg13[%get3A_18, %get3A_19] : memref<8x128xf32, #tpu.memory_space<vmem>>, vector<1x128xf32>
    %get3A_21 = vector.shape_cast %get3A_20 : vector<1x128xf32> to vector<128xf32>
    %broadcast_in_dim3A_22 = vector.shape_cast %get3A_21 : vector<128xf32> to vector<1x128xf32>
    %add3A_23 = vector.broadcast %broadcast_in_dim3A_22 : vector<1x128xf32> to vector<1280x128xf32>
    %add3A_24 = arith.addf %dot_general3A_17, %add3A_23 : vector<1280x128xf32>
    %max3A_25 = arith.constant 0.000000e+00 : f32
    %max3A_26 = vector.broadcast %max3A_25 : f32 to vector<1280x128xf32>
    %max3A_27 = arith.maximumf %add3A_24, %max3A_26 : vector<1280x128xf32>
    %get3A_28 = arith.constant 0 : index
    %get3A_29 = arith.constant 0 : index
    %get3A_30 = vector.load %arg6[%get3A_28, %get3A_29] : memref<128x128xf32, #tpu.memory_space<vmem>>, vector<128x128xf32>
    %dot_general3A_31 = arith.constant dense<0.000000e+00> : vector<1280x128xf32>
    %dot_general3A_32 = tpu.matmul %max3A_27, %get3A_30, %dot_general3A_31 {dimension_numbers = #tpu.dot_dimension_numbers<[1], [0], [0], [1], [0, 0, 1, 1], [], []>, transpose_lhs_hint = false} : vector<1280x128xf32>, vector<128x128xf32>, vector<1280x128xf32> -> vector<1280x128xf32>
    %get3A_33 = arith.constant 2 : index
    %get3A_34 = arith.constant 0 : index
    %get3A_35 = vector.load %arg13[%get3A_33, %get3A_34] : memref<8x128xf32, #tpu.memory_space<vmem>>, vector<1x128xf32>
    %get3A_36 = vector.shape_cast %get3A_35 : vector<1x128xf32> to vector<128xf32>
    %broadcast_in_dim3A_37 = vector.shape_cast %get3A_36 : vector<128xf32> to vector<1x128xf32>
    %add3A_38 = vector.broadcast %broadcast_in_dim3A_37 : vector<1x128xf32> to vector<1280x128xf32>
    %add3A_39 = arith.addf %dot_general3A_32, %add3A_38 : vector<1280x128xf32>
    %swap3A = arith.constant 0 : index
    %swap3A_40 = arith.constant 0 : index
    %swap3A_41 = vector.load %arg14[%swap3A, %swap3A_40] : memref<1280x128xf32, #tpu.memory_space<vmem>>, vector<1280x128xf32>
    tpu.vector_store %arg14[%swap3A, %swap3A_40], %add3A_39 {strides = array<i32>} : memref<1280x128xf32, #tpu.memory_space<vmem>>, vector<1280x128xf32>,
    %iota3A = tpu.iota {dimensions = array<i32: 0>} : vector<1280x1xi32>
    %mul3A = arith.constant 1280 : i32
    %mul3A_42 = arith.muli %arg0, %mul3A : i32
    %add3A_43 = arith.constant 0 : i32
    %add3A_44 = arith.addi %mul3A_42, %add3A_43 : i32
    %add3A_45 = vector.broadcast %add3A_44 : i32 to vector<1280x1xi32>
    %add3A_46 = arith.addi %iota3A, %add3A_45 : vector<1280x1xi32>
    %convert_element_type3A = arith.sitofp %add3A_46 : vector<1280x1xi32> to vector<1280x1xf32>
    %get3A_47 = arith.constant 0 : index
    %get3A_48 = arith.constant 0 : index
    %get3A_49 = vector.load %arg11[%get3A_47, %get3A_48] : memref<8x32xf32, #tpu.memory_space<vmem>>, vector<1x16xf32>
    %get3A_50 = arith.constant 0 : index
    %get3A_51 = arith.constant 0 : index
    %get3A_52 = vector.load %arg12[%get3A_50, %get3A_51] : memref<8x32xf32, #tpu.memory_space<vmem>>, vector<1x16xf32>
    %ge3A = vector.broadcast %convert_element_type3A : vector<1280x1xf32> to vector<1280x16xf32>
    %ge3A_53 = vector.broadcast %get3A_49 : vector<1x16xf32> to vector<1280x16xf32>
    %ge3A_54 = arith.cmpf oge, %ge3A, %ge3A_53 : vector<1280x16xf32>
    %lt3A = vector.broadcast %convert_element_type3A : vector<1280x1xf32> to vector<1280x16xf32>
    %lt3A_55 = vector.broadcast %get3A_52 : vector<1x16xf32> to vector<1280x16xf32>
    %lt3A_56 = arith.cmpf olt, %lt3A, %lt3A_55 : vector<1280x16xf32>
    %and3A = arith.andi %ge3A_54, %lt3A_56 : vector<1280x16xi1>
    %convert_element_type3A_57 = arith.extui %and3A : vector<1280x16xi1> to vector<1280x16xi32>
    %convert_element_type3A_58 = arith.sitofp %convert_element_type3A_57 : vector<1280x16xi32> to vector<1280x16xf32>
    %get3A_59 = arith.constant 0 : index
    %get3A_60 = arith.constant 0 : index
    %get3A_61 = vector.load %arg10[%get3A_59, %get3A_60] : memref<16x128xf32, #tpu.memory_space<vmem>>, vector<16x128xf32>
    %dot_general3A_62 = arith.constant dense<0.000000e+00> : vector<1280x128xf32>
    %dot_general3A_63 = tpu.matmul %convert_element_type3A_58, %get3A_61, %dot_general3A_62 {dimension_numbers = #tpu.dot_dimension_numbers<[1], [0], [0], [1], [0, 0, 1, 1], [], []>, precision = #tpu.contract_precision<fp32>, transpose_lhs_hint = false} : vector<1280x16xf32>, vector<16x128xf32>, vector<1280x128xf32> -> vector<1280x128xf32>
    %get3A_64 = arith.constant 0 : index
    %get3A_65 = arith.constant 0 : index
    %get3A_66 = vector.load %arg2[%get3A_64, %get3A_65] : memref<1280x128xf32, #tpu.memory_space<vmem>>, vector<1280x128xf32>
    %get3A_67 = arith.constant 0 : index
    %get3A_68 = arith.constant 0 : index
    %get3A_69 = vector.load %arg3[%get3A_67, %get3A_68] : memref<1280x128xf32, #tpu.memory_space<vmem>>, vector<1280x128xf32>
    %add3A_70 = arith.addf %get3A_66, %get3A_69 : vector<1280x128xf32>
    %get3A_71 = arith.constant 0 : index
    %get3A_72 = arith.constant 0 : index
    %get3A_73 = vector.load %arg7[%get3A_71, %get3A_72] : memref<128x128xf32, #tpu.memory_space<vmem>>, vector<128x128xf32>
    %dot_general3A_74 = arith.constant dense<0.000000e+00> : vector<1280x128xf32>
    %dot_general3A_75 = tpu.matmul %add3A_39, %get3A_73, %dot_general3A_74 {dimension_numbers = #tpu.dot_dimension_numbers<[1], [0], [0], [1], [0, 0, 1, 1], [], []>, transpose_lhs_hint = false} : vector<1280x128xf32>, vector<128x128xf32>, vector<1280x128xf32> -> vector<1280x128xf32>
    %add3A_76 = arith.addf %add3A_70, %dot_general3A_75 : vector<1280x128xf32>
    %add3A_77 = arith.addf %add3A_76, %dot_general3A_63 : vector<1280x128xf32>
    %get3A_78 = arith.constant 3 : index
    %get3A_79 = arith.constant 0 : index
    %get3A_80 = vector.load %arg13[%get3A_78, %get3A_79] : memref<8x128xf32, #tpu.memory_space<vmem>>, vector<1x128xf32>
    %get3A_81 = vector.shape_cast %get3A_80 : vector<1x128xf32> to vector<128xf32>
    %broadcast_in_dim3A_82 = vector.shape_cast %get3A_81 : vector<128xf32> to vector<1x128xf32>
    %add3A_83 = vector.broadcast %broadcast_in_dim3A_82 : vector<1x128xf32> to vector<1280x128xf32>
    %add3A_84 = arith.addf %add3A_77, %add3A_83 : vector<1280x128xf32>
    %max3A_85 = arith.constant 0.000000e+00 : f32
    %max3A_86 = vector.broadcast %max3A_85 : f32 to vector<1280x128xf32>
    %max3A_87 = arith.maximumf %add3A_84, %max3A_86 : vector<1280x128xf32>
    %get3A_88 = arith.constant 0 : index
    %get3A_89 = arith.constant 0 : index
    %get3A_90 = vector.load %arg8[%get3A_88, %get3A_89] : memref<128x128xf32, #tpu.memory_space<vmem>>, vector<128x128xf32>
    %dot_general3A_91 = arith.constant dense<0.000000e+00> : vector<1280x128xf32>
    %dot_general3A_92 = tpu.matmul %max3A_87, %get3A_90, %dot_general3A_91 {dimension_numbers = #tpu.dot_dimension_numbers<[1], [0], [0], [1], [0, 0, 1, 1], [], []>, transpose_lhs_hint = false} : vector<1280x128xf32>, vector<128x128xf32>, vector<1280x128xf32> -> vector<1280x128xf32>
    %get3A_93 = arith.constant 4 : index
    %get3A_94 = arith.constant 0 : index
    %get3A_95 = vector.load %arg13[%get3A_93, %get3A_94] : memref<8x128xf32, #tpu.memory_space<vmem>>, vector<1x128xf32>
    %get3A_96 = vector.shape_cast %get3A_95 : vector<1x128xf32> to vector<128xf32>
    %broadcast_in_dim3A_97 = vector.shape_cast %get3A_96 : vector<128xf32> to vector<1x128xf32>
    %add3A_98 = vector.broadcast %broadcast_in_dim3A_97 : vector<1x128xf32> to vector<1280x128xf32>
    %add3A_99 = arith.addf %dot_general3A_92, %add3A_98 : vector<1280x128xf32>
    %max3A_100 = arith.constant 0.000000e+00 : f32
    %max3A_101 = vector.broadcast %max3A_100 : f32 to vector<1280x128xf32>
    %max3A_102 = arith.maximumf %add3A_99, %max3A_101 : vector<1280x128xf32>
    %get3A_103 = arith.constant 0 : index
    %get3A_104 = arith.constant 0 : index
    %get3A_105 = vector.load %arg9[%get3A_103, %get3A_104] : memref<128x128xf32, #tpu.memory_space<vmem>>, vector<128x128xf32>
    %dot_general3A_106 = arith.constant dense<0.000000e+00> : vector<1280x128xf32>
    %dot_general3A_107 = tpu.matmul %max3A_102, %get3A_105, %dot_general3A_106 {dimension_numbers = #tpu.dot_dimension_numbers<[1], [0], [0], [1], [0, 0, 1, 1], [], []>, transpose_lhs_hint = false} : vector<1280x128xf32>, vector<128x128xf32>, vector<1280x128xf32> -> vector<1280x128xf32>
    %get3A_108 = arith.constant 5 : index
    %get3A_109 = arith.constant 0 : index
    %get3A_110 = vector.load %arg13[%get3A_108, %get3A_109] : memref<8x128xf32, #tpu.memory_space<vmem>>, vector<1x128xf32>
    %get3A_111 = vector.shape_cast %get3A_110 : vector<1x128xf32> to vector<128xf32>
    %broadcast_in_dim3A_112 = vector.shape_cast %get3A_111 : vector<128xf32> to vector<1x128xf32>
    %add3A_113 = vector.broadcast %broadcast_in_dim3A_112 : vector<1x128xf32> to vector<1280x128xf32>
    %add3A_114 = arith.addf %dot_general3A_107, %add3A_113 : vector<1280x128xf32>
    %swap3A_115 = arith.constant 0 : index
    %swap3A_116 = arith.constant 0 : index
    %swap3A_117 = vector.load %arg15[%swap3A_115, %swap3A_116] : memref<1280x128xf32, #tpu.memory_space<vmem>>, vector<1280x128xf32>
    tpu.vector_store %arg15[%swap3A_115, %swap3A_116], %add3A_114 {strides = array<i32>} : memref<1280x128xf32, #tpu.memory_space<vmem>>, vector<1280x128xf32>,
    return
  }
  func.func @transform_0(%arg0: i32) -> (i32, i32) {
    %c0_i32 = arith.constant 0 : i32
    %c0_i32_0 = arith.constant 0 : i32
    return %arg0, %c0_i32 : i32, i32
  }
  func.func @transform_1(%arg0: i32) -> (i32, i32) {
    %c0_i32 = arith.constant 0 : i32
    %c0_i32_0 = arith.constant 0 : i32
    return %arg0, %c0_i32 : i32, i32
  }
  func.func @transform_2(%arg0: i32) -> (i32, i32) {
    %c0_i32 = arith.constant 0 : i32
    %c0_i32_0 = arith.constant 0 : i32
    return %arg0, %c0_i32 : i32, i32
  }
  func.func @transform_3(%arg0: i32) -> (i32, i32) {
    %c0_i32 = arith.constant 0 : i32
    %c0_i32_0 = arith.constant 0 : i32
    %c0_i32_1 = arith.constant 0 : i32
    return %c0_i32, %c0_i32_0 : i32, i32
  }
  func.func @transform_4(%arg0: i32) -> (i32, i32) {
    %c0_i32 = arith.constant 0 : i32
    %c0_i32_0 = arith.constant 0 : i32
    %c0_i32_1 = arith.constant 0 : i32
    return %c0_i32, %c0_i32_0 : i32, i32
  }
  func.func @transform_5(%arg0: i32) -> (i32, i32) {
    %c0_i32 = arith.constant 0 : i32
    %c0_i32_0 = arith.constant 0 : i32
    %c0_i32_1 = arith.constant 0 : i32
    return %c0_i32, %c0_i32_0 : i32, i32
  }
  func.func @transform_6(%arg0: i32) -> (i32, i32) {
    %c0_i32 = arith.constant 0 : i32
    %c0_i32_0 = arith.constant 0 : i32
    %c0_i32_1 = arith.constant 0 : i32
    return %c0_i32, %c0_i32_0 : i32, i32
  }
  func.func @transform_7(%arg0: i32) -> (i32, i32) {
    %c0_i32 = arith.constant 0 : i32
    %c0_i32_0 = arith.constant 0 : i32
    %c0_i32_1 = arith.constant 0 : i32
    return %c0_i32, %c0_i32_0 : i32, i32
  }
  func.func @transform_8(%arg0: i32) -> (i32, i32) {
    %c0_i32 = arith.constant 0 : i32
    %c0_i32_0 = arith.constant 0 : i32
    %c0_i32_1 = arith.constant 0 : i32
    return %c0_i32, %c0_i32_0 : i32, i32
  }
  func.func @transform_9(%arg0: i32) -> (i32, i32) {
    %c0_i32 = arith.constant 0 : i32
    %c0_i32_0 = arith.constant 0 : i32
    %c0_i32_1 = arith.constant 0 : i32
    return %c0_i32, %c0_i32_0 : i32, i32
  }
  func.func @transform_10(%arg0: i32) -> (i32, i32) {
    %c0_i32 = arith.constant 0 : i32
    %c0_i32_0 = arith.constant 0 : i32
    %c0_i32_1 = arith.constant 0 : i32
    return %c0_i32, %c0_i32_0 : i32, i32
  }
  func.func @transform_11(%arg0: i32) -> (i32, i32) {
    %c0_i32 = arith.constant 0 : i32
    %c0_i32_0 = arith.constant 0 : i32
    %c0_i32_1 = arith.constant 0 : i32
    return %c0_i32, %c0_i32_0 : i32, i32
  }
  func.func @transform_12(%arg0: i32) -> (i32, i32) {
    %c0_i32 = arith.constant 0 : i32
    %c0_i32_0 = arith.constant 0 : i32
    %c0_i32_1 = arith.constant 0 : i32
    return %c0_i32, %c0_i32_0 : i32, i32
  }
  func.func @transform_13(%arg0: i32) -> (i32, i32) {
    %c0_i32 = arith.constant 0 : i32
    %c0_i32_0 = arith.constant 0 : i32
    return %arg0, %c0_i32 : i32, i32
  }
  func.func @transform_14(%arg0: i32) -> (i32, i32) {
    %c0_i32 = arith.constant 0 : i32
    %c0_i32_0 = arith.constant 0 : i32
    return %arg0, %c0_i32 : i32, i32
  }
}

module attributes {stable_mosaic.version = 14 : i64} {
  func.func @body(%arg0: i32, %arg1: memref<1280x8xf32, #tpu.memory_space<vmem>>, %arg2: memref<1280x128xf32, #tpu.memory_space<vmem>>, %arg3: memref<1280x128xf32, #tpu.memory_space<vmem>>, %arg4: memref<8x128xf32, #tpu.memory_space<vmem>>, %arg5: memref<128x128xf32, #tpu.memory_space<vmem>>, %arg6: memref<128x128xf32, #tpu.memory_space<vmem>>, %arg7: memref<128x128xf32, #tpu.memory_space<vmem>>, %arg8: memref<128x128xf32, #tpu.memory_space<vmem>>, %arg9: memref<128x128xf32, #tpu.memory_space<vmem>>, %arg10: memref<16x128xf32, #tpu.memory_space<vmem>>, %arg11: memref<8x32xf32, #tpu.memory_space<vmem>>, %arg12: memref<8x32xf32, #tpu.memory_space<vmem>>, %arg13: memref<8x128xf32, #tpu.memory_space<vmem>>, %arg14: memref<1280x128xf32, #tpu.memory_space<vmem>>, %arg15: memref<1280x128xf32, #tpu.memory_space<vmem>>) attributes {dimension_semantics = [#tpu.dimension_semantics<arbitrary>], iteration_bounds = array<i64: 125>, scalar_prefetch = 0 : i64, scratch_operands = 0 : i64, tpu.core_type = #tpu.core_type<tc>, window_params = [{transform_indices = @transform_0, window_bounds = array<i64: 1280, 8>}, {transform_indices = @transform_1, window_bounds = array<i64: 1280, 128>}, {transform_indices = @transform_2, window_bounds = array<i64: 1280, 128>}, {pipeline_mode = #tpu.pipeline_mode<synchronous>, transform_indices = @transform_3, window_bounds = array<i64: 8, 128>}, {pipeline_mode = #tpu.pipeline_mode<synchronous>, transform_indices = @transform_4, window_bounds = array<i64: 128, 128>}, {pipeline_mode = #tpu.pipeline_mode<synchronous>, transform_indices = @transform_5, window_bounds = array<i64: 128, 128>}, {pipeline_mode = #tpu.pipeline_mode<synchronous>, transform_indices = @transform_6, window_bounds = array<i64: 128, 128>}, {pipeline_mode = #tpu.pipeline_mode<synchronous>, transform_indices = @transform_7, window_bounds = array<i64: 128, 128>}, {pipeline_mode = #tpu.pipeline_mode<synchronous>, transform_indices = @transform_8, window_bounds = array<i64: 128, 128>}, {pipeline_mode = #tpu.pipeline_mode<synchronous>, transform_indices = @transform_9, window_bounds = array<i64: 16, 128>}, {pipeline_mode = #tpu.pipeline_mode<synchronous>, transform_indices = @transform_10, window_bounds = array<i64: 8, 32>}, {pipeline_mode = #tpu.pipeline_mode<synchronous>, transform_indices = @transform_11, window_bounds = array<i64: 8, 32>}, {pipeline_mode = #tpu.pipeline_mode<synchronous>, transform_indices = @transform_12, window_bounds = array<i64: 8, 128>}, {transform_indices = @transform_13, window_bounds = array<i64: 1280, 128>}, {transform_indices = @transform_14, window_bounds = array<i64: 1280, 128>}]} {
    %get3A = arith.constant 0 : index
    %get3A_0 = arith.constant 0 : index
    %get3A_1 = vector.load %arg1[%get3A, %get3A_0] : memref<1280x8xf32, #tpu.memory_space<vmem>>, vector<1280x8xf32>
    %get3A_2 = arith.constant 0 : index
    %get3A_3 = arith.constant 0 : index
    %get3A_4 = vector.load %arg4[%get3A_2, %get3A_3] : memref<8x128xf32, #tpu.memory_space<vmem>>, vector<8x128xf32>
    %dot_general3A = arith.constant dense<0.000000e+00> : vector<1280x128xf32>
    %dot_general3A_5 = tpu.matmul %get3A_1, %get3A_4, %dot_general3A {dimension_numbers = #tpu.dot_dimension_numbers<[1], [0], [0], [1], [0, 0, 1, 1], [], []>, transpose_lhs_hint = false} : vector<1280x8xf32>, vector<8x128xf32>, vector<1280x128xf32> -> vector<1280x128xf32>
    %get3A_6 = arith.constant 0 : index
    %get3A_7 = arith.constant 0 : index
    %get3A_8 = vector.load %arg13[%get3A_6, %get3A_7] : memref<8x128xf32, #tpu.memory_space<vmem>>, vector<1x128xf32>
    %get3A_9 = vector.shape_cast %get3A_8 : vector<1x128xf32> to vector<128xf32>
    %broadcast_in_dim3A = vector.shape_cast %get3A_9 : vector<128xf32> to vector<1x128xf32>
    %add3A = vector.broadcast %broadcast_in_dim3A : vector<1x128xf32> to vector<1280x128xf32>
    %add3A_10 = arith.addf %dot_general3A_5, %add3A : vector<1280x128xf32>
    %max3A = arith.constant 0.000000e+00 : f32
    %max3A_11 = vector.broadcast %max3A : f32 to vector<1280x128xf32>
    %max3A_12 = arith.maximumf %add3A_10, %max3A_11 : vector<1280x128xf32>
    %get3A_13 = arith.constant 0 : index
    %get3A_14 = arith.constant 0 : index
    %get3A_15 = vector.load %arg5[%get3A_13, %get3A_14] : memref<128x128xf32, #tpu.memory_space<vmem>>, vector<128x128xf32>
    %dot_general3A_16 = arith.constant dense<0.000000e+00> : vector<1280x128xf32>
    %dot_general3A_17 = tpu.matmul %max3A_12, %get3A_15, %dot_general3A_16 {dimension_numbers = #tpu.dot_dimension_numbers<[1], [0], [0], [1], [0, 0, 1, 1], [], []>, transpose_lhs_hint = false} : vector<1280x128xf32>, vector<128x128xf32>, vector<1280x128xf32> -> vector<1280x128xf32>
    %get3A_18 = arith.constant 1 : index
    %get3A_19 = arith.constant 0 : index
    %get3A_20 = vector.load %arg13[%get3A_18, %get3A_19] : memref<8x128xf32, #tpu.memory_space<vmem>>, vector<1x128xf32>
    %get3A_21 = vector.shape_cast %get3A_20 : vector<1x128xf32> to vector<128xf32>
    %broadcast_in_dim3A_22 = vector.shape_cast %get3A_21 : vector<128xf32> to vector<1x128xf32>
    %add3A_23 = vector.broadcast %broadcast_in_dim3A_22 : vector<1x128xf32> to vector<1280x128xf32>
    %add3A_24 = arith.addf %dot_general3A_17, %add3A_23 : vector<1280x128xf32>
    %max3A_25 = arith.constant 0.000000e+00 : f32
    %max3A_26 = vector.broadcast %max3A_25 : f32 to vector<1280x128xf32>
    %max3A_27 = arith.maximumf %add3A_24, %max3A_26 : vector<1280x128xf32>
    %get3A_28 = arith.constant 0 : index
    %get3A_29 = arith.constant 0 : index
    %get3A_30 = vector.load %arg6[%get3A_28, %get3A_29] : memref<128x128xf32, #tpu.memory_space<vmem>>, vector<128x128xf32>
    %dot_general3A_31 = arith.constant dense<0.000000e+00> : vector<1280x128xf32>
    %dot_general3A_32 = tpu.matmul %max3A_27, %get3A_30, %dot_general3A_31 {dimension_numbers = #tpu.dot_dimension_numbers<[1], [0], [0], [1], [0, 0, 1, 1], [], []>, transpose_lhs_hint = false} : vector<1280x128xf32>, vector<128x128xf32>, vector<1280x128xf32> -> vector<1280x128xf32>
    %get3A_33 = arith.constant 2 : index
    %get3A_34 = arith.constant 0 : index
    %get3A_35 = vector.load %arg13[%get3A_33, %get3A_34] : memref<8x128xf32, #tpu.memory_space<vmem>>, vector<1x128xf32>
    %get3A_36 = vector.shape_cast %get3A_35 : vector<1x128xf32> to vector<128xf32>
    %broadcast_in_dim3A_37 = vector.shape_cast %get3A_36 : vector<128xf32> to vector<1x128xf32>
    %add3A_38 = vector.broadcast %broadcast_in_dim3A_37 : vector<1x128xf32> to vector<1280x128xf32>
    %add3A_39 = arith.addf %dot_general3A_32, %add3A_38 : vector<1280x128xf32>
    %swap3A = arith.constant 0 : index
    %swap3A_40 = arith.constant 0 : index
    %swap3A_41 = vector.load %arg14[%swap3A, %swap3A_40] : memref<1280x128xf32, #tpu.memory_space<vmem>>, vector<1280x128xf32>
    tpu.vector_store %arg14[%swap3A, %swap3A_40], %add3A_39 {strides = array<i32>} : memref<1280x128xf32, #tpu.memory_space<vmem>>, vector<1280x128xf32>,
    %iota3A = tpu.iota {dimensions = array<i32: 0>} : vector<1280x1xi32>
    %mul3A = arith.constant 1280 : i32
    %mul3A_42 = arith.muli %arg0, %mul3A : i32
    %add3A_43 = arith.constant 160000 : i32
    %add3A_44 = arith.addi %mul3A_42, %add3A_43 : i32
    %add3A_45 = vector.broadcast %add3A_44 : i32 to vector<1280x1xi32>
    %add3A_46 = arith.addi %iota3A, %add3A_45 : vector<1280x1xi32>
    %convert_element_type3A = arith.sitofp %add3A_46 : vector<1280x1xi32> to vector<1280x1xf32>
    %get3A_47 = arith.constant 0 : index
    %get3A_48 = arith.constant 0 : index
    %get3A_49 = vector.load %arg11[%get3A_47, %get3A_48] : memref<8x32xf32, #tpu.memory_space<vmem>>, vector<1x16xf32>
    %get3A_50 = arith.constant 0 : index
    %get3A_51 = arith.constant 0 : index
    %get3A_52 = vector.load %arg12[%get3A_50, %get3A_51] : memref<8x32xf32, #tpu.memory_space<vmem>>, vector<1x16xf32>
    %ge3A = vector.broadcast %convert_element_type3A : vector<1280x1xf32> to vector<1280x16xf32>
    %ge3A_53 = vector.broadcast %get3A_49 : vector<1x16xf32> to vector<1280x16xf32>
    %ge3A_54 = arith.cmpf oge, %ge3A, %ge3A_53 : vector<1280x16xf32>
    %lt3A = vector.broadcast %convert_element_type3A : vector<1280x1xf32> to vector<1280x16xf32>
    %lt3A_55 = vector.broadcast %get3A_52 : vector<1x16xf32> to vector<1280x16xf32>
    %lt3A_56 = arith.cmpf olt, %lt3A, %lt3A_55 : vector<1280x16xf32>
    %and3A = arith.andi %ge3A_54, %lt3A_56 : vector<1280x16xi1>
    %convert_element_type3A_57 = arith.extui %and3A : vector<1280x16xi1> to vector<1280x16xi32>
    %convert_element_type3A_58 = arith.sitofp %convert_element_type3A_57 : vector<1280x16xi32> to vector<1280x16xf32>
    %get3A_59 = arith.constant 0 : index
    %get3A_60 = arith.constant 0 : index
    %get3A_61 = vector.load %arg10[%get3A_59, %get3A_60] : memref<16x128xf32, #tpu.memory_space<vmem>>, vector<16x128xf32>
    %dot_general3A_62 = arith.constant dense<0.000000e+00> : vector<1280x128xf32>
    %dot_general3A_63 = tpu.matmul %convert_element_type3A_58, %get3A_61, %dot_general3A_62 {dimension_numbers = #tpu.dot_dimension_numbers<[1], [0], [0], [1], [0, 0, 1, 1], [], []>, precision = #tpu.contract_precision<fp32>, transpose_lhs_hint = false} : vector<1280x16xf32>, vector<16x128xf32>, vector<1280x128xf32> -> vector<1280x128xf32>
    %get3A_64 = arith.constant 0 : index
    %get3A_65 = arith.constant 0 : index
    %get3A_66 = vector.load %arg2[%get3A_64, %get3A_65] : memref<1280x128xf32, #tpu.memory_space<vmem>>, vector<1280x128xf32>
    %get3A_67 = arith.constant 0 : index
    %get3A_68 = arith.constant 0 : index
    %get3A_69 = vector.load %arg3[%get3A_67, %get3A_68] : memref<1280x128xf32, #tpu.memory_space<vmem>>, vector<1280x128xf32>
    %add3A_70 = arith.addf %get3A_66, %get3A_69 : vector<1280x128xf32>
    %get3A_71 = arith.constant 0 : index
    %get3A_72 = arith.constant 0 : index
    %get3A_73 = vector.load %arg7[%get3A_71, %get3A_72] : memref<128x128xf32, #tpu.memory_space<vmem>>, vector<128x128xf32>
    %dot_general3A_74 = arith.constant dense<0.000000e+00> : vector<1280x128xf32>
    %dot_general3A_75 = tpu.matmul %add3A_39, %get3A_73, %dot_general3A_74 {dimension_numbers = #tpu.dot_dimension_numbers<[1], [0], [0], [1], [0, 0, 1, 1], [], []>, transpose_lhs_hint = false} : vector<1280x128xf32>, vector<128x128xf32>, vector<1280x128xf32> -> vector<1280x128xf32>
    %add3A_76 = arith.addf %add3A_70, %dot_general3A_75 : vector<1280x128xf32>
    %add3A_77 = arith.addf %add3A_76, %dot_general3A_63 : vector<1280x128xf32>
    %get3A_78 = arith.constant 3 : index
    %get3A_79 = arith.constant 0 : index
    %get3A_80 = vector.load %arg13[%get3A_78, %get3A_79] : memref<8x128xf32, #tpu.memory_space<vmem>>, vector<1x128xf32>
    %get3A_81 = vector.shape_cast %get3A_80 : vector<1x128xf32> to vector<128xf32>
    %broadcast_in_dim3A_82 = vector.shape_cast %get3A_81 : vector<128xf32> to vector<1x128xf32>
    %add3A_83 = vector.broadcast %broadcast_in_dim3A_82 : vector<1x128xf32> to vector<1280x128xf32>
    %add3A_84 = arith.addf %add3A_77, %add3A_83 : vector<1280x128xf32>
    %max3A_85 = arith.constant 0.000000e+00 : f32
    %max3A_86 = vector.broadcast %max3A_85 : f32 to vector<1280x128xf32>
    %max3A_87 = arith.maximumf %add3A_84, %max3A_86 : vector<1280x128xf32>
    %get3A_88 = arith.constant 0 : index
    %get3A_89 = arith.constant 0 : index
    %get3A_90 = vector.load %arg8[%get3A_88, %get3A_89] : memref<128x128xf32, #tpu.memory_space<vmem>>, vector<128x128xf32>
    %dot_general3A_91 = arith.constant dense<0.000000e+00> : vector<1280x128xf32>
    %dot_general3A_92 = tpu.matmul %max3A_87, %get3A_90, %dot_general3A_91 {dimension_numbers = #tpu.dot_dimension_numbers<[1], [0], [0], [1], [0, 0, 1, 1], [], []>, transpose_lhs_hint = false} : vector<1280x128xf32>, vector<128x128xf32>, vector<1280x128xf32> -> vector<1280x128xf32>
    %get3A_93 = arith.constant 4 : index
    %get3A_94 = arith.constant 0 : index
    %get3A_95 = vector.load %arg13[%get3A_93, %get3A_94] : memref<8x128xf32, #tpu.memory_space<vmem>>, vector<1x128xf32>
    %get3A_96 = vector.shape_cast %get3A_95 : vector<1x128xf32> to vector<128xf32>
    %broadcast_in_dim3A_97 = vector.shape_cast %get3A_96 : vector<128xf32> to vector<1x128xf32>
    %add3A_98 = vector.broadcast %broadcast_in_dim3A_97 : vector<1x128xf32> to vector<1280x128xf32>
    %add3A_99 = arith.addf %dot_general3A_92, %add3A_98 : vector<1280x128xf32>
    %max3A_100 = arith.constant 0.000000e+00 : f32
    %max3A_101 = vector.broadcast %max3A_100 : f32 to vector<1280x128xf32>
    %max3A_102 = arith.maximumf %add3A_99, %max3A_101 : vector<1280x128xf32>
    %get3A_103 = arith.constant 0 : index
    %get3A_104 = arith.constant 0 : index
    %get3A_105 = vector.load %arg9[%get3A_103, %get3A_104] : memref<128x128xf32, #tpu.memory_space<vmem>>, vector<128x128xf32>
    %dot_general3A_106 = arith.constant dense<0.000000e+00> : vector<1280x128xf32>
    %dot_general3A_107 = tpu.matmul %max3A_102, %get3A_105, %dot_general3A_106 {dimension_numbers = #tpu.dot_dimension_numbers<[1], [0], [0], [1], [0, 0, 1, 1], [], []>, transpose_lhs_hint = false} : vector<1280x128xf32>, vector<128x128xf32>, vector<1280x128xf32> -> vector<1280x128xf32>
    %get3A_108 = arith.constant 5 : index
    %get3A_109 = arith.constant 0 : index
    %get3A_110 = vector.load %arg13[%get3A_108, %get3A_109] : memref<8x128xf32, #tpu.memory_space<vmem>>, vector<1x128xf32>
    %get3A_111 = vector.shape_cast %get3A_110 : vector<1x128xf32> to vector<128xf32>
    %broadcast_in_dim3A_112 = vector.shape_cast %get3A_111 : vector<128xf32> to vector<1x128xf32>
    %add3A_113 = vector.broadcast %broadcast_in_dim3A_112 : vector<1x128xf32> to vector<1280x128xf32>
    %add3A_114 = arith.addf %dot_general3A_107, %add3A_113 : vector<1280x128xf32>
    %swap3A_115 = arith.constant 0 : index
    %swap3A_116 = arith.constant 0 : index
    %swap3A_117 = vector.load %arg15[%swap3A_115, %swap3A_116] : memref<1280x128xf32, #tpu.memory_space<vmem>>, vector<1280x128xf32>
    tpu.vector_store %arg15[%swap3A_115, %swap3A_116], %add3A_114 {strides = array<i32>} : memref<1280x128xf32, #tpu.memory_space<vmem>>, vector<1280x128xf32>,
    return
  }
  func.func @transform_0(%arg0: i32) -> (i32, i32) {
    %c0_i32 = arith.constant 0 : i32
    %c0_i32_0 = arith.constant 0 : i32
    return %arg0, %c0_i32 : i32, i32
  }
  func.func @transform_1(%arg0: i32) -> (i32, i32) {
    %c0_i32 = arith.constant 0 : i32
    %c0_i32_0 = arith.constant 0 : i32
    return %arg0, %c0_i32 : i32, i32
  }
  func.func @transform_2(%arg0: i32) -> (i32, i32) {
    %c0_i32 = arith.constant 0 : i32
    %c0_i32_0 = arith.constant 0 : i32
    return %arg0, %c0_i32 : i32, i32
  }
  func.func @transform_3(%arg0: i32) -> (i32, i32) {
    %c0_i32 = arith.constant 0 : i32
    %c0_i32_0 = arith.constant 0 : i32
    %c0_i32_1 = arith.constant 0 : i32
    return %c0_i32, %c0_i32_0 : i32, i32
  }
  func.func @transform_4(%arg0: i32) -> (i32, i32) {
    %c0_i32 = arith.constant 0 : i32
    %c0_i32_0 = arith.constant 0 : i32
    %c0_i32_1 = arith.constant 0 : i32
    return %c0_i32, %c0_i32_0 : i32, i32
  }
  func.func @transform_5(%arg0: i32) -> (i32, i32) {
    %c0_i32 = arith.constant 0 : i32
    %c0_i32_0 = arith.constant 0 : i32
    %c0_i32_1 = arith.constant 0 : i32
    return %c0_i32, %c0_i32_0 : i32, i32
  }
  func.func @transform_6(%arg0: i32) -> (i32, i32) {
    %c0_i32 = arith.constant 0 : i32
    %c0_i32_0 = arith.constant 0 : i32
    %c0_i32_1 = arith.constant 0 : i32
    return %c0_i32, %c0_i32_0 : i32, i32
  }
  func.func @transform_7(%arg0: i32) -> (i32, i32) {
    %c0_i32 = arith.constant 0 : i32
    %c0_i32_0 = arith.constant 0 : i32
    %c0_i32_1 = arith.constant 0 : i32
    return %c0_i32, %c0_i32_0 : i32, i32
  }
  func.func @transform_8(%arg0: i32) -> (i32, i32) {
    %c0_i32 = arith.constant 0 : i32
    %c0_i32_0 = arith.constant 0 : i32
    %c0_i32_1 = arith.constant 0 : i32
    return %c0_i32, %c0_i32_0 : i32, i32
  }
  func.func @transform_9(%arg0: i32) -> (i32, i32) {
    %c0_i32 = arith.constant 0 : i32
    %c0_i32_0 = arith.constant 0 : i32
    %c0_i32_1 = arith.constant 0 : i32
    return %c0_i32, %c0_i32_0 : i32, i32
  }
  func.func @transform_10(%arg0: i32) -> (i32, i32) {
    %c0_i32 = arith.constant 0 : i32
    %c0_i32_0 = arith.constant 0 : i32
    %c0_i32_1 = arith.constant 0 : i32
    return %c0_i32, %c0_i32_0 : i32, i32
  }
  func.func @transform_11(%arg0: i32) -> (i32, i32) {
    %c0_i32 = arith.constant 0 : i32
    %c0_i32_0 = arith.constant 0 : i32
    %c0_i32_1 = arith.constant 0 : i32
    return %c0_i32, %c0_i32_0 : i32, i32
  }
  func.func @transform_12(%arg0: i32) -> (i32, i32) {
    %c0_i32 = arith.constant 0 : i32
    %c0_i32_0 = arith.constant 0 : i32
    %c0_i32_1 = arith.constant 0 : i32
    return %c0_i32, %c0_i32_0 : i32, i32
  }
  func.func @transform_13(%arg0: i32) -> (i32, i32) {
    %c0_i32 = arith.constant 0 : i32
    %c0_i32_0 = arith.constant 0 : i32
    return %arg0, %c0_i32 : i32, i32
  }
  func.func @transform_14(%arg0: i32) -> (i32, i32) {
    %c0_i32 = arith.constant 0 : i32
    %c0_i32_0 = arith.constant 0 : i32
    return %arg0, %c0_i32 : i32, i32
  }
}

module attributes {stable_mosaic.version = 14 : i64} {
  func.func @body(%arg0: i32, %arg1: memref<1000x128xf32, #tpu.memory_space<vmem>>, %arg2: memref<2x1000x128xf32, #tpu.memory_space<vmem>>, %arg3: memref<2x1000x128xf32, #tpu.memory_space<vmem>>, %arg4: memref<1000x16xf32, #tpu.memory_space<vmem>>, %arg5: memref<128x128xf32, #tpu.memory_space<vmem>>, %arg6: memref<128x128xf32, #tpu.memory_space<vmem>>, %arg7: memref<16x128xf32, #tpu.memory_space<vmem>>, %arg8: memref<128x128xf32, #tpu.memory_space<vmem>>, %arg9: memref<128x128xf32, #tpu.memory_space<vmem>>, %arg10: memref<8x128xf32, #tpu.memory_space<vmem>>, %arg11: memref<128x128xf32, #tpu.memory_space<vmem>>, %arg12: memref<128x128xf32, #tpu.memory_space<vmem>>, %arg13: memref<1000x128xf32, #tpu.memory_space<vmem>>, %arg14: memref<1000x128xf32, #tpu.memory_space<vmem>>, %arg15: memref<1000x128xf32, #tpu.memory_space<vmem>>) attributes {dimension_semantics = [#tpu.dimension_semantics<arbitrary>], iteration_bounds = array<i64: 10>, scalar_prefetch = 0 : i64, scratch_operands = 0 : i64, tpu.core_type = #tpu.core_type<tc>, window_params = [{transform_indices = @transform_0, window_bounds = array<i64: 1000, 128>}, {transform_indices = @transform_1, window_bounds = array<i64: 2, 1000, 128>}, {transform_indices = @transform_2, window_bounds = array<i64: 2, 1000, 128>}, {transform_indices = @transform_3, window_bounds = array<i64: 1000, 16>}, {pipeline_mode = #tpu.pipeline_mode<synchronous>, transform_indices = @transform_4, window_bounds = array<i64: 128, 128>}, {pipeline_mode = #tpu.pipeline_mode<synchronous>, transform_indices = @transform_5, window_bounds = array<i64: 128, 128>}, {pipeline_mode = #tpu.pipeline_mode<synchronous>, transform_indices = @transform_6, window_bounds = array<i64: 16, 128>}, {pipeline_mode = #tpu.pipeline_mode<synchronous>, transform_indices = @transform_7, window_bounds = array<i64: 128, 128>}, {pipeline_mode = #tpu.pipeline_mode<synchronous>, transform_indices = @transform_8, window_bounds = array<i64: 128, 128>}, {pipeline_mode = #tpu.pipeline_mode<synchronous>, transform_indices = @transform_9, window_bounds = array<i64: 8, 128>}, {pipeline_mode = #tpu.pipeline_mode<synchronous>, transform_indices = @transform_10, window_bounds = array<i64: 128, 128>}, {pipeline_mode = #tpu.pipeline_mode<synchronous>, transform_indices = @transform_11, window_bounds = array<i64: 128, 128>}, {transform_indices = @transform_12, window_bounds = array<i64: 1000, 128>}, {transform_indices = @transform_13, window_bounds = array<i64: 1000, 128>}, {transform_indices = @transform_14, window_bounds = array<i64: 1000, 128>}]} {
    %get3A = arith.constant 0 : index
    %get3A_0 = arith.constant 0 : index
    %get3A_1 = vector.load %arg1[%get3A, %get3A_0] : memref<1000x128xf32, #tpu.memory_space<vmem>>, vector<1000x128xf32>
    %get3A_2 = arith.constant 0 : index
    %get3A_3 = arith.constant 0 : index
    %get3A_4 = arith.constant 0 : index
    %get3A_5 = vector.load %arg2[%get3A_2, %get3A_3, %get3A_4] : memref<2x1000x128xf32, #tpu.memory_space<vmem>>, vector<1x1000x128xf32>
    %get3A_6 = vector.shape_cast %get3A_5 : vector<1x1000x128xf32> to vector<1000x128xf32>
    %get3A_7 = arith.constant 1 : index
    %get3A_8 = arith.constant 0 : index
    %get3A_9 = arith.constant 0 : index
    %get3A_10 = vector.load %arg2[%get3A_7, %get3A_8, %get3A_9] : memref<2x1000x128xf32, #tpu.memory_space<vmem>>, vector<1x1000x128xf32>
    %get3A_11 = vector.shape_cast %get3A_10 : vector<1x1000x128xf32> to vector<1000x128xf32>
    %add3A = arith.addf %get3A_6, %get3A_11 : vector<1000x128xf32>
    %get3A_12 = arith.constant 0 : index
    %get3A_13 = arith.constant 0 : index
    %get3A_14 = arith.constant 0 : index
    %get3A_15 = vector.load %arg3[%get3A_12, %get3A_13, %get3A_14] : memref<2x1000x128xf32, #tpu.memory_space<vmem>>, vector<1x1000x128xf32>
    %get3A_16 = vector.shape_cast %get3A_15 : vector<1x1000x128xf32> to vector<1000x128xf32>
    %get3A_17 = arith.constant 1 : index
    %get3A_18 = arith.constant 0 : index
    %get3A_19 = arith.constant 0 : index
    %get3A_20 = vector.load %arg3[%get3A_17, %get3A_18, %get3A_19] : memref<2x1000x128xf32, #tpu.memory_space<vmem>>, vector<1x1000x128xf32>
    %get3A_21 = vector.shape_cast %get3A_20 : vector<1x1000x128xf32> to vector<1000x128xf32>
    %add3A_22 = arith.addf %get3A_16, %get3A_21 : vector<1000x128xf32>
    %add3A_23 = arith.addf %add3A, %add3A_22 : vector<1000x128xf32>
    %get3A_24 = arith.constant 0 : index
    %get3A_25 = arith.constant 0 : index
    %get3A_26 = vector.load %arg4[%get3A_24, %get3A_25] : memref<1000x16xf32, #tpu.memory_space<vmem>>, vector<1000x16xf32>
    %get3A_27 = arith.constant 0 : index
    %get3A_28 = arith.constant 0 : index
    %get3A_29 = vector.load %arg7[%get3A_27, %get3A_28] : memref<16x128xf32, #tpu.memory_space<vmem>>, vector<16x128xf32>
    %dot_general3A = arith.constant dense<0.000000e+00> : vector<1000x128xf32>
    %dot_general3A_30 = tpu.matmul %get3A_26, %get3A_29, %dot_general3A {dimension_numbers = #tpu.dot_dimension_numbers<[1], [0], [0], [1], [0, 0, 1, 1], [], []>, precision = #tpu.contract_precision<fp32>, transpose_lhs_hint = false} : vector<1000x16xf32>, vector<16x128xf32>, vector<1000x128xf32> -> vector<1000x128xf32>
    %get3A_31 = arith.constant 0 : index
    %get3A_32 = arith.constant 0 : index
    %get3A_33 = vector.load %arg5[%get3A_31, %get3A_32] : memref<128x128xf32, #tpu.memory_space<vmem>>, vector<128x128xf32>
    %dot_general3A_34 = arith.constant dense<0.000000e+00> : vector<1000x128xf32>
    %dot_general3A_35 = tpu.matmul %get3A_1, %get3A_33, %dot_general3A_34 {dimension_numbers = #tpu.dot_dimension_numbers<[1], [0], [0], [1], [0, 0, 1, 1], [], []>, transpose_lhs_hint = false} : vector<1000x128xf32>, vector<128x128xf32>, vector<1000x128xf32> -> vector<1000x128xf32>
    %get3A_36 = arith.constant 0 : index
    %get3A_37 = arith.constant 0 : index
    %get3A_38 = vector.load %arg6[%get3A_36, %get3A_37] : memref<128x128xf32, #tpu.memory_space<vmem>>, vector<128x128xf32>
    %dot_general3A_39 = arith.constant dense<0.000000e+00> : vector<1000x128xf32>
    %dot_general3A_40 = tpu.matmul %add3A_23, %get3A_38, %dot_general3A_39 {dimension_numbers = #tpu.dot_dimension_numbers<[1], [0], [0], [1], [0, 0, 1, 1], [], []>, transpose_lhs_hint = false} : vector<1000x128xf32>, vector<128x128xf32>, vector<1000x128xf32> -> vector<1000x128xf32>
    %add3A_41 = arith.addf %dot_general3A_35, %dot_general3A_40 : vector<1000x128xf32>
    %add3A_42 = arith.addf %add3A_41, %dot_general3A_30 : vector<1000x128xf32>
    %get3A_43 = arith.constant 0 : index
    %get3A_44 = arith.constant 0 : index
    %get3A_45 = vector.load %arg10[%get3A_43, %get3A_44] : memref<8x128xf32, #tpu.memory_space<vmem>>, vector<1x128xf32>
    %get3A_46 = vector.shape_cast %get3A_45 : vector<1x128xf32> to vector<128xf32>
    %broadcast_in_dim3A = vector.shape_cast %get3A_46 : vector<128xf32> to vector<1x128xf32>
    %add3A_47 = vector.broadcast %broadcast_in_dim3A : vector<1x128xf32> to vector<1000x128xf32>
    %add3A_48 = arith.addf %add3A_42, %add3A_47 : vector<1000x128xf32>
    %max3A = arith.constant 0.000000e+00 : f32
    %max3A_49 = vector.broadcast %max3A : f32 to vector<1000x128xf32>
    %max3A_50 = arith.maximumf %add3A_48, %max3A_49 : vector<1000x128xf32>
    %get3A_51 = arith.constant 0 : index
    %get3A_52 = arith.constant 0 : index
    %get3A_53 = vector.load %arg8[%get3A_51, %get3A_52] : memref<128x128xf32, #tpu.memory_space<vmem>>, vector<128x128xf32>
    %dot_general3A_54 = arith.constant dense<0.000000e+00> : vector<1000x128xf32>
    %dot_general3A_55 = tpu.matmul %max3A_50, %get3A_53, %dot_general3A_54 {dimension_numbers = #tpu.dot_dimension_numbers<[1], [0], [0], [1], [0, 0, 1, 1], [], []>, transpose_lhs_hint = false} : vector<1000x128xf32>, vector<128x128xf32>, vector<1000x128xf32> -> vector<1000x128xf32>
    %get3A_56 = arith.constant 1 : index
    %get3A_57 = arith.constant 0 : index
    %get3A_58 = vector.load %arg10[%get3A_56, %get3A_57] : memref<8x128xf32, #tpu.memory_space<vmem>>, vector<1x128xf32>
    %get3A_59 = vector.shape_cast %get3A_58 : vector<1x128xf32> to vector<128xf32>
    %broadcast_in_dim3A_60 = vector.shape_cast %get3A_59 : vector<128xf32> to vector<1x128xf32>
    %add3A_61 = vector.broadcast %broadcast_in_dim3A_60 : vector<1x128xf32> to vector<1000x128xf32>
    %add3A_62 = arith.addf %dot_general3A_55, %add3A_61 : vector<1000x128xf32>
    %max3A_63 = arith.constant 0.000000e+00 : f32
    %max3A_64 = vector.broadcast %max3A_63 : f32 to vector<1000x128xf32>
    %max3A_65 = arith.maximumf %add3A_62, %max3A_64 : vector<1000x128xf32>
    %get3A_66 = arith.constant 0 : index
    %get3A_67 = arith.constant 0 : index
    %get3A_68 = vector.load %arg9[%get3A_66, %get3A_67] : memref<128x128xf32, #tpu.memory_space<vmem>>, vector<128x128xf32>
    %dot_general3A_69 = arith.constant dense<0.000000e+00> : vector<1000x128xf32>
    %dot_general3A_70 = tpu.matmul %max3A_65, %get3A_68, %dot_general3A_69 {dimension_numbers = #tpu.dot_dimension_numbers<[1], [0], [0], [1], [0, 0, 1, 1], [], []>, transpose_lhs_hint = false} : vector<1000x128xf32>, vector<128x128xf32>, vector<1000x128xf32> -> vector<1000x128xf32>
    %add3A_71 = arith.addf %get3A_1, %dot_general3A_70 : vector<1000x128xf32>
    %get3A_72 = arith.constant 2 : index
    %get3A_73 = arith.constant 0 : index
    %get3A_74 = vector.load %arg10[%get3A_72, %get3A_73] : memref<8x128xf32, #tpu.memory_space<vmem>>, vector<1x128xf32>
    %get3A_75 = vector.shape_cast %get3A_74 : vector<1x128xf32> to vector<128xf32>
    %broadcast_in_dim3A_76 = vector.shape_cast %get3A_75 : vector<128xf32> to vector<1x128xf32>
    %add3A_77 = vector.broadcast %broadcast_in_dim3A_76 : vector<1x128xf32> to vector<1000x128xf32>
    %add3A_78 = arith.addf %add3A_71, %add3A_77 : vector<1000x128xf32>
    %swap3A = arith.constant 0 : index
    %swap3A_79 = arith.constant 0 : index
    %swap3A_80 = vector.load %arg13[%swap3A, %swap3A_79] : memref<1000x128xf32, #tpu.memory_space<vmem>>, vector<1000x128xf32>
    tpu.vector_store %arg13[%swap3A, %swap3A_79], %add3A_78 {strides = array<i32>} : memref<1000x128xf32, #tpu.memory_space<vmem>>, vector<1000x128xf32>,
    %get3A_81 = arith.constant 0 : index
    %get3A_82 = arith.constant 0 : index
    %get3A_83 = vector.load %arg11[%get3A_81, %get3A_82] : memref<128x128xf32, #tpu.memory_space<vmem>>, vector<128x128xf32>
    %dot_general3A_84 = arith.constant dense<0.000000e+00> : vector<1000x128xf32>
    %dot_general3A_85 = tpu.matmul %add3A_78, %get3A_83, %dot_general3A_84 {dimension_numbers = #tpu.dot_dimension_numbers<[1], [0], [0], [1], [0, 0, 1, 1], [], []>, transpose_lhs_hint = false} : vector<1000x128xf32>, vector<128x128xf32>, vector<1000x128xf32> -> vector<1000x128xf32>
    %swap3A_86 = arith.constant 0 : index
    %swap3A_87 = arith.constant 0 : index
    %swap3A_88 = vector.load %arg14[%swap3A_86, %swap3A_87] : memref<1000x128xf32, #tpu.memory_space<vmem>>, vector<1000x128xf32>
    tpu.vector_store %arg14[%swap3A_86, %swap3A_87], %dot_general3A_85 {strides = array<i32>} : memref<1000x128xf32, #tpu.memory_space<vmem>>, vector<1000x128xf32>,
    %get3A_89 = arith.constant 0 : index
    %get3A_90 = arith.constant 0 : index
    %get3A_91 = vector.load %arg12[%get3A_89, %get3A_90] : memref<128x128xf32, #tpu.memory_space<vmem>>, vector<128x128xf32>
    %dot_general3A_92 = arith.constant dense<0.000000e+00> : vector<1000x128xf32>
    %dot_general3A_93 = tpu.matmul %add3A_78, %get3A_91, %dot_general3A_92 {dimension_numbers = #tpu.dot_dimension_numbers<[1], [0], [0], [1], [0, 0, 1, 1], [], []>, transpose_lhs_hint = false} : vector<1000x128xf32>, vector<128x128xf32>, vector<1000x128xf32> -> vector<1000x128xf32>
    %swap3A_94 = arith.constant 0 : index
    %swap3A_95 = arith.constant 0 : index
    %swap3A_96 = vector.load %arg15[%swap3A_94, %swap3A_95] : memref<1000x128xf32, #tpu.memory_space<vmem>>, vector<1000x128xf32>
    tpu.vector_store %arg15[%swap3A_94, %swap3A_95], %dot_general3A_93 {strides = array<i32>} : memref<1000x128xf32, #tpu.memory_space<vmem>>, vector<1000x128xf32>,
    return
  }
  func.func @transform_0(%arg0: i32) -> (i32, i32) {
    %c0_i32 = arith.constant 0 : i32
    %c0_i32_0 = arith.constant 0 : i32
    return %arg0, %c0_i32 : i32, i32
  }
  func.func @transform_1(%arg0: i32) -> (i32, i32, i32) {
    %c0_i32 = arith.constant 0 : i32
    %c0_i32_0 = arith.constant 0 : i32
    %c0_i32_1 = arith.constant 0 : i32
    return %c0_i32, %arg0, %c0_i32_0 : i32, i32, i32
  }
  func.func @transform_2(%arg0: i32) -> (i32, i32, i32) {
    %c0_i32 = arith.constant 0 : i32
    %c0_i32_0 = arith.constant 0 : i32
    %c0_i32_1 = arith.constant 0 : i32
    return %c0_i32, %arg0, %c0_i32_0 : i32, i32, i32
  }
  func.func @transform_3(%arg0: i32) -> (i32, i32) {
    %c0_i32 = arith.constant 0 : i32
    %c0_i32_0 = arith.constant 0 : i32
    return %arg0, %c0_i32 : i32, i32
  }
  func.func @transform_4(%arg0: i32) -> (i32, i32) {
    %c0_i32 = arith.constant 0 : i32
    %c0_i32_0 = arith.constant 0 : i32
    %c0_i32_1 = arith.constant 0 : i32
    return %c0_i32, %c0_i32_0 : i32, i32
  }
  func.func @transform_5(%arg0: i32) -> (i32, i32) {
    %c0_i32 = arith.constant 0 : i32
    %c0_i32_0 = arith.constant 0 : i32
    %c0_i32_1 = arith.constant 0 : i32
    return %c0_i32, %c0_i32_0 : i32, i32
  }
  func.func @transform_6(%arg0: i32) -> (i32, i32) {
    %c0_i32 = arith.constant 0 : i32
    %c0_i32_0 = arith.constant 0 : i32
    %c0_i32_1 = arith.constant 0 : i32
    return %c0_i32, %c0_i32_0 : i32, i32
  }
  func.func @transform_7(%arg0: i32) -> (i32, i32) {
    %c0_i32 = arith.constant 0 : i32
    %c0_i32_0 = arith.constant 0 : i32
    %c0_i32_1 = arith.constant 0 : i32
    return %c0_i32, %c0_i32_0 : i32, i32
  }
  func.func @transform_8(%arg0: i32) -> (i32, i32) {
    %c0_i32 = arith.constant 0 : i32
    %c0_i32_0 = arith.constant 0 : i32
    %c0_i32_1 = arith.constant 0 : i32
    return %c0_i32, %c0_i32_0 : i32, i32
  }
  func.func @transform_9(%arg0: i32) -> (i32, i32) {
    %c0_i32 = arith.constant 0 : i32
    %c0_i32_0 = arith.constant 0 : i32
    %c0_i32_1 = arith.constant 0 : i32
    return %c0_i32, %c0_i32_0 : i32, i32
  }
  func.func @transform_10(%arg0: i32) -> (i32, i32) {
    %c0_i32 = arith.constant 0 : i32
    %c0_i32_0 = arith.constant 0 : i32
    %c0_i32_1 = arith.constant 0 : i32
    return %c0_i32, %c0_i32_0 : i32, i32
  }
  func.func @transform_11(%arg0: i32) -> (i32, i32) {
    %c0_i32 = arith.constant 0 : i32
    %c0_i32_0 = arith.constant 0 : i32
    %c0_i32_1 = arith.constant 0 : i32
    return %c0_i32, %c0_i32_0 : i32, i32
  }
  func.func @transform_12(%arg0: i32) -> (i32, i32) {
    %c0_i32 = arith.constant 0 : i32
    %c0_i32_0 = arith.constant 0 : i32
    return %arg0, %c0_i32 : i32, i32
  }
  func.func @transform_13(%arg0: i32) -> (i32, i32) {
    %c0_i32 = arith.constant 0 : i32
    %c0_i32_0 = arith.constant 0 : i32
    return %arg0, %c0_i32 : i32, i32
  }
  func.func @transform_14(%arg0: i32) -> (i32, i32) {
    %c0_i32 = arith.constant 0 : i32
    %c0_i32_0 = arith.constant 0 : i32
    return %arg0, %c0_i32 : i32, i32
  }
}

module attributes {stable_mosaic.version = 14 : i64} {
  func.func @body(%arg0: i32, %arg1: memref<1280x128xf32, #tpu.memory_space<vmem>>, %arg2: memref<1280x128xf32, #tpu.memory_space<vmem>>, %arg3: memref<1280x128xf32, #tpu.memory_space<vmem>>, %arg4: memref<1280x128xf32, #tpu.memory_space<vmem>>, %arg5: memref<128x128xf32, #tpu.memory_space<vmem>>, %arg6: memref<128x128xf32, #tpu.memory_space<vmem>>, %arg7: memref<128x128xf32, #tpu.memory_space<vmem>>, %arg8: memref<16x128xf32, #tpu.memory_space<vmem>>, %arg9: memref<8x32xf32, #tpu.memory_space<vmem>>, %arg10: memref<8x32xf32, #tpu.memory_space<vmem>>, %arg11: memref<8x128xf32, #tpu.memory_space<vmem>>, %arg12: memref<1280x128xf32, #tpu.memory_space<vmem>>) attributes {dimension_semantics = [#tpu.dimension_semantics<arbitrary>], iteration_bounds = array<i64: 125>, scalar_prefetch = 0 : i64, scratch_operands = 0 : i64, tpu.core_type = #tpu.core_type<tc>, window_params = [{transform_indices = @transform_0, window_bounds = array<i64: 1280, 128>}, {transform_indices = @transform_1, window_bounds = array<i64: 1280, 128>}, {transform_indices = @transform_2, window_bounds = array<i64: 1280, 128>}, {transform_indices = @transform_3, window_bounds = array<i64: 1280, 128>}, {pipeline_mode = #tpu.pipeline_mode<synchronous>, transform_indices = @transform_4, window_bounds = array<i64: 128, 128>}, {pipeline_mode = #tpu.pipeline_mode<synchronous>, transform_indices = @transform_5, window_bounds = array<i64: 128, 128>}, {pipeline_mode = #tpu.pipeline_mode<synchronous>, transform_indices = @transform_6, window_bounds = array<i64: 128, 128>}, {pipeline_mode = #tpu.pipeline_mode<synchronous>, transform_indices = @transform_7, window_bounds = array<i64: 16, 128>}, {pipeline_mode = #tpu.pipeline_mode<synchronous>, transform_indices = @transform_8, window_bounds = array<i64: 8, 32>}, {pipeline_mode = #tpu.pipeline_mode<synchronous>, transform_indices = @transform_9, window_bounds = array<i64: 8, 32>}, {pipeline_mode = #tpu.pipeline_mode<synchronous>, transform_indices = @transform_10, window_bounds = array<i64: 8, 128>}, {transform_indices = @transform_11, window_bounds = array<i64: 1280, 128>}]} {
    %get3A = arith.constant 0 : index
    %get3A_0 = arith.constant 0 : index
    %get3A_1 = vector.load %arg1[%get3A, %get3A_0] : memref<1280x128xf32, #tpu.memory_space<vmem>>, vector<1280x128xf32>
    %get3A_2 = arith.constant 0 : index
    %get3A_3 = arith.constant 0 : index
    %get3A_4 = vector.load %arg2[%get3A_2, %get3A_3] : memref<1280x128xf32, #tpu.memory_space<vmem>>, vector<1280x128xf32>
    %add3A = arith.addf %get3A_1, %get3A_4 : vector<1280x128xf32>
    %iota3A = tpu.iota {dimensions = array<i32: 0>} : vector<1280x1xi32>
    %mul3A = arith.constant 1280 : i32
    %mul3A_5 = arith.muli %arg0, %mul3A : i32
    %add3A_6 = arith.constant 0 : i32
    %add3A_7 = arith.addi %mul3A_5, %add3A_6 : i32
    %add3A_8 = vector.broadcast %add3A_7 : i32 to vector<1280x1xi32>
    %add3A_9 = arith.addi %iota3A, %add3A_8 : vector<1280x1xi32>
    %convert_element_type3A = arith.sitofp %add3A_9 : vector<1280x1xi32> to vector<1280x1xf32>
    %get3A_10 = arith.constant 0 : index
    %get3A_11 = arith.constant 0 : index
    %get3A_12 = vector.load %arg9[%get3A_10, %get3A_11] : memref<8x32xf32, #tpu.memory_space<vmem>>, vector<1x16xf32>
    %get3A_13 = arith.constant 0 : index
    %get3A_14 = arith.constant 0 : index
    %get3A_15 = vector.load %arg10[%get3A_13, %get3A_14] : memref<8x32xf32, #tpu.memory_space<vmem>>, vector<1x16xf32>
    %ge3A = vector.broadcast %convert_element_type3A : vector<1280x1xf32> to vector<1280x16xf32>
    %ge3A_16 = vector.broadcast %get3A_12 : vector<1x16xf32> to vector<1280x16xf32>
    %ge3A_17 = arith.cmpf oge, %ge3A, %ge3A_16 : vector<1280x16xf32>
    %lt3A = vector.broadcast %convert_element_type3A : vector<1280x1xf32> to vector<1280x16xf32>
    %lt3A_18 = vector.broadcast %get3A_15 : vector<1x16xf32> to vector<1280x16xf32>
    %lt3A_19 = arith.cmpf olt, %lt3A, %lt3A_18 : vector<1280x16xf32>
    %and3A = arith.andi %ge3A_17, %lt3A_19 : vector<1280x16xi1>
    %convert_element_type3A_20 = arith.extui %and3A : vector<1280x16xi1> to vector<1280x16xi32>
    %convert_element_type3A_21 = arith.sitofp %convert_element_type3A_20 : vector<1280x16xi32> to vector<1280x16xf32>
    %get3A_22 = arith.constant 0 : index
    %get3A_23 = arith.constant 0 : index
    %get3A_24 = vector.load %arg8[%get3A_22, %get3A_23] : memref<16x128xf32, #tpu.memory_space<vmem>>, vector<16x128xf32>
    %dot_general3A = arith.constant dense<0.000000e+00> : vector<1280x128xf32>
    %dot_general3A_25 = tpu.matmul %convert_element_type3A_21, %get3A_24, %dot_general3A {dimension_numbers = #tpu.dot_dimension_numbers<[1], [0], [0], [1], [0, 0, 1, 1], [], []>, precision = #tpu.contract_precision<fp32>, transpose_lhs_hint = false} : vector<1280x16xf32>, vector<16x128xf32>, vector<1280x128xf32> -> vector<1280x128xf32>
    %get3A_26 = arith.constant 0 : index
    %get3A_27 = arith.constant 0 : index
    %get3A_28 = vector.load %arg3[%get3A_26, %get3A_27] : memref<1280x128xf32, #tpu.memory_space<vmem>>, vector<1280x128xf32>
    %get3A_29 = arith.constant 0 : index
    %get3A_30 = arith.constant 0 : index
    %get3A_31 = vector.load %arg4[%get3A_29, %get3A_30] : memref<1280x128xf32, #tpu.memory_space<vmem>>, vector<1280x128xf32>
    %add3A_32 = arith.addf %get3A_28, %get3A_31 : vector<1280x128xf32>
    %get3A_33 = arith.constant 0 : index
    %get3A_34 = arith.constant 0 : index
    %get3A_35 = vector.load %arg5[%get3A_33, %get3A_34] : memref<128x128xf32, #tpu.memory_space<vmem>>, vector<128x128xf32>
    %dot_general3A_36 = arith.constant dense<0.000000e+00> : vector<1280x128xf32>
    %dot_general3A_37 = tpu.matmul %add3A, %get3A_35, %dot_general3A_36 {dimension_numbers = #tpu.dot_dimension_numbers<[1], [0], [0], [1], [0, 0, 1, 1], [], []>, transpose_lhs_hint = false} : vector<1280x128xf32>, vector<128x128xf32>, vector<1280x128xf32> -> vector<1280x128xf32>
    %add3A_38 = arith.addf %add3A_32, %dot_general3A_37 : vector<1280x128xf32>
    %add3A_39 = arith.addf %add3A_38, %dot_general3A_25 : vector<1280x128xf32>
    %get3A_40 = arith.constant 0 : index
    %get3A_41 = arith.constant 0 : index
    %get3A_42 = vector.load %arg11[%get3A_40, %get3A_41] : memref<8x128xf32, #tpu.memory_space<vmem>>, vector<1x128xf32>
    %get3A_43 = vector.shape_cast %get3A_42 : vector<1x128xf32> to vector<128xf32>
    %broadcast_in_dim3A = vector.shape_cast %get3A_43 : vector<128xf32> to vector<1x128xf32>
    %add3A_44 = vector.broadcast %broadcast_in_dim3A : vector<1x128xf32> to vector<1280x128xf32>
    %add3A_45 = arith.addf %add3A_39, %add3A_44 : vector<1280x128xf32>
    %max3A = arith.constant 0.000000e+00 : f32
    %max3A_46 = vector.broadcast %max3A : f32 to vector<1280x128xf32>
    %max3A_47 = arith.maximumf %add3A_45, %max3A_46 : vector<1280x128xf32>
    %get3A_48 = arith.constant 0 : index
    %get3A_49 = arith.constant 0 : index
    %get3A_50 = vector.load %arg6[%get3A_48, %get3A_49] : memref<128x128xf32, #tpu.memory_space<vmem>>, vector<128x128xf32>
    %dot_general3A_51 = arith.constant dense<0.000000e+00> : vector<1280x128xf32>
    %dot_general3A_52 = tpu.matmul %max3A_47, %get3A_50, %dot_general3A_51 {dimension_numbers = #tpu.dot_dimension_numbers<[1], [0], [0], [1], [0, 0, 1, 1], [], []>, transpose_lhs_hint = false} : vector<1280x128xf32>, vector<128x128xf32>, vector<1280x128xf32> -> vector<1280x128xf32>
    %get3A_53 = arith.constant 1 : index
    %get3A_54 = arith.constant 0 : index
    %get3A_55 = vector.load %arg11[%get3A_53, %get3A_54] : memref<8x128xf32, #tpu.memory_space<vmem>>, vector<1x128xf32>
    %get3A_56 = vector.shape_cast %get3A_55 : vector<1x128xf32> to vector<128xf32>
    %broadcast_in_dim3A_57 = vector.shape_cast %get3A_56 : vector<128xf32> to vector<1x128xf32>
    %add3A_58 = vector.broadcast %broadcast_in_dim3A_57 : vector<1x128xf32> to vector<1280x128xf32>
    %add3A_59 = arith.addf %dot_general3A_52, %add3A_58 : vector<1280x128xf32>
    %max3A_60 = arith.constant 0.000000e+00 : f32
    %max3A_61 = vector.broadcast %max3A_60 : f32 to vector<1280x128xf32>
    %max3A_62 = arith.maximumf %add3A_59, %max3A_61 : vector<1280x128xf32>
    %get3A_63 = arith.constant 0 : index
    %get3A_64 = arith.constant 0 : index
    %get3A_65 = vector.load %arg7[%get3A_63, %get3A_64] : memref<128x128xf32, #tpu.memory_space<vmem>>, vector<128x128xf32>
    %dot_general3A_66 = arith.constant dense<0.000000e+00> : vector<1280x128xf32>
    %dot_general3A_67 = tpu.matmul %max3A_62, %get3A_65, %dot_general3A_66 {dimension_numbers = #tpu.dot_dimension_numbers<[1], [0], [0], [1], [0, 0, 1, 1], [], []>, transpose_lhs_hint = false} : vector<1280x128xf32>, vector<128x128xf32>, vector<1280x128xf32> -> vector<1280x128xf32>
    %get3A_68 = arith.constant 2 : index
    %get3A_69 = arith.constant 0 : index
    %get3A_70 = vector.load %arg11[%get3A_68, %get3A_69] : memref<8x128xf32, #tpu.memory_space<vmem>>, vector<1x128xf32>
    %get3A_71 = vector.shape_cast %get3A_70 : vector<1x128xf32> to vector<128xf32>
    %broadcast_in_dim3A_72 = vector.shape_cast %get3A_71 : vector<128xf32> to vector<1x128xf32>
    %add3A_73 = vector.broadcast %broadcast_in_dim3A_72 : vector<1x128xf32> to vector<1280x128xf32>
    %add3A_74 = arith.addf %dot_general3A_67, %add3A_73 : vector<1280x128xf32>
    %swap3A = arith.constant 0 : index
    %swap3A_75 = arith.constant 0 : index
    %swap3A_76 = vector.load %arg12[%swap3A, %swap3A_75] : memref<1280x128xf32, #tpu.memory_space<vmem>>, vector<1280x128xf32>
    tpu.vector_store %arg12[%swap3A, %swap3A_75], %add3A_74 {strides = array<i32>} : memref<1280x128xf32, #tpu.memory_space<vmem>>, vector<1280x128xf32>,
    return
  }
  func.func @transform_0(%arg0: i32) -> (i32, i32) {
    %c0_i32 = arith.constant 0 : i32
    %c0_i32_0 = arith.constant 0 : i32
    return %arg0, %c0_i32 : i32, i32
  }
  func.func @transform_1(%arg0: i32) -> (i32, i32) {
    %c0_i32 = arith.constant 0 : i32
    %c0_i32_0 = arith.constant 0 : i32
    return %arg0, %c0_i32 : i32, i32
  }
  func.func @transform_2(%arg0: i32) -> (i32, i32) {
    %c0_i32 = arith.constant 0 : i32
    %c0_i32_0 = arith.constant 0 : i32
    return %arg0, %c0_i32 : i32, i32
  }
  func.func @transform_3(%arg0: i32) -> (i32, i32) {
    %c0_i32 = arith.constant 0 : i32
    %c0_i32_0 = arith.constant 0 : i32
    return %arg0, %c0_i32 : i32, i32
  }
  func.func @transform_4(%arg0: i32) -> (i32, i32) {
    %c0_i32 = arith.constant 0 : i32
    %c0_i32_0 = arith.constant 0 : i32
    %c0_i32_1 = arith.constant 0 : i32
    return %c0_i32, %c0_i32_0 : i32, i32
  }
  func.func @transform_5(%arg0: i32) -> (i32, i32) {
    %c0_i32 = arith.constant 0 : i32
    %c0_i32_0 = arith.constant 0 : i32
    %c0_i32_1 = arith.constant 0 : i32
    return %c0_i32, %c0_i32_0 : i32, i32
  }
  func.func @transform_6(%arg0: i32) -> (i32, i32) {
    %c0_i32 = arith.constant 0 : i32
    %c0_i32_0 = arith.constant 0 : i32
    %c0_i32_1 = arith.constant 0 : i32
    return %c0_i32, %c0_i32_0 : i32, i32
  }
  func.func @transform_7(%arg0: i32) -> (i32, i32) {
    %c0_i32 = arith.constant 0 : i32
    %c0_i32_0 = arith.constant 0 : i32
    %c0_i32_1 = arith.constant 0 : i32
    return %c0_i32, %c0_i32_0 : i32, i32
  }
  func.func @transform_8(%arg0: i32) -> (i32, i32) {
    %c0_i32 = arith.constant 0 : i32
    %c0_i32_0 = arith.constant 0 : i32
    %c0_i32_1 = arith.constant 0 : i32
    return %c0_i32, %c0_i32_0 : i32, i32
  }
  func.func @transform_9(%arg0: i32) -> (i32, i32) {
    %c0_i32 = arith.constant 0 : i32
    %c0_i32_0 = arith.constant 0 : i32
    %c0_i32_1 = arith.constant 0 : i32
    return %c0_i32, %c0_i32_0 : i32, i32
  }
  func.func @transform_10(%arg0: i32) -> (i32, i32) {
    %c0_i32 = arith.constant 0 : i32
    %c0_i32_0 = arith.constant 0 : i32
    %c0_i32_1 = arith.constant 0 : i32
    return %c0_i32, %c0_i32_0 : i32, i32
  }
  func.func @transform_11(%arg0: i32) -> (i32, i32) {
    %c0_i32 = arith.constant 0 : i32
    %c0_i32_0 = arith.constant 0 : i32
    return %arg0, %c0_i32 : i32, i32
  }
}

module attributes {stable_mosaic.version = 14 : i64} {
  func.func @body(%arg0: i32, %arg1: memref<1280x128xf32, #tpu.memory_space<vmem>>, %arg2: memref<1280x128xf32, #tpu.memory_space<vmem>>, %arg3: memref<1280x128xf32, #tpu.memory_space<vmem>>, %arg4: memref<1280x128xf32, #tpu.memory_space<vmem>>, %arg5: memref<128x128xf32, #tpu.memory_space<vmem>>, %arg6: memref<128x128xf32, #tpu.memory_space<vmem>>, %arg7: memref<128x128xf32, #tpu.memory_space<vmem>>, %arg8: memref<16x128xf32, #tpu.memory_space<vmem>>, %arg9: memref<8x32xf32, #tpu.memory_space<vmem>>, %arg10: memref<8x32xf32, #tpu.memory_space<vmem>>, %arg11: memref<8x128xf32, #tpu.memory_space<vmem>>, %arg12: memref<1280x128xf32, #tpu.memory_space<vmem>>) attributes {dimension_semantics = [#tpu.dimension_semantics<arbitrary>], iteration_bounds = array<i64: 125>, scalar_prefetch = 0 : i64, scratch_operands = 0 : i64, tpu.core_type = #tpu.core_type<tc>, window_params = [{transform_indices = @transform_0, window_bounds = array<i64: 1280, 128>}, {transform_indices = @transform_1, window_bounds = array<i64: 1280, 128>}, {transform_indices = @transform_2, window_bounds = array<i64: 1280, 128>}, {transform_indices = @transform_3, window_bounds = array<i64: 1280, 128>}, {pipeline_mode = #tpu.pipeline_mode<synchronous>, transform_indices = @transform_4, window_bounds = array<i64: 128, 128>}, {pipeline_mode = #tpu.pipeline_mode<synchronous>, transform_indices = @transform_5, window_bounds = array<i64: 128, 128>}, {pipeline_mode = #tpu.pipeline_mode<synchronous>, transform_indices = @transform_6, window_bounds = array<i64: 128, 128>}, {pipeline_mode = #tpu.pipeline_mode<synchronous>, transform_indices = @transform_7, window_bounds = array<i64: 16, 128>}, {pipeline_mode = #tpu.pipeline_mode<synchronous>, transform_indices = @transform_8, window_bounds = array<i64: 8, 32>}, {pipeline_mode = #tpu.pipeline_mode<synchronous>, transform_indices = @transform_9, window_bounds = array<i64: 8, 32>}, {pipeline_mode = #tpu.pipeline_mode<synchronous>, transform_indices = @transform_10, window_bounds = array<i64: 8, 128>}, {transform_indices = @transform_11, window_bounds = array<i64: 1280, 128>}]} {
    %get3A = arith.constant 0 : index
    %get3A_0 = arith.constant 0 : index
    %get3A_1 = vector.load %arg1[%get3A, %get3A_0] : memref<1280x128xf32, #tpu.memory_space<vmem>>, vector<1280x128xf32>
    %get3A_2 = arith.constant 0 : index
    %get3A_3 = arith.constant 0 : index
    %get3A_4 = vector.load %arg2[%get3A_2, %get3A_3] : memref<1280x128xf32, #tpu.memory_space<vmem>>, vector<1280x128xf32>
    %add3A = arith.addf %get3A_1, %get3A_4 : vector<1280x128xf32>
    %iota3A = tpu.iota {dimensions = array<i32: 0>} : vector<1280x1xi32>
    %mul3A = arith.constant 1280 : i32
    %mul3A_5 = arith.muli %arg0, %mul3A : i32
    %add3A_6 = arith.constant 160000 : i32
    %add3A_7 = arith.addi %mul3A_5, %add3A_6 : i32
    %add3A_8 = vector.broadcast %add3A_7 : i32 to vector<1280x1xi32>
    %add3A_9 = arith.addi %iota3A, %add3A_8 : vector<1280x1xi32>
    %convert_element_type3A = arith.sitofp %add3A_9 : vector<1280x1xi32> to vector<1280x1xf32>
    %get3A_10 = arith.constant 0 : index
    %get3A_11 = arith.constant 0 : index
    %get3A_12 = vector.load %arg9[%get3A_10, %get3A_11] : memref<8x32xf32, #tpu.memory_space<vmem>>, vector<1x16xf32>
    %get3A_13 = arith.constant 0 : index
    %get3A_14 = arith.constant 0 : index
    %get3A_15 = vector.load %arg10[%get3A_13, %get3A_14] : memref<8x32xf32, #tpu.memory_space<vmem>>, vector<1x16xf32>
    %ge3A = vector.broadcast %convert_element_type3A : vector<1280x1xf32> to vector<1280x16xf32>
    %ge3A_16 = vector.broadcast %get3A_12 : vector<1x16xf32> to vector<1280x16xf32>
    %ge3A_17 = arith.cmpf oge, %ge3A, %ge3A_16 : vector<1280x16xf32>
    %lt3A = vector.broadcast %convert_element_type3A : vector<1280x1xf32> to vector<1280x16xf32>
    %lt3A_18 = vector.broadcast %get3A_15 : vector<1x16xf32> to vector<1280x16xf32>
    %lt3A_19 = arith.cmpf olt, %lt3A, %lt3A_18 : vector<1280x16xf32>
    %and3A = arith.andi %ge3A_17, %lt3A_19 : vector<1280x16xi1>
    %convert_element_type3A_20 = arith.extui %and3A : vector<1280x16xi1> to vector<1280x16xi32>
    %convert_element_type3A_21 = arith.sitofp %convert_element_type3A_20 : vector<1280x16xi32> to vector<1280x16xf32>
    %get3A_22 = arith.constant 0 : index
    %get3A_23 = arith.constant 0 : index
    %get3A_24 = vector.load %arg8[%get3A_22, %get3A_23] : memref<16x128xf32, #tpu.memory_space<vmem>>, vector<16x128xf32>
    %dot_general3A = arith.constant dense<0.000000e+00> : vector<1280x128xf32>
    %dot_general3A_25 = tpu.matmul %convert_element_type3A_21, %get3A_24, %dot_general3A {dimension_numbers = #tpu.dot_dimension_numbers<[1], [0], [0], [1], [0, 0, 1, 1], [], []>, precision = #tpu.contract_precision<fp32>, transpose_lhs_hint = false} : vector<1280x16xf32>, vector<16x128xf32>, vector<1280x128xf32> -> vector<1280x128xf32>
    %get3A_26 = arith.constant 0 : index
    %get3A_27 = arith.constant 0 : index
    %get3A_28 = vector.load %arg3[%get3A_26, %get3A_27] : memref<1280x128xf32, #tpu.memory_space<vmem>>, vector<1280x128xf32>
    %get3A_29 = arith.constant 0 : index
    %get3A_30 = arith.constant 0 : index
    %get3A_31 = vector.load %arg4[%get3A_29, %get3A_30] : memref<1280x128xf32, #tpu.memory_space<vmem>>, vector<1280x128xf32>
    %add3A_32 = arith.addf %get3A_28, %get3A_31 : vector<1280x128xf32>
    %get3A_33 = arith.constant 0 : index
    %get3A_34 = arith.constant 0 : index
    %get3A_35 = vector.load %arg5[%get3A_33, %get3A_34] : memref<128x128xf32, #tpu.memory_space<vmem>>, vector<128x128xf32>
    %dot_general3A_36 = arith.constant dense<0.000000e+00> : vector<1280x128xf32>
    %dot_general3A_37 = tpu.matmul %add3A, %get3A_35, %dot_general3A_36 {dimension_numbers = #tpu.dot_dimension_numbers<[1], [0], [0], [1], [0, 0, 1, 1], [], []>, transpose_lhs_hint = false} : vector<1280x128xf32>, vector<128x128xf32>, vector<1280x128xf32> -> vector<1280x128xf32>
    %add3A_38 = arith.addf %add3A_32, %dot_general3A_37 : vector<1280x128xf32>
    %add3A_39 = arith.addf %add3A_38, %dot_general3A_25 : vector<1280x128xf32>
    %get3A_40 = arith.constant 0 : index
    %get3A_41 = arith.constant 0 : index
    %get3A_42 = vector.load %arg11[%get3A_40, %get3A_41] : memref<8x128xf32, #tpu.memory_space<vmem>>, vector<1x128xf32>
    %get3A_43 = vector.shape_cast %get3A_42 : vector<1x128xf32> to vector<128xf32>
    %broadcast_in_dim3A = vector.shape_cast %get3A_43 : vector<128xf32> to vector<1x128xf32>
    %add3A_44 = vector.broadcast %broadcast_in_dim3A : vector<1x128xf32> to vector<1280x128xf32>
    %add3A_45 = arith.addf %add3A_39, %add3A_44 : vector<1280x128xf32>
    %max3A = arith.constant 0.000000e+00 : f32
    %max3A_46 = vector.broadcast %max3A : f32 to vector<1280x128xf32>
    %max3A_47 = arith.maximumf %add3A_45, %max3A_46 : vector<1280x128xf32>
    %get3A_48 = arith.constant 0 : index
    %get3A_49 = arith.constant 0 : index
    %get3A_50 = vector.load %arg6[%get3A_48, %get3A_49] : memref<128x128xf32, #tpu.memory_space<vmem>>, vector<128x128xf32>
    %dot_general3A_51 = arith.constant dense<0.000000e+00> : vector<1280x128xf32>
    %dot_general3A_52 = tpu.matmul %max3A_47, %get3A_50, %dot_general3A_51 {dimension_numbers = #tpu.dot_dimension_numbers<[1], [0], [0], [1], [0, 0, 1, 1], [], []>, transpose_lhs_hint = false} : vector<1280x128xf32>, vector<128x128xf32>, vector<1280x128xf32> -> vector<1280x128xf32>
    %get3A_53 = arith.constant 1 : index
    %get3A_54 = arith.constant 0 : index
    %get3A_55 = vector.load %arg11[%get3A_53, %get3A_54] : memref<8x128xf32, #tpu.memory_space<vmem>>, vector<1x128xf32>
    %get3A_56 = vector.shape_cast %get3A_55 : vector<1x128xf32> to vector<128xf32>
    %broadcast_in_dim3A_57 = vector.shape_cast %get3A_56 : vector<128xf32> to vector<1x128xf32>
    %add3A_58 = vector.broadcast %broadcast_in_dim3A_57 : vector<1x128xf32> to vector<1280x128xf32>
    %add3A_59 = arith.addf %dot_general3A_52, %add3A_58 : vector<1280x128xf32>
    %max3A_60 = arith.constant 0.000000e+00 : f32
    %max3A_61 = vector.broadcast %max3A_60 : f32 to vector<1280x128xf32>
    %max3A_62 = arith.maximumf %add3A_59, %max3A_61 : vector<1280x128xf32>
    %get3A_63 = arith.constant 0 : index
    %get3A_64 = arith.constant 0 : index
    %get3A_65 = vector.load %arg7[%get3A_63, %get3A_64] : memref<128x128xf32, #tpu.memory_space<vmem>>, vector<128x128xf32>
    %dot_general3A_66 = arith.constant dense<0.000000e+00> : vector<1280x128xf32>
    %dot_general3A_67 = tpu.matmul %max3A_62, %get3A_65, %dot_general3A_66 {dimension_numbers = #tpu.dot_dimension_numbers<[1], [0], [0], [1], [0, 0, 1, 1], [], []>, transpose_lhs_hint = false} : vector<1280x128xf32>, vector<128x128xf32>, vector<1280x128xf32> -> vector<1280x128xf32>
    %get3A_68 = arith.constant 2 : index
    %get3A_69 = arith.constant 0 : index
    %get3A_70 = vector.load %arg11[%get3A_68, %get3A_69] : memref<8x128xf32, #tpu.memory_space<vmem>>, vector<1x128xf32>
    %get3A_71 = vector.shape_cast %get3A_70 : vector<1x128xf32> to vector<128xf32>
    %broadcast_in_dim3A_72 = vector.shape_cast %get3A_71 : vector<128xf32> to vector<1x128xf32>
    %add3A_73 = vector.broadcast %broadcast_in_dim3A_72 : vector<1x128xf32> to vector<1280x128xf32>
    %add3A_74 = arith.addf %dot_general3A_67, %add3A_73 : vector<1280x128xf32>
    %swap3A = arith.constant 0 : index
    %swap3A_75 = arith.constant 0 : index
    %swap3A_76 = vector.load %arg12[%swap3A, %swap3A_75] : memref<1280x128xf32, #tpu.memory_space<vmem>>, vector<1280x128xf32>
    tpu.vector_store %arg12[%swap3A, %swap3A_75], %add3A_74 {strides = array<i32>} : memref<1280x128xf32, #tpu.memory_space<vmem>>, vector<1280x128xf32>,
    return
  }
  func.func @transform_0(%arg0: i32) -> (i32, i32) {
    %c0_i32 = arith.constant 0 : i32
    %c0_i32_0 = arith.constant 0 : i32
    return %arg0, %c0_i32 : i32, i32
  }
  func.func @transform_1(%arg0: i32) -> (i32, i32) {
    %c0_i32 = arith.constant 0 : i32
    %c0_i32_0 = arith.constant 0 : i32
    return %arg0, %c0_i32 : i32, i32
  }
  func.func @transform_2(%arg0: i32) -> (i32, i32) {
    %c0_i32 = arith.constant 0 : i32
    %c0_i32_0 = arith.constant 0 : i32
    return %arg0, %c0_i32 : i32, i32
  }
  func.func @transform_3(%arg0: i32) -> (i32, i32) {
    %c0_i32 = arith.constant 0 : i32
    %c0_i32_0 = arith.constant 0 : i32
    return %arg0, %c0_i32 : i32, i32
  }
  func.func @transform_4(%arg0: i32) -> (i32, i32) {
    %c0_i32 = arith.constant 0 : i32
    %c0_i32_0 = arith.constant 0 : i32
    %c0_i32_1 = arith.constant 0 : i32
    return %c0_i32, %c0_i32_0 : i32, i32
  }
  func.func @transform_5(%arg0: i32) -> (i32, i32) {
    %c0_i32 = arith.constant 0 : i32
    %c0_i32_0 = arith.constant 0 : i32
    %c0_i32_1 = arith.constant 0 : i32
    return %c0_i32, %c0_i32_0 : i32, i32
  }
  func.func @transform_6(%arg0: i32) -> (i32, i32) {
    %c0_i32 = arith.constant 0 : i32
    %c0_i32_0 = arith.constant 0 : i32
    %c0_i32_1 = arith.constant 0 : i32
    return %c0_i32, %c0_i32_0 : i32, i32
  }
  func.func @transform_7(%arg0: i32) -> (i32, i32) {
    %c0_i32 = arith.constant 0 : i32
    %c0_i32_0 = arith.constant 0 : i32
    %c0_i32_1 = arith.constant 0 : i32
    return %c0_i32, %c0_i32_0 : i32, i32
  }
  func.func @transform_8(%arg0: i32) -> (i32, i32) {
    %c0_i32 = arith.constant 0 : i32
    %c0_i32_0 = arith.constant 0 : i32
    %c0_i32_1 = arith.constant 0 : i32
    return %c0_i32, %c0_i32_0 : i32, i32
  }
  func.func @transform_9(%arg0: i32) -> (i32, i32) {
    %c0_i32 = arith.constant 0 : i32
    %c0_i32_0 = arith.constant 0 : i32
    %c0_i32_1 = arith.constant 0 : i32
    return %c0_i32, %c0_i32_0 : i32, i32
  }
  func.func @transform_10(%arg0: i32) -> (i32, i32) {
    %c0_i32 = arith.constant 0 : i32
    %c0_i32_0 = arith.constant 0 : i32
    %c0_i32_1 = arith.constant 0 : i32
    return %c0_i32, %c0_i32_0 : i32, i32
  }
  func.func @transform_11(%arg0: i32) -> (i32, i32) {
    %c0_i32 = arith.constant 0 : i32
    %c0_i32_0 = arith.constant 0 : i32
    return %arg0, %c0_i32 : i32, i32
  }
}

module attributes {stable_mosaic.version = 14 : i64} {
  func.func @body(%arg0: i32, %arg1: memref<1000x128xf32, #tpu.memory_space<vmem>>, %arg2: memref<2x1000x128xf32, #tpu.memory_space<vmem>>, %arg3: memref<2x1000x128xf32, #tpu.memory_space<vmem>>, %arg4: memref<1000x16xf32, #tpu.memory_space<vmem>>, %arg5: memref<128x128xf32, #tpu.memory_space<vmem>>, %arg6: memref<128x128xf32, #tpu.memory_space<vmem>>, %arg7: memref<16x128xf32, #tpu.memory_space<vmem>>, %arg8: memref<128x128xf32, #tpu.memory_space<vmem>>, %arg9: memref<128x128xf32, #tpu.memory_space<vmem>>, %arg10: memref<8x128xf32, #tpu.memory_space<vmem>>, %arg11: memref<128x128xf32, #tpu.memory_space<vmem>>, %arg12: memref<128x128xf32, #tpu.memory_space<vmem>>, %arg13: memref<128x128xf32, #tpu.memory_space<vmem>>, %arg14: memref<8x128xf32, #tpu.memory_space<vmem>>, %arg15: memref<1000x128xf32, #tpu.memory_space<vmem>>) attributes {dimension_semantics = [#tpu.dimension_semantics<arbitrary>], iteration_bounds = array<i64: 10>, scalar_prefetch = 0 : i64, scratch_operands = 0 : i64, tpu.core_type = #tpu.core_type<tc>, window_params = [{transform_indices = @transform_0, window_bounds = array<i64: 1000, 128>}, {transform_indices = @transform_1, window_bounds = array<i64: 2, 1000, 128>}, {transform_indices = @transform_2, window_bounds = array<i64: 2, 1000, 128>}, {transform_indices = @transform_3, window_bounds = array<i64: 1000, 16>}, {pipeline_mode = #tpu.pipeline_mode<synchronous>, transform_indices = @transform_4, window_bounds = array<i64: 128, 128>}, {pipeline_mode = #tpu.pipeline_mode<synchronous>, transform_indices = @transform_5, window_bounds = array<i64: 128, 128>}, {pipeline_mode = #tpu.pipeline_mode<synchronous>, transform_indices = @transform_6, window_bounds = array<i64: 16, 128>}, {pipeline_mode = #tpu.pipeline_mode<synchronous>, transform_indices = @transform_7, window_bounds = array<i64: 128, 128>}, {pipeline_mode = #tpu.pipeline_mode<synchronous>, transform_indices = @transform_8, window_bounds = array<i64: 128, 128>}, {pipeline_mode = #tpu.pipeline_mode<synchronous>, transform_indices = @transform_9, window_bounds = array<i64: 8, 128>}, {pipeline_mode = #tpu.pipeline_mode<synchronous>, transform_indices = @transform_10, window_bounds = array<i64: 128, 128>}, {pipeline_mode = #tpu.pipeline_mode<synchronous>, transform_indices = @transform_11, window_bounds = array<i64: 128, 128>}, {pipeline_mode = #tpu.pipeline_mode<synchronous>, transform_indices = @transform_12, window_bounds = array<i64: 128, 128>}, {pipeline_mode = #tpu.pipeline_mode<synchronous>, transform_indices = @transform_13, window_bounds = array<i64: 8, 128>}, {transform_indices = @transform_14, window_bounds = array<i64: 1000, 128>}]} {
    %get3A = arith.constant 0 : index
    %get3A_0 = arith.constant 0 : index
    %get3A_1 = vector.load %arg1[%get3A, %get3A_0] : memref<1000x128xf32, #tpu.memory_space<vmem>>, vector<1000x128xf32>
    %get3A_2 = arith.constant 0 : index
    %get3A_3 = arith.constant 0 : index
    %get3A_4 = arith.constant 0 : index
    %get3A_5 = vector.load %arg2[%get3A_2, %get3A_3, %get3A_4] : memref<2x1000x128xf32, #tpu.memory_space<vmem>>, vector<1x1000x128xf32>
    %get3A_6 = vector.shape_cast %get3A_5 : vector<1x1000x128xf32> to vector<1000x128xf32>
    %get3A_7 = arith.constant 1 : index
    %get3A_8 = arith.constant 0 : index
    %get3A_9 = arith.constant 0 : index
    %get3A_10 = vector.load %arg2[%get3A_7, %get3A_8, %get3A_9] : memref<2x1000x128xf32, #tpu.memory_space<vmem>>, vector<1x1000x128xf32>
    %get3A_11 = vector.shape_cast %get3A_10 : vector<1x1000x128xf32> to vector<1000x128xf32>
    %add3A = arith.addf %get3A_6, %get3A_11 : vector<1000x128xf32>
    %get3A_12 = arith.constant 0 : index
    %get3A_13 = arith.constant 0 : index
    %get3A_14 = arith.constant 0 : index
    %get3A_15 = vector.load %arg3[%get3A_12, %get3A_13, %get3A_14] : memref<2x1000x128xf32, #tpu.memory_space<vmem>>, vector<1x1000x128xf32>
    %get3A_16 = vector.shape_cast %get3A_15 : vector<1x1000x128xf32> to vector<1000x128xf32>
    %get3A_17 = arith.constant 1 : index
    %get3A_18 = arith.constant 0 : index
    %get3A_19 = arith.constant 0 : index
    %get3A_20 = vector.load %arg3[%get3A_17, %get3A_18, %get3A_19] : memref<2x1000x128xf32, #tpu.memory_space<vmem>>, vector<1x1000x128xf32>
    %get3A_21 = vector.shape_cast %get3A_20 : vector<1x1000x128xf32> to vector<1000x128xf32>
    %add3A_22 = arith.addf %get3A_16, %get3A_21 : vector<1000x128xf32>
    %add3A_23 = arith.addf %add3A, %add3A_22 : vector<1000x128xf32>
    %get3A_24 = arith.constant 0 : index
    %get3A_25 = arith.constant 0 : index
    %get3A_26 = vector.load %arg4[%get3A_24, %get3A_25] : memref<1000x16xf32, #tpu.memory_space<vmem>>, vector<1000x16xf32>
    %get3A_27 = arith.constant 0 : index
    %get3A_28 = arith.constant 0 : index
    %get3A_29 = vector.load %arg7[%get3A_27, %get3A_28] : memref<16x128xf32, #tpu.memory_space<vmem>>, vector<16x128xf32>
    %dot_general3A = arith.constant dense<0.000000e+00> : vector<1000x128xf32>
    %dot_general3A_30 = tpu.matmul %get3A_26, %get3A_29, %dot_general3A {dimension_numbers = #tpu.dot_dimension_numbers<[1], [0], [0], [1], [0, 0, 1, 1], [], []>, precision = #tpu.contract_precision<fp32>, transpose_lhs_hint = false} : vector<1000x16xf32>, vector<16x128xf32>, vector<1000x128xf32> -> vector<1000x128xf32>
    %get3A_31 = arith.constant 0 : index
    %get3A_32 = arith.constant 0 : index
    %get3A_33 = vector.load %arg5[%get3A_31, %get3A_32] : memref<128x128xf32, #tpu.memory_space<vmem>>, vector<128x128xf32>
    %dot_general3A_34 = arith.constant dense<0.000000e+00> : vector<1000x128xf32>
    %dot_general3A_35 = tpu.matmul %get3A_1, %get3A_33, %dot_general3A_34 {dimension_numbers = #tpu.dot_dimension_numbers<[1], [0], [0], [1], [0, 0, 1, 1], [], []>, transpose_lhs_hint = false} : vector<1000x128xf32>, vector<128x128xf32>, vector<1000x128xf32> -> vector<1000x128xf32>
    %get3A_36 = arith.constant 0 : index
    %get3A_37 = arith.constant 0 : index
    %get3A_38 = vector.load %arg6[%get3A_36, %get3A_37] : memref<128x128xf32, #tpu.memory_space<vmem>>, vector<128x128xf32>
    %dot_general3A_39 = arith.constant dense<0.000000e+00> : vector<1000x128xf32>
    %dot_general3A_40 = tpu.matmul %add3A_23, %get3A_38, %dot_general3A_39 {dimension_numbers = #tpu.dot_dimension_numbers<[1], [0], [0], [1], [0, 0, 1, 1], [], []>, transpose_lhs_hint = false} : vector<1000x128xf32>, vector<128x128xf32>, vector<1000x128xf32> -> vector<1000x128xf32>
    %add3A_41 = arith.addf %dot_general3A_35, %dot_general3A_40 : vector<1000x128xf32>
    %add3A_42 = arith.addf %add3A_41, %dot_general3A_30 : vector<1000x128xf32>
    %get3A_43 = arith.constant 0 : index
    %get3A_44 = arith.constant 0 : index
    %get3A_45 = vector.load %arg10[%get3A_43, %get3A_44] : memref<8x128xf32, #tpu.memory_space<vmem>>, vector<1x128xf32>
    %get3A_46 = vector.shape_cast %get3A_45 : vector<1x128xf32> to vector<128xf32>
    %broadcast_in_dim3A = vector.shape_cast %get3A_46 : vector<128xf32> to vector<1x128xf32>
    %add3A_47 = vector.broadcast %broadcast_in_dim3A : vector<1x128xf32> to vector<1000x128xf32>
    %add3A_48 = arith.addf %add3A_42, %add3A_47 : vector<1000x128xf32>
    %max3A = arith.constant 0.000000e+00 : f32
    %max3A_49 = vector.broadcast %max3A : f32 to vector<1000x128xf32>
    %max3A_50 = arith.maximumf %add3A_48, %max3A_49 : vector<1000x128xf32>
    %get3A_51 = arith.constant 0 : index
    %get3A_52 = arith.constant 0 : index
    %get3A_53 = vector.load %arg8[%get3A_51, %get3A_52] : memref<128x128xf32, #tpu.memory_space<vmem>>, vector<128x128xf32>
    %dot_general3A_54 = arith.constant dense<0.000000e+00> : vector<1000x128xf32>
    %dot_general3A_55 = tpu.matmul %max3A_50, %get3A_53, %dot_general3A_54 {dimension_numbers = #tpu.dot_dimension_numbers<[1], [0], [0], [1], [0, 0, 1, 1], [], []>, transpose_lhs_hint = false} : vector<1000x128xf32>, vector<128x128xf32>, vector<1000x128xf32> -> vector<1000x128xf32>
    %get3A_56 = arith.constant 1 : index
    %get3A_57 = arith.constant 0 : index
    %get3A_58 = vector.load %arg10[%get3A_56, %get3A_57] : memref<8x128xf32, #tpu.memory_space<vmem>>, vector<1x128xf32>
    %get3A_59 = vector.shape_cast %get3A_58 : vector<1x128xf32> to vector<128xf32>
    %broadcast_in_dim3A_60 = vector.shape_cast %get3A_59 : vector<128xf32> to vector<1x128xf32>
    %add3A_61 = vector.broadcast %broadcast_in_dim3A_60 : vector<1x128xf32> to vector<1000x128xf32>
    %add3A_62 = arith.addf %dot_general3A_55, %add3A_61 : vector<1000x128xf32>
    %max3A_63 = arith.constant 0.000000e+00 : f32
    %max3A_64 = vector.broadcast %max3A_63 : f32 to vector<1000x128xf32>
    %max3A_65 = arith.maximumf %add3A_62, %max3A_64 : vector<1000x128xf32>
    %get3A_66 = arith.constant 0 : index
    %get3A_67 = arith.constant 0 : index
    %get3A_68 = vector.load %arg9[%get3A_66, %get3A_67] : memref<128x128xf32, #tpu.memory_space<vmem>>, vector<128x128xf32>
    %dot_general3A_69 = arith.constant dense<0.000000e+00> : vector<1000x128xf32>
    %dot_general3A_70 = tpu.matmul %max3A_65, %get3A_68, %dot_general3A_69 {dimension_numbers = #tpu.dot_dimension_numbers<[1], [0], [0], [1], [0, 0, 1, 1], [], []>, transpose_lhs_hint = false} : vector<1000x128xf32>, vector<128x128xf32>, vector<1000x128xf32> -> vector<1000x128xf32>
    %add3A_71 = arith.addf %get3A_1, %dot_general3A_70 : vector<1000x128xf32>
    %get3A_72 = arith.constant 2 : index
    %get3A_73 = arith.constant 0 : index
    %get3A_74 = vector.load %arg10[%get3A_72, %get3A_73] : memref<8x128xf32, #tpu.memory_space<vmem>>, vector<1x128xf32>
    %get3A_75 = vector.shape_cast %get3A_74 : vector<1x128xf32> to vector<128xf32>
    %broadcast_in_dim3A_76 = vector.shape_cast %get3A_75 : vector<128xf32> to vector<1x128xf32>
    %add3A_77 = vector.broadcast %broadcast_in_dim3A_76 : vector<1x128xf32> to vector<1000x128xf32>
    %add3A_78 = arith.addf %add3A_71, %add3A_77 : vector<1000x128xf32>
    %get3A_79 = arith.constant 0 : index
    %get3A_80 = arith.constant 0 : index
    %get3A_81 = vector.load %arg11[%get3A_79, %get3A_80] : memref<128x128xf32, #tpu.memory_space<vmem>>, vector<128x128xf32>
    %dot_general3A_82 = arith.constant dense<0.000000e+00> : vector<1000x128xf32>
    %dot_general3A_83 = tpu.matmul %add3A_78, %get3A_81, %dot_general3A_82 {dimension_numbers = #tpu.dot_dimension_numbers<[1], [0], [0], [1], [0, 0, 1, 1], [], []>, transpose_lhs_hint = false} : vector<1000x128xf32>, vector<128x128xf32>, vector<1000x128xf32> -> vector<1000x128xf32>
    %get3A_84 = arith.constant 0 : index
    %get3A_85 = arith.constant 0 : index
    %get3A_86 = vector.load %arg14[%get3A_84, %get3A_85] : memref<8x128xf32, #tpu.memory_space<vmem>>, vector<1x128xf32>
    %get3A_87 = vector.shape_cast %get3A_86 : vector<1x128xf32> to vector<128xf32>
    %broadcast_in_dim3A_88 = vector.shape_cast %get3A_87 : vector<128xf32> to vector<1x128xf32>
    %add3A_89 = vector.broadcast %broadcast_in_dim3A_88 : vector<1x128xf32> to vector<1000x128xf32>
    %add3A_90 = arith.addf %dot_general3A_83, %add3A_89 : vector<1000x128xf32>
    %max3A_91 = arith.constant 0.000000e+00 : f32
    %max3A_92 = vector.broadcast %max3A_91 : f32 to vector<1000x128xf32>
    %max3A_93 = arith.maximumf %add3A_90, %max3A_92 : vector<1000x128xf32>
    %get3A_94 = arith.constant 0 : index
    %get3A_95 = arith.constant 0 : index
    %get3A_96 = vector.load %arg12[%get3A_94, %get3A_95] : memref<128x128xf32, #tpu.memory_space<vmem>>, vector<128x128xf32>
    %dot_general3A_97 = arith.constant dense<0.000000e+00> : vector<1000x128xf32>
    %dot_general3A_98 = tpu.matmul %max3A_93, %get3A_96, %dot_general3A_97 {dimension_numbers = #tpu.dot_dimension_numbers<[1], [0], [0], [1], [0, 0, 1, 1], [], []>, transpose_lhs_hint = false} : vector<1000x128xf32>, vector<128x128xf32>, vector<1000x128xf32> -> vector<1000x128xf32>
    %get3A_99 = arith.constant 1 : index
    %get3A_100 = arith.constant 0 : index
    %get3A_101 = vector.load %arg14[%get3A_99, %get3A_100] : memref<8x128xf32, #tpu.memory_space<vmem>>, vector<1x128xf32>
    %get3A_102 = vector.shape_cast %get3A_101 : vector<1x128xf32> to vector<128xf32>
    %broadcast_in_dim3A_103 = vector.shape_cast %get3A_102 : vector<128xf32> to vector<1x128xf32>
    %add3A_104 = vector.broadcast %broadcast_in_dim3A_103 : vector<1x128xf32> to vector<1000x128xf32>
    %add3A_105 = arith.addf %dot_general3A_98, %add3A_104 : vector<1000x128xf32>
    %max3A_106 = arith.constant 0.000000e+00 : f32
    %max3A_107 = vector.broadcast %max3A_106 : f32 to vector<1000x128xf32>
    %max3A_108 = arith.maximumf %add3A_105, %max3A_107 : vector<1000x128xf32>
    %get3A_109 = arith.constant 0 : index
    %get3A_110 = arith.constant 0 : index
    %get3A_111 = vector.load %arg13[%get3A_109, %get3A_110] : memref<128x128xf32, #tpu.memory_space<vmem>>, vector<128x128xf32>
    %dot_general3A_112 = arith.constant dense<0.000000e+00> : vector<1000x128xf32>
    %dot_general3A_113 = tpu.matmul %max3A_108, %get3A_111, %dot_general3A_112 {dimension_numbers = #tpu.dot_dimension_numbers<[1], [0], [0], [1], [0, 0, 1, 1], [], []>, transpose_lhs_hint = false} : vector<1000x128xf32>, vector<128x128xf32>, vector<1000x128xf32> -> vector<1000x128xf32>
    %get3A_114 = arith.constant 2 : index
    %get3A_115 = arith.constant 0 : index
    %get3A_116 = vector.load %arg14[%get3A_114, %get3A_115] : memref<8x128xf32, #tpu.memory_space<vmem>>, vector<1x128xf32>
    %get3A_117 = vector.shape_cast %get3A_116 : vector<1x128xf32> to vector<128xf32>
    %broadcast_in_dim3A_118 = vector.shape_cast %get3A_117 : vector<128xf32> to vector<1x128xf32>
    %add3A_119 = vector.broadcast %broadcast_in_dim3A_118 : vector<1x128xf32> to vector<1000x128xf32>
    %add3A_120 = arith.addf %dot_general3A_113, %add3A_119 : vector<1000x128xf32>
    %swap3A = arith.constant 0 : index
    %swap3A_121 = arith.constant 0 : index
    %swap3A_122 = vector.load %arg15[%swap3A, %swap3A_121] : memref<1000x128xf32, #tpu.memory_space<vmem>>, vector<1000x128xf32>
    tpu.vector_store %arg15[%swap3A, %swap3A_121], %add3A_120 {strides = array<i32>} : memref<1000x128xf32, #tpu.memory_space<vmem>>, vector<1000x128xf32>,
    return
  }
  func.func @transform_0(%arg0: i32) -> (i32, i32) {
    %c0_i32 = arith.constant 0 : i32
    %c0_i32_0 = arith.constant 0 : i32
    return %arg0, %c0_i32 : i32, i32
  }
  func.func @transform_1(%arg0: i32) -> (i32, i32, i32) {
    %c0_i32 = arith.constant 0 : i32
    %c0_i32_0 = arith.constant 0 : i32
    %c0_i32_1 = arith.constant 0 : i32
    return %c0_i32, %arg0, %c0_i32_0 : i32, i32, i32
  }
  func.func @transform_2(%arg0: i32) -> (i32, i32, i32) {
    %c0_i32 = arith.constant 0 : i32
    %c0_i32_0 = arith.constant 0 : i32
    %c0_i32_1 = arith.constant 0 : i32
    return %c0_i32, %arg0, %c0_i32_0 : i32, i32, i32
  }
  func.func @transform_3(%arg0: i32) -> (i32, i32) {
    %c0_i32 = arith.constant 0 : i32
    %c0_i32_0 = arith.constant 0 : i32
    return %arg0, %c0_i32 : i32, i32
  }
  func.func @transform_4(%arg0: i32) -> (i32, i32) {
    %c0_i32 = arith.constant 0 : i32
    %c0_i32_0 = arith.constant 0 : i32
    %c0_i32_1 = arith.constant 0 : i32
    return %c0_i32, %c0_i32_0 : i32, i32
  }
  func.func @transform_5(%arg0: i32) -> (i32, i32) {
    %c0_i32 = arith.constant 0 : i32
    %c0_i32_0 = arith.constant 0 : i32
    %c0_i32_1 = arith.constant 0 : i32
    return %c0_i32, %c0_i32_0 : i32, i32
  }
  func.func @transform_6(%arg0: i32) -> (i32, i32) {
    %c0_i32 = arith.constant 0 : i32
    %c0_i32_0 = arith.constant 0 : i32
    %c0_i32_1 = arith.constant 0 : i32
    return %c0_i32, %c0_i32_0 : i32, i32
  }
  func.func @transform_7(%arg0: i32) -> (i32, i32) {
    %c0_i32 = arith.constant 0 : i32
    %c0_i32_0 = arith.constant 0 : i32
    %c0_i32_1 = arith.constant 0 : i32
    return %c0_i32, %c0_i32_0 : i32, i32
  }
  func.func @transform_8(%arg0: i32) -> (i32, i32) {
    %c0_i32 = arith.constant 0 : i32
    %c0_i32_0 = arith.constant 0 : i32
    %c0_i32_1 = arith.constant 0 : i32
    return %c0_i32, %c0_i32_0 : i32, i32
  }
  func.func @transform_9(%arg0: i32) -> (i32, i32) {
    %c0_i32 = arith.constant 0 : i32
    %c0_i32_0 = arith.constant 0 : i32
    %c0_i32_1 = arith.constant 0 : i32
    return %c0_i32, %c0_i32_0 : i32, i32
  }
  func.func @transform_10(%arg0: i32) -> (i32, i32) {
    %c0_i32 = arith.constant 0 : i32
    %c0_i32_0 = arith.constant 0 : i32
    %c0_i32_1 = arith.constant 0 : i32
    return %c0_i32, %c0_i32_0 : i32, i32
  }
  func.func @transform_11(%arg0: i32) -> (i32, i32) {
    %c0_i32 = arith.constant 0 : i32
    %c0_i32_0 = arith.constant 0 : i32
    %c0_i32_1 = arith.constant 0 : i32
    return %c0_i32, %c0_i32_0 : i32, i32
  }
  func.func @transform_12(%arg0: i32) -> (i32, i32) {
    %c0_i32 = arith.constant 0 : i32
    %c0_i32_0 = arith.constant 0 : i32
    %c0_i32_1 = arith.constant 0 : i32
    return %c0_i32, %c0_i32_0 : i32, i32
  }
  func.func @transform_13(%arg0: i32) -> (i32, i32) {
    %c0_i32 = arith.constant 0 : i32
    %c0_i32_0 = arith.constant 0 : i32
    %c0_i32_1 = arith.constant 0 : i32
    return %c0_i32, %c0_i32_0 : i32, i32
  }
  func.func @transform_14(%arg0: i32) -> (i32, i32) {
    %c0_i32 = arith.constant 0 : i32
    %c0_i32_0 = arith.constant 0 : i32
    return %arg0, %c0_i32 : i32, i32
  }
}

</mosaic_0001>

<sc_bundles>
// kernel: kernel.18.cloned.1.call-start
scs
__scs_entry_jumppad:
0x0: {  	(pc) =	sbr.rel $0x88, $3  }
0x1: {  	(tag) =	ssettag $0x0;
	lr =	simm.s32 $0x1  }
0x2: {  	[smem:$0x3F6E] =	sst lr;
	_ =	strace $0xD0000000  }
0x3: {  	_ = 	snop  }
0x4: {  	_ = 	snop  }
0x5: {  	_ = 	snop  }
0x6: {  	_ = 	snop  }
0x7: {  	_ = 	snop  }
__scs_overlays_trampoline_lowered:
0x8: {  	[smem:$0x3F7D] =	sst s0  }
0x9: {  	[smem:$0x3F7E] =	sst s1  }
0xa: {  	[smem:$0x3F7F] =	sst s2  }
0xb: {  	[smem:$0x3F80] =	sst s3  }
0xc: {  	[smem:$0x3F81] =	sst s4  }
0xd: {  	[smem:$0x3F82] =	sst s5  }
0xe: {  	[smem:$0x3F83] =	sst s6  }
0xf: {  	[smem:$0x3F84] =	sst s7  }
0x10: {  	[smem:$0x3F85] =	sst s8  }
0x11: {  	[smem:$0x3F86] =	sst s9;
	s0 =	simm.s32 @!p0 $0x0  }
0x12: {  	s1 =	sld [smem:$0x3F6C];
	s0 =	simm.s32 @p0 $0x1  }
0x13: {  	[smem:$0x3F87] =	sst s0;
	s0 =	simm.s32 @!p1 $0x0  }
0x14: {  	s2 =	sld [smem:$0x3F6B];
	s0 =	simm.s32 @p1 $0x1  }
0x15: {  	[smem:$0x3F88] =	sst s0;
	s0 =	simm.s32 @!p2 $0x0  }
0x16: {  	s3 =	sld [smem:$0x3FDB];
	s0 =	simm.s32 @p2 $0x1  }
0x17: {  	s4 =	simm.s32 $0x1BF5;
	[smem:$0x3F8A] =	sst s0  }
0x18: {  	s0 =	sld [smem:$0x3F6D];
	_ =	swait.ge [sflag:s4], $0x0  }
0x19: {  	s7 =	sld [smem:$0x3F6E]  }
0x1a: {  	s8 =	sadd.s32 $0xFFFFE003, lr  }
0x1b: {  	s9 =	sadd.s32 $0xFFFFFEF7, lr;
	s5 =	simm.s32 $0xFFFFFFFF;
	p2 =	slt.u32 s8, $0xFFFFF086  }
0x1c: {  	p1 =	slt.u32 s9, $0xF7A;
	s5 =	simm.s32 @!p2 $0x0  }
0x1d: {  	s5 =	simm.s32 @p1 $0x1;
	p0 =	seq.s32 s7, s2  }
0x1e: {  	s7 =	smul.u32 @!p0 $0xF7A, s2;
	p2 =	seq.s32 @!p0 s5, $0x0  }
0x1f: {  	s9 =	smul.u32 $0xF7A, s1;
	s8 =	simm.s32 @!p0 $0x1BF5;
	p2 =	por !p2, p0  }
0x20: {  	[sflag:s8] =	ssyncset.s32 @!p0 $0xFFFFF086;
	s6 =	sadd.s32 @!p0 s3, s7;
	s7 =	simm.s32 @!p0 $0x108  }
0x21: {  	s3 =	sadd.s32 s3, s9;
	s6 =	sadd.s32 @!p0 $0x88, s6;
	s7 =	simm.s32 @p2 $0x1082  }
0x22: {  	[simem:s7], [sflag:s8] =	dma.local @!p0 [hbm:s6], $0xF7A  }
0x23: {  	s9 =	sor.u32 $0xD0000000, s2;
	s6 =	simm.s32 $0x108;
	_ =	swait.ge @!p0 [sflag:s8], $0x0  }
0x24: {  	s3 =	sadd.s32 $0x88, s3;
	s6 =	simm.s32 @!p1 $0x1082;
	[sflag:s4] =	ssyncset.s32 $0xFFFFF086  }
0x25: {  	[simem:s6], [sflag:s4] =	dma.local [hbm:s3], $0xF7A  }
0x26: {  	[smem:$0x3F6E] =	sst s1;
	(tag) =	ssettag s2;
	_ =	strace s9  }
0x27: {  	s1 =	sld [smem:$0x3F7E]  }
0x28: {  	s2 =	sld [smem:$0x3F7F]  }
0x29: {  	s4 =	sld [smem:$0x3F81]  }
0x2a: {  	p0 =	seq.s32 s5, $0x0;
	s5 =	sld [smem:$0x3F82]  }
0x2b: {  	s6 =	sld [smem:$0x3F83]  }
0x2c: {  	s7 =	sld [smem:$0x3F84]  }
0x2d: {  	s3 =	simm.s32 $0x108;
	s8 =	sld [smem:$0x3F85]  }
0x2e: {  	s3 =	simm.s32 @!p0 $0x1082;
	s9 =	sld [smem:$0x3F86]  }
0x2f: {  	lr =	sadd.s32 s0, s3;
	s0 =	sld [smem:$0x3F7D]  }
0x30: {  	s3 =	sld [smem:$0x3F80]  }
0x31: {  	[smem:$0x3F89] =	sst s10  }
0x32: {  	s10 =	sld [smem:$0x3F87];
	_ =	sdelay $0x3  }
0x33: {  	p0 =	seq.s32 s10, $0x1;
	s10 =	sld [smem:$0x3F89];
	_ =	sdelay $0x3  }
0x34: {  	[smem:$0x3F89] =	sst s10  }
0x35: {  	s10 =	sld [smem:$0x3F88];
	_ =	sdelay $0x3  }
0x36: {  	p1 =	seq.s32 s10, $0x1;
	s10 =	sld [smem:$0x3F89];
	_ =	sdelay $0x3  }
0x37: {  	[smem:$0x3F89] =	sst s10  }
0x38: {  	s10 =	sld [smem:$0x3F8A]  }
0x39: {  	_ = 	snop;
	(pc) =	sbr.ind lr, $3  }
0x3a: {  	_ = 	snop  }
0x3b: {  	_ = 	snop  }
0x3c: {  	p2 =	seq.s32 s10, $0x1;
	s10 =	sld [smem:$0x3F89]  }
0x3d: {  	_ =	shalt  }
0x3e: {  	_ =	shalt  }
0x3f: {  	_ =	shalt  }
0x40: {  	_ =	shalt  }
0x41: {  	_ =	shalt  }
0x42: {  	_ =	shalt  }
0x43: {  	_ =	shalt  }
0x44: {  	_ =	shalt  }
0x45: {  	_ =	shalt  }
0x46: {  	_ =	shalt  }
0x47: {  	_ =	shalt  }
0x48: {  	_ =	shalt  }
0x49: {  	_ =	shalt  }
0x4a: {  	_ =	shalt  }
0x4b: {  	_ =	shalt  }
0x4c: {  	_ =	shalt  }
0x4d: {  	_ =	shalt  }
0x4e: {  	_ =	shalt  }
0x4f: {  	_ =	shalt  }
0x50: {  	_ =	shalt  }
0x51: {  	_ =	shalt  }
0x52: {  	_ =	shalt  }
0x53: {  	_ =	shalt  }
0x54: {  	_ =	shalt  }
0x55: {  	_ =	shalt  }
0x56: {  	_ =	shalt  }
0x57: {  	_ =	shalt  }
0x58: {  	_ =	shalt  }
0x59: {  	_ =	shalt  }
0x5a: {  	_ =	shalt  }
0x5b: {  	_ =	shalt  }
0x5c: {  	_ =	shalt  }
0x5d: {  	_ =	shalt  }
0x5e: {  	_ =	shalt  }
0x5f: {  	_ =	shalt  }
0x60: {  	_ =	shalt  }
0x61: {  	_ =	shalt  }
0x62: {  	_ =	shalt  }
0x63: {  	_ =	shalt  }
0x64: {  	_ =	shalt  }
0x65: {  	_ =	shalt  }
0x66: {  	_ =	shalt  }
0x67: {  	_ =	shalt  }
0x68: {  	_ =	shalt  }
0x69: {  	_ =	shalt  }
0x6a: {  	_ =	shalt  }
0x6b: {  	_ =	shalt  }
0x6c: {  	_ =	shalt  }
0x6d: {  	_ =	shalt  }
0x6e: {  	_ =	shalt  }
0x6f: {  	_ =	shalt  }
0x70: {  	_ =	shalt  }
0x71: {  	_ =	shalt  }
0x72: {  	_ =	shalt  }
0x73: {  	_ =	shalt  }
0x74: {  	_ =	shalt  }
0x75: {  	_ =	shalt  }
0x76: {  	_ =	shalt  }
0x77: {  	_ =	shalt  }
0x78: {  	_ =	shalt  }
0x79: {  	_ =	shalt  }
0x7a: {  	_ =	shalt  }
0x7b: {  	_ =	shalt  }
0x7c: {  	_ =	shalt  }
0x7d: {  	_ =	shalt  }
0x7e: {  	_ =	shalt  }
0x7f: {  	_ =	shalt  }
0x80: {  	_ =	shalt  }
0x81: {  	_ =	shalt  }
0x82: {  	_ =	shalt  }
0x83: {  	_ =	shalt  }
0x84: {  	_ =	shalt  }
0x85: {  	_ =	shalt  }
0x86: {  	_ =	shalt  }
0x87: {  	_ =	shalt  }
.Lfunc_end0:
.L_simem_size_0:
called_computation_lowered:
.L_overlay_start_0:
0x88: {  	s2 =	sld [smem:$0x3FD9]  }
0x89: {  	s3 =	sld [smem:$0x3FFE];
	_ =	sdelay $0x1  }
0x8a: {  	s1 =	srdreg.scid  }
0x8b: {  	s0 =	sand.u32 $0x1, s1  }
0x8c: {  	s17 =	sshll.u32 s0, $0xA;
	s2 =	sadd.s32 s3, s2  }
0x8d: {  	s2 =	sadd.s32 s2, s17  }
0x8e: {  	[smem:$0x3F95] =	sst s2  }
0x8f: {  	_ = 	snop  }
0x90: {  	s2 =	sld [smem:$0x3FD0];
	(tm) =	ssettm $0x1  }
0x91: {  	s18 =	sld [smem:$0x3FFB];
	_ =	sdelay $0x3  }
0x92: {  	_ =	strace s18  }
0x93: {  	s3 =	sld [smem:$0x3FFC];
	_ =	sdelay $0x3  }
0x94: {  	_ =	strace s3  }
0x95: {  	s3 =	sld [smem:$0x3FFD];
	_ =	sdelay $0x3  }
0x96: {  	_ =	strace s3  }
0x97: {  	_ =	strace $0x8FFFFFFF  }
0x98: {  	s19 =	sld [smem:$0x3FDB];
	_ =	sdelay $0x1  }
0x99: {  	s4 =	simm.s32 $_scs_section_size  }
0x9a: {  	s5 =	simm.s32 $_size__tile_overlayer_lowered;
	s6 =	simm.s32 $_tile_overlayer_lowered  }
0x9b: {  	s22 =	simm.s32 $0x1BFF;
	s21 =	sshll.u32 s6, $0x1;
	s3 =	sadd.s32 s4, s19  }
0x9c: {  	s7 =	simm.s32 $0x0;
	s20 =	sshll.u32 s5, $0x1;
	s5 =	sadd.s32 s21, s3  }
0x9d: {  	[timem:s7], [sflag:s22] =	dma.local [hbm:s5], s20  }
0x9e: {  	_ =	swait.ge [sflag:s22], s20  }
0x9f: {  	s4 =	ssub.s32 $0x0, s20;
	[sflag:s22] =	ssyncset.done $0x0  }
0xa0: {  	[sflag:s22] =	ssyncadd.s32 s4;
	_ =	sdelay $0x1  }
0xa1: {  	s23 =	simm.s32 $0x1B8B  }
0xa2: {  	_ =	swait.ge [sflag:s23], $0x1  }
0xa3: {  	[sflag:s23] =	ssyncset.done $0x0  }
0xa4: {  	s25 =	simm.s32 $0x1B8E;
	s24 =	sld [smem:$0x3FFE];
	[sflag:s23] =	ssyncadd.s32 $0xFFFFFFFF  }
0xa5: {  	s26 =	simm.s32 $execute0_lowered;
	[smem:$0x3FD2] =	sst s25  }
0xa6: {  	s5 =	sshll.u32 s26, $0x1;
	_ =	strace $0x80000046;
	[dreg:$0x1] =	wrdreg $0xFFFFFFFF  }
0xa7: {  	s28 =	simm.s32 $_size_execute0_lowered;
	s3 =	sadd.s32 s3, s5;
	[dreg:$0x0] =	wrdreg $0x0  }
0xa8: {  	s5 =	sshll.u32 s28, $0x1;
	[dreg:$0x2] =	wrdreg s3  }
0xa9: {  	[dreg:$0x3] =	wrdreg s5  }
0xaa: {  	[dreg:$0x4] =	wrdreg $0xC0  }
0xab: {  	_ =	task [dreg:s7], $0x5FFFF  }
0xac: {  	[dreg:$0x1] =	wrdreg $0xFFFFFFFF  }
0xad: {  	[dreg:$0x0] =	wrdreg $0x60  }
0xae: {  	[dreg:$0x2] =	wrdreg s24  }
0xaf: {  	[dreg:$0x3] =	wrdreg s2  }
0xb0: {  	[dreg:$0x4] =	wrdreg $0xA  }
0xb1: {  	_ =	task.clear_ibuf [dreg:s7], $0x5FFFF;
	_ =	strace $0x90000046  }
0xb2: {  	s29 =	simm.s32 $0xA;
	_ =	strace $0x80000048  }
0xb3: {  	_ =	swait.ge [sflag:s29], $0x1  }
0xb4: {  	[sflag:s29] =	ssyncadd.s32 $0xFFFFFFFF  }
0xb5: {  	_ =	strace $0x90000048  }
0xb6: {  	_ =	sfence  }
0xb7: {  	s30 =	sld [smem:$0x0];
	_ =	sdelay $0x2  }
0xb8: {  	s31 =	sshll.u32 s1, $0xD;
	s1 =	sshrl.u32 s1, $0x2  }
0xb9: {  	s3 =	sand.u32 $0x4000, s31;
	s1 =	sadd.s32 s1, s30  }
0xba: {  	s0 =	sor.u32 s3, s0;
	s1 =	sshll.u32 s1, $0x11  }
0xbb: {  	s0 =	sor.u32 s1, s0  }
0xbc: {  	s0 =	sadd.s32 $0x8F2B, s0  }
0xbd: {  	[sflag:s0] =	ssyncadd.remote.s32 $0x1  }
0xbe: {  	_ =	sfence.sel $0xFFFF  }
0xbf: {  	[dreg:$0x0] =	wrdreg $0xFFFFFFFF;
	(pc) =	sbr.abs _section_cstart, $3  }
0xc0: {  	[dreg:$0x1] =	wrdreg $0xFFFFFFFF  }
0xc1: {  	_ =	task.clear_ibuf [dreg:s7], $0x2FFFF;
	_ =	strace $0x9FFFFFFF  }
0xc2: {  	(tm) =	ssettm $0x7FFFFFFF  }
0xc3: {  	_ =	shalt  }
tec
execute0_lowered:
.L_overlay_start_1:
0x0: {  	(tag) =	ssettag $0x1  }
0x1: {  	s4 =	rddreg [dreg:$0x0]  }
0x2: {  	s6 =	rddreg [dreg:$0x1]  }
0x3: {  	s0 =	rddreg [dreg:$0x2];
	s3 =	srdreg.scid  }
0x4: {  	s1 =	stileid.u32;
	s2 =	simm.s32 $0x0;
	s10 =	simm.s32 $0x50  }
0x5: {  	s11 =	simm.s32 $0x4000;
	s12 =	simm.s32 $0x1;
	s13 =	simm.s32 $0x0  }
0x6: {  	s3 =	sand.u32 $0x1, s3;
	s5 =	sshll.u32 s1, $0x1;
	[smem:$0x7FF] =	sst s2  }
0x7: {  	s5 =	sor.u32 s3, s5;
	_ =	strace $0x80000047;
	s8 =	ssub.s32 $0x2, s3  }
0x8: {  	s3 =	sadd.s32 $0x41200, s4;
	s7 =	sshll.u32 s5, $0xB;
	s9 =	sshrl.u32 s8, $0x1  }
0x9: {  	s31 =	sshll.u32 s5, $0x7;
	s7 =	sadd.s32 s7, s4;
	s4 =	sadd.s32 $0x68400, s4  }
0xa: {  	s8 =	ssub.s32 s8, s9;
	s6 =	sadd.s32 s6, s31;
	s9 =	simm.s32 $0x6800  }
0xb: {  	s5 =	sadd.s32 $0x31200, s7;
	s7 =	smax.u32 s8, $0x1;
	s8 =	simm.s32 $0x2  }
.LBB2_1:
0xc: {  	[tilespmem:s2], [sflag:$0x2] =	stream.linear.gather [hbm4b:s5+s2], $0x3E80, $0x38;
	[tilespmem:$0x6C00] =	vst v63  }
0xd: {  	_ =	swait.ge [sflag:s8], $0x3E80  }
0xe: {  	[sflag:s8] =	ssyncset.done $0x0  }
0xf: {  	[sflag:s8] =	ssyncadd.s32 $0xFFFFC180  }
0x10: {  	[tilespmem:s9], [sflag:$0x2] =	stream.linear.gather [hbm4b:s4+s2], $0x400, $0x38;
	[tilespmem:$0x6C00] =	vst v63  }
0x11: {  	_ =	swait.ge [sflag:s8], $0x400  }
0x12: {  	[sflag:s8] =	ssyncset.done $0x0  }
0x13: {  	s14 =	simm.s32 $0x0;
	[sflag:s8] =	ssyncadd.s32 $0xFFFFFC00  }
0x14: {  	[tilespmem:s11], [sflag:$0x1] =	stream.indirect.gather [hbm4b:s3+s10], $0x80, s14, s10, $0xb8;
	[tilespmem:$0x6C00] =	vst v63  }
0x15: {  	_ =	swait.ge [sflag:s12], $0x2800  }
0x16: {  	[sflag:s12] =	ssyncset.done $0x0  }
0x17: {  	[sflag:s12] =	ssyncadd.s32 $0xFFFFD800  }
0x18: {  	v0 =	vld [tilespmem:$0x4000];
	_ =	sdelay $0x1  }
0x19: {  	v1 =	vld [tilespmem:$0x4080];
	_ =	sdelay $0x1  }
0x1a: {  	v2 =	vimm.f32 $0.0e+00;
	v3 =	vld [tilespmem:$0x4100]  }
0x1b: {  	v0 =	vadd.f32 v0, v2  }
0x1c: {  	v2 =	vld [tilespmem:$0x4180]  }
0x1d: {  	v0 =	vadd.f32 v1, v0  }
0x1e: {  	v1 =	vld [tilespmem:$0x4200]  }
0x1f: {  	v0 =	vadd.f32 v3, v0  }
0x20: {  	v3 =	vld [tilespmem:$0x4280]  }
0x21: {  	v0 =	vadd.f32 v2, v0  }
0x22: {  	v2 =	vld [tilespmem:$0x4300]  }
0x23: {  	v0 =	vadd.f32 v1, v0  }
0x24: {  	v1 =	vld [tilespmem:$0x4380]  }
0x25: {  	v0 =	vadd.f32 v3, v0  }
0x26: {  	v3 =	vld [tilespmem:$0x4400]  }
0x27: {  	v0 =	vadd.f32 v2, v0  }
0x28: {  	v2 =	vld [tilespmem:$0x4480]  }
0x29: {  	v0 =	vadd.f32 v1, v0  }
0x2a: {  	v1 =	vld [tilespmem:$0x4500]  }
0x2b: {  	v0 =	vadd.f32 v3, v0  }
0x2c: {  	v3 =	vld [tilespmem:$0x4580]  }
0x2d: {  	v0 =	vadd.f32 v2, v0  }
0x2e: {  	v2 =	vld [tilespmem:$0x4600]  }
0x2f: {  	v0 =	vadd.f32 v1, v0  }
0x30: {  	v1 =	vld [tilespmem:$0x4680]  }
0x31: {  	v0 =	vadd.f32 v3, v0  }
0x32: {  	v3 =	vld [tilespmem:$0x4700]  }
0x33: {  	v0 =	vadd.f32 v2, v0  }
0x34: {  	v2 =	vld [tilespmem:$0x4780]  }
0x35: {  	v0 =	vadd.f32 v1, v0  }
0x36: {  	v1 =	vld [tilespmem:$0x4800]  }
0x37: {  	v0 =	vadd.f32 v3, v0  }
0x38: {  	v3 =	vld [tilespmem:$0x4880]  }
0x39: {  	v0 =	vadd.f32 v2, v0  }
0x3a: {  	v2 =	vld [tilespmem:$0x4900]  }
0x3b: {  	v0 =	vadd.f32 v1, v0  }
0x3c: {  	v1 =	vld [tilespmem:$0x4980]  }
0x3d: {  	v0 =	vadd.f32 v3, v0  }
0x3e: {  	v3 =	vld [tilespmem:$0x4A00]  }
0x3f: {  	v0 =	vadd.f32 v2, v0  }
0x40: {  	v2 =	vld [tilespmem:$0x4A80]  }
0x41: {  	v0 =	vadd.f32 v1, v0  }
0x42: {  	v1 =	vld [tilespmem:$0x4B00]  }
0x43: {  	v0 =	vadd.f32 v3, v0  }
0x44: {  	v3 =	vld [tilespmem:$0x4B80]  }
0x45: {  	v0 =	vadd.f32 v2, v0  }
0x46: {  	v2 =	vld [tilespmem:$0x4C00]  }
0x47: {  	v0 =	vadd.f32 v1, v0  }
0x48: {  	v1 =	vld [tilespmem:$0x4C80]  }
0x49: {  	v0 =	vadd.f32 v3, v0  }
0x4a: {  	v3 =	vld [tilespmem:$0x4D00]  }
0x4b: {  	v0 =	vadd.f32 v2, v0  }
0x4c: {  	v2 =	vld [tilespmem:$0x4D80]  }
0x4d: {  	v0 =	vadd.f32 v1, v0  }
0x4e: {  	v1 =	vld [tilespmem:$0x4E00]  }
0x4f: {  	v0 =	vadd.f32 v3, v0  }
0x50: {  	v3 =	vld [tilespmem:$0x4E80]  }
0x51: {  	v0 =	vadd.f32 v2, v0  }
0x52: {  	v2 =	vld [tilespmem:$0x4F00]  }
0x53: {  	v0 =	vadd.f32 v1, v0  }
0x54: {  	v1 =	vld [tilespmem:$0x4F80]  }
0x55: {  	v0 =	vadd.f32 v3, v0  }
0x56: {  	v3 =	vld [tilespmem:$0x5000]  }
0x57: {  	v0 =	vadd.f32 v2, v0  }
0x58: {  	v2 =	vld [tilespmem:$0x5080]  }
0x59: {  	v0 =	vadd.f32 v1, v0  }
0x5a: {  	v1 =	vld [tilespmem:$0x5100]  }
0x5b: {  	v0 =	vadd.f32 v3, v0  }
0x5c: {  	v3 =	vld [tilespmem:$0x5180]  }
0x5d: {  	v0 =	vadd.f32 v2, v0  }
0x5e: {  	v2 =	vld [tilespmem:$0x5200]  }
0x5f: {  	v0 =	vadd.f32 v1, v0  }
0x60: {  	v1 =	vld [tilespmem:$0x5280]  }
0x61: {  	v0 =	vadd.f32 v3, v0  }
0x62: {  	v3 =	vld [tilespmem:$0x5300]  }
0x63: {  	v0 =	vadd.f32 v2, v0  }
0x64: {  	v2 =	vld [tilespmem:$0x5380]  }
0x65: {  	v0 =	vadd.f32 v1, v0  }
0x66: {  	v1 =	vld [tilespmem:$0x5400]  }
0x67: {  	v0 =	vadd.f32 v3, v0  }
0x68: {  	v3 =	vld [tilespmem:$0x5480]  }
0x69: {  	v0 =	vadd.f32 v2, v0  }
0x6a: {  	v2 =	vld [tilespmem:$0x5500]  }
0x6b: {  	v0 =	vadd.f32 v1, v0  }
0x6c: {  	v1 =	vld [tilespmem:$0x5580]  }
0x6d: {  	v0 =	vadd.f32 v3, v0  }
0x6e: {  	v3 =	vld [tilespmem:$0x5600]  }
0x6f: {  	v0 =	vadd.f32 v2, v0  }
0x70: {  	v2 =	vld [tilespmem:$0x5680]  }
0x71: {  	v0 =	vadd.f32 v1, v0  }
0x72: {  	v1 =	vld [tilespmem:$0x5700]  }
0x73: {  	v0 =	vadd.f32 v3, v0  }
0x74: {  	v3 =	vld [tilespmem:$0x5780]  }
0x75: {  	v0 =	vadd.f32 v2, v0  }
0x76: {  	v2 =	vld [tilespmem:$0x5800]  }
0x77: {  	v0 =	vadd.f32 v1, v0  }
0x78: {  	v1 =	vld [tilespmem:$0x5880]  }
0x79: {  	v0 =	vadd.f32 v3, v0  }
0x7a: {  	v3 =	vld [tilespmem:$0x5900]  }
0x7b: {  	v0 =	vadd.f32 v2, v0  }
0x7c: {  	v2 =	vld [tilespmem:$0x5980]  }
0x7d: {  	v0 =	vadd.f32 v1, v0  }
0x7e: {  	v1 =	vld [tilespmem:$0x5A00]  }
0x7f: {  	v0 =	vadd.f32 v3, v0  }
0x80: {  	v3 =	vld [tilespmem:$0x5A80]  }
0x81: {  	v0 =	vadd.f32 v2, v0  }
0x82: {  	v2 =	vld [tilespmem:$0x5B00]  }
0x83: {  	v0 =	vadd.f32 v1, v0  }
0x84: {  	v1 =	vld [tilespmem:$0x5B80]  }
0x85: {  	v0 =	vadd.f32 v3, v0  }
0x86: {  	v3 =	vld [tilespmem:$0x5C00]  }
0x87: {  	v0 =	vadd.f32 v2, v0  }
0x88: {  	v2 =	vld [tilespmem:$0x5C80]  }
0x89: {  	v0 =	vadd.f32 v1, v0  }
0x8a: {  	v1 =	vld [tilespmem:$0x5D00]  }
0x8b: {  	v0 =	vadd.f32 v3, v0  }
0x8c: {  	v3 =	vld [tilespmem:$0x5D80]  }
0x8d: {  	v0 =	vadd.f32 v2, v0  }
0x8e: {  	v2 =	vld [tilespmem:$0x5E00]  }
0x8f: {  	v0 =	vadd.f32 v1, v0  }
0x90: {  	v1 =	vld [tilespmem:$0x5E80]  }
0x91: {  	v0 =	vadd.f32 v3, v0  }
0x92: {  	v3 =	vld [tilespmem:$0x5F00]  }
0x93: {  	v0 =	vadd.f32 v2, v0  }
0x94: {  	v2 =	vld [tilespmem:$0x5F80]  }
0x95: {  	v0 =	vadd.f32 v1, v0  }
0x96: {  	v1 =	vld [tilespmem:$0x6000]  }
0x97: {  	v0 =	vadd.f32 v3, v0  }
0x98: {  	v3 =	vld [tilespmem:$0x6080]  }
0x99: {  	v0 =	vadd.f32 v2, v0  }
0x9a: {  	v2 =	vld [tilespmem:$0x6100]  }
0x9b: {  	v0 =	vadd.f32 v1, v0  }
0x9c: {  	v1 =	vld [tilespmem:$0x6180]  }
0x9d: {  	v0 =	vadd.f32 v3, v0  }
0x9e: {  	v3 =	vld [tilespmem:$0x6200]  }
0x9f: {  	v0 =	vadd.f32 v2, v0  }
0xa0: {  	v2 =	vld [tilespmem:$0x6280]  }
0xa1: {  	v0 =	vadd.f32 v1, v0  }
0xa2: {  	v1 =	vld [tilespmem:$0x6300]  }
0xa3: {  	v0 =	vadd.f32 v3, v0  }
0xa4: {  	v3 =	vld [tilespmem:$0x6380]  }
0xa5: {  	v0 =	vadd.f32 v2, v0  }
0xa6: {  	v2 =	vld [tilespmem:$0x6400]  }
0xa7: {  	v0 =	vadd.f32 v1, v0  }
0xa8: {  	v1 =	vld [tilespmem:$0x6480]  }
0xa9: {  	v0 =	vadd.f32 v3, v0  }
0xaa: {  	v3 =	vld [tilespmem:$0x6500]  }
0xab: {  	v0 =	vadd.f32 v2, v0  }
0xac: {  	v2 =	vld [tilespmem:$0x6580]  }
0xad: {  	v0 =	vadd.f32 v1, v0  }
0xae: {  	v4 =	vld [tilespmem:$0x6600]  }
0xaf: {  	v3 =	vadd.f32 v3, v0  }
0xb0: {  	v1 =	vld [tilespmem:$0x6680]  }
0xb1: {  	s31 =	simm.s32 $0x80;
	v5 =	vld [tilespmem:$0x6700];
	v2 =	vadd.f32 v2, v3  }
0xb2: {  	v0 =	vld [tilespmem:$0x6780];
	[tilespmem:s11], [sflag:$0x1] =	stream.indirect.gather [hbm4b:s3+s10], $0x80, s31, s10, $0xb8  }
0xb3: {  	_ =	swait.ge [sflag:s12], $0x2800;
	v2 =	vadd.f32 v4, v2  }
0xb4: {  	[sflag:s12] =	ssyncset.done $0x0  }
0xb5: {  	[sflag:s12] =	ssyncadd.s32 $0xFFFFD800;
	v1 =	vadd.f32 v1, v2  }
0xb6: {  	v3 =	vld [tilespmem:$0x4000]  }
0xb7: {  	v2 =	vld [tilespmem:$0x4080];
	v4 =	vadd.f32 v5, v1  }
0xb8: {  	s14 =	simm.s32 $0x400;
	v1 =	vld [tilespmem:$0x4100]  }
.LBB2_2:
0xb9: {  	p0 =	sne.s32 s14, $0xF800;
	v5 =	vld [tilespmem:$0x4180];
	v0 =	vadd.f32 v0, v4;
	s15 =	smov.u32 s14;
	s14 =	sadd.s32 $0x200, s14  }
0xba: {  	v4 =	vld [tilespmem:$0x4200]  }
0xbb: {  	v0 =	vadd.f32 v3, v0;
	v3 =	vld [tilespmem:$0x4280]  }
0xbc: {  	v6 =	vld [tilespmem:$0x4300]  }
0xbd: {  	v0 =	vadd.f32 v2, v0;
	v2 =	vld [tilespmem:$0x4380]  }
0xbe: {  	v7 =	vld [tilespmem:$0x4400]  }
0xbf: {  	v0 =	vadd.f32 v1, v0;
	v1 =	vld [tilespmem:$0x4480]  }
0xc0: {  	v8 =	vld [tilespmem:$0x4500]  }
0xc1: {  	v0 =	vadd.f32 v5, v0;
	v5 =	vld [tilespmem:$0x4580]  }
0xc2: {  	v9 =	vld [tilespmem:$0x4600]  }
0xc3: {  	v0 =	vadd.f32 v4, v0;
	v4 =	vld [tilespmem:$0x4680]  }
0xc4: {  	v10 =	vld [tilespmem:$0x4700]  }
0xc5: {  	v0 =	vadd.f32 v3, v0;
	v3 =	vld [tilespmem:$0x4780]  }
0xc6: {  	v11 =	vld [tilespmem:$0x4800]  }
0xc7: {  	v0 =	vadd.f32 v6, v0;
	v6 =	vld [tilespmem:$0x4880]  }
0xc8: {  	v12 =	vld [tilespmem:$0x4900]  }
0xc9: {  	v0 =	vadd.f32 v2, v0;
	v2 =	vld [tilespmem:$0x4980]  }
0xca: {  	v13 =	vld [tilespmem:$0x4A00]  }
0xcb: {  	v0 =	vadd.f32 v7, v0;
	v7 =	vld [tilespmem:$0x4A80]  }
0xcc: {  	v14 =	vld [tilespmem:$0x4B00]  }
0xcd: {  	v0 =	vadd.f32 v1, v0;
	v1 =	vld [tilespmem:$0x4B80]  }
0xce: {  	v15 =	vld [tilespmem:$0x4C00]  }
0xcf: {  	v0 =	vadd.f32 v8, v0;
	v8 =	vld [tilespmem:$0x4C80]  }
0xd0: {  	v16 =	vld [tilespmem:$0x4D00]  }
0xd1: {  	v0 =	vadd.f32 v5, v0;
	v5 =	vld [tilespmem:$0x4D80]  }
0xd2: {  	v17 =	vld [tilespmem:$0x4E00]  }
0xd3: {  	v0 =	vadd.f32 v9, v0;
	v9 =	vld [tilespmem:$0x4E80]  }
0xd4: {  	v18 =	vld [tilespmem:$0x4F00]  }
0xd5: {  	v0 =	vadd.f32 v4, v0;
	v4 =	vld [tilespmem:$0x4F80]  }
0xd6: {  	v19 =	vld [tilespmem:$0x5000]  }
0xd7: {  	v0 =	vadd.f32 v10, v0;
	v10 =	vld [tilespmem:$0x5080]  }
0xd8: {  	v20 =	vld [tilespmem:$0x5100]  }
0xd9: {  	v0 =	vadd.f32 v3, v0;
	v3 =	vld [tilespmem:$0x5180]  }
0xda: {  	v21 =	vld [tilespmem:$0x5200]  }
0xdb: {  	v0 =	vadd.f32 v11, v0;
	v11 =	vld [tilespmem:$0x5280]  }
0xdc: {  	v22 =	vld [tilespmem:$0x5300]  }
0xdd: {  	v0 =	vadd.f32 v6, v0;
	v6 =	vld [tilespmem:$0x5380]  }
0xde: {  	v23 =	vld [tilespmem:$0x5400]  }
0xdf: {  	v0 =	vadd.f32 v12, v0;
	v12 =	vld [tilespmem:$0x5480]  }
0xe0: {  	v24 =	vld [tilespmem:$0x5500]  }
0xe1: {  	v0 =	vadd.f32 v2, v0;
	v25 =	vld [tilespmem:$0x5580]  }
0xe2: {  	v26 =	vld [tilespmem:$0x5600]  }
0xe3: {  	v0 =	vadd.f32 v13, v0;
	v13 =	vld [tilespmem:$0x5680]  }
0xe4: {  	v27 =	vld [tilespmem:$0x5700]  }
0xe5: {  	v0 =	vadd.f32 v7, v0;
	v7 =	vld [tilespmem:$0x5780]  }
0xe6: {  	v28 =	vld [tilespmem:$0x5800]  }
0xe7: {  	v0 =	vadd.f32 v14, v0;
	v14 =	vld [tilespmem:$0x5880]  }
0xe8: {  	v29 =	vld [tilespmem:$0x5900]  }
0xe9: {  	v0 =	vadd.f32 v1, v0;
	v30 =	vld [tilespmem:$0x5980]  }
0xea: {  	v31 =	vld [tilespmem:$0x5A00]  }
0xeb: {  	v0 =	vadd.f32 v15, v0;
	v15 =	vld [tilespmem:$0x5A80]  }
0xec: {  	v32 =	vld [tilespmem:$0x5B00]  }
0xed: {  	v0 =	vadd.f32 v8, v0;
	v8 =	vld [tilespmem:$0x5B80]  }
0xee: {  	v33 =	vld [tilespmem:$0x5C00]  }
0xef: {  	v0 =	vadd.f32 v16, v0;
	v16 =	vld [tilespmem:$0x5C80]  }
0xf0: {  	v34 =	vld [tilespmem:$0x5D00]  }
0xf1: {  	v0 =	vadd.f32 v5, v0;
	v5 =	vld [tilespmem:$0x5D80]  }
0xf2: {  	v35 =	vld [tilespmem:$0x5E00]  }
0xf3: {  	v0 =	vadd.f32 v17, v0;
	v17 =	vld [tilespmem:$0x5E80]  }
0xf4: {  	v36 =	vld [tilespmem:$0x5F00]  }
0xf5: {  	v0 =	vadd.f32 v9, v0;
	v9 =	vld [tilespmem:$0x5F80]  }
0xf6: {  	v37 =	vld [tilespmem:$0x6000]  }
0xf7: {  	v0 =	vadd.f32 v18, v0;
	v18 =	vld [tilespmem:$0x6080]  }
0xf8: {  	v38 =	vld [tilespmem:$0x6100]  }
0xf9: {  	v0 =	vadd.f32 v4, v0;
	v4 =	vld [tilespmem:$0x6180]  }
0xfa: {  	v39 =	vld [tilespmem:$0x6200]  }
0xfb: {  	v0 =	vadd.f32 v19, v0;
	v19 =	vld [tilespmem:$0x6280]  }
0xfc: {  	v40 =	vld [tilespmem:$0x6300]  }
0xfd: {  	v0 =	vadd.f32 v10, v0;
	v10 =	vld [tilespmem:$0x6380]  }
0xfe: {  	v41 =	vld [tilespmem:$0x6400]  }
0xff: {  	v0 =	vadd.f32 v20, v0;
	v20 =	vld [tilespmem:$0x6480]  }
0x100: {  	v42 =	vld [tilespmem:$0x6500]  }
0x101: {  	v0 =	vadd.f32 v3, v0;
	v3 =	vld [tilespmem:$0x6580]  }
0x102: {  	v43 =	vld [tilespmem:$0x6600]  }
0x103: {  	v0 =	vadd.f32 v21, v0;
	v2 =	vld [tilespmem:$0x6680]  }
0x104: {  	v1 =	vld [tilespmem:$0x6700]  }
0x105: {  	v11 =	vadd.f32 v11, v0;
	v0 =	vld [tilespmem:$0x6780];
	_ =	sdelay $0x1  }
0x106: {  	v11 =	vadd.f32 v22, v11;
	_ =	sdelay $0x1  }
0x107: {  	v6 =	vadd.f32 v6, v11;
	_ =	sdelay $0x1  }
0x108: {  	v6 =	vadd.f32 v23, v6;
	_ =	sdelay $0x1  }
0x109: {  	v6 =	vadd.f32 v12, v6;
	_ =	sdelay $0x1  }
0x10a: {  	v6 =	vadd.f32 v24, v6;
	_ =	sdelay $0x1  }
0x10b: {  	v6 =	vadd.f32 v25, v6;
	_ =	sdelay $0x1  }
0x10c: {  	v6 =	vadd.f32 v26, v6;
	_ =	sdelay $0x1  }
0x10d: {  	v6 =	vadd.f32 v13, v6;
	_ =	sdelay $0x1  }
0x10e: {  	v6 =	vadd.f32 v27, v6;
	_ =	sdelay $0x1  }
0x10f: {  	v6 =	vadd.f32 v7, v6;
	_ =	sdelay $0x1  }
0x110: {  	v6 =	vadd.f32 v28, v6;
	_ =	sdelay $0x1  }
0x111: {  	v6 =	vadd.f32 v14, v6;
	_ =	sdelay $0x1  }
0x112: {  	v6 =	vadd.f32 v29, v6;
	_ =	sdelay $0x1  }
0x113: {  	v6 =	vadd.f32 v30, v6;
	_ =	sdelay $0x1  }
0x114: {  	v6 =	vadd.f32 v31, v6;
	_ =	sdelay $0x1  }
0x115: {  	v6 =	vadd.f32 v15, v6;
	_ =	sdelay $0x1  }
0x116: {  	v6 =	vadd.f32 v32, v6;
	_ =	sdelay $0x1  }
0x117: {  	v6 =	vadd.f32 v8, v6;
	_ =	sdelay $0x1  }
0x118: {  	v6 =	vadd.f32 v33, v6;
	_ =	sdelay $0x1  }
0x119: {  	v6 =	vadd.f32 v16, v6;
	_ =	sdelay $0x1  }
0x11a: {  	v6 =	vadd.f32 v34, v6;
	_ =	sdelay $0x1  }
0x11b: {  	v5 =	vadd.f32 v5, v6;
	_ =	sdelay $0x1  }
0x11c: {  	v5 =	vadd.f32 v35, v5;
	_ =	sdelay $0x1  }
0x11d: {  	v5 =	vadd.f32 v17, v5;
	_ =	sdelay $0x1  }
0x11e: {  	v5 =	vadd.f32 v36, v5;
	_ =	sdelay $0x1  }
0x11f: {  	v5 =	vadd.f32 v9, v5;
	_ =	sdelay $0x1  }
0x120: {  	v5 =	vadd.f32 v37, v5;
	_ =	sdelay $0x1  }
0x121: {  	v5 =	vadd.f32 v18, v5;
	_ =	sdelay $0x1  }
0x122: {  	v5 =	vadd.f32 v38, v5;
	_ =	sdelay $0x1  }
0x123: {  	v4 =	vadd.f32 v4, v5;
	_ =	sdelay $0x1  }
0x124: {  	v4 =	vadd.f32 v39, v4;
	_ =	sdelay $0x1  }
0x125: {  	v4 =	vadd.f32 v19, v4;
	_ =	sdelay $0x1  }
0x126: {  	v4 =	vadd.f32 v40, v4;
	_ =	sdelay $0x1  }
0x127: {  	v4 =	vadd.f32 v10, v4;
	_ =	sdelay $0x1  }
0x128: {  	v4 =	vadd.f32 v41, v4;
	_ =	sdelay $0x1  }
0x129: {  	v4 =	vadd.f32 v20, v4;
	_ =	sdelay $0x1  }
0x12a: {  	v4 =	vadd.f32 v42, v4;
	_ =	sdelay $0x1  }
0x12b: {  	s15 =	sshra.s32 s15, $0x2;
	v3 =	vadd.f32 v3, v4  }
0x12c: {  	[tilespmem:s11], [sflag:$0x1] =	stream.indirect.gather [hbm4b:s3+s10], $0x80, s15, s10, $0xb8;
	[tilespmem:$0x6C00] =	vst v63  }
0x12d: {  	_ =	swait.ge [sflag:s12], $0x2800;
	v3 =	vadd.f32 v43, v3  }
.Ltmp0:
0x12e: {  	[sflag:s12] =	ssyncset.done $0x0;
	(pc) =	sbr.rel @p0 .LBB2_2-.Ltmp0, $4  }
0x12f: {  	[sflag:s12] =	ssyncadd.s32 $0xFFFFD800;
	v4 =	vadd.f32 v2, v3  }
0x130: {  	v3 =	vld [tilespmem:$0x4000]  }
0x131: {  	v2 =	vld [tilespmem:$0x4080];
	v4 =	vadd.f32 v1, v4  }
0x132: {  	v1 =	vld [tilespmem:$0x4100]  }
0x133: {  	v0 =	vadd.f32 v0, v4;
	_ =	sdelay $0x1  }
0x134: {  	v0 =	vadd.f32 v3, v0  }
0x135: {  	v45 =	vld [tilespmem:$0x4180]  }
0x136: {  	v0 =	vadd.f32 v2, v0  }
0x137: {  	v46 =	vld [tilespmem:$0x4200]  }
0x138: {  	v0 =	vadd.f32 v1, v0  }
0x139: {  	v47 =	vld [tilespmem:$0x4280]  }
0x13a: {  	v0 =	vadd.f32 v45, v0  }
0x13b: {  	v48 =	vld [tilespmem:$0x4300]  }
0x13c: {  	v0 =	vadd.f32 v46, v0  }
0x13d: {  	v49 =	vld [tilespmem:$0x4380]  }
0x13e: {  	v0 =	vadd.f32 v47, v0  }
0x13f: {  	v50 =	vld [tilespmem:$0x4400]  }
0x140: {  	v0 =	vadd.f32 v48, v0  }
0x141: {  	v51 =	vld [tilespmem:$0x4480]  }
0x142: {  	v0 =	vadd.f32 v49, v0  }
0x143: {  	v52 =	vld [tilespmem:$0x4500]  }
0x144: {  	v0 =	vadd.f32 v50, v0  }
0x145: {  	v53 =	vld [tilespmem:$0x4580]  }
0x146: {  	v0 =	vadd.f32 v51, v0  }
0x147: {  	v54 =	vld [tilespmem:$0x4600]  }
0x148: {  	v0 =	vadd.f32 v52, v0  }
0x149: {  	v55 =	vld [tilespmem:$0x4680]  }
0x14a: {  	v0 =	vadd.f32 v53, v0  }
0x14b: {  	v56 =	vld [tilespmem:$0x4700]  }
0x14c: {  	v0 =	vadd.f32 v54, v0  }
0x14d: {  	v57 =	vld [tilespmem:$0x4780]  }
0x14e: {  	v0 =	vadd.f32 v55, v0  }
0x14f: {  	v58 =	vld [tilespmem:$0x4800]  }
0x150: {  	v0 =	vadd.f32 v56, v0  }
0x151: {  	v59 =	vld [tilespmem:$0x4880]  }
0x152: {  	v0 =	vadd.f32 v57, v0  }
0x153: {  	v60 =	vld [tilespmem:$0x4900]  }
0x154: {  	v0 =	vadd.f32 v58, v0  }
0x155: {  	v61 =	vld [tilespmem:$0x4980]  }
0x156: {  	v0 =	vadd.f32 v59, v0  }
0x157: {  	v62 =	vld [tilespmem:$0x4A00]  }
0x158: {  	v0 =	vadd.f32 v60, v0  }
0x159: {  	v63 =	vld [tilespmem:$0x4A80]  }
0x15a: {  	v0 =	vadd.f32 v61, v0  }
0x15b: {  	v6 =	vld [tilespmem:$0x4B00]  }
0x15c: {  	v0 =	vadd.f32 v62, v0  }
0x15d: {  	v7 =	vld [tilespmem:$0x4B80]  }
0x15e: {  	v0 =	vadd.f32 v63, v0  }
0x15f: {  	v8 =	vld [tilespmem:$0x4C00]  }
0x160: {  	v0 =	vadd.f32 v6, v0  }
0x161: {  	v9 =	vld [tilespmem:$0x4C80]  }
0x162: {  	v0 =	vadd.f32 v7, v0  }
0x163: {  	v10 =	vld [tilespmem:$0x4D00]  }
0x164: {  	v0 =	vadd.f32 v8, v0  }
0x165: {  	v11 =	vld [tilespmem:$0x4D80]  }
0x166: {  	v0 =	vadd.f32 v9, v0  }
0x167: {  	v12 =	vld [tilespmem:$0x4E00]  }
0x168: {  	v0 =	vadd.f32 v10, v0  }
0x169: {  	v13 =	vld [tilespmem:$0x4E80]  }
0x16a: {  	v0 =	vadd.f32 v11, v0  }
0x16b: {  	v14 =	vld [tilespmem:$0x4F00]  }
0x16c: {  	v0 =	vadd.f32 v12, v0  }
0x16d: {  	v15 =	vld [tilespmem:$0x4F80]  }
0x16e: {  	v0 =	vadd.f32 v13, v0  }
0x16f: {  	v16 =	vld [tilespmem:$0x5000]  }
0x170: {  	v0 =	vadd.f32 v14, v0  }
0x171: {  	v17 =	vld [tilespmem:$0x5080]  }
0x172: {  	v0 =	vadd.f32 v15, v0  }
0x173: {  	v18 =	vld [tilespmem:$0x5100]  }
0x174: {  	v0 =	vadd.f32 v16, v0  }
0x175: {  	v19 =	vld [tilespmem:$0x5180]  }
0x176: {  	v0 =	vadd.f32 v17, v0  }
0x177: {  	v20 =	vld [tilespmem:$0x5200]  }
0x178: {  	v0 =	vadd.f32 v18, v0  }
0x179: {  	v21 =	vld [tilespmem:$0x5280]  }
0x17a: {  	v0 =	vadd.f32 v19, v0  }
0x17b: {  	v22 =	vld [tilespmem:$0x5300]  }
0x17c: {  	v0 =	vadd.f32 v20, v0  }
0x17d: {  	v23 =	vld [tilespmem:$0x5380]  }
0x17e: {  	v0 =	vadd.f32 v21, v0  }
0x17f: {  	v24 =	vld [tilespmem:$0x5400]  }
0x180: {  	v0 =	vadd.f32 v22, v0  }
0x181: {  	v25 =	vld [tilespmem:$0x5480]  }
0x182: {  	v0 =	vadd.f32 v23, v0  }
0x183: {  	v26 =	vld [tilespmem:$0x5500]  }
0x184: {  	v0 =	vadd.f32 v24, v0  }
0x185: {  	v27 =	vld [tilespmem:$0x5580]  }
0x186: {  	v0 =	vadd.f32 v25, v0  }
0x187: {  	v28 =	vld [tilespmem:$0x5600]  }
0x188: {  	v0 =	vadd.f32 v26, v0  }
0x189: {  	v29 =	vld [tilespmem:$0x5680]  }
0x18a: {  	v0 =	vadd.f32 v27, v0  }
0x18b: {  	v30 =	vld [tilespmem:$0x5700]  }
0x18c: {  	v0 =	vadd.f32 v28, v0  }
0x18d: {  	v31 =	vld [tilespmem:$0x5780]  }
0x18e: {  	v0 =	vadd.f32 v29, v0  }
0x18f: {  	v32 =	vld [tilespmem:$0x5800]  }
0x190: {  	v0 =	vadd.f32 v30, v0  }
0x191: {  	v33 =	vld [tilespmem:$0x5880]  }
0x192: {  	v0 =	vadd.f32 v31, v0  }
0x193: {  	v34 =	vld [tilespmem:$0x5900]  }
0x194: {  	v0 =	vadd.f32 v32, v0  }
0x195: {  	v35 =	vld [tilespmem:$0x5980]  }
0x196: {  	v0 =	vadd.f32 v33, v0  }
0x197: {  	v36 =	vld [tilespmem:$0x5A00]  }
0x198: {  	v0 =	vadd.f32 v34, v0  }
0x199: {  	v37 =	vld [tilespmem:$0x5A80]  }
0x19a: {  	v0 =	vadd.f32 v35, v0  }
0x19b: {  	v38 =	vld [tilespmem:$0x5B00]  }
0x19c: {  	v0 =	vadd.f32 v36, v0  }
0x19d: {  	v39 =	vld [tilespmem:$0x5B80]  }
0x19e: {  	v0 =	vadd.f32 v37, v0  }
0x19f: {  	v40 =	vld [tilespmem:$0x5C00]  }
0x1a0: {  	v0 =	vadd.f32 v38, v0  }
0x1a1: {  	v41 =	vld [tilespmem:$0x5C80]  }
0x1a2: {  	v0 =	vadd.f32 v39, v0  }
0x1a3: {  	v42 =	vld [tilespmem:$0x5D00]  }
0x1a4: {  	v0 =	vadd.f32 v40, v0  }
0x1a5: {  	v43 =	vld [tilespmem:$0x5D80]  }
0x1a6: {  	v0 =	vadd.f32 v41, v0  }
0x1a7: {  	v44 =	vld [tilespmem:$0x5E00]  }
0x1a8: {  	v0 =	vadd.f32 v42, v0  }
0x1a9: {  	v45 =	vld [tilespmem:$0x5E80]  }
0x1aa: {  	v0 =	vadd.f32 v43, v0  }
0x1ab: {  	v46 =	vld [tilespmem:$0x5F00]  }
0x1ac: {  	v0 =	vadd.f32 v44, v0  }
0x1ad: {  	v47 =	vld [tilespmem:$0x5F80]  }
0x1ae: {  	v0 =	vadd.f32 v45, v0  }
0x1af: {  	v48 =	vld [tilespmem:$0x6000]  }
0x1b0: {  	v0 =	vadd.f32 v46, v0  }
0x1b1: {  	v49 =	vld [tilespmem:$0x6080]  }
0x1b2: {  	v0 =	vadd.f32 v47, v0  }
0x1b3: {  	v50 =	vld [tilespmem:$0x6100]  }
0x1b4: {  	v0 =	vadd.f32 v48, v0  }
0x1b5: {  	v51 =	vld [tilespmem:$0x6180]  }
0x1b6: {  	v0 =	vadd.f32 v49, v0  }
0x1b7: {  	v52 =	vld [tilespmem:$0x6200]  }
0x1b8: {  	v0 =	vadd.f32 v50, v0  }
0x1b9: {  	v53 =	vld [tilespmem:$0x6280]  }
0x1ba: {  	v0 =	vadd.f32 v51, v0  }
0x1bb: {  	v54 =	vld [tilespmem:$0x6300]  }
0x1bc: {  	v0 =	vadd.f32 v52, v0  }
0x1bd: {  	v55 =	vld [tilespmem:$0x6380]  }
0x1be: {  	v0 =	vadd.f32 v53, v0  }
0x1bf: {  	v56 =	vld [tilespmem:$0x6400]  }
0x1c0: {  	v0 =	vadd.f32 v54, v0  }
0x1c1: {  	v57 =	vld [tilespmem:$0x6480]  }
0x1c2: {  	v0 =	vadd.f32 v55, v0  }
0x1c3: {  	v58 =	vld [tilespmem:$0x6500]  }
0x1c4: {  	v0 =	vadd.f32 v56, v0  }
0x1c5: {  	v59 =	vld [tilespmem:$0x6580]  }
0x1c6: {  	v0 =	vadd.f32 v57, v0  }
0x1c7: {  	v60 =	vld [tilespmem:$0x6600]  }
0x1c8: {  	v0 =	vadd.f32 v58, v0  }
0x1c9: {  	v61 =	vld [tilespmem:$0x6680]  }
0x1ca: {  	v0 =	vadd.f32 v59, v0  }
0x1cb: {  	v62 =	vld [tilespmem:$0x6700]  }
0x1cc: {  	v0 =	vadd.f32 v60, v0  }
0x1cd: {  	v63 =	vld [tilespmem:$0x6780]  }
0x1ce: {  	v0 =	vadd.f32 v61, v0;
	_ =	sdelay $0x1  }
0x1cf: {  	v0 =	vadd.f32 v62, v0;
	_ =	sdelay $0x1  }
0x1d0: {  	s13 =	sadd.s32 $0x1, s13;
	v0 =	vadd.f32 v63, v0  }
0x1d1: {  	p0 =	sne.s32 s13, s7  }
.Ltmp1:
0x1d2: {  	[tilespmem:$0x6800] =	vst v0;
	(pc) =	sbr.rel @p0 .LBB2_1-.Ltmp1, $4  }
0x1d3: {  	[hbm4b:s6+s2] =	stream.linear.scatter [tilespmem:s9], [sflag:$0x2], $0x400, $0x38;
	[tilespmem:$0x6C00] =	vst v63  }
0x1d4: {  	_ =	swait.ge [sflag:s8], $0x400  }
0x1d5: {  	[sflag:s8] =	ssyncset.done $0x0  }
0x1d6: {  	[sflag:s8] =	ssyncadd.s32 $0xFFFFFC00  }
0x1d7: {  	_ =	sfence.sel $0x180000  }
0x1d8: {  	[bflag:$0x0] =	sbarrier.arrive $0xFFFF  }
0x1d9: {  	p0 =	sne.s32 s1, $0x0;
	_ =	strace $0x90000047  }
0x1da: {  	s0 =	sadd.s32 @!p0 $0x100000, s0;
	[bflag:$0x2] =	sbarrier.arrive $0xFFFF  }
0x1db: {  	[sflag:s0] =	ssyncadd.tile.s32 @!p0 $0x1;
	_ =	shalt  }
.Lfunc_end2:
_tile_overlayer_lowered:
.L_overlay_start_2:
0x1dc: {  	(tag) =	ssettag $0x2  }
0x1dd: {  	s0 =	rddreg [dreg:$0x0];
	s2 =	stileid.u32  }
0x1de: {  	s1 =	rddreg [dreg:$0x1];
	p0 =	sne.s32 s2, $0x0  }
0x1df: {  	s3 =	rddreg [dreg:$0x2];
	[bflag:$0x3] =	sbarrier.arrive $0xFFFF;
	s2 =	simm.s32 @!p0 $0x1C02  }
0x1e0: {  	[timem:s3], [sflag:s2] =	dma.local @!p0 [hbm:s0], s1  }
0x1e1: {  	s0 =	simm.s32 @!p0 $0x2  }
0x1e2: {  	_ =	swait.ge @!p0 [sflag:s0], s1  }
0x1e3: {  	s1 =	ssub.s32 @!p0 $0x0, s1;
	[sflag:s0] =	ssyncset.done @!p0 $0x0  }
0x1e4: {  	[sflag:s0] =	ssyncadd.s32 @!p0 s1  }
0x1e5: {  	[bflag:$0x3] =	sbarrier.arrive $0xFFFF  }
0x1e6: {  	_ =	shalt  }

// kernel: kernel.21.cloned.1.call-start
scs
__scs_entry_jumppad:
0x0: {  	(pc) =	sbr.rel $0x88, $3  }
0x1: {  	(tag) =	ssettag $0x0;
	lr =	simm.s32 $0x1  }
0x2: {  	[smem:$0x3F6E] =	sst lr;
	_ =	strace $0xD0000000  }
0x3: {  	_ = 	snop  }
0x4: {  	_ = 	snop  }
0x5: {  	_ = 	snop  }
0x6: {  	_ = 	snop  }
0x7: {  	_ = 	snop  }
__scs_overlays_trampoline_lowered:
0x8: {  	[smem:$0x3F7D] =	sst s0  }
0x9: {  	[smem:$0x3F7E] =	sst s1  }
0xa: {  	[smem:$0x3F7F] =	sst s2  }
0xb: {  	[smem:$0x3F80] =	sst s3  }
0xc: {  	[smem:$0x3F81] =	sst s4  }
0xd: {  	[smem:$0x3F82] =	sst s5  }
0xe: {  	[smem:$0x3F83] =	sst s6  }
0xf: {  	[smem:$0x3F84] =	sst s7  }
0x10: {  	[smem:$0x3F85] =	sst s8  }
0x11: {  	[smem:$0x3F86] =	sst s9;
	s0 =	simm.s32 @!p0 $0x0  }
0x12: {  	s1 =	sld [smem:$0x3F6C];
	s0 =	simm.s32 @p0 $0x1  }
0x13: {  	[smem:$0x3F87] =	sst s0;
	s0 =	simm.s32 @!p1 $0x0  }
0x14: {  	s2 =	sld [smem:$0x3F6B];
	s0 =	simm.s32 @p1 $0x1  }
0x15: {  	[smem:$0x3F88] =	sst s0;
	s0 =	simm.s32 @!p2 $0x0  }
0x16: {  	s3 =	sld [smem:$0x3FDB];
	s0 =	simm.s32 @p2 $0x1  }
0x17: {  	s4 =	simm.s32 $0x1BF5;
	[smem:$0x3F8A] =	sst s0  }
0x18: {  	s0 =	sld [smem:$0x3F6D];
	_ =	swait.ge [sflag:s4], $0x0  }
0x19: {  	s7 =	sld [smem:$0x3F6E]  }
0x1a: {  	s8 =	sadd.s32 $0xFFFFE003, lr  }
0x1b: {  	s9 =	sadd.s32 $0xFFFFFEF7, lr;
	s5 =	simm.s32 $0xFFFFFFFF;
	p2 =	slt.u32 s8, $0xFFFFF086  }
0x1c: {  	p1 =	slt.u32 s9, $0xF7A;
	s5 =	simm.s32 @!p2 $0x0  }
0x1d: {  	s5 =	simm.s32 @p1 $0x1;
	p0 =	seq.s32 s7, s2  }
0x1e: {  	s7 =	smul.u32 @!p0 $0xF7A, s2;
	p2 =	seq.s32 @!p0 s5, $0x0  }
0x1f: {  	s9 =	smul.u32 $0xF7A, s1;
	s8 =	simm.s32 @!p0 $0x1BF5;
	p2 =	por !p2, p0  }
0x20: {  	[sflag:s8] =	ssyncset.s32 @!p0 $0xFFFFF086;
	s6 =	sadd.s32 @!p0 s3, s7;
	s7 =	simm.s32 @!p0 $0x108  }
0x21: {  	s3 =	sadd.s32 s3, s9;
	s6 =	sadd.s32 @!p0 $0x88, s6;
	s7 =	simm.s32 @p2 $0x1082  }
0x22: {  	[simem:s7], [sflag:s8] =	dma.local @!p0 [hbm:s6], $0xF7A  }
0x23: {  	s9 =	sor.u32 $0xD0000000, s2;
	s6 =	simm.s32 $0x108;
	_ =	swait.ge @!p0 [sflag:s8], $0x0  }
0x24: {  	s3 =	sadd.s32 $0x88, s3;
	s6 =	simm.s32 @!p1 $0x1082;
	[sflag:s4] =	ssyncset.s32 $0xFFFFF086  }
0x25: {  	[simem:s6], [sflag:s4] =	dma.local [hbm:s3], $0xF7A  }
0x26: {  	[smem:$0x3F6E] =	sst s1;
	(tag) =	ssettag s2;
	_ =	strace s9  }
0x27: {  	s1 =	sld [smem:$0x3F7E]  }
0x28: {  	s2 =	sld [smem:$0x3F7F]  }
0x29: {  	s4 =	sld [smem:$0x3F81]  }
0x2a: {  	p0 =	seq.s32 s5, $0x0;
	s5 =	sld [smem:$0x3F82]  }
0x2b: {  	s6 =	sld [smem:$0x3F83]  }
0x2c: {  	s7 =	sld [smem:$0x3F84]  }
0x2d: {  	s3 =	simm.s32 $0x108;
	s8 =	sld [smem:$0x3F85]  }
0x2e: {  	s3 =	simm.s32 @!p0 $0x1082;
	s9 =	sld [smem:$0x3F86]  }
0x2f: {  	lr =	sadd.s32 s0, s3;
	s0 =	sld [smem:$0x3F7D]  }
0x30: {  	s3 =	sld [smem:$0x3F80]  }
0x31: {  	[smem:$0x3F89] =	sst s10  }
0x32: {  	s10 =	sld [smem:$0x3F87];
	_ =	sdelay $0x3  }
0x33: {  	p0 =	seq.s32 s10, $0x1;
	s10 =	sld [smem:$0x3F89];
	_ =	sdelay $0x3  }
0x34: {  	[smem:$0x3F89] =	sst s10  }
0x35: {  	s10 =	sld [smem:$0x3F88];
	_ =	sdelay $0x3  }
0x36: {  	p1 =	seq.s32 s10, $0x1;
	s10 =	sld [smem:$0x3F89];
	_ =	sdelay $0x3  }
0x37: {  	[smem:$0x3F89] =	sst s10  }
0x38: {  	s10 =	sld [smem:$0x3F8A]  }
0x39: {  	_ = 	snop;
	(pc) =	sbr.ind lr, $3  }
0x3a: {  	_ = 	snop  }
0x3b: {  	_ = 	snop  }
0x3c: {  	p2 =	seq.s32 s10, $0x1;
	s10 =	sld [smem:$0x3F89]  }
0x3d: {  	_ =	shalt  }
0x3e: {  	_ =	shalt  }
0x3f: {  	_ =	shalt  }
0x40: {  	_ =	shalt  }
0x41: {  	_ =	shalt  }
0x42: {  	_ =	shalt  }
0x43: {  	_ =	shalt  }
0x44: {  	_ =	shalt  }
0x45: {  	_ =	shalt  }
0x46: {  	_ =	shalt  }
0x47: {  	_ =	shalt  }
0x48: {  	_ =	shalt  }
0x49: {  	_ =	shalt  }
0x4a: {  	_ =	shalt  }
0x4b: {  	_ =	shalt  }
0x4c: {  	_ =	shalt  }
0x4d: {  	_ =	shalt  }
0x4e: {  	_ =	shalt  }
0x4f: {  	_ =	shalt  }
0x50: {  	_ =	shalt  }
0x51: {  	_ =	shalt  }
0x52: {  	_ =	shalt  }
0x53: {  	_ =	shalt  }
0x54: {  	_ =	shalt  }
0x55: {  	_ =	shalt  }
0x56: {  	_ =	shalt  }
0x57: {  	_ =	shalt  }
0x58: {  	_ =	shalt  }
0x59: {  	_ =	shalt  }
0x5a: {  	_ =	shalt  }
0x5b: {  	_ =	shalt  }
0x5c: {  	_ =	shalt  }
0x5d: {  	_ =	shalt  }
0x5e: {  	_ =	shalt  }
0x5f: {  	_ =	shalt  }
0x60: {  	_ =	shalt  }
0x61: {  	_ =	shalt  }
0x62: {  	_ =	shalt  }
0x63: {  	_ =	shalt  }
0x64: {  	_ =	shalt  }
0x65: {  	_ =	shalt  }
0x66: {  	_ =	shalt  }
0x67: {  	_ =	shalt  }
0x68: {  	_ =	shalt  }
0x69: {  	_ =	shalt  }
0x6a: {  	_ =	shalt  }
0x6b: {  	_ =	shalt  }
0x6c: {  	_ =	shalt  }
0x6d: {  	_ =	shalt  }
0x6e: {  	_ =	shalt  }
0x6f: {  	_ =	shalt  }
0x70: {  	_ =	shalt  }
0x71: {  	_ =	shalt  }
0x72: {  	_ =	shalt  }
0x73: {  	_ =	shalt  }
0x74: {  	_ =	shalt  }
0x75: {  	_ =	shalt  }
0x76: {  	_ =	shalt  }
0x77: {  	_ =	shalt  }
0x78: {  	_ =	shalt  }
0x79: {  	_ =	shalt  }
0x7a: {  	_ =	shalt  }
0x7b: {  	_ =	shalt  }
0x7c: {  	_ =	shalt  }
0x7d: {  	_ =	shalt  }
0x7e: {  	_ =	shalt  }
0x7f: {  	_ =	shalt  }
0x80: {  	_ =	shalt  }
0x81: {  	_ =	shalt  }
0x82: {  	_ =	shalt  }
0x83: {  	_ =	shalt  }
0x84: {  	_ =	shalt  }
0x85: {  	_ =	shalt  }
0x86: {  	_ =	shalt  }
0x87: {  	_ =	shalt  }
.Lfunc_end0:
.L_simem_size_0:
called_computation.1_lowered:
.L_overlay_start_0:
0x88: {  	s2 =	sld [smem:$0x3FD9]  }
0x89: {  	s3 =	sld [smem:$0x3FFE];
	_ =	sdelay $0x1  }
0x8a: {  	s1 =	srdreg.scid  }
0x8b: {  	s0 =	sand.u32 $0x1, s1  }
0x8c: {  	s17 =	sshll.u32 s0, $0xA;
	s2 =	sadd.s32 s3, s2  }
0x8d: {  	s2 =	sadd.s32 s2, s17  }
0x8e: {  	[smem:$0x3F95] =	sst s2  }
0x8f: {  	_ = 	snop  }
0x90: {  	(tm) =	ssettm $0x1  }
0x91: {  	s18 =	sld [smem:$0x3FFB];
	_ =	sdelay $0x3  }
0x92: {  	_ =	strace s18  }
0x93: {  	s2 =	sld [smem:$0x3FFC];
	_ =	sdelay $0x3  }
0x94: {  	_ =	strace s2  }
0x95: {  	s2 =	sld [smem:$0x3FFD];
	_ =	sdelay $0x3  }
0x96: {  	_ =	strace s2  }
0x97: {  	_ =	strace $0x8FFFFFFF  }
0x98: {  	s19 =	sld [smem:$0x3FDB];
	_ =	sdelay $0x1  }
0x99: {  	s20 =	simm.s32 $_scs_section_size  }
0x9a: {  	s4 =	simm.s32 $_size__tile_overlayer_lowered;
	s5 =	simm.s32 $_tile_overlayer_lowered  }
0x9b: {  	s6 =	simm.s32 $0x1BFF;
	s21 =	sshll.u32 s5, $0x1;
	s3 =	sadd.s32 s20, s19  }
0x9c: {  	s22 =	simm.s32 $0x0;
	s4 =	sshll.u32 s4, $0x1;
	s5 =	sadd.s32 s21, s3  }
0x9d: {  	[timem:s22], [sflag:s6] =	dma.local [hbm:s5], s4  }
0x9e: {  	_ =	swait.ge [sflag:s6], s4  }
0x9f: {  	s4 =	ssub.s32 $0x0, s4;
	[sflag:s6] =	ssyncset.done $0x0  }
0xa0: {  	[sflag:s6] =	ssyncadd.s32 s4;
	_ =	sdelay $0x1  }
0xa1: {  	s23 =	simm.s32 $0x1B8B  }
0xa2: {  	_ =	swait.ge [sflag:s23], $0x1  }
0xa3: {  	[sflag:s23] =	ssyncset.done $0x0  }
0xa4: {  	[sflag:s23] =	ssyncadd.s32 $0xFFFFFFFF  }
0xa5: {  	s4 =	sld [smem:$0x0]  }
0xa6: {  	s5 =	sand.u32 $0xFFFFFFFE, s1  }
0xa7: {  	p0 =	sne.s32 s1, s5  }
0xa8: {  	s5 =	sshll.u32 @p0 s5, $0xE  }
0xa9: {  	s5 =	sadd.s32 @p0 $0x11B8D, s5;
	s6 =	sshll.u32 @p0 s4, $0x11  }
0xaa: {  	s5 =	sor.u32 @p0 s6, s5  }
0xab: {  	[sflag:s5] =	ssyncadd.remote.s32 @p0 $0x1;
	_ =	sdelay $0x1  }
0xac: {  	s5 =	simm.s32 @p0 $0x1B8D  }
0xad: {  	_ =	swait.eq @p0 [sflag:s5], $0x1  }
0xae: {  	[sflag:s5] =	ssyncadd.s32 @p0 $0xFFFFFFFF  }
0xaf: {  	s6 =	sshll.u32 @!p0 s1, $0xE  }
0xb0: {  	s6 =	sor.u32 @!p0 $0x4000, s6;
	s5 =	simm.s32 @!p0 $0x1B8D  }
0xb1: {  	s4 =	sshll.u32 @!p0 s4, $0x11;
	s6 =	sadd.s32 @!p0 $0x11B8D, s6;
	_ =	swait.eq @!p0 [sflag:s5], $0x1  }
0xb2: {  	s4 =	sor.u32 @!p0 s4, s6;
	[sflag:s5] =	ssyncadd.s32 @!p0 $0xFFFFFFFF  }
0xb3: {  	s25 =	simm.s32 $0x1B8E;
	s24 =	sld [smem:$0x3FFE];
	[sflag:s4] =	ssyncadd.remote.s32 @!p0 $0x1  }
0xb4: {  	s26 =	simm.s32 $execute0_lowered;
	[smem:$0x3FD2] =	sst s25  }
0xb5: {  	s5 =	sshll.u32 s26, $0x1;
	_ =	strace $0x80000049;
	[dreg:$0x1] =	wrdreg $0xFFFFFFFF  }
0xb6: {  	s28 =	simm.s32 $_size_execute0_lowered;
	s3 =	sadd.s32 s3, s5;
	[dreg:$0x0] =	wrdreg $0x0  }
0xb7: {  	s5 =	sshll.u32 s28, $0x1;
	[dreg:$0x2] =	wrdreg s3  }
0xb8: {  	[dreg:$0x3] =	wrdreg s5  }
0xb9: {  	[dreg:$0x4] =	wrdreg $0xC0  }
0xba: {  	_ =	task [dreg:s22], $0x5FFFF  }
0xbb: {  	[dreg:$0x1] =	wrdreg $0xFFFFFFFF  }
0xbc: {  	[dreg:$0x0] =	wrdreg $0x60  }
0xbd: {  	[dreg:$0x2] =	wrdreg s24  }
0xbe: {  	[dreg:$0x3] =	wrdreg $0xB  }
0xbf: {  	_ =	task.clear_ibuf [dreg:s22], $0x4FFFF;
	_ =	strace $0x90000049  }
0xc0: {  	s29 =	simm.s32 $0xB;
	_ =	strace $0x8000004B  }
0xc1: {  	_ =	swait.ge [sflag:s29], $0x1  }
0xc2: {  	[sflag:s29] =	ssyncadd.s32 $0xFFFFFFFF  }
0xc3: {  	_ =	strace $0x9000004B  }
0xc4: {  	_ =	sfence  }
0xc5: {  	s30 =	sld [smem:$0x0];
	_ =	sdelay $0x2  }
0xc6: {  	s31 =	sshll.u32 s1, $0xD;
	s1 =	sshrl.u32 s1, $0x2  }
0xc7: {  	s4 =	sand.u32 $0x4000, s31;
	s1 =	sadd.s32 s1, s30  }
0xc8: {  	s0 =	sor.u32 s4, s0;
	s1 =	sshll.u32 s1, $0x11  }
0xc9: {  	s0 =	sor.u32 s1, s0  }
0xca: {  	s0 =	sadd.s32 $0x8F2B, s0  }
0xcb: {  	[sflag:s0] =	ssyncadd.remote.s32 $0x1  }
0xcc: {  	_ =	sfence.sel $0xFFFF  }
0xcd: {  	[dreg:$0x0] =	wrdreg $0xFFFFFFFF;
	(pc) =	sbr.abs _section_cstart, $3  }
0xce: {  	[dreg:$0x1] =	wrdreg $0xFFFFFFFF  }
0xcf: {  	_ =	task.clear_ibuf [dreg:s22], $0x2FFFF;
	_ =	strace $0x9FFFFFFF  }
0xd0: {  	(tm) =	ssettm $0x7FFFFFFF  }
0xd1: {  	_ =	shalt  }
tec
execute0_lowered:
.L_overlay_start_1:
0x0: {  	(tag) =	ssettag $0x1  }
0x1: {  	s5 =	rddreg [dreg:$0x0]  }
0x2: {  	s0 =	rddreg [dreg:$0x1];
	s1 =	simm.s32 $0x0;
	s6 =	srdreg.scid  }
0x3: {  	s2 =	stileid.u32;
	s10 =	simm.s32 $0x3;
	s11 =	simm.s32 $0x4000  }
0x4: {  	s12 =	simm.s32 $0x28;
	s13 =	simm.s32 $0x8000;
	s14 =	simm.s32 $0x9400  }
0x5: {  	s15 =	simm.s32 $0x1;
	s16 =	simm.s32 $0x2;
	s17 =	simm.s32 $0x0  }
0x6: {  	[smem:$0x7FF] =	sst s1;
	s3 =	sadd.s32 $0x88600, s5;
	s4 =	sadd.s32 $0xAF800, s5  }
0x7: {  	s6 =	sand.u32 $0x1, s6;
	s7 =	sshll.u32 s2, $0xC;
	s9 =	smul.u32 $0x27100, s2  }
0x8: {  	_ =	strace $0x8000004A;
	s8 =	sshll.u32 s6, $0xB;
	s30 =	ssub.s32 $0x2, s6  }
0x9: {  	s6 =	smul.u32 $0x13880, s6;
	s7 =	sor.u32 s8, s7;
	s31 =	sshrl.u32 s30, $0x1  }
0xa: {  	s9 =	sadd.s32 s9, s5;
	s7 =	sadd.s32 s7, s5;
	s8 =	ssub.s32 s30, s31  }
0xb: {  	s9 =	sadd.s32 s6, s9;
	s5 =	sadd.s32 $0x68600, s7;
	s6 =	sadd.s32 $0x78600, s7  }
0xc: {  	s7 =	smax.u32 s8, $0x1;
	s8 =	sadd.s32 $0xFDC00, s9;
	s9 =	sadd.s32 $0x36EC00, s9  }
.LBB2_1:
0xd: {  	[tilespmem:s1], [sflag:$0x3] =	stream.linear.gather [hbm4b:s5+s1], $0x3E80, $0x38;
	[tilespmem:$0xA800] =	vst v63  }
0xe: {  	_ =	swait.ge [sflag:s10], $0x3E80  }
0xf: {  	[sflag:s10] =	ssyncset.done $0x0  }
0x10: {  	[sflag:s10] =	ssyncadd.s32 $0xFFFFC180  }
0x11: {  	[tilespmem:s11], [sflag:$0x3] =	stream.linear.gather [hbm4b:s6+s1], $0x3E80, $0x38;
	[tilespmem:$0xA800] =	vst v63  }
0x12: {  	_ =	swait.ge [sflag:s10], $0x3E80  }
0x13: {  	[sflag:s10] =	ssyncset.done $0x0  }
0x14: {  	s18 =	simm.s32 $0x0;
	[sflag:s10] =	ssyncadd.s32 $0xFFFFC180  }
0x15: {  	[tilespmem:s13], [sflag:$0x1] =	stream.indirect.gather [hbm4b:s3+s12], $0x80, s18, s12, $0xb8;
	[tilespmem:$0xA800] =	vst v63  }
0x16: {  	s31 =	simm.s32 $0x4000  }
0x17: {  	[tilespmem:s14], [sflag:$0x2] =	stream.indirect.gather [hbm4b:s4+s12], $0x80, s31, s12, $0xb8;
	[tilespmem:$0xA800] =	vst v63  }
0x18: {  	_ =	swait.ge [sflag:s15], $0x1400  }
0x19: {  	[sflag:s15] =	ssyncset.done $0x0  }
0x1a: {  	[sflag:s15] =	ssyncadd.s32 $0xFFFFEC00  }
0x1b: {  	_ =	swait.ge [sflag:s16], $0x1400  }
0x1c: {  	[sflag:s16] =	ssyncset.done $0x0  }
0x1d: {  	[sflag:s16] =	ssyncadd.s32 $0xFFFFEC00  }
0x1e: {  	[hbm4b:s8+s1] =	stream.linear.scatter [tilespmem:s13], [sflag:$0x3], $0x1400, $0x38;
	[tilespmem:$0xA800] =	vst v63  }
0x1f: {  	_ =	swait.ge [sflag:s10], $0x1400  }
0x20: {  	[sflag:s10] =	ssyncset.done $0x0  }
0x21: {  	[sflag:s10] =	ssyncadd.s32 $0xFFFFEC00  }
0x22: {  	[hbm4b:s9+s1] =	stream.linear.scatter [tilespmem:s14], [sflag:$0x3], $0x1400, $0x38;
	[tilespmem:$0xA800] =	vst v63  }
0x23: {  	s20 =	simm.s32 $0x200;
	s21 =	simm.s32 $0x400;
	_ =	swait.ge [sflag:s10], $0x1400  }
0x24: {  	s19 =	sadd.s32 $0x280, s8;
	s18 =	sadd.s32 $0x280, s9;
	[sflag:s10] =	ssyncset.done $0x0  }
.LBB2_2:
0x25: {  	s22 =	sshra.s32 s20, $0x2  }
0x26: {  	[sflag:s10] =	ssyncadd.s32 $0xFFFFEC00;
	s20 =	smov.u32 s21;
	s23 =	sadd.s32 $0x200, s21  }
0x27: {  	[tilespmem:s13], [sflag:$0x1] =	stream.indirect.gather [hbm4b:s3+s12], $0x80, s22, s12, $0xb8;
	[tilespmem:$0xA800] =	vst v63  }
0x28: {  	p0 =	sne.s32 s21, $0xF800;
	s21 =	sadd.s32 $0x4000, s22  }
0x29: {  	[tilespmem:s14], [sflag:$0x2] =	stream.indirect.gather [hbm4b:s4+s12], $0x80, s21, s12, $0xb8;
	[tilespmem:$0xA800] =	vst v63  }
0x2a: {  	_ =	swait.ge [sflag:s15], $0x1400  }
0x2b: {  	[sflag:s15] =	ssyncset.done $0x0  }
0x2c: {  	[sflag:s15] =	ssyncadd.s32 $0xFFFFEC00  }
0x2d: {  	_ =	swait.ge [sflag:s16], $0x1400  }
0x2e: {  	[sflag:s16] =	ssyncset.done $0x0  }
0x2f: {  	[sflag:s16] =	ssyncadd.s32 $0xFFFFEC00  }
0x30: {  	[hbm4b:s19+s1] =	stream.linear.scatter [tilespmem:s13], [sflag:$0x3], $0x1400, $0x38;
	[tilespmem:$0xA800] =	vst v63  }
0x31: {  	_ =	swait.ge [sflag:s10], $0x1400  }
.Ltmp0:
0x32: {  	[sflag:s10] =	ssyncset.done $0x0;
	(pc) =	sbr.rel @p0 .LBB2_2-.Ltmp0, $4  }
0x33: {  	[sflag:s10] =	ssyncadd.s32 $0xFFFFEC00  }
0x34: {  	[hbm4b:s18+s1] =	stream.linear.scatter [tilespmem:s14], [sflag:$0x3], $0x1400, $0x38;
	[tilespmem:$0xA800] =	vst v63  }
0x35: {  	s21 =	smov.u32 s23;
	_ =	swait.ge [sflag:s10], $0x1400  }
0x36: {  	s19 =	sadd.s32 $0x280, s19;
	s18 =	sadd.s32 $0x280, s18;
	[sflag:s10] =	ssyncset.done $0x0  }
0x37: {  	s20 =	sshra.s32 s20, $0x2;
	[sflag:s10] =	ssyncadd.s32 $0xFFFFEC00  }
0x38: {  	[tilespmem:s13], [sflag:$0x1] =	stream.indirect.gather [hbm4b:s3+s12], $0x80, s20, s12, $0xb8;
	[tilespmem:$0xA800] =	vst v63  }
0x39: {  	s20 =	sadd.s32 $0x4000, s20  }
0x3a: {  	[tilespmem:s14], [sflag:$0x2] =	stream.indirect.gather [hbm4b:s4+s12], $0x80, s20, s12, $0xb8;
	[tilespmem:$0xA800] =	vst v63  }
0x3b: {  	_ =	swait.ge [sflag:s15], $0x1400  }
0x3c: {  	[sflag:s15] =	ssyncset.done $0x0  }
0x3d: {  	[sflag:s15] =	ssyncadd.s32 $0xFFFFEC00  }
0x3e: {  	_ =	swait.ge [sflag:s16], $0x1400  }
0x3f: {  	[sflag:s16] =	ssyncset.done $0x0  }
0x40: {  	[sflag:s16] =	ssyncadd.s32 $0xFFFFEC00  }
0x41: {  	[hbm4b:s19+s1] =	stream.linear.scatter [tilespmem:s13], [sflag:$0x3], $0x1400, $0x38;
	[tilespmem:$0xA800] =	vst v63  }
0x42: {  	s17 =	sadd.s32 $0x1, s17;
	_ =	swait.ge [sflag:s10], $0x1400  }
0x43: {  	p0 =	sne.s32 s17, s7;
	[sflag:s10] =	ssyncset.done $0x0  }
.Ltmp1:
0x44: {  	[sflag:s10] =	ssyncadd.s32 $0xFFFFEC00;
	(pc) =	sbr.rel @p0 .LBB2_1-.Ltmp1, $4  }
0x45: {  	[hbm4b:s18+s1] =	stream.linear.scatter [tilespmem:s14], [sflag:$0x3], $0x1400, $0x38;
	[tilespmem:$0xA800] =	vst v63  }
0x46: {  	_ =	swait.ge [sflag:s10], $0x1400  }
0x47: {  	[sflag:s10] =	ssyncset.done $0x0  }
0x48: {  	[sflag:s10] =	ssyncadd.s32 $0xFFFFEC00  }
0x49: {  	_ =	sfence.sel $0x180000  }
0x4a: {  	[bflag:$0x0] =	sbarrier.arrive $0xFFFF  }
0x4b: {  	p0 =	sne.s32 s2, $0x0;
	_ =	strace $0x9000004A  }
0x4c: {  	s0 =	sadd.s32 @!p0 $0x100000, s0;
	[bflag:$0x2] =	sbarrier.arrive $0xFFFF  }
0x4d: {  	[sflag:s0] =	ssyncadd.tile.s32 @!p0 $0x1;
	_ =	shalt  }
.Lfunc_end2:
_tile_overlayer_lowered:
.L_overlay_start_2:
0x4e: {  	(tag) =	ssettag $0x2  }
0x4f: {  	s0 =	rddreg [dreg:$0x0];
	s2 =	stileid.u32  }
0x50: {  	s1 =	rddreg [dreg:$0x1];
	p0 =	sne.s32 s2, $0x0  }
0x51: {  	s3 =	rddreg [dreg:$0x2];
	[bflag:$0x3] =	sbarrier.arrive $0xFFFF;
	s2 =	simm.s32 @!p0 $0x1C03  }
0x52: {  	[timem:s3], [sflag:s2] =	dma.local @!p0 [hbm:s0], s1  }
0x53: {  	s0 =	simm.s32 @!p0 $0x3  }
0x54: {  	_ =	swait.ge @!p0 [sflag:s0], s1  }
0x55: {  	s1 =	ssub.s32 @!p0 $0x0, s1;
	[sflag:s0] =	ssyncset.done @!p0 $0x0  }
0x56: {  	[sflag:s0] =	ssyncadd.s32 @!p0 s1  }
0x57: {  	[bflag:$0x3] =	sbarrier.arrive $0xFFFF  }
0x58: {  	_ =	shalt  }

// kernel: kernel.24.cloned.1.call-start
scs
__scs_entry_jumppad:
0x0: {  	(pc) =	sbr.rel $0x88, $3  }
0x1: {  	(tag) =	ssettag $0x0;
	lr =	simm.s32 $0x1  }
0x2: {  	[smem:$0x3F6E] =	sst lr;
	_ =	strace $0xD0000000  }
0x3: {  	_ = 	snop  }
0x4: {  	_ = 	snop  }
0x5: {  	_ = 	snop  }
0x6: {  	_ = 	snop  }
0x7: {  	_ = 	snop  }
__scs_overlays_trampoline_lowered:
0x8: {  	[smem:$0x3F7D] =	sst s0  }
0x9: {  	[smem:$0x3F7E] =	sst s1  }
0xa: {  	[smem:$0x3F7F] =	sst s2  }
0xb: {  	[smem:$0x3F80] =	sst s3  }
0xc: {  	[smem:$0x3F81] =	sst s4  }
0xd: {  	[smem:$0x3F82] =	sst s5  }
0xe: {  	[smem:$0x3F83] =	sst s6  }
0xf: {  	[smem:$0x3F84] =	sst s7  }
0x10: {  	[smem:$0x3F85] =	sst s8  }
0x11: {  	[smem:$0x3F86] =	sst s9;
	s0 =	simm.s32 @!p0 $0x0  }
0x12: {  	s1 =	sld [smem:$0x3F6C];
	s0 =	simm.s32 @p0 $0x1  }
0x13: {  	[smem:$0x3F87] =	sst s0;
	s0 =	simm.s32 @!p1 $0x0  }
0x14: {  	s2 =	sld [smem:$0x3F6B];
	s0 =	simm.s32 @p1 $0x1  }
0x15: {  	[smem:$0x3F88] =	sst s0;
	s0 =	simm.s32 @!p2 $0x0  }
0x16: {  	s3 =	sld [smem:$0x3FDB];
	s0 =	simm.s32 @p2 $0x1  }
0x17: {  	s4 =	simm.s32 $0x1BF5;
	[smem:$0x3F8A] =	sst s0  }
0x18: {  	s0 =	sld [smem:$0x3F6D];
	_ =	swait.ge [sflag:s4], $0x0  }
0x19: {  	s7 =	sld [smem:$0x3F6E]  }
0x1a: {  	s8 =	sadd.s32 $0xFFFFE003, lr  }
0x1b: {  	s9 =	sadd.s32 $0xFFFFFEF7, lr;
	s5 =	simm.s32 $0xFFFFFFFF;
	p2 =	slt.u32 s8, $0xFFFFF086  }
0x1c: {  	p1 =	slt.u32 s9, $0xF7A;
	s5 =	simm.s32 @!p2 $0x0  }
0x1d: {  	s5 =	simm.s32 @p1 $0x1;
	p0 =	seq.s32 s7, s2  }
0x1e: {  	s7 =	smul.u32 @!p0 $0xF7A, s2;
	p2 =	seq.s32 @!p0 s5, $0x0  }
0x1f: {  	s9 =	smul.u32 $0xF7A, s1;
	s8 =	simm.s32 @!p0 $0x1BF5;
	p2 =	por !p2, p0  }
0x20: {  	[sflag:s8] =	ssyncset.s32 @!p0 $0xFFFFF086;
	s6 =	sadd.s32 @!p0 s3, s7;
	s7 =	simm.s32 @!p0 $0x108  }
0x21: {  	s3 =	sadd.s32 s3, s9;
	s6 =	sadd.s32 @!p0 $0x88, s6;
	s7 =	simm.s32 @p2 $0x1082  }
0x22: {  	[simem:s7], [sflag:s8] =	dma.local @!p0 [hbm:s6], $0xF7A  }
0x23: {  	s9 =	sor.u32 $0xD0000000, s2;
	s6 =	simm.s32 $0x108;
	_ =	swait.ge @!p0 [sflag:s8], $0x0  }
0x24: {  	s3 =	sadd.s32 $0x88, s3;
	s6 =	simm.s32 @!p1 $0x1082;
	[sflag:s4] =	ssyncset.s32 $0xFFFFF086  }
0x25: {  	[simem:s6], [sflag:s4] =	dma.local [hbm:s3], $0xF7A  }
0x26: {  	[smem:$0x3F6E] =	sst s1;
	(tag) =	ssettag s2;
	_ =	strace s9  }
0x27: {  	s1 =	sld [smem:$0x3F7E]  }
0x28: {  	s2 =	sld [smem:$0x3F7F]  }
0x29: {  	s4 =	sld [smem:$0x3F81]  }
0x2a: {  	p0 =	seq.s32 s5, $0x0;
	s5 =	sld [smem:$0x3F82]  }
0x2b: {  	s6 =	sld [smem:$0x3F83]  }
0x2c: {  	s7 =	sld [smem:$0x3F84]  }
0x2d: {  	s3 =	simm.s32 $0x108;
	s8 =	sld [smem:$0x3F85]  }
0x2e: {  	s3 =	simm.s32 @!p0 $0x1082;
	s9 =	sld [smem:$0x3F86]  }
0x2f: {  	lr =	sadd.s32 s0, s3;
	s0 =	sld [smem:$0x3F7D]  }
0x30: {  	s3 =	sld [smem:$0x3F80]  }
0x31: {  	[smem:$0x3F89] =	sst s10  }
0x32: {  	s10 =	sld [smem:$0x3F87];
	_ =	sdelay $0x3  }
0x33: {  	p0 =	seq.s32 s10, $0x1;
	s10 =	sld [smem:$0x3F89];
	_ =	sdelay $0x3  }
0x34: {  	[smem:$0x3F89] =	sst s10  }
0x35: {  	s10 =	sld [smem:$0x3F88];
	_ =	sdelay $0x3  }
0x36: {  	p1 =	seq.s32 s10, $0x1;
	s10 =	sld [smem:$0x3F89];
	_ =	sdelay $0x3  }
0x37: {  	[smem:$0x3F89] =	sst s10  }
0x38: {  	s10 =	sld [smem:$0x3F8A]  }
0x39: {  	_ = 	snop;
	(pc) =	sbr.ind lr, $3  }
0x3a: {  	_ = 	snop  }
0x3b: {  	_ = 	snop  }
0x3c: {  	p2 =	seq.s32 s10, $0x1;
	s10 =	sld [smem:$0x3F89]  }
0x3d: {  	_ =	shalt  }
0x3e: {  	_ =	shalt  }
0x3f: {  	_ =	shalt  }
0x40: {  	_ =	shalt  }
0x41: {  	_ =	shalt  }
0x42: {  	_ =	shalt  }
0x43: {  	_ =	shalt  }
0x44: {  	_ =	shalt  }
0x45: {  	_ =	shalt  }
0x46: {  	_ =	shalt  }
0x47: {  	_ =	shalt  }
0x48: {  	_ =	shalt  }
0x49: {  	_ =	shalt  }
0x4a: {  	_ =	shalt  }
0x4b: {  	_ =	shalt  }
0x4c: {  	_ =	shalt  }
0x4d: {  	_ =	shalt  }
0x4e: {  	_ =	shalt  }
0x4f: {  	_ =	shalt  }
0x50: {  	_ =	shalt  }
0x51: {  	_ =	shalt  }
0x52: {  	_ =	shalt  }
0x53: {  	_ =	shalt  }
0x54: {  	_ =	shalt  }
0x55: {  	_ =	shalt  }
0x56: {  	_ =	shalt  }
0x57: {  	_ =	shalt  }
0x58: {  	_ =	shalt  }
0x59: {  	_ =	shalt  }
0x5a: {  	_ =	shalt  }
0x5b: {  	_ =	shalt  }
0x5c: {  	_ =	shalt  }
0x5d: {  	_ =	shalt  }
0x5e: {  	_ =	shalt  }
0x5f: {  	_ =	shalt  }
0x60: {  	_ =	shalt  }
0x61: {  	_ =	shalt  }
0x62: {  	_ =	shalt  }
0x63: {  	_ =	shalt  }
0x64: {  	_ =	shalt  }
0x65: {  	_ =	shalt  }
0x66: {  	_ =	shalt  }
0x67: {  	_ =	shalt  }
0x68: {  	_ =	shalt  }
0x69: {  	_ =	shalt  }
0x6a: {  	_ =	shalt  }
0x6b: {  	_ =	shalt  }
0x6c: {  	_ =	shalt  }
0x6d: {  	_ =	shalt  }
0x6e: {  	_ =	shalt  }
0x6f: {  	_ =	shalt  }
0x70: {  	_ =	shalt  }
0x71: {  	_ =	shalt  }
0x72: {  	_ =	shalt  }
0x73: {  	_ =	shalt  }
0x74: {  	_ =	shalt  }
0x75: {  	_ =	shalt  }
0x76: {  	_ =	shalt  }
0x77: {  	_ =	shalt  }
0x78: {  	_ =	shalt  }
0x79: {  	_ =	shalt  }
0x7a: {  	_ =	shalt  }
0x7b: {  	_ =	shalt  }
0x7c: {  	_ =	shalt  }
0x7d: {  	_ =	shalt  }
0x7e: {  	_ =	shalt  }
0x7f: {  	_ =	shalt  }
0x80: {  	_ =	shalt  }
0x81: {  	_ =	shalt  }
0x82: {  	_ =	shalt  }
0x83: {  	_ =	shalt  }
0x84: {  	_ =	shalt  }
0x85: {  	_ =	shalt  }
0x86: {  	_ =	shalt  }
0x87: {  	_ =	shalt  }
.Lfunc_end0:
.L_simem_size_0:
called_computation.2_lowered:
.L_overlay_start_0:
0x88: {  	s2 =	sld [smem:$0x3FD9]  }
0x89: {  	s3 =	sld [smem:$0x3FFE];
	_ =	sdelay $0x1  }
0x8a: {  	s1 =	srdreg.scid  }
0x8b: {  	s0 =	sand.u32 $0x1, s1  }
0x8c: {  	s17 =	sshll.u32 s0, $0xA;
	s2 =	sadd.s32 s3, s2  }
0x8d: {  	s2 =	sadd.s32 s2, s17  }
0x8e: {  	[smem:$0x3F95] =	sst s2  }
0x8f: {  	_ = 	snop  }
0x90: {  	(tm) =	ssettm $0x1  }
0x91: {  	s18 =	sld [smem:$0x3FFB];
	_ =	sdelay $0x3  }
0x92: {  	_ =	strace s18  }
0x93: {  	s2 =	sld [smem:$0x3FFC];
	_ =	sdelay $0x3  }
0x94: {  	_ =	strace s2  }
0x95: {  	s2 =	sld [smem:$0x3FFD];
	_ =	sdelay $0x3  }
0x96: {  	_ =	strace s2  }
0x97: {  	_ =	strace $0x8FFFFFFF  }
0x98: {  	s19 =	sld [smem:$0x3FDB];
	_ =	sdelay $0x1  }
0x99: {  	s20 =	simm.s32 $_scs_section_size  }
0x9a: {  	s4 =	simm.s32 $_size__tile_overlayer_lowered;
	s5 =	simm.s32 $_tile_overlayer_lowered  }
0x9b: {  	s6 =	simm.s32 $0x1BFF;
	s21 =	sshll.u32 s5, $0x1;
	s3 =	sadd.s32 s20, s19  }
0x9c: {  	s22 =	simm.s32 $0x0;
	s4 =	sshll.u32 s4, $0x1;
	s5 =	sadd.s32 s21, s3  }
0x9d: {  	[timem:s22], [sflag:s6] =	dma.local [hbm:s5], s4  }
0x9e: {  	_ =	swait.ge [sflag:s6], s4  }
0x9f: {  	s4 =	ssub.s32 $0x0, s4;
	[sflag:s6] =	ssyncset.done $0x0  }
0xa0: {  	[sflag:s6] =	ssyncadd.s32 s4;
	_ =	sdelay $0x1  }
0xa1: {  	s23 =	simm.s32 $0x1B8B  }
0xa2: {  	_ =	swait.ge [sflag:s23], $0x1  }
0xa3: {  	[sflag:s23] =	ssyncset.done $0x0  }
0xa4: {  	[sflag:s23] =	ssyncadd.s32 $0xFFFFFFFF  }
0xa5: {  	s4 =	sld [smem:$0x0]  }
0xa6: {  	s5 =	sand.u32 $0xFFFFFFFE, s1  }
0xa7: {  	p0 =	sne.s32 s1, s5  }
0xa8: {  	s5 =	sshll.u32 @p0 s5, $0xE  }
0xa9: {  	s5 =	sadd.s32 @p0 $0x11B8D, s5;
	s6 =	sshll.u32 @p0 s4, $0x11  }
0xaa: {  	s5 =	sor.u32 @p0 s6, s5  }
0xab: {  	[sflag:s5] =	ssyncadd.remote.s32 @p0 $0x1;
	_ =	sdelay $0x1  }
0xac: {  	s5 =	simm.s32 @p0 $0x1B8D  }
0xad: {  	_ =	swait.eq @p0 [sflag:s5], $0x1  }
0xae: {  	[sflag:s5] =	ssyncadd.s32 @p0 $0xFFFFFFFF  }
0xaf: {  	s6 =	sshll.u32 @!p0 s1, $0xE  }
0xb0: {  	s6 =	sor.u32 @!p0 $0x4000, s6;
	s5 =	simm.s32 @!p0 $0x1B8D  }
0xb1: {  	s4 =	sshll.u32 @!p0 s4, $0x11;
	s6 =	sadd.s32 @!p0 $0x11B8D, s6;
	_ =	swait.eq @!p0 [sflag:s5], $0x1  }
0xb2: {  	s4 =	sor.u32 @!p0 s4, s6;
	[sflag:s5] =	ssyncadd.s32 @!p0 $0xFFFFFFFF  }
0xb3: {  	s25 =	simm.s32 $0x1B8E;
	s24 =	sld [smem:$0x3FFE];
	[sflag:s4] =	ssyncadd.remote.s32 @!p0 $0x1  }
0xb4: {  	s26 =	simm.s32 $execute0_lowered;
	[smem:$0x3FD2] =	sst s25  }
0xb5: {  	s5 =	sshll.u32 s26, $0x1;
	_ =	strace $0x8000004C;
	[dreg:$0x1] =	wrdreg $0xFFFFFFFF  }
0xb6: {  	s28 =	simm.s32 $_size_execute0_lowered;
	s3 =	sadd.s32 s3, s5;
	[dreg:$0x0] =	wrdreg $0x0  }
0xb7: {  	s5 =	sshll.u32 s28, $0x1;
	[dreg:$0x2] =	wrdreg s3  }
0xb8: {  	[dreg:$0x3] =	wrdreg s5  }
0xb9: {  	[dreg:$0x4] =	wrdreg $0xC0  }
0xba: {  	_ =	task [dreg:s22], $0x5FFFF  }
0xbb: {  	[dreg:$0x1] =	wrdreg $0xFFFFFFFF  }
0xbc: {  	[dreg:$0x0] =	wrdreg $0x60  }
0xbd: {  	[dreg:$0x2] =	wrdreg s24  }
0xbe: {  	[dreg:$0x3] =	wrdreg $0x9  }
0xbf: {  	_ =	task.clear_ibuf [dreg:s22], $0x4FFFF;
	_ =	strace $0x9000004C  }
0xc0: {  	s29 =	simm.s32 $0x9;
	_ =	strace $0x8000004E  }
0xc1: {  	_ =	swait.ge [sflag:s29], $0x1  }
0xc2: {  	[sflag:s29] =	ssyncadd.s32 $0xFFFFFFFF  }
0xc3: {  	_ =	strace $0x9000004E  }
0xc4: {  	_ =	sfence  }
0xc5: {  	s30 =	sld [smem:$0x0];
	_ =	sdelay $0x2  }
0xc6: {  	s31 =	sshll.u32 s1, $0xD;
	s1 =	sshrl.u32 s1, $0x2  }
0xc7: {  	s4 =	sand.u32 $0x4000, s31;
	s1 =	sadd.s32 s1, s30  }
0xc8: {  	s0 =	sor.u32 s4, s0;
	s1 =	sshll.u32 s1, $0x11  }
0xc9: {  	s0 =	sor.u32 s1, s0  }
0xca: {  	s0 =	sadd.s32 $0x8F2B, s0  }
0xcb: {  	[sflag:s0] =	ssyncadd.remote.s32 $0x1  }
0xcc: {  	_ =	sfence.sel $0xFFFF  }
0xcd: {  	[dreg:$0x0] =	wrdreg $0xFFFFFFFF;
	(pc) =	sbr.abs _section_cstart, $3  }
0xce: {  	[dreg:$0x1] =	wrdreg $0xFFFFFFFF  }
0xcf: {  	_ =	task.clear_ibuf [dreg:s22], $0x2FFFF;
	_ =	strace $0x9FFFFFFF  }
0xd0: {  	(tm) =	ssettm $0x7FFFFFFF  }
0xd1: {  	_ =	shalt  }
tec
execute0_lowered:
.L_overlay_start_1:
0x0: {  	(tag) =	ssettag $0x1  }
0x1: {  	s5 =	rddreg [dreg:$0x0]  }
0x2: {  	s0 =	rddreg [dreg:$0x1];
	s1 =	simm.s32 $0x0;
	s6 =	srdreg.scid  }
0x3: {  	s2 =	stileid.u32;
	s10 =	simm.s32 $0x3;
	s11 =	simm.s32 $0x4000  }
0x4: {  	s12 =	simm.s32 $0x28;
	s13 =	simm.s32 $0x8000;
	s14 =	simm.s32 $0x9400  }
0x5: {  	s15 =	simm.s32 $0x1;
	s16 =	simm.s32 $0x2;
	s17 =	simm.s32 $0x0  }
0x6: {  	[smem:$0x7FF] =	sst s1;
	s3 =	sadd.s32 $0x88600, s5;
	s4 =	sadd.s32 $0xAF800, s5  }
0x7: {  	s6 =	sand.u32 $0x1, s6;
	s7 =	sshll.u32 s2, $0xC;
	s9 =	smul.u32 $0x27100, s2  }
0x8: {  	_ =	strace $0x8000004D;
	s8 =	sshll.u32 s6, $0xB;
	s30 =	ssub.s32 $0x2, s6  }
0x9: {  	s6 =	smul.u32 $0x13880, s6;
	s7 =	sor.u32 s8, s7;
	s31 =	sshrl.u32 s30, $0x1  }
0xa: {  	s9 =	sadd.s32 s9, s5;
	s7 =	sadd.s32 s7, s5;
	s8 =	ssub.s32 s30, s31  }
0xb: {  	s9 =	sadd.s32 s6, s9;
	s5 =	sadd.s32 $0x5DFC00, s7;
	s6 =	sadd.s32 $0x5EFC00, s7  }
0xc: {  	s7 =	smax.u32 s8, $0x1;
	s8 =	sadd.s32 $0x5FFC00, s9;
	s9 =	sadd.s32 $0x870C00, s9  }
.LBB2_1:
0xd: {  	[tilespmem:s1], [sflag:$0x3] =	stream.linear.gather [hbm4b:s5+s1], $0x3E80, $0x38;
	[tilespmem:$0xA800] =	vst v63  }
0xe: {  	_ =	swait.ge [sflag:s10], $0x3E80  }
0xf: {  	[sflag:s10] =	ssyncset.done $0x0  }
0x10: {  	[sflag:s10] =	ssyncadd.s32 $0xFFFFC180  }
0x11: {  	[tilespmem:s11], [sflag:$0x3] =	stream.linear.gather [hbm4b:s6+s1], $0x3E80, $0x38;
	[tilespmem:$0xA800] =	vst v63  }
0x12: {  	_ =	swait.ge [sflag:s10], $0x3E80  }
0x13: {  	[sflag:s10] =	ssyncset.done $0x0  }
0x14: {  	s18 =	simm.s32 $0x0;
	[sflag:s10] =	ssyncadd.s32 $0xFFFFC180  }
0x15: {  	[tilespmem:s13], [sflag:$0x1] =	stream.indirect.gather [hbm4b:s3+s12], $0x80, s18, s12, $0xb8;
	[tilespmem:$0xA800] =	vst v63  }
0x16: {  	s31 =	simm.s32 $0x4000  }
0x17: {  	[tilespmem:s14], [sflag:$0x2] =	stream.indirect.gather [hbm4b:s4+s12], $0x80, s31, s12, $0xb8;
	[tilespmem:$0xA800] =	vst v63  }
0x18: {  	_ =	swait.ge [sflag:s15], $0x1400  }
0x19: {  	[sflag:s15] =	ssyncset.done $0x0  }
0x1a: {  	[sflag:s15] =	ssyncadd.s32 $0xFFFFEC00  }
0x1b: {  	_ =	swait.ge [sflag:s16], $0x1400  }
0x1c: {  	[sflag:s16] =	ssyncset.done $0x0  }
0x1d: {  	[sflag:s16] =	ssyncadd.s32 $0xFFFFEC00  }
0x1e: {  	[hbm4b:s8+s1] =	stream.linear.scatter [tilespmem:s13], [sflag:$0x3], $0x1400, $0x38;
	[tilespmem:$0xA800] =	vst v63  }
0x1f: {  	_ =	swait.ge [sflag:s10], $0x1400  }
0x20: {  	[sflag:s10] =	ssyncset.done $0x0  }
0x21: {  	[sflag:s10] =	ssyncadd.s32 $0xFFFFEC00  }
0x22: {  	[hbm4b:s9+s1] =	stream.linear.scatter [tilespmem:s14], [sflag:$0x3], $0x1400, $0x38;
	[tilespmem:$0xA800] =	vst v63  }
0x23: {  	s20 =	simm.s32 $0x200;
	s21 =	simm.s32 $0x400;
	_ =	swait.ge [sflag:s10], $0x1400  }
0x24: {  	s19 =	sadd.s32 $0x280, s8;
	s18 =	sadd.s32 $0x280, s9;
	[sflag:s10] =	ssyncset.done $0x0  }
.LBB2_2:
0x25: {  	s22 =	sshra.s32 s20, $0x2  }
0x26: {  	[sflag:s10] =	ssyncadd.s32 $0xFFFFEC00;
	s20 =	smov.u32 s21;
	s23 =	sadd.s32 $0x200, s21  }
0x27: {  	[tilespmem:s13], [sflag:$0x1] =	stream.indirect.gather [hbm4b:s3+s12], $0x80, s22, s12, $0xb8;
	[tilespmem:$0xA800] =	vst v63  }
0x28: {  	p0 =	sne.s32 s21, $0xF800;
	s21 =	sadd.s32 $0x4000, s22  }
0x29: {  	[tilespmem:s14], [sflag:$0x2] =	stream.indirect.gather [hbm4b:s4+s12], $0x80, s21, s12, $0xb8;
	[tilespmem:$0xA800] =	vst v63  }
0x2a: {  	_ =	swait.ge [sflag:s15], $0x1400  }
0x2b: {  	[sflag:s15] =	ssyncset.done $0x0  }
0x2c: {  	[sflag:s15] =	ssyncadd.s32 $0xFFFFEC00  }
0x2d: {  	_ =	swait.ge [sflag:s16], $0x1400  }
0x2e: {  	[sflag:s16] =	ssyncset.done $0x0  }
0x2f: {  	[sflag:s16] =	ssyncadd.s32 $0xFFFFEC00  }
0x30: {  	[hbm4b:s19+s1] =	stream.linear.scatter [tilespmem:s13], [sflag:$0x3], $0x1400, $0x38;
	[tilespmem:$0xA800] =	vst v63  }
0x31: {  	_ =	swait.ge [sflag:s10], $0x1400  }
.Ltmp0:
0x32: {  	[sflag:s10] =	ssyncset.done $0x0;
	(pc) =	sbr.rel @p0 .LBB2_2-.Ltmp0, $4  }
0x33: {  	[sflag:s10] =	ssyncadd.s32 $0xFFFFEC00  }
0x34: {  	[hbm4b:s18+s1] =	stream.linear.scatter [tilespmem:s14], [sflag:$0x3], $0x1400, $0x38;
	[tilespmem:$0xA800] =	vst v63  }
0x35: {  	s21 =	smov.u32 s23;
	_ =	swait.ge [sflag:s10], $0x1400  }
0x36: {  	s19 =	sadd.s32 $0x280, s19;
	s18 =	sadd.s32 $0x280, s18;
	[sflag:s10] =	ssyncset.done $0x0  }
0x37: {  	s20 =	sshra.s32 s20, $0x2;
	[sflag:s10] =	ssyncadd.s32 $0xFFFFEC00  }
0x38: {  	[tilespmem:s13], [sflag:$0x1] =	stream.indirect.gather [hbm4b:s3+s12], $0x80, s20, s12, $0xb8;
	[tilespmem:$0xA800] =	vst v63  }
0x39: {  	s20 =	sadd.s32 $0x4000, s20  }
0x3a: {  	[tilespmem:s14], [sflag:$0x2] =	stream.indirect.gather [hbm4b:s4+s12], $0x80, s20, s12, $0xb8;
	[tilespmem:$0xA800] =	vst v63  }
0x3b: {  	_ =	swait.ge [sflag:s15], $0x1400  }
0x3c: {  	[sflag:s15] =	ssyncset.done $0x0  }
0x3d: {  	[sflag:s15] =	ssyncadd.s32 $0xFFFFEC00  }
0x3e: {  	_ =	swait.ge [sflag:s16], $0x1400  }
0x3f: {  	[sflag:s16] =	ssyncset.done $0x0  }
0x40: {  	[sflag:s16] =	ssyncadd.s32 $0xFFFFEC00  }
0x41: {  	[hbm4b:s19+s1] =	stream.linear.scatter [tilespmem:s13], [sflag:$0x3], $0x1400, $0x38;
	[tilespmem:$0xA800] =	vst v63  }
0x42: {  	s17 =	sadd.s32 $0x1, s17;
	_ =	swait.ge [sflag:s10], $0x1400  }
0x43: {  	p0 =	sne.s32 s17, s7;
	[sflag:s10] =	ssyncset.done $0x0  }
.Ltmp1:
0x44: {  	[sflag:s10] =	ssyncadd.s32 $0xFFFFEC00;
	(pc) =	sbr.rel @p0 .LBB2_1-.Ltmp1, $4  }
0x45: {  	[hbm4b:s18+s1] =	stream.linear.scatter [tilespmem:s14], [sflag:$0x3], $0x1400, $0x38;
	[tilespmem:$0xA800] =	vst v63  }
0x46: {  	_ =	swait.ge [sflag:s10], $0x1400  }
0x47: {  	[sflag:s10] =	ssyncset.done $0x0  }
0x48: {  	[sflag:s10] =	ssyncadd.s32 $0xFFFFEC00  }
0x49: {  	_ =	sfence.sel $0x180000  }
0x4a: {  	[bflag:$0x0] =	sbarrier.arrive $0xFFFF  }
0x4b: {  	p0 =	sne.s32 s2, $0x0;
	_ =	strace $0x9000004D  }
0x4c: {  	s0 =	sadd.s32 @!p0 $0x100000, s0;
	[bflag:$0x2] =	sbarrier.arrive $0xFFFF  }
0x4d: {  	[sflag:s0] =	ssyncadd.tile.s32 @!p0 $0x1;
	_ =	shalt  }
.Lfunc_end2:
_tile_overlayer_lowered:
.L_overlay_start_2:
0x4e: {  	(tag) =	ssettag $0x2  }
0x4f: {  	s0 =	rddreg [dreg:$0x0];
	s2 =	stileid.u32  }
0x50: {  	s1 =	rddreg [dreg:$0x1];
	p0 =	sne.s32 s2, $0x0  }
0x51: {  	s3 =	rddreg [dreg:$0x2];
	[bflag:$0x3] =	sbarrier.arrive $0xFFFF;
	s2 =	simm.s32 @!p0 $0x1C03  }
0x52: {  	[timem:s3], [sflag:s2] =	dma.local @!p0 [hbm:s0], s1  }
0x53: {  	s0 =	simm.s32 @!p0 $0x3  }
0x54: {  	_ =	swait.ge @!p0 [sflag:s0], s1  }
0x55: {  	s1 =	ssub.s32 @!p0 $0x0, s1;
	[sflag:s0] =	ssyncset.done @!p0 $0x0  }
0x56: {  	[sflag:s0] =	ssyncadd.s32 @!p0 s1  }
0x57: {  	[bflag:$0x3] =	sbarrier.arrive $0xFFFF  }
0x58: {  	_ =	shalt  }

// kernel: kernel.27.cloned.1.call-start
scs
__scs_entry_jumppad:
0x0: {  	(pc) =	sbr.rel $0x88, $3  }
0x1: {  	(tag) =	ssettag $0x0;
	lr =	simm.s32 $0x1  }
0x2: {  	[smem:$0x3F6E] =	sst lr;
	_ =	strace $0xD0000000  }
0x3: {  	_ = 	snop  }
0x4: {  	_ = 	snop  }
0x5: {  	_ = 	snop  }
0x6: {  	_ = 	snop  }
0x7: {  	_ = 	snop  }
__scs_overlays_trampoline_lowered:
0x8: {  	[smem:$0x3F7D] =	sst s0  }
0x9: {  	[smem:$0x3F7E] =	sst s1  }
0xa: {  	[smem:$0x3F7F] =	sst s2  }
0xb: {  	[smem:$0x3F80] =	sst s3  }
0xc: {  	[smem:$0x3F81] =	sst s4  }
0xd: {  	[smem:$0x3F82] =	sst s5  }
0xe: {  	[smem:$0x3F83] =	sst s6  }
0xf: {  	[smem:$0x3F84] =	sst s7  }
0x10: {  	[smem:$0x3F85] =	sst s8  }
0x11: {  	[smem:$0x3F86] =	sst s9;
	s0 =	simm.s32 @!p0 $0x0  }
0x12: {  	s1 =	sld [smem:$0x3F6C];
	s0 =	simm.s32 @p0 $0x1  }
0x13: {  	[smem:$0x3F87] =	sst s0;
	s0 =	simm.s32 @!p1 $0x0  }
0x14: {  	s2 =	sld [smem:$0x3F6B];
	s0 =	simm.s32 @p1 $0x1  }
0x15: {  	[smem:$0x3F88] =	sst s0;
	s0 =	simm.s32 @!p2 $0x0  }
0x16: {  	s3 =	sld [smem:$0x3FDB];
	s0 =	simm.s32 @p2 $0x1  }
0x17: {  	s4 =	simm.s32 $0x1BF5;
	[smem:$0x3F8A] =	sst s0  }
0x18: {  	s0 =	sld [smem:$0x3F6D];
	_ =	swait.ge [sflag:s4], $0x0  }
0x19: {  	s7 =	sld [smem:$0x3F6E]  }
0x1a: {  	s8 =	sadd.s32 $0xFFFFE003, lr  }
0x1b: {  	s9 =	sadd.s32 $0xFFFFFEF7, lr;
	s5 =	simm.s32 $0xFFFFFFFF;
	p2 =	slt.u32 s8, $0xFFFFF086  }
0x1c: {  	p1 =	slt.u32 s9, $0xF7A;
	s5 =	simm.s32 @!p2 $0x0  }
0x1d: {  	s5 =	simm.s32 @p1 $0x1;
	p0 =	seq.s32 s7, s2  }
0x1e: {  	s7 =	smul.u32 @!p0 $0xF7A, s2;
	p2 =	seq.s32 @!p0 s5, $0x0  }
0x1f: {  	s9 =	smul.u32 $0xF7A, s1;
	s8 =	simm.s32 @!p0 $0x1BF5;
	p2 =	por !p2, p0  }
0x20: {  	[sflag:s8] =	ssyncset.s32 @!p0 $0xFFFFF086;
	s6 =	sadd.s32 @!p0 s3, s7;
	s7 =	simm.s32 @!p0 $0x108  }
0x21: {  	s3 =	sadd.s32 s3, s9;
	s6 =	sadd.s32 @!p0 $0x88, s6;
	s7 =	simm.s32 @p2 $0x1082  }
0x22: {  	[simem:s7], [sflag:s8] =	dma.local @!p0 [hbm:s6], $0xF7A  }
0x23: {  	s9 =	sor.u32 $0xD0000000, s2;
	s6 =	simm.s32 $0x108;
	_ =	swait.ge @!p0 [sflag:s8], $0x0  }
0x24: {  	s3 =	sadd.s32 $0x88, s3;
	s6 =	simm.s32 @!p1 $0x1082;
	[sflag:s4] =	ssyncset.s32 $0xFFFFF086  }
0x25: {  	[simem:s6], [sflag:s4] =	dma.local [hbm:s3], $0xF7A  }
0x26: {  	[smem:$0x3F6E] =	sst s1;
	(tag) =	ssettag s2;
	_ =	strace s9  }
0x27: {  	s1 =	sld [smem:$0x3F7E]  }
0x28: {  	s2 =	sld [smem:$0x3F7F]  }
0x29: {  	s4 =	sld [smem:$0x3F81]  }
0x2a: {  	p0 =	seq.s32 s5, $0x0;
	s5 =	sld [smem:$0x3F82]  }
0x2b: {  	s6 =	sld [smem:$0x3F83]  }
0x2c: {  	s7 =	sld [smem:$0x3F84]  }
0x2d: {  	s3 =	simm.s32 $0x108;
	s8 =	sld [smem:$0x3F85]  }
0x2e: {  	s3 =	simm.s32 @!p0 $0x1082;
	s9 =	sld [smem:$0x3F86]  }
0x2f: {  	lr =	sadd.s32 s0, s3;
	s0 =	sld [smem:$0x3F7D]  }
0x30: {  	s3 =	sld [smem:$0x3F80]  }
0x31: {  	[smem:$0x3F89] =	sst s10  }
0x32: {  	s10 =	sld [smem:$0x3F87];
	_ =	sdelay $0x3  }
0x33: {  	p0 =	seq.s32 s10, $0x1;
	s10 =	sld [smem:$0x3F89];
	_ =	sdelay $0x3  }
0x34: {  	[smem:$0x3F89] =	sst s10  }
0x35: {  	s10 =	sld [smem:$0x3F88];
	_ =	sdelay $0x3  }
0x36: {  	p1 =	seq.s32 s10, $0x1;
	s10 =	sld [smem:$0x3F89];
	_ =	sdelay $0x3  }
0x37: {  	[smem:$0x3F89] =	sst s10  }
0x38: {  	s10 =	sld [smem:$0x3F8A]  }
0x39: {  	_ = 	snop;
	(pc) =	sbr.ind lr, $3  }
0x3a: {  	_ = 	snop  }
0x3b: {  	_ = 	snop  }
0x3c: {  	p2 =	seq.s32 s10, $0x1;
	s10 =	sld [smem:$0x3F89]  }
0x3d: {  	_ =	shalt  }
0x3e: {  	_ =	shalt  }
0x3f: {  	_ =	shalt  }
0x40: {  	_ =	shalt  }
0x41: {  	_ =	shalt  }
0x42: {  	_ =	shalt  }
0x43: {  	_ =	shalt  }
0x44: {  	_ =	shalt  }
0x45: {  	_ =	shalt  }
0x46: {  	_ =	shalt  }
0x47: {  	_ =	shalt  }
0x48: {  	_ =	shalt  }
0x49: {  	_ =	shalt  }
0x4a: {  	_ =	shalt  }
0x4b: {  	_ =	shalt  }
0x4c: {  	_ =	shalt  }
0x4d: {  	_ =	shalt  }
0x4e: {  	_ =	shalt  }
0x4f: {  	_ =	shalt  }
0x50: {  	_ =	shalt  }
0x51: {  	_ =	shalt  }
0x52: {  	_ =	shalt  }
0x53: {  	_ =	shalt  }
0x54: {  	_ =	shalt  }
0x55: {  	_ =	shalt  }
0x56: {  	_ =	shalt  }
0x57: {  	_ =	shalt  }
0x58: {  	_ =	shalt  }
0x59: {  	_ =	shalt  }
0x5a: {  	_ =	shalt  }
0x5b: {  	_ =	shalt  }
0x5c: {  	_ =	shalt  }
0x5d: {  	_ =	shalt  }
0x5e: {  	_ =	shalt  }
0x5f: {  	_ =	shalt  }
0x60: {  	_ =	shalt  }
0x61: {  	_ =	shalt  }
0x62: {  	_ =	shalt  }
0x63: {  	_ =	shalt  }
0x64: {  	_ =	shalt  }
0x65: {  	_ =	shalt  }
0x66: {  	_ =	shalt  }
0x67: {  	_ =	shalt  }
0x68: {  	_ =	shalt  }
0x69: {  	_ =	shalt  }
0x6a: {  	_ =	shalt  }
0x6b: {  	_ =	shalt  }
0x6c: {  	_ =	shalt  }
0x6d: {  	_ =	shalt  }
0x6e: {  	_ =	shalt  }
0x6f: {  	_ =	shalt  }
0x70: {  	_ =	shalt  }
0x71: {  	_ =	shalt  }
0x72: {  	_ =	shalt  }
0x73: {  	_ =	shalt  }
0x74: {  	_ =	shalt  }
0x75: {  	_ =	shalt  }
0x76: {  	_ =	shalt  }
0x77: {  	_ =	shalt  }
0x78: {  	_ =	shalt  }
0x79: {  	_ =	shalt  }
0x7a: {  	_ =	shalt  }
0x7b: {  	_ =	shalt  }
0x7c: {  	_ =	shalt  }
0x7d: {  	_ =	shalt  }
0x7e: {  	_ =	shalt  }
0x7f: {  	_ =	shalt  }
0x80: {  	_ =	shalt  }
0x81: {  	_ =	shalt  }
0x82: {  	_ =	shalt  }
0x83: {  	_ =	shalt  }
0x84: {  	_ =	shalt  }
0x85: {  	_ =	shalt  }
0x86: {  	_ =	shalt  }
0x87: {  	_ =	shalt  }
.Lfunc_end0:
.L_simem_size_0:
called_computation.3_lowered:
.L_overlay_start_0:
0x88: {  	s2 =	sld [smem:$0x3FD9]  }
0x89: {  	s3 =	sld [smem:$0x3FFE];
	_ =	sdelay $0x1  }
0x8a: {  	s1 =	srdreg.scid  }
0x8b: {  	s0 =	sand.u32 $0x1, s1  }
0x8c: {  	s17 =	sshll.u32 s0, $0xA;
	s2 =	sadd.s32 s3, s2  }
0x8d: {  	s2 =	sadd.s32 s2, s17  }
0x8e: {  	[smem:$0x3F95] =	sst s2  }
0x8f: {  	_ = 	snop  }
0x90: {  	(tm) =	ssettm $0x1  }
0x91: {  	s18 =	sld [smem:$0x3FFB];
	_ =	sdelay $0x3  }
0x92: {  	_ =	strace s18  }
0x93: {  	s2 =	sld [smem:$0x3FFC];
	_ =	sdelay $0x3  }
0x94: {  	_ =	strace s2  }
0x95: {  	s2 =	sld [smem:$0x3FFD];
	_ =	sdelay $0x3  }
0x96: {  	_ =	strace s2  }
0x97: {  	_ =	strace $0x8FFFFFFF  }
0x98: {  	s19 =	sld [smem:$0x3FDB];
	_ =	sdelay $0x1  }
0x99: {  	s20 =	simm.s32 $_scs_section_size  }
0x9a: {  	s4 =	simm.s32 $_size__tile_overlayer_lowered;
	s5 =	simm.s32 $_tile_overlayer_lowered  }
0x9b: {  	s6 =	simm.s32 $0x1BFF;
	s21 =	sshll.u32 s5, $0x1;
	s3 =	sadd.s32 s20, s19  }
0x9c: {  	s22 =	simm.s32 $0x0;
	s4 =	sshll.u32 s4, $0x1;
	s5 =	sadd.s32 s21, s3  }
0x9d: {  	[timem:s22], [sflag:s6] =	dma.local [hbm:s5], s4  }
0x9e: {  	_ =	swait.ge [sflag:s6], s4  }
0x9f: {  	s4 =	ssub.s32 $0x0, s4;
	[sflag:s6] =	ssyncset.done $0x0  }
0xa0: {  	[sflag:s6] =	ssyncadd.s32 s4;
	_ =	sdelay $0x1  }
0xa1: {  	s23 =	simm.s32 $0x1B8B  }
0xa2: {  	_ =	swait.ge [sflag:s23], $0x1  }
0xa3: {  	[sflag:s23] =	ssyncset.done $0x0  }
0xa4: {  	[sflag:s23] =	ssyncadd.s32 $0xFFFFFFFF  }
0xa5: {  	s4 =	sld [smem:$0x0]  }
0xa6: {  	s5 =	sand.u32 $0xFFFFFFFE, s1  }
0xa7: {  	p0 =	sne.s32 s1, s5  }
0xa8: {  	s5 =	sshll.u32 @p0 s5, $0xE  }
0xa9: {  	s5 =	sadd.s32 @p0 $0x11B8D, s5;
	s6 =	sshll.u32 @p0 s4, $0x11  }
0xaa: {  	s5 =	sor.u32 @p0 s6, s5  }
0xab: {  	[sflag:s5] =	ssyncadd.remote.s32 @p0 $0x1;
	_ =	sdelay $0x1  }
0xac: {  	s5 =	simm.s32 @p0 $0x1B8D  }
0xad: {  	_ =	swait.eq @p0 [sflag:s5], $0x1  }
0xae: {  	[sflag:s5] =	ssyncadd.s32 @p0 $0xFFFFFFFF  }
0xaf: {  	s6 =	sshll.u32 @!p0 s1, $0xE  }
0xb0: {  	s6 =	sor.u32 @!p0 $0x4000, s6;
	s5 =	simm.s32 @!p0 $0x1B8D  }
0xb1: {  	s4 =	sshll.u32 @!p0 s4, $0x11;
	s6 =	sadd.s32 @!p0 $0x11B8D, s6;
	_ =	swait.eq @!p0 [sflag:s5], $0x1  }
0xb2: {  	s4 =	sor.u32 @!p0 s4, s6;
	[sflag:s5] =	ssyncadd.s32 @!p0 $0xFFFFFFFF  }
0xb3: {  	s25 =	simm.s32 $0x1B8E;
	s24 =	sld [smem:$0x3FFE];
	[sflag:s4] =	ssyncadd.remote.s32 @!p0 $0x1  }
0xb4: {  	s26 =	simm.s32 $execute0_lowered;
	[smem:$0x3FD2] =	sst s25  }
0xb5: {  	s5 =	sshll.u32 s26, $0x1;
	_ =	strace $0x8000004F;
	[dreg:$0x1] =	wrdreg $0xFFFFFFFF  }
0xb6: {  	s28 =	simm.s32 $_size_execute0_lowered;
	s3 =	sadd.s32 s3, s5;
	[dreg:$0x0] =	wrdreg $0x0  }
0xb7: {  	s5 =	sshll.u32 s28, $0x1;
	[dreg:$0x2] =	wrdreg s3  }
0xb8: {  	[dreg:$0x3] =	wrdreg s5  }
0xb9: {  	[dreg:$0x4] =	wrdreg $0xC0  }
0xba: {  	_ =	task [dreg:s22], $0x5FFFF  }
0xbb: {  	[dreg:$0x1] =	wrdreg $0xFFFFFFFF  }
0xbc: {  	[dreg:$0x0] =	wrdreg $0x60  }
0xbd: {  	[dreg:$0x2] =	wrdreg s24  }
0xbe: {  	[dreg:$0x3] =	wrdreg $0x54000  }
0xbf: {  	[dreg:$0x4] =	wrdreg $0xA  }
0xc0: {  	_ =	task.clear_ibuf [dreg:s22], $0x5FFFF;
	_ =	strace $0x9000004F  }
0xc1: {  	s29 =	simm.s32 $0xA;
	_ =	strace $0x80000051  }
0xc2: {  	_ =	swait.ge [sflag:s29], $0x1  }
0xc3: {  	[sflag:s29] =	ssyncadd.s32 $0xFFFFFFFF  }
0xc4: {  	_ =	strace $0x90000051  }
0xc5: {  	_ =	sfence  }
0xc6: {  	s30 =	sld [smem:$0x0];
	_ =	sdelay $0x2  }
0xc7: {  	s31 =	sshll.u32 s1, $0xD;
	s1 =	sshrl.u32 s1, $0x2  }
0xc8: {  	s4 =	sand.u32 $0x4000, s31;
	s1 =	sadd.s32 s1, s30  }
0xc9: {  	s0 =	sor.u32 s4, s0;
	s1 =	sshll.u32 s1, $0x11  }
0xca: {  	s0 =	sor.u32 s1, s0  }
0xcb: {  	s0 =	sadd.s32 $0x8F2B, s0  }
0xcc: {  	[sflag:s0] =	ssyncadd.remote.s32 $0x1  }
0xcd: {  	_ =	sfence.sel $0xFFFF  }
0xce: {  	[dreg:$0x0] =	wrdreg $0xFFFFFFFF;
	(pc) =	sbr.abs _section_cstart, $3  }
0xcf: {  	[dreg:$0x1] =	wrdreg $0xFFFFFFFF  }
0xd0: {  	_ =	task.clear_ibuf [dreg:s22], $0x2FFFF;
	_ =	strace $0x9FFFFFFF  }
0xd1: {  	(tm) =	ssettm $0x7FFFFFFF  }
tec
execute0_lowered:
.L_overlay_start_1:
0x0: {  	(tag) =	ssettag $0x1  }
0x1: {  	s4 =	rddreg [dreg:$0x0]  }
0x2: {  	s2 =	rddreg [dreg:$0x1]  }
0x3: {  	s0 =	rddreg [dreg:$0x2]  }
0x4: {  	s1 =	stileid.u32;
	s3 =	simm.s32 $0x0;
	s6 =	srdreg.scid  }
0x5: {  	s14 =	simm.s32 $0x0;
	s5 =	smul.u32 $0x27100, s1;
	[smem:$0x7FF] =	sst s3  }
0x6: {  	s6 =	sand.u32 $0x1, s6;
	s7 =	smul.u32 $0x14000, s1;
	s8 =	sshll.u32 s1, $0xC  }
0x7: {  	s28 =	smul.u32 $0x50000, s1;
	s31 =	sshll.u32 s1, $0x6;
	s9 =	sshll.u32 s6, $0xB  }
0x8: {  	s10 =	smul.u32 $0x140000, s6;
	_ =	strace $0x80000050;
	s29 =	ssub.s32 $0x2, s6  }
0x9: {  	s12 =	smul.u32 $0x13880, s6;
	s8 =	sor.u32 s9, s8;
	s24 =	sadd.s32 s5, s4  }
0xa: {  	s11 =	sshrl.u32 s29, $0x1;
	s25 =	sadd.s32 s8, s4;
	s26 =	sadd.s32 s7, s10  }
0xb: {  	s7 =	sshrl.u32 s7, $0x3;
	s10 =	sshrl.u32 s28, $0x2;
	s11 =	ssub.s32 s29, s11  }
0xc: {  	s30 =	sadd.s32 s12, s24;
	s12 =	simm.s32 $0x4000;
	s8 =	sshrl.u32 s26, $0x3  }
0xd: {  	s7 =	sadd.s32 s7, s4;
	s13 =	sadd.s32 s10, s2;
	s10 =	sor.u32 $0x1C01, s31  }
0xe: {  	s8 =	sadd.s32 s8, s4;
	s4 =	sadd.s32 $0x68600, s25;
	s5 =	sadd.s32 $0x31200, s7  }
0xf: {  	s7 =	smax.u32 s11, $0x1;
	s11 =	sshrl.u32 s13, $0x3;
	s13 =	simm.s32 $0x28  }
0x10: {  	s9 =	simm.s32 $0x1;
	s6 =	sadd.s32 $0xB08E00, s8;
	s8 =	sadd.s32 $0xFEAE00, s30  }
.LBB2_1:
0x11: {  	[tilespmem:s3], [sflag:$0x1] =	stream.linear.gather [hbm4b:s4+s3], $0x3E80, $0x38;
	[tilespmem:$0x19400] =	vst v63  }
0x12: {  	_ =	swait.ge [sflag:s9], $0x3E80  }
0x13: {  	[sflag:s9] =	ssyncset.done $0x0  }
0x14: {  	[sflag:s9] =	ssyncadd.s32 $0xFFFFC180  }
0x15: {  	[spmem:s11], [sflag:s10] =	dma.local [hbm:s5], $0x2800  }
0x16: {  	_ =	swait.ge [sflag:s9], $0x2800  }
0x17: {  	[sflag:s9] =	ssyncset.done $0x0  }
0x18: {  	[sflag:s9] =	ssyncadd.s32 $0xFFFFD800  }
0x19: {  	[bflag:$0x0] =	sbarrier.arrive $0xFFFF  }
0x1a: {  	[tilespmem:s12], [sflag:$0x1] =	stream.linear.gather [hbm4b:s8+s3], $0x1400, $0x38;
	[tilespmem:$0x19400] =	vst v63  }
0x1b: {  	_ =	swait.ge [sflag:s9], $0x1400  }
0x1c: {  	[sflag:s9] =	ssyncset.done $0x0  }
0x1d: {  	s15 =	simm.s32 $0x0;
	[sflag:s9] =	ssyncadd.s32 $0xFFFFEC00  }
0x1e: {  	[spmem:s2] =	stream.indirect.scatter.add.f32 [tilespmem:s12], [sflag:$0x1], $0x80, s15, s13, $0xb8;
	[tilespmem:$0x19400] =	vst v63  }
0x1f: {  	_ =	swait.ge [sflag:s9], $0x1400  }
0x20: {  	s16 =	smov.u32 s8;
	s15 =	simm.s32 $0x200;
	[sflag:s9] =	ssyncset.done $0x0  }
.LBB2_2:
0x21: {  	p0 =	sne.s32 s15, $0xF800;
	[sflag:s9] =	ssyncadd.s32 $0xFFFFEC00;
	s16 =	sadd.s32 $0x280, s16  }
0x22: {  	[tilespmem:s12], [sflag:$0x1] =	stream.linear.gather [hbm4b:s16+s3], $0x1400, $0x38;
	[tilespmem:$0x19400] =	vst v63  }
0x23: {  	s17 =	smov.u32 s15;
	s15 =	sadd.s32 $0x200, s15;
	_ =	swait.ge [sflag:s9], $0x1400  }
.Ltmp0:
0x24: {  	[sflag:s9] =	ssyncset.done $0x0;
	(pc) =	sbr.rel @p0 .LBB2_2-.Ltmp0, $4  }
0x25: {  	s17 =	sshra.s32 s17, $0x2;
	[sflag:s9] =	ssyncadd.s32 $0xFFFFEC00  }
0x26: {  	[spmem:s2] =	stream.indirect.scatter.add.f32 [tilespmem:s12], [sflag:$0x1], $0x80, s17, s13, $0xb8;
	[tilespmem:$0x19400] =	vst v63  }
0x27: {  	_ =	swait.ge [sflag:s9], $0x1400  }
0x28: {  	[sflag:s9] =	ssyncset.done $0x0  }
0x29: {  	s14 =	sadd.s32 $0x1, s14  }
0x2a: {  	[sflag:s9] =	ssyncadd.s32 $0xFFFFEC00;
	p0 =	sne.s32 s14, s7  }
.Ltmp1:
0x2b: {  	[bflag:$0x0] =	sbarrier.arrive $0xFFFF;
	(pc) =	sbr.rel @p0 .LBB2_1-.Ltmp1, $4  }
0x2c: {  	[hbm:s6], [sflag:s10] =	dma.local [spmem:s11], $0x2800  }
0x2d: {  	_ =	swait.ge [sflag:s9], $0x2800  }
0x2e: {  	[sflag:s9] =	ssyncset.done $0x0  }
0x2f: {  	[sflag:s9] =	ssyncadd.s32 $0xFFFFD800  }
0x30: {  	_ =	sfence.sel $0x180000  }
0x31: {  	[bflag:$0x0] =	sbarrier.arrive $0xFFFF  }
0x32: {  	p0 =	sne.s32 s1, $0x0;
	_ =	strace $0x90000050  }
0x33: {  	s0 =	sadd.s32 @!p0 $0x100000, s0;
	[bflag:$0x2] =	sbarrier.arrive $0xFFFF  }
0x34: {  	[sflag:s0] =	ssyncadd.tile.s32 @!p0 $0x1;
	_ =	shalt  }
.Lfunc_end2:
_tile_overlayer_lowered:
.L_overlay_start_2:
0x35: {  	(tag) =	ssettag $0x2  }
0x36: {  	s0 =	rddreg [dreg:$0x0];
	s2 =	stileid.u32  }
0x37: {  	s1 =	rddreg [dreg:$0x1];
	p0 =	sne.s32 s2, $0x0  }
0x38: {  	s3 =	rddreg [dreg:$0x2];
	[bflag:$0x3] =	sbarrier.arrive $0xFFFF;
	s2 =	simm.s32 @!p0 $0x1C01  }
0x39: {  	[timem:s3], [sflag:s2] =	dma.local @!p0 [hbm:s0], s1  }
0x3a: {  	s0 =	simm.s32 @!p0 $0x1  }
0x3b: {  	_ =	swait.ge @!p0 [sflag:s0], s1  }
0x3c: {  	s1 =	ssub.s32 @!p0 $0x0, s1;
	[sflag:s0] =	ssyncset.done @!p0 $0x0  }
0x3d: {  	[sflag:s0] =	ssyncadd.s32 @!p0 s1  }
0x3e: {  	[bflag:$0x3] =	sbarrier.arrive $0xFFFF  }
0x3f: {  	_ =	shalt  }

// kernel: kernel.30.cloned.1.call-start
scs
__scs_entry_jumppad:
0x0: {  	(pc) =	sbr.rel $0x88, $3  }
0x1: {  	(tag) =	ssettag $0x0;
	lr =	simm.s32 $0x1  }
0x2: {  	[smem:$0x3F6E] =	sst lr;
	_ =	strace $0xD0000000  }
0x3: {  	_ = 	snop  }
0x4: {  	_ = 	snop  }
0x5: {  	_ = 	snop  }
0x6: {  	_ = 	snop  }
0x7: {  	_ = 	snop  }
__scs_overlays_trampoline_lowered:
0x8: {  	[smem:$0x3F7D] =	sst s0  }
0x9: {  	[smem:$0x3F7E] =	sst s1  }
0xa: {  	[smem:$0x3F7F] =	sst s2  }
0xb: {  	[smem:$0x3F80] =	sst s3  }
0xc: {  	[smem:$0x3F81] =	sst s4  }
0xd: {  	[smem:$0x3F82] =	sst s5  }
0xe: {  	[smem:$0x3F83] =	sst s6  }
0xf: {  	[smem:$0x3F84] =	sst s7  }
0x10: {  	[smem:$0x3F85] =	sst s8  }
0x11: {  	[smem:$0x3F86] =	sst s9;
	s0 =	simm.s32 @!p0 $0x0  }
0x12: {  	s1 =	sld [smem:$0x3F6C];
	s0 =	simm.s32 @p0 $0x1  }
0x13: {  	[smem:$0x3F87] =	sst s0;
	s0 =	simm.s32 @!p1 $0x0  }
0x14: {  	s2 =	sld [smem:$0x3F6B];
	s0 =	simm.s32 @p1 $0x1  }
0x15: {  	[smem:$0x3F88] =	sst s0;
	s0 =	simm.s32 @!p2 $0x0  }
0x16: {  	s3 =	sld [smem:$0x3FDB];
	s0 =	simm.s32 @p2 $0x1  }
0x17: {  	s4 =	simm.s32 $0x1BF5;
	[smem:$0x3F8A] =	sst s0  }
0x18: {  	s0 =	sld [smem:$0x3F6D];
	_ =	swait.ge [sflag:s4], $0x0  }
0x19: {  	s7 =	sld [smem:$0x3F6E]  }
0x1a: {  	s8 =	sadd.s32 $0xFFFFE003, lr  }
0x1b: {  	s9 =	sadd.s32 $0xFFFFFEF7, lr;
	s5 =	simm.s32 $0xFFFFFFFF;
	p2 =	slt.u32 s8, $0xFFFFF086  }
0x1c: {  	p1 =	slt.u32 s9, $0xF7A;
	s5 =	simm.s32 @!p2 $0x0  }
0x1d: {  	s5 =	simm.s32 @p1 $0x1;
	p0 =	seq.s32 s7, s2  }
0x1e: {  	s7 =	smul.u32 @!p0 $0xF7A, s2;
	p2 =	seq.s32 @!p0 s5, $0x0  }
0x1f: {  	s9 =	smul.u32 $0xF7A, s1;
	s8 =	simm.s32 @!p0 $0x1BF5;
	p2 =	por !p2, p0  }
0x20: {  	[sflag:s8] =	ssyncset.s32 @!p0 $0xFFFFF086;
	s6 =	sadd.s32 @!p0 s3, s7;
	s7 =	simm.s32 @!p0 $0x108  }
0x21: {  	s3 =	sadd.s32 s3, s9;
	s6 =	sadd.s32 @!p0 $0x88, s6;
	s7 =	simm.s32 @p2 $0x1082  }
0x22: {  	[simem:s7], [sflag:s8] =	dma.local @!p0 [hbm:s6], $0xF7A  }
0x23: {  	s9 =	sor.u32 $0xD0000000, s2;
	s6 =	simm.s32 $0x108;
	_ =	swait.ge @!p0 [sflag:s8], $0x0  }
0x24: {  	s3 =	sadd.s32 $0x88, s3;
	s6 =	simm.s32 @!p1 $0x1082;
	[sflag:s4] =	ssyncset.s32 $0xFFFFF086  }
0x25: {  	[simem:s6], [sflag:s4] =	dma.local [hbm:s3], $0xF7A  }
0x26: {  	[smem:$0x3F6E] =	sst s1;
	(tag) =	ssettag s2;
	_ =	strace s9  }
0x27: {  	s1 =	sld [smem:$0x3F7E]  }
0x28: {  	s2 =	sld [smem:$0x3F7F]  }
0x29: {  	s4 =	sld [smem:$0x3F81]  }
0x2a: {  	p0 =	seq.s32 s5, $0x0;
	s5 =	sld [smem:$0x3F82]  }
0x2b: {  	s6 =	sld [smem:$0x3F83]  }
0x2c: {  	s7 =	sld [smem:$0x3F84]  }
0x2d: {  	s3 =	simm.s32 $0x108;
	s8 =	sld [smem:$0x3F85]  }
0x2e: {  	s3 =	simm.s32 @!p0 $0x1082;
	s9 =	sld [smem:$0x3F86]  }
0x2f: {  	lr =	sadd.s32 s0, s3;
	s0 =	sld [smem:$0x3F7D]  }
0x30: {  	s3 =	sld [smem:$0x3F80]  }
0x31: {  	[smem:$0x3F89] =	sst s10  }
0x32: {  	s10 =	sld [smem:$0x3F87];
	_ =	sdelay $0x3  }
0x33: {  	p0 =	seq.s32 s10, $0x1;
	s10 =	sld [smem:$0x3F89];
	_ =	sdelay $0x3  }
0x34: {  	[smem:$0x3F89] =	sst s10  }
0x35: {  	s10 =	sld [smem:$0x3F88];
	_ =	sdelay $0x3  }
0x36: {  	p1 =	seq.s32 s10, $0x1;
	s10 =	sld [smem:$0x3F89];
	_ =	sdelay $0x3  }
0x37: {  	[smem:$0x3F89] =	sst s10  }
0x38: {  	s10 =	sld [smem:$0x3F8A]  }
0x39: {  	_ = 	snop;
	(pc) =	sbr.ind lr, $3  }
0x3a: {  	_ = 	snop  }
0x3b: {  	_ = 	snop  }
0x3c: {  	p2 =	seq.s32 s10, $0x1;
	s10 =	sld [smem:$0x3F89]  }
0x3d: {  	_ =	shalt  }
0x3e: {  	_ =	shalt  }
0x3f: {  	_ =	shalt  }
0x40: {  	_ =	shalt  }
0x41: {  	_ =	shalt  }
0x42: {  	_ =	shalt  }
0x43: {  	_ =	shalt  }
0x44: {  	_ =	shalt  }
0x45: {  	_ =	shalt  }
0x46: {  	_ =	shalt  }
0x47: {  	_ =	shalt  }
0x48: {  	_ =	shalt  }
0x49: {  	_ =	shalt  }
0x4a: {  	_ =	shalt  }
0x4b: {  	_ =	shalt  }
0x4c: {  	_ =	shalt  }
0x4d: {  	_ =	shalt  }
0x4e: {  	_ =	shalt  }
0x4f: {  	_ =	shalt  }
0x50: {  	_ =	shalt  }
0x51: {  	_ =	shalt  }
0x52: {  	_ =	shalt  }
0x53: {  	_ =	shalt  }
0x54: {  	_ =	shalt  }
0x55: {  	_ =	shalt  }
0x56: {  	_ =	shalt  }
0x57: {  	_ =	shalt  }
0x58: {  	_ =	shalt  }
0x59: {  	_ =	shalt  }
0x5a: {  	_ =	shalt  }
0x5b: {  	_ =	shalt  }
0x5c: {  	_ =	shalt  }
0x5d: {  	_ =	shalt  }
0x5e: {  	_ =	shalt  }
0x5f: {  	_ =	shalt  }
0x60: {  	_ =	shalt  }
0x61: {  	_ =	shalt  }
0x62: {  	_ =	shalt  }
0x63: {  	_ =	shalt  }
0x64: {  	_ =	shalt  }
0x65: {  	_ =	shalt  }
0x66: {  	_ =	shalt  }
0x67: {  	_ =	shalt  }
0x68: {  	_ =	shalt  }
0x69: {  	_ =	shalt  }
0x6a: {  	_ =	shalt  }
0x6b: {  	_ =	shalt  }
0x6c: {  	_ =	shalt  }
0x6d: {  	_ =	shalt  }
0x6e: {  	_ =	shalt  }
0x6f: {  	_ =	shalt  }
0x70: {  	_ =	shalt  }
0x71: {  	_ =	shalt  }
0x72: {  	_ =	shalt  }
0x73: {  	_ =	shalt  }
0x74: {  	_ =	shalt  }
0x75: {  	_ =	shalt  }
0x76: {  	_ =	shalt  }
0x77: {  	_ =	shalt  }
0x78: {  	_ =	shalt  }
0x79: {  	_ =	shalt  }
0x7a: {  	_ =	shalt  }
0x7b: {  	_ =	shalt  }
0x7c: {  	_ =	shalt  }
0x7d: {  	_ =	shalt  }
0x7e: {  	_ =	shalt  }
0x7f: {  	_ =	shalt  }
0x80: {  	_ =	shalt  }
0x81: {  	_ =	shalt  }
0x82: {  	_ =	shalt  }
0x83: {  	_ =	shalt  }
0x84: {  	_ =	shalt  }
0x85: {  	_ =	shalt  }
0x86: {  	_ =	shalt  }
0x87: {  	_ =	shalt  }
.Lfunc_end0:
.L_simem_size_0:
called_computation.4_lowered:
.L_overlay_start_0:
0x88: {  	s2 =	sld [smem:$0x3FD9]  }
0x89: {  	s3 =	sld [smem:$0x3FFE];
	_ =	sdelay $0x1  }
0x8a: {  	s1 =	srdreg.scid  }
0x8b: {  	s0 =	sand.u32 $0x1, s1  }
0x8c: {  	s17 =	sshll.u32 s0, $0xA;
	s2 =	sadd.s32 s3, s2  }
0x8d: {  	s2 =	sadd.s32 s2, s17  }
0x8e: {  	[smem:$0x3F95] =	sst s2  }
0x8f: {  	_ = 	snop  }
0x90: {  	(tm) =	ssettm $0x1  }
0x91: {  	s18 =	sld [smem:$0x3FFB];
	_ =	sdelay $0x3  }
0x92: {  	_ =	strace s18  }
0x93: {  	s2 =	sld [smem:$0x3FFC];
	_ =	sdelay $0x3  }
0x94: {  	_ =	strace s2  }
0x95: {  	s2 =	sld [smem:$0x3FFD];
	_ =	sdelay $0x3  }
0x96: {  	_ =	strace s2  }
0x97: {  	_ =	strace $0x8FFFFFFF  }
0x98: {  	s19 =	sld [smem:$0x3FDB];
	_ =	sdelay $0x1  }
0x99: {  	s20 =	simm.s32 $_scs_section_size  }
0x9a: {  	s4 =	simm.s32 $_size__tile_overlayer_lowered;
	s5 =	simm.s32 $_tile_overlayer_lowered  }
0x9b: {  	s6 =	simm.s32 $0x1BFF;
	s21 =	sshll.u32 s5, $0x1;
	s3 =	sadd.s32 s20, s19  }
0x9c: {  	s22 =	simm.s32 $0x0;
	s4 =	sshll.u32 s4, $0x1;
	s5 =	sadd.s32 s21, s3  }
0x9d: {  	[timem:s22], [sflag:s6] =	dma.local [hbm:s5], s4  }
0x9e: {  	_ =	swait.ge [sflag:s6], s4  }
0x9f: {  	s4 =	ssub.s32 $0x0, s4;
	[sflag:s6] =	ssyncset.done $0x0  }
0xa0: {  	[sflag:s6] =	ssyncadd.s32 s4;
	_ =	sdelay $0x1  }
0xa1: {  	s23 =	simm.s32 $0x1B8B  }
0xa2: {  	_ =	swait.ge [sflag:s23], $0x1  }
0xa3: {  	[sflag:s23] =	ssyncset.done $0x0  }
0xa4: {  	[sflag:s23] =	ssyncadd.s32 $0xFFFFFFFF  }
0xa5: {  	s4 =	sld [smem:$0x0]  }
0xa6: {  	s5 =	sand.u32 $0xFFFFFFFE, s1  }
0xa7: {  	p0 =	sne.s32 s1, s5  }
0xa8: {  	s5 =	sshll.u32 @p0 s5, $0xE  }
0xa9: {  	s5 =	sadd.s32 @p0 $0x11B8D, s5;
	s6 =	sshll.u32 @p0 s4, $0x11  }
0xaa: {  	s5 =	sor.u32 @p0 s6, s5  }
0xab: {  	[sflag:s5] =	ssyncadd.remote.s32 @p0 $0x1;
	_ =	sdelay $0x1  }
0xac: {  	s5 =	simm.s32 @p0 $0x1B8D  }
0xad: {  	_ =	swait.eq @p0 [sflag:s5], $0x1  }
0xae: {  	[sflag:s5] =	ssyncadd.s32 @p0 $0xFFFFFFFF  }
0xaf: {  	s6 =	sshll.u32 @!p0 s1, $0xE  }
0xb0: {  	s6 =	sor.u32 @!p0 $0x4000, s6;
	s5 =	simm.s32 @!p0 $0x1B8D  }
0xb1: {  	s4 =	sshll.u32 @!p0 s4, $0x11;
	s6 =	sadd.s32 @!p0 $0x11B8D, s6;
	_ =	swait.eq @!p0 [sflag:s5], $0x1  }
0xb2: {  	s4 =	sor.u32 @!p0 s4, s6;
	[sflag:s5] =	ssyncadd.s32 @!p0 $0xFFFFFFFF  }
0xb3: {  	s25 =	simm.s32 $0x1B8E;
	s24 =	sld [smem:$0x3FFE];
	[sflag:s4] =	ssyncadd.remote.s32 @!p0 $0x1  }
0xb4: {  	s26 =	simm.s32 $execute0_lowered;
	[smem:$0x3FD2] =	sst s25  }
0xb5: {  	s5 =	sshll.u32 s26, $0x1;
	_ =	strace $0x80000052;
	[dreg:$0x1] =	wrdreg $0xFFFFFFFF  }
0xb6: {  	s28 =	simm.s32 $_size_execute0_lowered;
	s3 =	sadd.s32 s3, s5;
	[dreg:$0x0] =	wrdreg $0x0  }
0xb7: {  	s5 =	sshll.u32 s28, $0x1;
	[dreg:$0x2] =	wrdreg s3  }
0xb8: {  	[dreg:$0x3] =	wrdreg s5  }
0xb9: {  	[dreg:$0x4] =	wrdreg $0xC0  }
0xba: {  	_ =	task [dreg:s22], $0x5FFFF  }
0xbb: {  	[dreg:$0x1] =	wrdreg $0xFFFFFFFF  }
0xbc: {  	[dreg:$0x0] =	wrdreg $0x60  }
0xbd: {  	[dreg:$0x2] =	wrdreg s24  }
0xbe: {  	[dreg:$0x3] =	wrdreg $0x54000  }
0xbf: {  	[dreg:$0x4] =	wrdreg $0x9  }
0xc0: {  	_ =	task.clear_ibuf [dreg:s22], $0x5FFFF;
	_ =	strace $0x90000052  }
0xc1: {  	s29 =	simm.s32 $0x9;
	_ =	strace $0x80000054  }
0xc2: {  	_ =	swait.ge [sflag:s29], $0x1  }
0xc3: {  	[sflag:s29] =	ssyncadd.s32 $0xFFFFFFFF  }
0xc4: {  	_ =	strace $0x90000054  }
0xc5: {  	_ =	sfence  }
0xc6: {  	s30 =	sld [smem:$0x0];
	_ =	sdelay $0x2  }
0xc7: {  	s31 =	sshll.u32 s1, $0xD;
	s1 =	sshrl.u32 s1, $0x2  }
0xc8: {  	s4 =	sand.u32 $0x4000, s31;
	s1 =	sadd.s32 s1, s30  }
0xc9: {  	s0 =	sor.u32 s4, s0;
	s1 =	sshll.u32 s1, $0x11  }
0xca: {  	s0 =	sor.u32 s1, s0  }
0xcb: {  	s0 =	sadd.s32 $0x8F2B, s0  }
0xcc: {  	[sflag:s0] =	ssyncadd.remote.s32 $0x1  }
0xcd: {  	_ =	sfence.sel $0xFFFF  }
0xce: {  	[dreg:$0x0] =	wrdreg $0xFFFFFFFF;
	(pc) =	sbr.abs _section_cstart, $3  }
0xcf: {  	[dreg:$0x1] =	wrdreg $0xFFFFFFFF  }
0xd0: {  	_ =	task.clear_ibuf [dreg:s22], $0x2FFFF;
	_ =	strace $0x9FFFFFFF  }
0xd1: {  	(tm) =	ssettm $0x7FFFFFFF  }
tec
execute0_lowered:
.L_overlay_start_1:
0x0: {  	(tag) =	ssettag $0x1  }
0x1: {  	s4 =	rddreg [dreg:$0x0]  }
0x2: {  	s2 =	rddreg [dreg:$0x1]  }
0x3: {  	s0 =	rddreg [dreg:$0x2]  }
0x4: {  	s1 =	stileid.u32;
	s3 =	simm.s32 $0x0;
	s6 =	srdreg.scid  }
0x5: {  	s14 =	simm.s32 $0x0;
	s5 =	smul.u32 $0x27100, s1;
	[smem:$0x7FF] =	sst s3  }
0x6: {  	s6 =	sand.u32 $0x1, s6;
	s7 =	smul.u32 $0x14000, s1;
	s8 =	sshll.u32 s1, $0xC  }
0x7: {  	s28 =	smul.u32 $0x50000, s1;
	s31 =	sshll.u32 s1, $0x6;
	s9 =	sshll.u32 s6, $0xB  }
0x8: {  	s10 =	smul.u32 $0x140000, s6;
	_ =	strace $0x80000053;
	s29 =	ssub.s32 $0x2, s6  }
0x9: {  	s12 =	smul.u32 $0x13880, s6;
	s8 =	sor.u32 s9, s8;
	s24 =	sadd.s32 s5, s4  }
0xa: {  	s11 =	sshrl.u32 s29, $0x1;
	s25 =	sadd.s32 s8, s4;
	s26 =	sadd.s32 s7, s10  }
0xb: {  	s7 =	sshrl.u32 s7, $0x3;
	s10 =	sshrl.u32 s28, $0x2;
	s11 =	ssub.s32 s29, s11  }
0xc: {  	s30 =	sadd.s32 s12, s24;
	s12 =	simm.s32 $0x4000;
	s8 =	sshrl.u32 s26, $0x3  }
0xd: {  	s7 =	sadd.s32 s7, s4;
	s13 =	sadd.s32 s10, s2;
	s10 =	sor.u32 $0x1C01, s31  }
0xe: {  	s8 =	sadd.s32 s8, s4;
	s4 =	sadd.s32 $0x5DFC00, s25;
	s5 =	sadd.s32 $0x31200, s7  }
0xf: {  	s7 =	smax.u32 s11, $0x1;
	s11 =	sshrl.u32 s13, $0x3;
	s13 =	simm.s32 $0x28  }
0x10: {  	s9 =	simm.s32 $0x1;
	s6 =	sadd.s32 $0xB58E00, s8;
	s8 =	sadd.s32 $0x125BE00, s30  }
.LBB2_1:
0x11: {  	[tilespmem:s3], [sflag:$0x1] =	stream.linear.gather [hbm4b:s4+s3], $0x3E80, $0x38;
	[tilespmem:$0x19400] =	vst v63  }
0x12: {  	_ =	swait.ge [sflag:s9], $0x3E80  }
0x13: {  	[sflag:s9] =	ssyncset.done $0x0  }
0x14: {  	[sflag:s9] =	ssyncadd.s32 $0xFFFFC180  }
0x15: {  	[spmem:s11], [sflag:s10] =	dma.local [hbm:s5], $0x2800  }
0x16: {  	_ =	swait.ge [sflag:s9], $0x2800  }
0x17: {  	[sflag:s9] =	ssyncset.done $0x0  }
0x18: {  	[sflag:s9] =	ssyncadd.s32 $0xFFFFD800  }
0x19: {  	[bflag:$0x0] =	sbarrier.arrive $0xFFFF  }
0x1a: {  	[tilespmem:s12], [sflag:$0x1] =	stream.linear.gather [hbm4b:s8+s3], $0x1400, $0x38;
	[tilespmem:$0x19400] =	vst v63  }
0x1b: {  	_ =	swait.ge [sflag:s9], $0x1400  }
0x1c: {  	[sflag:s9] =	ssyncset.done $0x0  }
0x1d: {  	s15 =	simm.s32 $0x0;
	[sflag:s9] =	ssyncadd.s32 $0xFFFFEC00  }
0x1e: {  	[spmem:s2] =	stream.indirect.scatter.add.f32 [tilespmem:s12], [sflag:$0x1], $0x80, s15, s13, $0xb8;
	[tilespmem:$0x19400] =	vst v63  }
0x1f: {  	_ =	swait.ge [sflag:s9], $0x1400  }
0x20: {  	s16 =	smov.u32 s8;
	s15 =	simm.s32 $0x200;
	[sflag:s9] =	ssyncset.done $0x0  }
.LBB2_2:
0x21: {  	p0 =	sne.s32 s15, $0xF800;
	[sflag:s9] =	ssyncadd.s32 $0xFFFFEC00;
	s16 =	sadd.s32 $0x280, s16  }
0x22: {  	[tilespmem:s12], [sflag:$0x1] =	stream.linear.gather [hbm4b:s16+s3], $0x1400, $0x38;
	[tilespmem:$0x19400] =	vst v63  }
0x23: {  	s17 =	smov.u32 s15;
	s15 =	sadd.s32 $0x200, s15;
	_ =	swait.ge [sflag:s9], $0x1400  }
.Ltmp0:
0x24: {  	[sflag:s9] =	ssyncset.done $0x0;
	(pc) =	sbr.rel @p0 .LBB2_2-.Ltmp0, $4  }
0x25: {  	s17 =	sshra.s32 s17, $0x2;
	[sflag:s9] =	ssyncadd.s32 $0xFFFFEC00  }
0x26: {  	[spmem:s2] =	stream.indirect.scatter.add.f32 [tilespmem:s12], [sflag:$0x1], $0x80, s17, s13, $0xb8;
	[tilespmem:$0x19400] =	vst v63  }
0x27: {  	_ =	swait.ge [sflag:s9], $0x1400  }
0x28: {  	[sflag:s9] =	ssyncset.done $0x0  }
0x29: {  	s14 =	sadd.s32 $0x1, s14  }
0x2a: {  	[sflag:s9] =	ssyncadd.s32 $0xFFFFEC00;
	p0 =	sne.s32 s14, s7  }
.Ltmp1:
0x2b: {  	[bflag:$0x0] =	sbarrier.arrive $0xFFFF;
	(pc) =	sbr.rel @p0 .LBB2_1-.Ltmp1, $4  }
0x2c: {  	[hbm:s6], [sflag:s10] =	dma.local [spmem:s11], $0x2800  }
0x2d: {  	_ =	swait.ge [sflag:s9], $0x2800  }
0x2e: {  	[sflag:s9] =	ssyncset.done $0x0  }
0x2f: {  	[sflag:s9] =	ssyncadd.s32 $0xFFFFD800  }
0x30: {  	_ =	sfence.sel $0x180000  }
0x31: {  	[bflag:$0x0] =	sbarrier.arrive $0xFFFF  }
0x32: {  	p0 =	sne.s32 s1, $0x0;
	_ =	strace $0x90000053  }
0x33: {  	s0 =	sadd.s32 @!p0 $0x100000, s0;
	[bflag:$0x2] =	sbarrier.arrive $0xFFFF  }
0x34: {  	[sflag:s0] =	ssyncadd.tile.s32 @!p0 $0x1;
	_ =	shalt  }
.Lfunc_end2:
_tile_overlayer_lowered:
.L_overlay_start_2:
0x35: {  	(tag) =	ssettag $0x2  }
0x36: {  	s0 =	rddreg [dreg:$0x0];
	s2 =	stileid.u32  }
0x37: {  	s1 =	rddreg [dreg:$0x1];
	p0 =	sne.s32 s2, $0x0  }
0x38: {  	s3 =	rddreg [dreg:$0x2];
	[bflag:$0x3] =	sbarrier.arrive $0xFFFF;
	s2 =	simm.s32 @!p0 $0x1C01  }
0x39: {  	[timem:s3], [sflag:s2] =	dma.local @!p0 [hbm:s0], s1  }
0x3a: {  	s0 =	simm.s32 @!p0 $0x1  }
0x3b: {  	_ =	swait.ge @!p0 [sflag:s0], s1  }
0x3c: {  	s1 =	ssub.s32 @!p0 $0x0, s1;
	[sflag:s0] =	ssyncset.done @!p0 $0x0  }
0x3d: {  	[sflag:s0] =	ssyncadd.s32 @!p0 s1  }
0x3e: {  	[bflag:$0x3] =	sbarrier.arrive $0xFFFF  }
0x3f: {  	_ =	shalt  }

// kernel: kernel.33.cloned.1.call-start
scs
__scs_entry_jumppad:
0x0: {  	(pc) =	sbr.rel $0x88, $3  }
0x1: {  	(tag) =	ssettag $0x0;
	lr =	simm.s32 $0x1  }
0x2: {  	[smem:$0x3F6E] =	sst lr;
	_ =	strace $0xD0000000  }
0x3: {  	_ = 	snop  }
0x4: {  	_ = 	snop  }
0x5: {  	_ = 	snop  }
0x6: {  	_ = 	snop  }
0x7: {  	_ = 	snop  }
__scs_overlays_trampoline_lowered:
0x8: {  	[smem:$0x3F7D] =	sst s0  }
0x9: {  	[smem:$0x3F7E] =	sst s1  }
0xa: {  	[smem:$0x3F7F] =	sst s2  }
0xb: {  	[smem:$0x3F80] =	sst s3  }
0xc: {  	[smem:$0x3F81] =	sst s4  }
0xd: {  	[smem:$0x3F82] =	sst s5  }
0xe: {  	[smem:$0x3F83] =	sst s6  }
0xf: {  	[smem:$0x3F84] =	sst s7  }
0x10: {  	[smem:$0x3F85] =	sst s8  }
0x11: {  	[smem:$0x3F86] =	sst s9;
	s0 =	simm.s32 @!p0 $0x0  }
0x12: {  	s1 =	sld [smem:$0x3F6C];
	s0 =	simm.s32 @p0 $0x1  }
0x13: {  	[smem:$0x3F87] =	sst s0;
	s0 =	simm.s32 @!p1 $0x0  }
0x14: {  	s2 =	sld [smem:$0x3F6B];
	s0 =	simm.s32 @p1 $0x1  }
0x15: {  	[smem:$0x3F88] =	sst s0;
	s0 =	simm.s32 @!p2 $0x0  }
0x16: {  	s3 =	sld [smem:$0x3FDB];
	s0 =	simm.s32 @p2 $0x1  }
0x17: {  	s4 =	simm.s32 $0x1BF5;
	[smem:$0x3F8A] =	sst s0  }
0x18: {  	s0 =	sld [smem:$0x3F6D];
	_ =	swait.ge [sflag:s4], $0x0  }
0x19: {  	s7 =	sld [smem:$0x3F6E]  }
0x1a: {  	s8 =	sadd.s32 $0xFFFFE003, lr  }
0x1b: {  	s9 =	sadd.s32 $0xFFFFFEF7, lr;
	s5 =	simm.s32 $0xFFFFFFFF;
	p2 =	slt.u32 s8, $0xFFFFF086  }
0x1c: {  	p1 =	slt.u32 s9, $0xF7A;
	s5 =	simm.s32 @!p2 $0x0  }
0x1d: {  	s5 =	simm.s32 @p1 $0x1;
	p0 =	seq.s32 s7, s2  }
0x1e: {  	s7 =	smul.u32 @!p0 $0xF7A, s2;
	p2 =	seq.s32 @!p0 s5, $0x0  }
0x1f: {  	s9 =	smul.u32 $0xF7A, s1;
	s8 =	simm.s32 @!p0 $0x1BF5;
	p2 =	por !p2, p0  }
0x20: {  	[sflag:s8] =	ssyncset.s32 @!p0 $0xFFFFF086;
	s6 =	sadd.s32 @!p0 s3, s7;
	s7 =	simm.s32 @!p0 $0x108  }
0x21: {  	s3 =	sadd.s32 s3, s9;
	s6 =	sadd.s32 @!p0 $0x88, s6;
	s7 =	simm.s32 @p2 $0x1082  }
0x22: {  	[simem:s7], [sflag:s8] =	dma.local @!p0 [hbm:s6], $0xF7A  }
0x23: {  	s9 =	sor.u32 $0xD0000000, s2;
	s6 =	simm.s32 $0x108;
	_ =	swait.ge @!p0 [sflag:s8], $0x0  }
0x24: {  	s3 =	sadd.s32 $0x88, s3;
	s6 =	simm.s32 @!p1 $0x1082;
	[sflag:s4] =	ssyncset.s32 $0xFFFFF086  }
0x25: {  	[simem:s6], [sflag:s4] =	dma.local [hbm:s3], $0xF7A  }
0x26: {  	[smem:$0x3F6E] =	sst s1;
	(tag) =	ssettag s2;
	_ =	strace s9  }
0x27: {  	s1 =	sld [smem:$0x3F7E]  }
0x28: {  	s2 =	sld [smem:$0x3F7F]  }
0x29: {  	s4 =	sld [smem:$0x3F81]  }
0x2a: {  	p0 =	seq.s32 s5, $0x0;
	s5 =	sld [smem:$0x3F82]  }
0x2b: {  	s6 =	sld [smem:$0x3F83]  }
0x2c: {  	s7 =	sld [smem:$0x3F84]  }
0x2d: {  	s3 =	simm.s32 $0x108;
	s8 =	sld [smem:$0x3F85]  }
0x2e: {  	s3 =	simm.s32 @!p0 $0x1082;
	s9 =	sld [smem:$0x3F86]  }
0x2f: {  	lr =	sadd.s32 s0, s3;
	s0 =	sld [smem:$0x3F7D]  }
0x30: {  	s3 =	sld [smem:$0x3F80]  }
0x31: {  	[smem:$0x3F89] =	sst s10  }
0x32: {  	s10 =	sld [smem:$0x3F87];
	_ =	sdelay $0x3  }
0x33: {  	p0 =	seq.s32 s10, $0x1;
	s10 =	sld [smem:$0x3F89];
	_ =	sdelay $0x3  }
0x34: {  	[smem:$0x3F89] =	sst s10  }
0x35: {  	s10 =	sld [smem:$0x3F88];
	_ =	sdelay $0x3  }
0x36: {  	p1 =	seq.s32 s10, $0x1;
	s10 =	sld [smem:$0x3F89];
	_ =	sdelay $0x3  }
0x37: {  	[smem:$0x3F89] =	sst s10  }
0x38: {  	s10 =	sld [smem:$0x3F8A]  }
0x39: {  	_ = 	snop;
	(pc) =	sbr.ind lr, $3  }
0x3a: {  	_ = 	snop  }
0x3b: {  	_ = 	snop  }
0x3c: {  	p2 =	seq.s32 s10, $0x1;
	s10 =	sld [smem:$0x3F89]  }
0x3d: {  	_ =	shalt  }
0x3e: {  	_ =	shalt  }
0x3f: {  	_ =	shalt  }
0x40: {  	_ =	shalt  }
0x41: {  	_ =	shalt  }
0x42: {  	_ =	shalt  }
0x43: {  	_ =	shalt  }
0x44: {  	_ =	shalt  }
0x45: {  	_ =	shalt  }
0x46: {  	_ =	shalt  }
0x47: {  	_ =	shalt  }
0x48: {  	_ =	shalt  }
0x49: {  	_ =	shalt  }
0x4a: {  	_ =	shalt  }
0x4b: {  	_ =	shalt  }
0x4c: {  	_ =	shalt  }
0x4d: {  	_ =	shalt  }
0x4e: {  	_ =	shalt  }
0x4f: {  	_ =	shalt  }
0x50: {  	_ =	shalt  }
0x51: {  	_ =	shalt  }
0x52: {  	_ =	shalt  }
0x53: {  	_ =	shalt  }
0x54: {  	_ =	shalt  }
0x55: {  	_ =	shalt  }
0x56: {  	_ =	shalt  }
0x57: {  	_ =	shalt  }
0x58: {  	_ =	shalt  }
0x59: {  	_ =	shalt  }
0x5a: {  	_ =	shalt  }
0x5b: {  	_ =	shalt  }
0x5c: {  	_ =	shalt  }
0x5d: {  	_ =	shalt  }
0x5e: {  	_ =	shalt  }
0x5f: {  	_ =	shalt  }
0x60: {  	_ =	shalt  }
0x61: {  	_ =	shalt  }
0x62: {  	_ =	shalt  }
0x63: {  	_ =	shalt  }
0x64: {  	_ =	shalt  }
0x65: {  	_ =	shalt  }
0x66: {  	_ =	shalt  }
0x67: {  	_ =	shalt  }
0x68: {  	_ =	shalt  }
0x69: {  	_ =	shalt  }
0x6a: {  	_ =	shalt  }
0x6b: {  	_ =	shalt  }
0x6c: {  	_ =	shalt  }
0x6d: {  	_ =	shalt  }
0x6e: {  	_ =	shalt  }
0x6f: {  	_ =	shalt  }
0x70: {  	_ =	shalt  }
0x71: {  	_ =	shalt  }
0x72: {  	_ =	shalt  }
0x73: {  	_ =	shalt  }
0x74: {  	_ =	shalt  }
0x75: {  	_ =	shalt  }
0x76: {  	_ =	shalt  }
0x77: {  	_ =	shalt  }
0x78: {  	_ =	shalt  }
0x79: {  	_ =	shalt  }
0x7a: {  	_ =	shalt  }
0x7b: {  	_ =	shalt  }
0x7c: {  	_ =	shalt  }
0x7d: {  	_ =	shalt  }
0x7e: {  	_ =	shalt  }
0x7f: {  	_ =	shalt  }
0x80: {  	_ =	shalt  }
0x81: {  	_ =	shalt  }
0x82: {  	_ =	shalt  }
0x83: {  	_ =	shalt  }
0x84: {  	_ =	shalt  }
0x85: {  	_ =	shalt  }
0x86: {  	_ =	shalt  }
0x87: {  	_ =	shalt  }
.Lfunc_end0:
.L_simem_size_0:
called_computation.5_lowered:
.L_overlay_start_0:
0x88: {  	s2 =	sld [smem:$0x3FD9]  }
0x89: {  	s3 =	sld [smem:$0x3FFE];
	_ =	sdelay $0x1  }
0x8a: {  	s1 =	srdreg.scid  }
0x8b: {  	s0 =	sand.u32 $0x1, s1  }
0x8c: {  	s16 =	sshll.u32 s0, $0xA;
	s2 =	sadd.s32 s3, s2  }
0x8d: {  	s2 =	sadd.s32 s2, s16  }
0x8e: {  	[smem:$0x3F95] =	sst s2  }
0x8f: {  	_ = 	snop  }
0x90: {  	(tm) =	ssettm $0x1  }
0x91: {  	s17 =	sld [smem:$0x3FFB];
	_ =	sdelay $0x3  }
0x92: {  	_ =	strace s17  }
0x93: {  	s2 =	sld [smem:$0x3FFC];
	_ =	sdelay $0x3  }
0x94: {  	_ =	strace s2  }
0x95: {  	s2 =	sld [smem:$0x3FFD];
	_ =	sdelay $0x3  }
0x96: {  	_ =	strace s2  }
0x97: {  	_ =	strace $0x8FFFFFFF  }
0x98: {  	s18 =	sld [smem:$0x3FDB];
	_ =	sdelay $0x1  }
0x99: {  	s19 =	simm.s32 $_scs_section_size  }
0x9a: {  	s4 =	simm.s32 $_size__tile_overlayer_lowered;
	s5 =	simm.s32 $_tile_overlayer_lowered  }
0x9b: {  	s22 =	simm.s32 $0x1BFF;
	s21 =	sshll.u32 s5, $0x1;
	s2 =	sadd.s32 s19, s18  }
0x9c: {  	s6 =	simm.s32 $0x0;
	s20 =	sshll.u32 s4, $0x1;
	s4 =	sadd.s32 s21, s2  }
0x9d: {  	[timem:s6], [sflag:s22] =	dma.local [hbm:s4], s20  }
0x9e: {  	_ =	swait.ge [sflag:s22], s20  }
0x9f: {  	s3 =	ssub.s32 $0x0, s20;
	[sflag:s22] =	ssyncset.done $0x0  }
0xa0: {  	[sflag:s22] =	ssyncadd.s32 s3;
	_ =	sdelay $0x1  }
0xa1: {  	s23 =	simm.s32 $0x1B8B  }
0xa2: {  	_ =	swait.ge [sflag:s23], $0x1  }
0xa3: {  	[sflag:s23] =	ssyncset.done $0x0  }
0xa4: {  	s25 =	simm.s32 $0x1B8E;
	s24 =	sld [smem:$0x3FFE];
	[sflag:s23] =	ssyncadd.s32 $0xFFFFFFFF  }
0xa5: {  	s26 =	simm.s32 $execute0_lowered;
	[smem:$0x3FD2] =	sst s25  }
0xa6: {  	s4 =	sshll.u32 s26, $0x1;
	_ =	strace $0x80000055;
	[dreg:$0x1] =	wrdreg $0xFFFFFFFF  }
0xa7: {  	s28 =	simm.s32 $_size_execute0_lowered;
	s2 =	sadd.s32 s2, s4;
	[dreg:$0x0] =	wrdreg $0x0  }
0xa8: {  	s4 =	sshll.u32 s28, $0x1;
	[dreg:$0x2] =	wrdreg s2  }
0xa9: {  	[dreg:$0x3] =	wrdreg s4  }
0xaa: {  	[dreg:$0x4] =	wrdreg $0xC0  }
0xab: {  	_ =	task [dreg:s6], $0x5FFFF  }
0xac: {  	[dreg:$0x1] =	wrdreg $0xFFFFFFFF  }
0xad: {  	[dreg:$0x0] =	wrdreg $0x60  }
0xae: {  	[dreg:$0x2] =	wrdreg s24  }
0xaf: {  	[dreg:$0x3] =	wrdreg $0xA  }
0xb0: {  	_ =	task.clear_ibuf [dreg:s6], $0x4FFFF;
	_ =	strace $0x90000055  }
0xb1: {  	s29 =	simm.s32 $0xA;
	_ =	strace $0x80000057  }
0xb2: {  	_ =	swait.ge [sflag:s29], $0x1  }
0xb3: {  	[sflag:s29] =	ssyncadd.s32 $0xFFFFFFFF  }
0xb4: {  	_ =	strace $0x90000057  }
0xb5: {  	_ =	sfence  }
0xb6: {  	s30 =	sld [smem:$0x0];
	_ =	sdelay $0x2  }
0xb7: {  	s31 =	sshll.u32 s1, $0xD;
	s1 =	sshrl.u32 s1, $0x2  }
0xb8: {  	s3 =	sand.u32 $0x4000, s31;
	s1 =	sadd.s32 s1, s30  }
0xb9: {  	s0 =	sor.u32 s3, s0;
	s1 =	sshll.u32 s1, $0x11  }
0xba: {  	s0 =	sor.u32 s1, s0  }
0xbb: {  	s0 =	sadd.s32 $0x8F2B, s0  }
0xbc: {  	[sflag:s0] =	ssyncadd.remote.s32 $0x1  }
0xbd: {  	_ =	sfence.sel $0xFFFF  }
0xbe: {  	[dreg:$0x0] =	wrdreg $0xFFFFFFFF;
	(pc) =	sbr.abs _section_cstart, $3  }
0xbf: {  	[dreg:$0x1] =	wrdreg $0xFFFFFFFF  }
0xc0: {  	_ =	task.clear_ibuf [dreg:s6], $0x2FFFF;
	_ =	strace $0x9FFFFFFF  }
0xc1: {  	(tm) =	ssettm $0x7FFFFFFF  }
tec
execute0_lowered:
.L_overlay_start_1:
0x0: {  	(tag) =	ssettag $0x1  }
0x1: {  	s5 =	rddreg [dreg:$0x0]  }
0x2: {  	s0 =	rddreg [dreg:$0x1];
	s1 =	simm.s32 $0x0;
	s6 =	srdreg.scid  }
0x3: {  	s2 =	stileid.u32;
	s10 =	simm.s32 $0x3;
	s11 =	simm.s32 $0x4000  }
0x4: {  	s12 =	simm.s32 $0x28;
	s13 =	simm.s32 $0x8000;
	s14 =	simm.s32 $0x9400  }
0x5: {  	s15 =	simm.s32 $0x1;
	s16 =	simm.s32 $0x2;
	s17 =	simm.s32 $0x0  }
0x6: {  	[smem:$0x7FF] =	sst s1;
	s3 =	sadd.s32 $0x88600, s5;
	s4 =	sadd.s32 $0xAF800, s5  }
0x7: {  	s6 =	sand.u32 $0x1, s6;
	s7 =	sshll.u32 s2, $0xC;
	s9 =	smul.u32 $0x27100, s2  }
0x8: {  	_ =	strace $0x80000056;
	s8 =	sshll.u32 s6, $0xB;
	s30 =	ssub.s32 $0x2, s6  }
0x9: {  	s6 =	smul.u32 $0x13880, s6;
	s7 =	sor.u32 s8, s7;
	s31 =	sshrl.u32 s30, $0x1  }
0xa: {  	s9 =	sadd.s32 s9, s5;
	s7 =	sadd.s32 s7, s5;
	s8 =	ssub.s32 s30, s31  }
0xb: {  	s9 =	sadd.s32 s6, s9;
	s5 =	sadd.s32 $0x68600, s7;
	s6 =	sadd.s32 $0x78600, s7  }
0xc: {  	s7 =	smax.u32 s8, $0x1;
	s8 =	sadd.s32 $0xFDC00, s9;
	s9 =	sadd.s32 $0x5FFC00, s9  }
.LBB2_1:
0xd: {  	[tilespmem:s1], [sflag:$0x3] =	stream.linear.gather [hbm4b:s5+s1], $0x3E80, $0x38;
	[tilespmem:$0xA800] =	vst v63  }
0xe: {  	_ =	swait.ge [sflag:s10], $0x3E80  }
0xf: {  	[sflag:s10] =	ssyncset.done $0x0  }
0x10: {  	[sflag:s10] =	ssyncadd.s32 $0xFFFFC180  }
0x11: {  	[tilespmem:s11], [sflag:$0x3] =	stream.linear.gather [hbm4b:s6+s1], $0x3E80, $0x38;
	[tilespmem:$0xA800] =	vst v63  }
0x12: {  	_ =	swait.ge [sflag:s10], $0x3E80  }
0x13: {  	[sflag:s10] =	ssyncset.done $0x0  }
0x14: {  	s18 =	simm.s32 $0x0;
	[sflag:s10] =	ssyncadd.s32 $0xFFFFC180  }
0x15: {  	[tilespmem:s13], [sflag:$0x1] =	stream.indirect.gather [hbm4b:s3+s12], $0x80, s18, s12, $0xb8;
	[tilespmem:$0xA800] =	vst v63  }
0x16: {  	s31 =	simm.s32 $0x4000  }
0x17: {  	[tilespmem:s14], [sflag:$0x2] =	stream.indirect.gather [hbm4b:s4+s12], $0x80, s31, s12, $0xb8;
	[tilespmem:$0xA800] =	vst v63  }
0x18: {  	_ =	swait.ge [sflag:s15], $0x1400  }
0x19: {  	[sflag:s15] =	ssyncset.done $0x0  }
0x1a: {  	[sflag:s15] =	ssyncadd.s32 $0xFFFFEC00  }
0x1b: {  	_ =	swait.ge [sflag:s16], $0x1400  }
0x1c: {  	[sflag:s16] =	ssyncset.done $0x0  }
0x1d: {  	[sflag:s16] =	ssyncadd.s32 $0xFFFFEC00  }
0x1e: {  	[hbm4b:s8+s1] =	stream.linear.scatter [tilespmem:s13], [sflag:$0x3], $0x1400, $0x38;
	[tilespmem:$0xA800] =	vst v63  }
0x1f: {  	_ =	swait.ge [sflag:s10], $0x1400  }
0x20: {  	[sflag:s10] =	ssyncset.done $0x0  }
0x21: {  	[sflag:s10] =	ssyncadd.s32 $0xFFFFEC00  }
0x22: {  	[hbm4b:s9+s1] =	stream.linear.scatter [tilespmem:s14], [sflag:$0x3], $0x1400, $0x38;
	[tilespmem:$0xA800] =	vst v63  }
0x23: {  	s20 =	simm.s32 $0x200;
	s21 =	simm.s32 $0x400;
	_ =	swait.ge [sflag:s10], $0x1400  }
0x24: {  	s19 =	sadd.s32 $0x280, s8;
	s18 =	sadd.s32 $0x280, s9;
	[sflag:s10] =	ssyncset.done $0x0  }
.LBB2_2:
0x25: {  	s22 =	sshra.s32 s20, $0x2  }
0x26: {  	[sflag:s10] =	ssyncadd.s32 $0xFFFFEC00;
	s20 =	smov.u32 s21;
	s23 =	sadd.s32 $0x200, s21  }
0x27: {  	[tilespmem:s13], [sflag:$0x1] =	stream.indirect.gather [hbm4b:s3+s12], $0x80, s22, s12, $0xb8;
	[tilespmem:$0xA800] =	vst v63  }
0x28: {  	p0 =	sne.s32 s21, $0xF800;
	s21 =	sadd.s32 $0x4000, s22  }
0x29: {  	[tilespmem:s14], [sflag:$0x2] =	stream.indirect.gather [hbm4b:s4+s12], $0x80, s21, s12, $0xb8;
	[tilespmem:$0xA800] =	vst v63  }
0x2a: {  	_ =	swait.ge [sflag:s15], $0x1400  }
0x2b: {  	[sflag:s15] =	ssyncset.done $0x0  }
0x2c: {  	[sflag:s15] =	ssyncadd.s32 $0xFFFFEC00  }
0x2d: {  	_ =	swait.ge [sflag:s16], $0x1400  }
0x2e: {  	[sflag:s16] =	ssyncset.done $0x0  }
0x2f: {  	[sflag:s16] =	ssyncadd.s32 $0xFFFFEC00  }
0x30: {  	[hbm4b:s19+s1] =	stream.linear.scatter [tilespmem:s13], [sflag:$0x3], $0x1400, $0x38;
	[tilespmem:$0xA800] =	vst v63  }
0x31: {  	_ =	swait.ge [sflag:s10], $0x1400  }
.Ltmp0:
0x32: {  	[sflag:s10] =	ssyncset.done $0x0;
	(pc) =	sbr.rel @p0 .LBB2_2-.Ltmp0, $4  }
0x33: {  	[sflag:s10] =	ssyncadd.s32 $0xFFFFEC00  }
0x34: {  	[hbm4b:s18+s1] =	stream.linear.scatter [tilespmem:s14], [sflag:$0x3], $0x1400, $0x38;
	[tilespmem:$0xA800] =	vst v63  }
0x35: {  	s21 =	smov.u32 s23;
	_ =	swait.ge [sflag:s10], $0x1400  }
0x36: {  	s19 =	sadd.s32 $0x280, s19;
	s18 =	sadd.s32 $0x280, s18;
	[sflag:s10] =	ssyncset.done $0x0  }
0x37: {  	s20 =	sshra.s32 s20, $0x2;
	[sflag:s10] =	ssyncadd.s32 $0xFFFFEC00  }
0x38: {  	[tilespmem:s13], [sflag:$0x1] =	stream.indirect.gather [hbm4b:s3+s12], $0x80, s20, s12, $0xb8;
	[tilespmem:$0xA800] =	vst v63  }
0x39: {  	s20 =	sadd.s32 $0x4000, s20  }
0x3a: {  	[tilespmem:s14], [sflag:$0x2] =	stream.indirect.gather [hbm4b:s4+s12], $0x80, s20, s12, $0xb8;
	[tilespmem:$0xA800] =	vst v63  }
0x3b: {  	_ =	swait.ge [sflag:s15], $0x1400  }
0x3c: {  	[sflag:s15] =	ssyncset.done $0x0  }
0x3d: {  	[sflag:s15] =	ssyncadd.s32 $0xFFFFEC00  }
0x3e: {  	_ =	swait.ge [sflag:s16], $0x1400  }
0x3f: {  	[sflag:s16] =	ssyncset.done $0x0  }
0x40: {  	[sflag:s16] =	ssyncadd.s32 $0xFFFFEC00  }
0x41: {  	[hbm4b:s19+s1] =	stream.linear.scatter [tilespmem:s13], [sflag:$0x3], $0x1400, $0x38;
	[tilespmem:$0xA800] =	vst v63  }
0x42: {  	s17 =	sadd.s32 $0x1, s17;
	_ =	swait.ge [sflag:s10], $0x1400  }
0x43: {  	p0 =	sne.s32 s17, s7;
	[sflag:s10] =	ssyncset.done $0x0  }
.Ltmp1:
0x44: {  	[sflag:s10] =	ssyncadd.s32 $0xFFFFEC00;
	(pc) =	sbr.rel @p0 .LBB2_1-.Ltmp1, $4  }
0x45: {  	[hbm4b:s18+s1] =	stream.linear.scatter [tilespmem:s14], [sflag:$0x3], $0x1400, $0x38;
	[tilespmem:$0xA800] =	vst v63  }
0x46: {  	_ =	swait.ge [sflag:s10], $0x1400  }
0x47: {  	[sflag:s10] =	ssyncset.done $0x0  }
0x48: {  	[sflag:s10] =	ssyncadd.s32 $0xFFFFEC00  }
0x49: {  	_ =	sfence.sel $0x180000  }
0x4a: {  	[bflag:$0x0] =	sbarrier.arrive $0xFFFF  }
0x4b: {  	p0 =	sne.s32 s2, $0x0;
	_ =	strace $0x90000056  }
0x4c: {  	s0 =	sadd.s32 @!p0 $0x100000, s0;
	[bflag:$0x2] =	sbarrier.arrive $0xFFFF  }
0x4d: {  	[sflag:s0] =	ssyncadd.tile.s32 @!p0 $0x1;
	_ =	shalt  }
.Lfunc_end2:
_tile_overlayer_lowered:
.L_overlay_start_2:
0x4e: {  	(tag) =	ssettag $0x2  }
0x4f: {  	s0 =	rddreg [dreg:$0x0];
	s2 =	stileid.u32  }
0x50: {  	s1 =	rddreg [dreg:$0x1];
	p0 =	sne.s32 s2, $0x0  }
0x51: {  	s3 =	rddreg [dreg:$0x2];
	[bflag:$0x3] =	sbarrier.arrive $0xFFFF;
	s2 =	simm.s32 @!p0 $0x1C03  }
0x52: {  	[timem:s3], [sflag:s2] =	dma.local @!p0 [hbm:s0], s1  }
0x53: {  	s0 =	simm.s32 @!p0 $0x3  }
0x54: {  	_ =	swait.ge @!p0 [sflag:s0], s1  }
0x55: {  	s1 =	ssub.s32 @!p0 $0x0, s1;
	[sflag:s0] =	ssyncset.done @!p0 $0x0  }
0x56: {  	[sflag:s0] =	ssyncadd.s32 @!p0 s1  }
0x57: {  	[bflag:$0x3] =	sbarrier.arrive $0xFFFF  }
0x58: {  	_ =	shalt  }

// kernel: kernel.36.cloned.1.call-start
scs
__scs_entry_jumppad:
0x0: {  	(pc) =	sbr.rel $0x88, $3  }
0x1: {  	(tag) =	ssettag $0x0;
	lr =	simm.s32 $0x1  }
0x2: {  	[smem:$0x3F6E] =	sst lr;
	_ =	strace $0xD0000000  }
0x3: {  	_ = 	snop  }
0x4: {  	_ = 	snop  }
0x5: {  	_ = 	snop  }
0x6: {  	_ = 	snop  }
0x7: {  	_ = 	snop  }
__scs_overlays_trampoline_lowered:
0x8: {  	[smem:$0x3F7D] =	sst s0  }
0x9: {  	[smem:$0x3F7E] =	sst s1  }
0xa: {  	[smem:$0x3F7F] =	sst s2  }
0xb: {  	[smem:$0x3F80] =	sst s3  }
0xc: {  	[smem:$0x3F81] =	sst s4  }
0xd: {  	[smem:$0x3F82] =	sst s5  }
0xe: {  	[smem:$0x3F83] =	sst s6  }
0xf: {  	[smem:$0x3F84] =	sst s7  }
0x10: {  	[smem:$0x3F85] =	sst s8  }
0x11: {  	[smem:$0x3F86] =	sst s9;
	s0 =	simm.s32 @!p0 $0x0  }
0x12: {  	s1 =	sld [smem:$0x3F6C];
	s0 =	simm.s32 @p0 $0x1  }
0x13: {  	[smem:$0x3F87] =	sst s0;
	s0 =	simm.s32 @!p1 $0x0  }
0x14: {  	s2 =	sld [smem:$0x3F6B];
	s0 =	simm.s32 @p1 $0x1  }
0x15: {  	[smem:$0x3F88] =	sst s0;
	s0 =	simm.s32 @!p2 $0x0  }
0x16: {  	s3 =	sld [smem:$0x3FDB];
	s0 =	simm.s32 @p2 $0x1  }
0x17: {  	s4 =	simm.s32 $0x1BF5;
	[smem:$0x3F8A] =	sst s0  }
0x18: {  	s0 =	sld [smem:$0x3F6D];
	_ =	swait.ge [sflag:s4], $0x0  }
0x19: {  	s7 =	sld [smem:$0x3F6E]  }
0x1a: {  	s8 =	sadd.s32 $0xFFFFE003, lr  }
0x1b: {  	s9 =	sadd.s32 $0xFFFFFEF7, lr;
	s5 =	simm.s32 $0xFFFFFFFF;
	p2 =	slt.u32 s8, $0xFFFFF086  }
0x1c: {  	p1 =	slt.u32 s9, $0xF7A;
	s5 =	simm.s32 @!p2 $0x0  }
0x1d: {  	s5 =	simm.s32 @p1 $0x1;
	p0 =	seq.s32 s7, s2  }
0x1e: {  	s7 =	smul.u32 @!p0 $0xF7A, s2;
	p2 =	seq.s32 @!p0 s5, $0x0  }
0x1f: {  	s9 =	smul.u32 $0xF7A, s1;
	s8 =	simm.s32 @!p0 $0x1BF5;
	p2 =	por !p2, p0  }
0x20: {  	[sflag:s8] =	ssyncset.s32 @!p0 $0xFFFFF086;
	s6 =	sadd.s32 @!p0 s3, s7;
	s7 =	simm.s32 @!p0 $0x108  }
0x21: {  	s3 =	sadd.s32 s3, s9;
	s6 =	sadd.s32 @!p0 $0x88, s6;
	s7 =	simm.s32 @p2 $0x1082  }
0x22: {  	[simem:s7], [sflag:s8] =	dma.local @!p0 [hbm:s6], $0xF7A  }
0x23: {  	s9 =	sor.u32 $0xD0000000, s2;
	s6 =	simm.s32 $0x108;
	_ =	swait.ge @!p0 [sflag:s8], $0x0  }
0x24: {  	s3 =	sadd.s32 $0x88, s3;
	s6 =	simm.s32 @!p1 $0x1082;
	[sflag:s4] =	ssyncset.s32 $0xFFFFF086  }
0x25: {  	[simem:s6], [sflag:s4] =	dma.local [hbm:s3], $0xF7A  }
0x26: {  	[smem:$0x3F6E] =	sst s1;
	(tag) =	ssettag s2;
	_ =	strace s9  }
0x27: {  	s1 =	sld [smem:$0x3F7E]  }
0x28: {  	s2 =	sld [smem:$0x3F7F]  }
0x29: {  	s4 =	sld [smem:$0x3F81]  }
0x2a: {  	p0 =	seq.s32 s5, $0x0;
	s5 =	sld [smem:$0x3F82]  }
0x2b: {  	s6 =	sld [smem:$0x3F83]  }
0x2c: {  	s7 =	sld [smem:$0x3F84]  }
0x2d: {  	s3 =	simm.s32 $0x108;
	s8 =	sld [smem:$0x3F85]  }
0x2e: {  	s3 =	simm.s32 @!p0 $0x1082;
	s9 =	sld [smem:$0x3F86]  }
0x2f: {  	lr =	sadd.s32 s0, s3;
	s0 =	sld [smem:$0x3F7D]  }
0x30: {  	s3 =	sld [smem:$0x3F80]  }
0x31: {  	[smem:$0x3F89] =	sst s10  }
0x32: {  	s10 =	sld [smem:$0x3F87];
	_ =	sdelay $0x3  }
0x33: {  	p0 =	seq.s32 s10, $0x1;
	s10 =	sld [smem:$0x3F89];
	_ =	sdelay $0x3  }
0x34: {  	[smem:$0x3F89] =	sst s10  }
0x35: {  	s10 =	sld [smem:$0x3F88];
	_ =	sdelay $0x3  }
0x36: {  	p1 =	seq.s32 s10, $0x1;
	s10 =	sld [smem:$0x3F89];
	_ =	sdelay $0x3  }
0x37: {  	[smem:$0x3F89] =	sst s10  }
0x38: {  	s10 =	sld [smem:$0x3F8A]  }
0x39: {  	_ = 	snop;
	(pc) =	sbr.ind lr, $3  }
0x3a: {  	_ = 	snop  }
0x3b: {  	_ = 	snop  }
0x3c: {  	p2 =	seq.s32 s10, $0x1;
	s10 =	sld [smem:$0x3F89]  }
0x3d: {  	_ =	shalt  }
0x3e: {  	_ =	shalt  }
0x3f: {  	_ =	shalt  }
0x40: {  	_ =	shalt  }
0x41: {  	_ =	shalt  }
0x42: {  	_ =	shalt  }
0x43: {  	_ =	shalt  }
0x44: {  	_ =	shalt  }
0x45: {  	_ =	shalt  }
0x46: {  	_ =	shalt  }
0x47: {  	_ =	shalt  }
0x48: {  	_ =	shalt  }
0x49: {  	_ =	shalt  }
0x4a: {  	_ =	shalt  }
0x4b: {  	_ =	shalt  }
0x4c: {  	_ =	shalt  }
0x4d: {  	_ =	shalt  }
0x4e: {  	_ =	shalt  }
0x4f: {  	_ =	shalt  }
0x50: {  	_ =	shalt  }
0x51: {  	_ =	shalt  }
0x52: {  	_ =	shalt  }
0x53: {  	_ =	shalt  }
0x54: {  	_ =	shalt  }
0x55: {  	_ =	shalt  }
0x56: {  	_ =	shalt  }
0x57: {  	_ =	shalt  }
0x58: {  	_ =	shalt  }
0x59: {  	_ =	shalt  }
0x5a: {  	_ =	shalt  }
0x5b: {  	_ =	shalt  }
0x5c: {  	_ =	shalt  }
0x5d: {  	_ =	shalt  }
0x5e: {  	_ =	shalt  }
0x5f: {  	_ =	shalt  }
0x60: {  	_ =	shalt  }
0x61: {  	_ =	shalt  }
0x62: {  	_ =	shalt  }
0x63: {  	_ =	shalt  }
0x64: {  	_ =	shalt  }
0x65: {  	_ =	shalt  }
0x66: {  	_ =	shalt  }
0x67: {  	_ =	shalt  }
0x68: {  	_ =	shalt  }
0x69: {  	_ =	shalt  }
0x6a: {  	_ =	shalt  }
0x6b: {  	_ =	shalt  }
0x6c: {  	_ =	shalt  }
0x6d: {  	_ =	shalt  }
0x6e: {  	_ =	shalt  }
0x6f: {  	_ =	shalt  }
0x70: {  	_ =	shalt  }
0x71: {  	_ =	shalt  }
0x72: {  	_ =	shalt  }
0x73: {  	_ =	shalt  }
0x74: {  	_ =	shalt  }
0x75: {  	_ =	shalt  }
0x76: {  	_ =	shalt  }
0x77: {  	_ =	shalt  }
0x78: {  	_ =	shalt  }
0x79: {  	_ =	shalt  }
0x7a: {  	_ =	shalt  }
0x7b: {  	_ =	shalt  }
0x7c: {  	_ =	shalt  }
0x7d: {  	_ =	shalt  }
0x7e: {  	_ =	shalt  }
0x7f: {  	_ =	shalt  }
0x80: {  	_ =	shalt  }
0x81: {  	_ =	shalt  }
0x82: {  	_ =	shalt  }
0x83: {  	_ =	shalt  }
0x84: {  	_ =	shalt  }
0x85: {  	_ =	shalt  }
0x86: {  	_ =	shalt  }
0x87: {  	_ =	shalt  }
.Lfunc_end0:
.L_simem_size_0:
called_computation.6_lowered:
.L_overlay_start_0:
0x88: {  	s2 =	sld [smem:$0x3FD9]  }
0x89: {  	s3 =	sld [smem:$0x3FFE];
	_ =	sdelay $0x1  }
0x8a: {  	s1 =	srdreg.scid  }
0x8b: {  	s0 =	sand.u32 $0x1, s1  }
0x8c: {  	s17 =	sshll.u32 s0, $0xA;
	s2 =	sadd.s32 s3, s2  }
0x8d: {  	s2 =	sadd.s32 s2, s17  }
0x8e: {  	[smem:$0x3F95] =	sst s2  }
0x8f: {  	_ = 	snop  }
0x90: {  	(tm) =	ssettm $0x1  }
0x91: {  	s18 =	sld [smem:$0x3FFB];
	_ =	sdelay $0x3  }
0x92: {  	_ =	strace s18  }
0x93: {  	s2 =	sld [smem:$0x3FFC];
	_ =	sdelay $0x3  }
0x94: {  	_ =	strace s2  }
0x95: {  	s2 =	sld [smem:$0x3FFD];
	_ =	sdelay $0x3  }
0x96: {  	_ =	strace s2  }
0x97: {  	_ =	strace $0x8FFFFFFF  }
0x98: {  	s19 =	sld [smem:$0x3FDB];
	_ =	sdelay $0x1  }
0x99: {  	s20 =	simm.s32 $_scs_section_size  }
0x9a: {  	s4 =	simm.s32 $_size__tile_overlayer_lowered;
	s5 =	simm.s32 $_tile_overlayer_lowered  }
0x9b: {  	s6 =	simm.s32 $0x1BFF;
	s21 =	sshll.u32 s5, $0x1;
	s3 =	sadd.s32 s20, s19  }
0x9c: {  	s22 =	simm.s32 $0x0;
	s4 =	sshll.u32 s4, $0x1;
	s5 =	sadd.s32 s21, s3  }
0x9d: {  	[timem:s22], [sflag:s6] =	dma.local [hbm:s5], s4  }
0x9e: {  	_ =	swait.ge [sflag:s6], s4  }
0x9f: {  	s4 =	ssub.s32 $0x0, s4;
	[sflag:s6] =	ssyncset.done $0x0  }
0xa0: {  	[sflag:s6] =	ssyncadd.s32 s4;
	_ =	sdelay $0x1  }
0xa1: {  	s23 =	simm.s32 $0x1B8B  }
0xa2: {  	_ =	swait.ge [sflag:s23], $0x1  }
0xa3: {  	[sflag:s23] =	ssyncset.done $0x0  }
0xa4: {  	[sflag:s23] =	ssyncadd.s32 $0xFFFFFFFF  }
0xa5: {  	s4 =	sld [smem:$0x0]  }
0xa6: {  	s5 =	sand.u32 $0xFFFFFFFE, s1  }
0xa7: {  	p0 =	sne.s32 s1, s5  }
0xa8: {  	s5 =	sshll.u32 @p0 s5, $0xE  }
0xa9: {  	s5 =	sadd.s32 @p0 $0x11B8D, s5;
	s6 =	sshll.u32 @p0 s4, $0x11  }
0xaa: {  	s5 =	sor.u32 @p0 s6, s5  }
0xab: {  	[sflag:s5] =	ssyncadd.remote.s32 @p0 $0x1;
	_ =	sdelay $0x1  }
0xac: {  	s5 =	simm.s32 @p0 $0x1B8D  }
0xad: {  	_ =	swait.eq @p0 [sflag:s5], $0x1  }
0xae: {  	[sflag:s5] =	ssyncadd.s32 @p0 $0xFFFFFFFF  }
0xaf: {  	s6 =	sshll.u32 @!p0 s1, $0xE  }
0xb0: {  	s6 =	sor.u32 @!p0 $0x4000, s6;
	s5 =	simm.s32 @!p0 $0x1B8D  }
0xb1: {  	s4 =	sshll.u32 @!p0 s4, $0x11;
	s6 =	sadd.s32 @!p0 $0x11B8D, s6;
	_ =	swait.eq @!p0 [sflag:s5], $0x1  }
0xb2: {  	s4 =	sor.u32 @!p0 s4, s6;
	[sflag:s5] =	ssyncadd.s32 @!p0 $0xFFFFFFFF  }
0xb3: {  	s25 =	simm.s32 $0x1B8E;
	s24 =	sld [smem:$0x3FFE];
	[sflag:s4] =	ssyncadd.remote.s32 @!p0 $0x1  }
0xb4: {  	s26 =	simm.s32 $execute0_lowered;
	[smem:$0x3FD2] =	sst s25  }
0xb5: {  	s5 =	sshll.u32 s26, $0x1;
	_ =	strace $0x80000058;
	[dreg:$0x1] =	wrdreg $0xFFFFFFFF  }
0xb6: {  	s28 =	simm.s32 $_size_execute0_lowered;
	s3 =	sadd.s32 s3, s5;
	[dreg:$0x0] =	wrdreg $0x0  }
0xb7: {  	s5 =	sshll.u32 s28, $0x1;
	[dreg:$0x2] =	wrdreg s3  }
0xb8: {  	[dreg:$0x3] =	wrdreg s5  }
0xb9: {  	[dreg:$0x4] =	wrdreg $0xC0  }
0xba: {  	_ =	task [dreg:s22], $0x5FFFF  }
0xbb: {  	[dreg:$0x1] =	wrdreg $0xFFFFFFFF  }
0xbc: {  	[dreg:$0x0] =	wrdreg $0x60  }
0xbd: {  	[dreg:$0x2] =	wrdreg s24  }
0xbe: {  	[dreg:$0x3] =	wrdreg $0x9  }
0xbf: {  	_ =	task.clear_ibuf [dreg:s22], $0x4FFFF;
	_ =	strace $0x90000058  }
0xc0: {  	s29 =	simm.s32 $0x9;
	_ =	strace $0x8000005A  }
0xc1: {  	_ =	swait.ge [sflag:s29], $0x1  }
0xc2: {  	[sflag:s29] =	ssyncadd.s32 $0xFFFFFFFF  }
0xc3: {  	_ =	strace $0x9000005A  }
0xc4: {  	_ =	sfence  }
0xc5: {  	s30 =	sld [smem:$0x0];
	_ =	sdelay $0x2  }
0xc6: {  	s31 =	sshll.u32 s1, $0xD;
	s1 =	sshrl.u32 s1, $0x2  }
0xc7: {  	s4 =	sand.u32 $0x4000, s31;
	s1 =	sadd.s32 s1, s30  }
0xc8: {  	s0 =	sor.u32 s4, s0;
	s1 =	sshll.u32 s1, $0x11  }
0xc9: {  	s0 =	sor.u32 s1, s0  }
0xca: {  	s0 =	sadd.s32 $0x8F2B, s0  }
0xcb: {  	[sflag:s0] =	ssyncadd.remote.s32 $0x1  }
0xcc: {  	_ =	sfence.sel $0xFFFF  }
0xcd: {  	[dreg:$0x0] =	wrdreg $0xFFFFFFFF;
	(pc) =	sbr.abs _section_cstart, $3  }
0xce: {  	[dreg:$0x1] =	wrdreg $0xFFFFFFFF  }
0xcf: {  	_ =	task.clear_ibuf [dreg:s22], $0x2FFFF;
	_ =	strace $0x9FFFFFFF  }
0xd0: {  	(tm) =	ssettm $0x7FFFFFFF  }
0xd1: {  	_ =	shalt  }
tec
execute0_lowered:
.L_overlay_start_1:
0x0: {  	(tag) =	ssettag $0x1  }
0x1: {  	s5 =	rddreg [dreg:$0x0]  }
0x2: {  	s0 =	rddreg [dreg:$0x1];
	s1 =	simm.s32 $0x0;
	s6 =	srdreg.scid  }
0x3: {  	s2 =	stileid.u32;
	s10 =	simm.s32 $0x3;
	s11 =	simm.s32 $0x4000  }
0x4: {  	s12 =	simm.s32 $0x28;
	s13 =	simm.s32 $0x8000;
	s14 =	simm.s32 $0x9400  }
0x5: {  	s15 =	simm.s32 $0x1;
	s16 =	simm.s32 $0x2;
	s17 =	simm.s32 $0x0  }
0x6: {  	[smem:$0x7FF] =	sst s1;
	s3 =	sadd.s32 $0x88600, s5;
	s4 =	sadd.s32 $0xAF800, s5  }
0x7: {  	s6 =	sand.u32 $0x1, s6;
	s7 =	sshll.u32 s2, $0xC;
	s9 =	smul.u32 $0x27100, s2  }
0x8: {  	_ =	strace $0x80000059;
	s8 =	sshll.u32 s6, $0xB;
	s30 =	ssub.s32 $0x2, s6  }
0x9: {  	s6 =	smul.u32 $0x13880, s6;
	s7 =	sor.u32 s8, s7;
	s31 =	sshrl.u32 s30, $0x1  }
0xa: {  	s9 =	sadd.s32 s9, s5;
	s7 =	sadd.s32 s7, s5;
	s8 =	ssub.s32 s30, s31  }
0xb: {  	s9 =	sadd.s32 s6, s9;
	s5 =	sadd.s32 $0x5DFC00, s7;
	s6 =	sadd.s32 $0x5EFC00, s7  }
0xc: {  	s7 =	smax.u32 s8, $0x1;
	s8 =	sadd.s32 $0x870C00, s9;
	s9 =	sadd.s32 $0xAE1C00, s9  }
.LBB2_1:
0xd: {  	[tilespmem:s1], [sflag:$0x3] =	stream.linear.gather [hbm4b:s5+s1], $0x3E80, $0x38;
	[tilespmem:$0xA800] =	vst v63  }
0xe: {  	_ =	swait.ge [sflag:s10], $0x3E80  }
0xf: {  	[sflag:s10] =	ssyncset.done $0x0  }
0x10: {  	[sflag:s10] =	ssyncadd.s32 $0xFFFFC180  }
0x11: {  	[tilespmem:s11], [sflag:$0x3] =	stream.linear.gather [hbm4b:s6+s1], $0x3E80, $0x38;
	[tilespmem:$0xA800] =	vst v63  }
0x12: {  	_ =	swait.ge [sflag:s10], $0x3E80  }
0x13: {  	[sflag:s10] =	ssyncset.done $0x0  }
0x14: {  	s18 =	simm.s32 $0x0;
	[sflag:s10] =	ssyncadd.s32 $0xFFFFC180  }
0x15: {  	[tilespmem:s13], [sflag:$0x1] =	stream.indirect.gather [hbm4b:s3+s12], $0x80, s18, s12, $0xb8;
	[tilespmem:$0xA800] =	vst v63  }
0x16: {  	s31 =	simm.s32 $0x4000  }
0x17: {  	[tilespmem:s14], [sflag:$0x2] =	stream.indirect.gather [hbm4b:s4+s12], $0x80, s31, s12, $0xb8;
	[tilespmem:$0xA800] =	vst v63  }
0x18: {  	_ =	swait.ge [sflag:s15], $0x1400  }
0x19: {  	[sflag:s15] =	ssyncset.done $0x0  }
0x1a: {  	[sflag:s15] =	ssyncadd.s32 $0xFFFFEC00  }
0x1b: {  	_ =	swait.ge [sflag:s16], $0x1400  }
0x1c: {  	[sflag:s16] =	ssyncset.done $0x0  }
0x1d: {  	[sflag:s16] =	ssyncadd.s32 $0xFFFFEC00  }
0x1e: {  	[hbm4b:s8+s1] =	stream.linear.scatter [tilespmem:s13], [sflag:$0x3], $0x1400, $0x38;
	[tilespmem:$0xA800] =	vst v63  }
0x1f: {  	_ =	swait.ge [sflag:s10], $0x1400  }
0x20: {  	[sflag:s10] =	ssyncset.done $0x0  }
0x21: {  	[sflag:s10] =	ssyncadd.s32 $0xFFFFEC00  }
0x22: {  	[hbm4b:s9+s1] =	stream.linear.scatter [tilespmem:s14], [sflag:$0x3], $0x1400, $0x38;
	[tilespmem:$0xA800] =	vst v63  }
0x23: {  	s20 =	simm.s32 $0x200;
	s21 =	simm.s32 $0x400;
	_ =	swait.ge [sflag:s10], $0x1400  }
0x24: {  	s19 =	sadd.s32 $0x280, s8;
	s18 =	sadd.s32 $0x280, s9;
	[sflag:s10] =	ssyncset.done $0x0  }
.LBB2_2:
0x25: {  	s22 =	sshra.s32 s20, $0x2  }
0x26: {  	[sflag:s10] =	ssyncadd.s32 $0xFFFFEC00;
	s20 =	smov.u32 s21;
	s23 =	sadd.s32 $0x200, s21  }
0x27: {  	[tilespmem:s13], [sflag:$0x1] =	stream.indirect.gather [hbm4b:s3+s12], $0x80, s22, s12, $0xb8;
	[tilespmem:$0xA800] =	vst v63  }
0x28: {  	p0 =	sne.s32 s21, $0xF800;
	s21 =	sadd.s32 $0x4000, s22  }
0x29: {  	[tilespmem:s14], [sflag:$0x2] =	stream.indirect.gather [hbm4b:s4+s12], $0x80, s21, s12, $0xb8;
	[tilespmem:$0xA800] =	vst v63  }
0x2a: {  	_ =	swait.ge [sflag:s15], $0x1400  }
0x2b: {  	[sflag:s15] =	ssyncset.done $0x0  }
0x2c: {  	[sflag:s15] =	ssyncadd.s32 $0xFFFFEC00  }
0x2d: {  	_ =	swait.ge [sflag:s16], $0x1400  }
0x2e: {  	[sflag:s16] =	ssyncset.done $0x0  }
0x2f: {  	[sflag:s16] =	ssyncadd.s32 $0xFFFFEC00  }
0x30: {  	[hbm4b:s19+s1] =	stream.linear.scatter [tilespmem:s13], [sflag:$0x3], $0x1400, $0x38;
	[tilespmem:$0xA800] =	vst v63  }
0x31: {  	_ =	swait.ge [sflag:s10], $0x1400  }
.Ltmp0:
0x32: {  	[sflag:s10] =	ssyncset.done $0x0;
	(pc) =	sbr.rel @p0 .LBB2_2-.Ltmp0, $4  }
0x33: {  	[sflag:s10] =	ssyncadd.s32 $0xFFFFEC00  }
0x34: {  	[hbm4b:s18+s1] =	stream.linear.scatter [tilespmem:s14], [sflag:$0x3], $0x1400, $0x38;
	[tilespmem:$0xA800] =	vst v63  }
0x35: {  	s21 =	smov.u32 s23;
	_ =	swait.ge [sflag:s10], $0x1400  }
0x36: {  	s19 =	sadd.s32 $0x280, s19;
	s18 =	sadd.s32 $0x280, s18;
	[sflag:s10] =	ssyncset.done $0x0  }
0x37: {  	s20 =	sshra.s32 s20, $0x2;
	[sflag:s10] =	ssyncadd.s32 $0xFFFFEC00  }
0x38: {  	[tilespmem:s13], [sflag:$0x1] =	stream.indirect.gather [hbm4b:s3+s12], $0x80, s20, s12, $0xb8;
	[tilespmem:$0xA800] =	vst v63  }
0x39: {  	s20 =	sadd.s32 $0x4000, s20  }
0x3a: {  	[tilespmem:s14], [sflag:$0x2] =	stream.indirect.gather [hbm4b:s4+s12], $0x80, s20, s12, $0xb8;
	[tilespmem:$0xA800] =	vst v63  }
0x3b: {  	_ =	swait.ge [sflag:s15], $0x1400  }
0x3c: {  	[sflag:s15] =	ssyncset.done $0x0  }
0x3d: {  	[sflag:s15] =	ssyncadd.s32 $0xFFFFEC00  }
0x3e: {  	_ =	swait.ge [sflag:s16], $0x1400  }
0x3f: {  	[sflag:s16] =	ssyncset.done $0x0  }
0x40: {  	[sflag:s16] =	ssyncadd.s32 $0xFFFFEC00  }
0x41: {  	[hbm4b:s19+s1] =	stream.linear.scatter [tilespmem:s13], [sflag:$0x3], $0x1400, $0x38;
	[tilespmem:$0xA800] =	vst v63  }
0x42: {  	s17 =	sadd.s32 $0x1, s17;
	_ =	swait.ge [sflag:s10], $0x1400  }
0x43: {  	p0 =	sne.s32 s17, s7;
	[sflag:s10] =	ssyncset.done $0x0  }
.Ltmp1:
0x44: {  	[sflag:s10] =	ssyncadd.s32 $0xFFFFEC00;
	(pc) =	sbr.rel @p0 .LBB2_1-.Ltmp1, $4  }
0x45: {  	[hbm4b:s18+s1] =	stream.linear.scatter [tilespmem:s14], [sflag:$0x3], $0x1400, $0x38;
	[tilespmem:$0xA800] =	vst v63  }
0x46: {  	_ =	swait.ge [sflag:s10], $0x1400  }
0x47: {  	[sflag:s10] =	ssyncset.done $0x0  }
0x48: {  	[sflag:s10] =	ssyncadd.s32 $0xFFFFEC00  }
0x49: {  	_ =	sfence.sel $0x180000  }
0x4a: {  	[bflag:$0x0] =	sbarrier.arrive $0xFFFF  }
0x4b: {  	p0 =	sne.s32 s2, $0x0;
	_ =	strace $0x90000059  }
0x4c: {  	s0 =	sadd.s32 @!p0 $0x100000, s0;
	[bflag:$0x2] =	sbarrier.arrive $0xFFFF  }
0x4d: {  	[sflag:s0] =	ssyncadd.tile.s32 @!p0 $0x1;
	_ =	shalt  }
.Lfunc_end2:
_tile_overlayer_lowered:
.L_overlay_start_2:
0x4e: {  	(tag) =	ssettag $0x2  }
0x4f: {  	s0 =	rddreg [dreg:$0x0];
	s2 =	stileid.u32  }
0x50: {  	s1 =	rddreg [dreg:$0x1];
	p0 =	sne.s32 s2, $0x0  }
0x51: {  	s3 =	rddreg [dreg:$0x2];
	[bflag:$0x3] =	sbarrier.arrive $0xFFFF;
	s2 =	simm.s32 @!p0 $0x1C03  }
0x52: {  	[timem:s3], [sflag:s2] =	dma.local @!p0 [hbm:s0], s1  }
0x53: {  	s0 =	simm.s32 @!p0 $0x3  }
0x54: {  	_ =	swait.ge @!p0 [sflag:s0], s1  }
0x55: {  	s1 =	ssub.s32 @!p0 $0x0, s1;
	[sflag:s0] =	ssyncset.done @!p0 $0x0  }
0x56: {  	[sflag:s0] =	ssyncadd.s32 @!p0 s1  }
0x57: {  	[bflag:$0x3] =	sbarrier.arrive $0xFFFF  }
0x58: {  	_ =	shalt  }

// kernel: kernel.39.cloned.1.call-start
scs
__scs_entry_jumppad:
0x0: {  	(pc) =	sbr.rel $0x88, $3  }
0x1: {  	(tag) =	ssettag $0x0;
	lr =	simm.s32 $0x1  }
0x2: {  	[smem:$0x3F6E] =	sst lr;
	_ =	strace $0xD0000000  }
0x3: {  	_ = 	snop  }
0x4: {  	_ = 	snop  }
0x5: {  	_ = 	snop  }
0x6: {  	_ = 	snop  }
0x7: {  	_ = 	snop  }
__scs_overlays_trampoline_lowered:
0x8: {  	[smem:$0x3F7D] =	sst s0  }
0x9: {  	[smem:$0x3F7E] =	sst s1  }
0xa: {  	[smem:$0x3F7F] =	sst s2  }
0xb: {  	[smem:$0x3F80] =	sst s3  }
0xc: {  	[smem:$0x3F81] =	sst s4  }
0xd: {  	[smem:$0x3F82] =	sst s5  }
0xe: {  	[smem:$0x3F83] =	sst s6  }
0xf: {  	[smem:$0x3F84] =	sst s7  }
0x10: {  	[smem:$0x3F85] =	sst s8  }
0x11: {  	[smem:$0x3F86] =	sst s9;
	s0 =	simm.s32 @!p0 $0x0  }
0x12: {  	s1 =	sld [smem:$0x3F6C];
	s0 =	simm.s32 @p0 $0x1  }
0x13: {  	[smem:$0x3F87] =	sst s0;
	s0 =	simm.s32 @!p1 $0x0  }
0x14: {  	s2 =	sld [smem:$0x3F6B];
	s0 =	simm.s32 @p1 $0x1  }
0x15: {  	[smem:$0x3F88] =	sst s0;
	s0 =	simm.s32 @!p2 $0x0  }
0x16: {  	s3 =	sld [smem:$0x3FDB];
	s0 =	simm.s32 @p2 $0x1  }
0x17: {  	s4 =	simm.s32 $0x1BF5;
	[smem:$0x3F8A] =	sst s0  }
0x18: {  	s0 =	sld [smem:$0x3F6D];
	_ =	swait.ge [sflag:s4], $0x0  }
0x19: {  	s7 =	sld [smem:$0x3F6E]  }
0x1a: {  	s8 =	sadd.s32 $0xFFFFE003, lr  }
0x1b: {  	s9 =	sadd.s32 $0xFFFFFEF7, lr;
	s5 =	simm.s32 $0xFFFFFFFF;
	p2 =	slt.u32 s8, $0xFFFFF086  }
0x1c: {  	p1 =	slt.u32 s9, $0xF7A;
	s5 =	simm.s32 @!p2 $0x0  }
0x1d: {  	s5 =	simm.s32 @p1 $0x1;
	p0 =	seq.s32 s7, s2  }
0x1e: {  	s7 =	smul.u32 @!p0 $0xF7A, s2;
	p2 =	seq.s32 @!p0 s5, $0x0  }
0x1f: {  	s9 =	smul.u32 $0xF7A, s1;
	s8 =	simm.s32 @!p0 $0x1BF5;
	p2 =	por !p2, p0  }
0x20: {  	[sflag:s8] =	ssyncset.s32 @!p0 $0xFFFFF086;
	s6 =	sadd.s32 @!p0 s3, s7;
	s7 =	simm.s32 @!p0 $0x108  }
0x21: {  	s3 =	sadd.s32 s3, s9;
	s6 =	sadd.s32 @!p0 $0x88, s6;
	s7 =	simm.s32 @p2 $0x1082  }
0x22: {  	[simem:s7], [sflag:s8] =	dma.local @!p0 [hbm:s6], $0xF7A  }
0x23: {  	s9 =	sor.u32 $0xD0000000, s2;
	s6 =	simm.s32 $0x108;
	_ =	swait.ge @!p0 [sflag:s8], $0x0  }
0x24: {  	s3 =	sadd.s32 $0x88, s3;
	s6 =	simm.s32 @!p1 $0x1082;
	[sflag:s4] =	ssyncset.s32 $0xFFFFF086  }
0x25: {  	[simem:s6], [sflag:s4] =	dma.local [hbm:s3], $0xF7A  }
0x26: {  	[smem:$0x3F6E] =	sst s1;
	(tag) =	ssettag s2;
	_ =	strace s9  }
0x27: {  	s1 =	sld [smem:$0x3F7E]  }
0x28: {  	s2 =	sld [smem:$0x3F7F]  }
0x29: {  	s4 =	sld [smem:$0x3F81]  }
0x2a: {  	p0 =	seq.s32 s5, $0x0;
	s5 =	sld [smem:$0x3F82]  }
0x2b: {  	s6 =	sld [smem:$0x3F83]  }
0x2c: {  	s7 =	sld [smem:$0x3F84]  }
0x2d: {  	s3 =	simm.s32 $0x108;
	s8 =	sld [smem:$0x3F85]  }
0x2e: {  	s3 =	simm.s32 @!p0 $0x1082;
	s9 =	sld [smem:$0x3F86]  }
0x2f: {  	lr =	sadd.s32 s0, s3;
	s0 =	sld [smem:$0x3F7D]  }
0x30: {  	s3 =	sld [smem:$0x3F80]  }
0x31: {  	[smem:$0x3F89] =	sst s10  }
0x32: {  	s10 =	sld [smem:$0x3F87];
	_ =	sdelay $0x3  }
0x33: {  	p0 =	seq.s32 s10, $0x1;
	s10 =	sld [smem:$0x3F89];
	_ =	sdelay $0x3  }
0x34: {  	[smem:$0x3F89] =	sst s10  }
0x35: {  	s10 =	sld [smem:$0x3F88];
	_ =	sdelay $0x3  }
0x36: {  	p1 =	seq.s32 s10, $0x1;
	s10 =	sld [smem:$0x3F89];
	_ =	sdelay $0x3  }
0x37: {  	[smem:$0x3F89] =	sst s10  }
0x38: {  	s10 =	sld [smem:$0x3F8A]  }
0x39: {  	_ = 	snop;
	(pc) =	sbr.ind lr, $3  }
0x3a: {  	_ = 	snop  }
0x3b: {  	_ = 	snop  }
0x3c: {  	p2 =	seq.s32 s10, $0x1;
	s10 =	sld [smem:$0x3F89]  }
0x3d: {  	_ =	shalt  }
0x3e: {  	_ =	shalt  }
0x3f: {  	_ =	shalt  }
0x40: {  	_ =	shalt  }
0x41: {  	_ =	shalt  }
0x42: {  	_ =	shalt  }
0x43: {  	_ =	shalt  }
0x44: {  	_ =	shalt  }
0x45: {  	_ =	shalt  }
0x46: {  	_ =	shalt  }
0x47: {  	_ =	shalt  }
0x48: {  	_ =	shalt  }
0x49: {  	_ =	shalt  }
0x4a: {  	_ =	shalt  }
0x4b: {  	_ =	shalt  }
0x4c: {  	_ =	shalt  }
0x4d: {  	_ =	shalt  }
0x4e: {  	_ =	shalt  }
0x4f: {  	_ =	shalt  }
0x50: {  	_ =	shalt  }
0x51: {  	_ =	shalt  }
0x52: {  	_ =	shalt  }
0x53: {  	_ =	shalt  }
0x54: {  	_ =	shalt  }
0x55: {  	_ =	shalt  }
0x56: {  	_ =	shalt  }
0x57: {  	_ =	shalt  }
0x58: {  	_ =	shalt  }
0x59: {  	_ =	shalt  }
0x5a: {  	_ =	shalt  }
0x5b: {  	_ =	shalt  }
0x5c: {  	_ =	shalt  }
0x5d: {  	_ =	shalt  }
0x5e: {  	_ =	shalt  }
0x5f: {  	_ =	shalt  }
0x60: {  	_ =	shalt  }
0x61: {  	_ =	shalt  }
0x62: {  	_ =	shalt  }
0x63: {  	_ =	shalt  }
0x64: {  	_ =	shalt  }
0x65: {  	_ =	shalt  }
0x66: {  	_ =	shalt  }
0x67: {  	_ =	shalt  }
0x68: {  	_ =	shalt  }
0x69: {  	_ =	shalt  }
0x6a: {  	_ =	shalt  }
0x6b: {  	_ =	shalt  }
0x6c: {  	_ =	shalt  }
0x6d: {  	_ =	shalt  }
0x6e: {  	_ =	shalt  }
0x6f: {  	_ =	shalt  }
0x70: {  	_ =	shalt  }
0x71: {  	_ =	shalt  }
0x72: {  	_ =	shalt  }
0x73: {  	_ =	shalt  }
0x74: {  	_ =	shalt  }
0x75: {  	_ =	shalt  }
0x76: {  	_ =	shalt  }
0x77: {  	_ =	shalt  }
0x78: {  	_ =	shalt  }
0x79: {  	_ =	shalt  }
0x7a: {  	_ =	shalt  }
0x7b: {  	_ =	shalt  }
0x7c: {  	_ =	shalt  }
0x7d: {  	_ =	shalt  }
0x7e: {  	_ =	shalt  }
0x7f: {  	_ =	shalt  }
0x80: {  	_ =	shalt  }
0x81: {  	_ =	shalt  }
0x82: {  	_ =	shalt  }
0x83: {  	_ =	shalt  }
0x84: {  	_ =	shalt  }
0x85: {  	_ =	shalt  }
0x86: {  	_ =	shalt  }
0x87: {  	_ =	shalt  }
.Lfunc_end0:
.L_simem_size_0:
called_computation.7_lowered:
.L_overlay_start_0:
0x88: {  	s2 =	sld [smem:$0x3FD9]  }
0x89: {  	s3 =	sld [smem:$0x3FFE];
	_ =	sdelay $0x1  }
0x8a: {  	s1 =	srdreg.scid  }
0x8b: {  	s0 =	sand.u32 $0x1, s1  }
0x8c: {  	s17 =	sshll.u32 s0, $0xA;
	s2 =	sadd.s32 s3, s2  }
0x8d: {  	s2 =	sadd.s32 s2, s17  }
0x8e: {  	[smem:$0x3F95] =	sst s2  }
0x8f: {  	_ = 	snop  }
0x90: {  	(tm) =	ssettm $0x1  }
0x91: {  	s18 =	sld [smem:$0x3FFB];
	_ =	sdelay $0x3  }
0x92: {  	_ =	strace s18  }
0x93: {  	s2 =	sld [smem:$0x3FFC];
	_ =	sdelay $0x3  }
0x94: {  	_ =	strace s2  }
0x95: {  	s2 =	sld [smem:$0x3FFD];
	_ =	sdelay $0x3  }
0x96: {  	_ =	strace s2  }
0x97: {  	_ =	strace $0x8FFFFFFF  }
0x98: {  	s19 =	sld [smem:$0x3FDB];
	_ =	sdelay $0x1  }
0x99: {  	s20 =	simm.s32 $_scs_section_size  }
0x9a: {  	s4 =	simm.s32 $_size__tile_overlayer_lowered;
	s5 =	simm.s32 $_tile_overlayer_lowered  }
0x9b: {  	s6 =	simm.s32 $0x1BFF;
	s21 =	sshll.u32 s5, $0x1;
	s3 =	sadd.s32 s20, s19  }
0x9c: {  	s22 =	simm.s32 $0x0;
	s4 =	sshll.u32 s4, $0x1;
	s5 =	sadd.s32 s21, s3  }
0x9d: {  	[timem:s22], [sflag:s6] =	dma.local [hbm:s5], s4  }
0x9e: {  	_ =	swait.ge [sflag:s6], s4  }
0x9f: {  	s4 =	ssub.s32 $0x0, s4;
	[sflag:s6] =	ssyncset.done $0x0  }
0xa0: {  	[sflag:s6] =	ssyncadd.s32 s4;
	_ =	sdelay $0x1  }
0xa1: {  	s23 =	simm.s32 $0x1B8B  }
0xa2: {  	_ =	swait.ge [sflag:s23], $0x1  }
0xa3: {  	[sflag:s23] =	ssyncset.done $0x0  }
0xa4: {  	[sflag:s23] =	ssyncadd.s32 $0xFFFFFFFF  }
0xa5: {  	s4 =	sld [smem:$0x0]  }
0xa6: {  	s5 =	sand.u32 $0xFFFFFFFE, s1  }
0xa7: {  	p0 =	sne.s32 s1, s5  }
0xa8: {  	s5 =	sshll.u32 @p0 s5, $0xE  }
0xa9: {  	s5 =	sadd.s32 @p0 $0x11B8D, s5;
	s6 =	sshll.u32 @p0 s4, $0x11  }
0xaa: {  	s5 =	sor.u32 @p0 s6, s5  }
0xab: {  	[sflag:s5] =	ssyncadd.remote.s32 @p0 $0x1;
	_ =	sdelay $0x1  }
0xac: {  	s5 =	simm.s32 @p0 $0x1B8D  }
0xad: {  	_ =	swait.eq @p0 [sflag:s5], $0x1  }
0xae: {  	[sflag:s5] =	ssyncadd.s32 @p0 $0xFFFFFFFF  }
0xaf: {  	s6 =	sshll.u32 @!p0 s1, $0xE  }
0xb0: {  	s6 =	sor.u32 @!p0 $0x4000, s6;
	s5 =	simm.s32 @!p0 $0x1B8D  }
0xb1: {  	s4 =	sshll.u32 @!p0 s4, $0x11;
	s6 =	sadd.s32 @!p0 $0x11B8D, s6;
	_ =	swait.eq @!p0 [sflag:s5], $0x1  }
0xb2: {  	s4 =	sor.u32 @!p0 s4, s6;
	[sflag:s5] =	ssyncadd.s32 @!p0 $0xFFFFFFFF  }
0xb3: {  	s25 =	simm.s32 $0x1B8E;
	s24 =	sld [smem:$0x3FFE];
	[sflag:s4] =	ssyncadd.remote.s32 @!p0 $0x1  }
0xb4: {  	s26 =	simm.s32 $execute0_lowered;
	[smem:$0x3FD2] =	sst s25  }
0xb5: {  	s5 =	sshll.u32 s26, $0x1;
	_ =	strace $0x8000005B;
	[dreg:$0x1] =	wrdreg $0xFFFFFFFF  }
0xb6: {  	s28 =	simm.s32 $_size_execute0_lowered;
	s3 =	sadd.s32 s3, s5;
	[dreg:$0x0] =	wrdreg $0x0  }
0xb7: {  	s5 =	sshll.u32 s28, $0x1;
	[dreg:$0x2] =	wrdreg s3  }
0xb8: {  	[dreg:$0x3] =	wrdreg s5  }
0xb9: {  	[dreg:$0x4] =	wrdreg $0xC0  }
0xba: {  	_ =	task [dreg:s22], $0x5FFFF  }
0xbb: {  	[dreg:$0x1] =	wrdreg $0xFFFFFFFF  }
0xbc: {  	[dreg:$0x0] =	wrdreg $0x60  }
0xbd: {  	[dreg:$0x2] =	wrdreg s24  }
0xbe: {  	[dreg:$0x3] =	wrdreg $0x54000  }
0xbf: {  	[dreg:$0x4] =	wrdreg $0xA  }
0xc0: {  	_ =	task.clear_ibuf [dreg:s22], $0x5FFFF;
	_ =	strace $0x9000005B  }
0xc1: {  	s29 =	simm.s32 $0xA;
	_ =	strace $0x8000005D  }
0xc2: {  	_ =	swait.ge [sflag:s29], $0x1  }
0xc3: {  	[sflag:s29] =	ssyncadd.s32 $0xFFFFFFFF  }
0xc4: {  	_ =	strace $0x9000005D  }
0xc5: {  	_ =	sfence  }
0xc6: {  	s30 =	sld [smem:$0x0];
	_ =	sdelay $0x2  }
0xc7: {  	s31 =	sshll.u32 s1, $0xD;
	s1 =	sshrl.u32 s1, $0x2  }
0xc8: {  	s4 =	sand.u32 $0x4000, s31;
	s1 =	sadd.s32 s1, s30  }
0xc9: {  	s0 =	sor.u32 s4, s0;
	s1 =	sshll.u32 s1, $0x11  }
0xca: {  	s0 =	sor.u32 s1, s0  }
0xcb: {  	s0 =	sadd.s32 $0x8F2B, s0  }
0xcc: {  	[sflag:s0] =	ssyncadd.remote.s32 $0x1  }
0xcd: {  	_ =	sfence.sel $0xFFFF  }
0xce: {  	[dreg:$0x0] =	wrdreg $0xFFFFFFFF;
	(pc) =	sbr.abs _section_cstart, $3  }
0xcf: {  	[dreg:$0x1] =	wrdreg $0xFFFFFFFF  }
0xd0: {  	_ =	task.clear_ibuf [dreg:s22], $0x2FFFF;
	_ =	strace $0x9FFFFFFF  }
0xd1: {  	(tm) =	ssettm $0x7FFFFFFF  }
tec
execute0_lowered:
.L_overlay_start_1:
0x0: {  	(tag) =	ssettag $0x1  }
0x1: {  	s4 =	rddreg [dreg:$0x0]  }
0x2: {  	s2 =	rddreg [dreg:$0x1]  }
0x3: {  	s0 =	rddreg [dreg:$0x2]  }
0x4: {  	s1 =	stileid.u32;
	s3 =	simm.s32 $0x0;
	s6 =	srdreg.scid  }
0x5: {  	s14 =	simm.s32 $0x0;
	s5 =	smul.u32 $0x27100, s1;
	[smem:$0x7FF] =	sst s3  }
0x6: {  	s6 =	sand.u32 $0x1, s6;
	s7 =	smul.u32 $0x14000, s1;
	s8 =	sshll.u32 s1, $0xC  }
0x7: {  	s28 =	smul.u32 $0x50000, s1;
	s31 =	sshll.u32 s1, $0x6;
	s9 =	sshll.u32 s6, $0xB  }
0x8: {  	s10 =	smul.u32 $0x140000, s6;
	_ =	strace $0x8000005C;
	s29 =	ssub.s32 $0x2, s6  }
0x9: {  	s12 =	smul.u32 $0x13880, s6;
	s8 =	sor.u32 s9, s8;
	s24 =	sadd.s32 s5, s4  }
0xa: {  	s11 =	sshrl.u32 s29, $0x1;
	s9 =	simm.s32 $0x1;
	s25 =	sadd.s32 s8, s4  }
0xb: {  	s26 =	sadd.s32 s7, s10;
	s7 =	sshrl.u32 s7, $0x3;
	s10 =	sshrl.u32 s28, $0x2  }
0xc: {  	s11 =	ssub.s32 s29, s11;
	s30 =	sadd.s32 s12, s24;
	s12 =	simm.s32 $0x4000  }
0xd: {  	s8 =	sshrl.u32 s26, $0x3;
	s7 =	sadd.s32 s7, s4;
	s13 =	sadd.s32 s10, s2  }
0xe: {  	s10 =	sor.u32 $0x1C01, s31;
	s8 =	sadd.s32 s8, s4;
	s4 =	sadd.s32 $0x68600, s25  }
0xf: {  	s5 =	sadd.s32 $0x31200, s7;
	s7 =	smax.u32 s11, $0x1;
	s11 =	sshrl.u32 s13, $0x3  }
0x10: {  	s13 =	simm.s32 $0x28;
	s6 =	sadd.s32 $0xFDC00, s8;
	s8 =	sadd.s32 $0x14CCE00, s30  }
.LBB2_1:
0x11: {  	[tilespmem:s3], [sflag:$0x1] =	stream.linear.gather [hbm4b:s4+s3], $0x3E80, $0x38;
	[tilespmem:$0x19400] =	vst v63  }
0x12: {  	_ =	swait.ge [sflag:s9], $0x3E80  }
0x13: {  	[sflag:s9] =	ssyncset.done $0x0  }
0x14: {  	[sflag:s9] =	ssyncadd.s32 $0xFFFFC180  }
0x15: {  	[spmem:s11], [sflag:s10] =	dma.local [hbm:s5], $0x2800  }
0x16: {  	_ =	swait.ge [sflag:s9], $0x2800  }
0x17: {  	[sflag:s9] =	ssyncset.done $0x0  }
0x18: {  	[sflag:s9] =	ssyncadd.s32 $0xFFFFD800  }
0x19: {  	[bflag:$0x0] =	sbarrier.arrive $0xFFFF  }
0x1a: {  	[tilespmem:s12], [sflag:$0x1] =	stream.linear.gather [hbm4b:s8+s3], $0x1400, $0x38;
	[tilespmem:$0x19400] =	vst v63  }
0x1b: {  	_ =	swait.ge [sflag:s9], $0x1400  }
0x1c: {  	[sflag:s9] =	ssyncset.done $0x0  }
0x1d: {  	s15 =	simm.s32 $0x0;
	[sflag:s9] =	ssyncadd.s32 $0xFFFFEC00  }
0x1e: {  	[spmem:s2] =	stream.indirect.scatter.add.f32 [tilespmem:s12], [sflag:$0x1], $0x80, s15, s13, $0xb8;
	[tilespmem:$0x19400] =	vst v63  }
0x1f: {  	_ =	swait.ge [sflag:s9], $0x1400  }
0x20: {  	s16 =	smov.u32 s8;
	s15 =	simm.s32 $0x200;
	[sflag:s9] =	ssyncset.done $0x0  }
.LBB2_2:
0x21: {  	p0 =	sne.s32 s15, $0xF800;
	[sflag:s9] =	ssyncadd.s32 $0xFFFFEC00;
	s16 =	sadd.s32 $0x280, s16  }
0x22: {  	[tilespmem:s12], [sflag:$0x1] =	stream.linear.gather [hbm4b:s16+s3], $0x1400, $0x38;
	[tilespmem:$0x19400] =	vst v63  }
0x23: {  	s17 =	smov.u32 s15;
	s15 =	sadd.s32 $0x200, s15;
	_ =	swait.ge [sflag:s9], $0x1400  }
.Ltmp0:
0x24: {  	[sflag:s9] =	ssyncset.done $0x0;
	(pc) =	sbr.rel @p0 .LBB2_2-.Ltmp0, $4  }
0x25: {  	s17 =	sshra.s32 s17, $0x2;
	[sflag:s9] =	ssyncadd.s32 $0xFFFFEC00  }
0x26: {  	[spmem:s2] =	stream.indirect.scatter.add.f32 [tilespmem:s12], [sflag:$0x1], $0x80, s17, s13, $0xb8;
	[tilespmem:$0x19400] =	vst v63  }
0x27: {  	_ =	swait.ge [sflag:s9], $0x1400  }
0x28: {  	[sflag:s9] =	ssyncset.done $0x0  }
0x29: {  	s14 =	sadd.s32 $0x1, s14  }
0x2a: {  	[sflag:s9] =	ssyncadd.s32 $0xFFFFEC00;
	p0 =	sne.s32 s14, s7  }
.Ltmp1:
0x2b: {  	[bflag:$0x0] =	sbarrier.arrive $0xFFFF;
	(pc) =	sbr.rel @p0 .LBB2_1-.Ltmp1, $4  }
0x2c: {  	[hbm:s6], [sflag:s10] =	dma.local [spmem:s11], $0x2800  }
0x2d: {  	_ =	swait.ge [sflag:s9], $0x2800  }
0x2e: {  	[sflag:s9] =	ssyncset.done $0x0  }
0x2f: {  	[sflag:s9] =	ssyncadd.s32 $0xFFFFD800  }
0x30: {  	_ =	sfence.sel $0x180000  }
0x31: {  	[bflag:$0x0] =	sbarrier.arrive $0xFFFF  }
0x32: {  	p0 =	sne.s32 s1, $0x0;
	_ =	strace $0x9000005C  }
0x33: {  	s0 =	sadd.s32 @!p0 $0x100000, s0;
	[bflag:$0x2] =	sbarrier.arrive $0xFFFF  }
0x34: {  	[sflag:s0] =	ssyncadd.tile.s32 @!p0 $0x1;
	_ =	shalt  }
.Lfunc_end2:
_tile_overlayer_lowered:
.L_overlay_start_2:
0x35: {  	(tag) =	ssettag $0x2  }
0x36: {  	s0 =	rddreg [dreg:$0x0];
	s2 =	stileid.u32  }
0x37: {  	s1 =	rddreg [dreg:$0x1];
	p0 =	sne.s32 s2, $0x0  }
0x38: {  	s3 =	rddreg [dreg:$0x2];
	[bflag:$0x3] =	sbarrier.arrive $0xFFFF;
	s2 =	simm.s32 @!p0 $0x1C01  }
0x39: {  	[timem:s3], [sflag:s2] =	dma.local @!p0 [hbm:s0], s1  }
0x3a: {  	s0 =	simm.s32 @!p0 $0x1  }
0x3b: {  	_ =	swait.ge @!p0 [sflag:s0], s1  }
0x3c: {  	s1 =	ssub.s32 @!p0 $0x0, s1;
	[sflag:s0] =	ssyncset.done @!p0 $0x0  }
0x3d: {  	[sflag:s0] =	ssyncadd.s32 @!p0 s1  }
0x3e: {  	[bflag:$0x3] =	sbarrier.arrive $0xFFFF  }
0x3f: {  	_ =	shalt  }

// kernel: kernel.42.cloned.1.call-start
scs
__scs_entry_jumppad:
0x0: {  	(pc) =	sbr.rel $0x88, $3  }
0x1: {  	(tag) =	ssettag $0x0;
	lr =	simm.s32 $0x1  }
0x2: {  	[smem:$0x3F6E] =	sst lr;
	_ =	strace $0xD0000000  }
0x3: {  	_ = 	snop  }
0x4: {  	_ = 	snop  }
0x5: {  	_ = 	snop  }
0x6: {  	_ = 	snop  }
0x7: {  	_ = 	snop  }
__scs_overlays_trampoline_lowered:
0x8: {  	[smem:$0x3F7D] =	sst s0  }
0x9: {  	[smem:$0x3F7E] =	sst s1  }
0xa: {  	[smem:$0x3F7F] =	sst s2  }
0xb: {  	[smem:$0x3F80] =	sst s3  }
0xc: {  	[smem:$0x3F81] =	sst s4  }
0xd: {  	[smem:$0x3F82] =	sst s5  }
0xe: {  	[smem:$0x3F83] =	sst s6  }
0xf: {  	[smem:$0x3F84] =	sst s7  }
0x10: {  	[smem:$0x3F85] =	sst s8  }
0x11: {  	[smem:$0x3F86] =	sst s9;
	s0 =	simm.s32 @!p0 $0x0  }
0x12: {  	s1 =	sld [smem:$0x3F6C];
	s0 =	simm.s32 @p0 $0x1  }
0x13: {  	[smem:$0x3F87] =	sst s0;
	s0 =	simm.s32 @!p1 $0x0  }
0x14: {  	s2 =	sld [smem:$0x3F6B];
	s0 =	simm.s32 @p1 $0x1  }
0x15: {  	[smem:$0x3F88] =	sst s0;
	s0 =	simm.s32 @!p2 $0x0  }
0x16: {  	s3 =	sld [smem:$0x3FDB];
	s0 =	simm.s32 @p2 $0x1  }
0x17: {  	s4 =	simm.s32 $0x1BF5;
	[smem:$0x3F8A] =	sst s0  }
0x18: {  	s0 =	sld [smem:$0x3F6D];
	_ =	swait.ge [sflag:s4], $0x0  }
0x19: {  	s7 =	sld [smem:$0x3F6E]  }
0x1a: {  	s8 =	sadd.s32 $0xFFFFE003, lr  }
0x1b: {  	s9 =	sadd.s32 $0xFFFFFEF7, lr;
	s5 =	simm.s32 $0xFFFFFFFF;
	p2 =	slt.u32 s8, $0xFFFFF086  }
0x1c: {  	p1 =	slt.u32 s9, $0xF7A;
	s5 =	simm.s32 @!p2 $0x0  }
0x1d: {  	s5 =	simm.s32 @p1 $0x1;
	p0 =	seq.s32 s7, s2  }
0x1e: {  	s7 =	smul.u32 @!p0 $0xF7A, s2;
	p2 =	seq.s32 @!p0 s5, $0x0  }
0x1f: {  	s9 =	smul.u32 $0xF7A, s1;
	s8 =	simm.s32 @!p0 $0x1BF5;
	p2 =	por !p2, p0  }
0x20: {  	[sflag:s8] =	ssyncset.s32 @!p0 $0xFFFFF086;
	s6 =	sadd.s32 @!p0 s3, s7;
	s7 =	simm.s32 @!p0 $0x108  }
0x21: {  	s3 =	sadd.s32 s3, s9;
	s6 =	sadd.s32 @!p0 $0x88, s6;
	s7 =	simm.s32 @p2 $0x1082  }
0x22: {  	[simem:s7], [sflag:s8] =	dma.local @!p0 [hbm:s6], $0xF7A  }
0x23: {  	s9 =	sor.u32 $0xD0000000, s2;
	s6 =	simm.s32 $0x108;
	_ =	swait.ge @!p0 [sflag:s8], $0x0  }
0x24: {  	s3 =	sadd.s32 $0x88, s3;
	s6 =	simm.s32 @!p1 $0x1082;
	[sflag:s4] =	ssyncset.s32 $0xFFFFF086  }
0x25: {  	[simem:s6], [sflag:s4] =	dma.local [hbm:s3], $0xF7A  }
0x26: {  	[smem:$0x3F6E] =	sst s1;
	(tag) =	ssettag s2;
	_ =	strace s9  }
0x27: {  	s1 =	sld [smem:$0x3F7E]  }
0x28: {  	s2 =	sld [smem:$0x3F7F]  }
0x29: {  	s4 =	sld [smem:$0x3F81]  }
0x2a: {  	p0 =	seq.s32 s5, $0x0;
	s5 =	sld [smem:$0x3F82]  }
0x2b: {  	s6 =	sld [smem:$0x3F83]  }
0x2c: {  	s7 =	sld [smem:$0x3F84]  }
0x2d: {  	s3 =	simm.s32 $0x108;
	s8 =	sld [smem:$0x3F85]  }
0x2e: {  	s3 =	simm.s32 @!p0 $0x1082;
	s9 =	sld [smem:$0x3F86]  }
0x2f: {  	lr =	sadd.s32 s0, s3;
	s0 =	sld [smem:$0x3F7D]  }
0x30: {  	s3 =	sld [smem:$0x3F80]  }
0x31: {  	[smem:$0x3F89] =	sst s10  }
0x32: {  	s10 =	sld [smem:$0x3F87];
	_ =	sdelay $0x3  }
0x33: {  	p0 =	seq.s32 s10, $0x1;
	s10 =	sld [smem:$0x3F89];
	_ =	sdelay $0x3  }
0x34: {  	[smem:$0x3F89] =	sst s10  }
0x35: {  	s10 =	sld [smem:$0x3F88];
	_ =	sdelay $0x3  }
0x36: {  	p1 =	seq.s32 s10, $0x1;
	s10 =	sld [smem:$0x3F89];
	_ =	sdelay $0x3  }
0x37: {  	[smem:$0x3F89] =	sst s10  }
0x38: {  	s10 =	sld [smem:$0x3F8A]  }
0x39: {  	_ = 	snop;
	(pc) =	sbr.ind lr, $3  }
0x3a: {  	_ = 	snop  }
0x3b: {  	_ = 	snop  }
0x3c: {  	p2 =	seq.s32 s10, $0x1;
	s10 =	sld [smem:$0x3F89]  }
0x3d: {  	_ =	shalt  }
0x3e: {  	_ =	shalt  }
0x3f: {  	_ =	shalt  }
0x40: {  	_ =	shalt  }
0x41: {  	_ =	shalt  }
0x42: {  	_ =	shalt  }
0x43: {  	_ =	shalt  }
0x44: {  	_ =	shalt  }
0x45: {  	_ =	shalt  }
0x46: {  	_ =	shalt  }
0x47: {  	_ =	shalt  }
0x48: {  	_ =	shalt  }
0x49: {  	_ =	shalt  }
0x4a: {  	_ =	shalt  }
0x4b: {  	_ =	shalt  }
0x4c: {  	_ =	shalt  }
0x4d: {  	_ =	shalt  }
0x4e: {  	_ =	shalt  }
0x4f: {  	_ =	shalt  }
0x50: {  	_ =	shalt  }
0x51: {  	_ =	shalt  }
0x52: {  	_ =	shalt  }
0x53: {  	_ =	shalt  }
0x54: {  	_ =	shalt  }
0x55: {  	_ =	shalt  }
0x56: {  	_ =	shalt  }
0x57: {  	_ =	shalt  }
0x58: {  	_ =	shalt  }
0x59: {  	_ =	shalt  }
0x5a: {  	_ =	shalt  }
0x5b: {  	_ =	shalt  }
0x5c: {  	_ =	shalt  }
0x5d: {  	_ =	shalt  }
0x5e: {  	_ =	shalt  }
0x5f: {  	_ =	shalt  }
0x60: {  	_ =	shalt  }
0x61: {  	_ =	shalt  }
0x62: {  	_ =	shalt  }
0x63: {  	_ =	shalt  }
0x64: {  	_ =	shalt  }
0x65: {  	_ =	shalt  }
0x66: {  	_ =	shalt  }
0x67: {  	_ =	shalt  }
0x68: {  	_ =	shalt  }
0x69: {  	_ =	shalt  }
0x6a: {  	_ =	shalt  }
0x6b: {  	_ =	shalt  }
0x6c: {  	_ =	shalt  }
0x6d: {  	_ =	shalt  }
0x6e: {  	_ =	shalt  }
0x6f: {  	_ =	shalt  }
0x70: {  	_ =	shalt  }
0x71: {  	_ =	shalt  }
0x72: {  	_ =	shalt  }
0x73: {  	_ =	shalt  }
0x74: {  	_ =	shalt  }
0x75: {  	_ =	shalt  }
0x76: {  	_ =	shalt  }
0x77: {  	_ =	shalt  }
0x78: {  	_ =	shalt  }
0x79: {  	_ =	shalt  }
0x7a: {  	_ =	shalt  }
0x7b: {  	_ =	shalt  }
0x7c: {  	_ =	shalt  }
0x7d: {  	_ =	shalt  }
0x7e: {  	_ =	shalt  }
0x7f: {  	_ =	shalt  }
0x80: {  	_ =	shalt  }
0x81: {  	_ =	shalt  }
0x82: {  	_ =	shalt  }
0x83: {  	_ =	shalt  }
0x84: {  	_ =	shalt  }
0x85: {  	_ =	shalt  }
0x86: {  	_ =	shalt  }
0x87: {  	_ =	shalt  }
.Lfunc_end0:
.L_simem_size_0:
called_computation.8_lowered:
.L_overlay_start_0:
0x88: {  	s2 =	sld [smem:$0x3FD9]  }
0x89: {  	s3 =	sld [smem:$0x3FFE];
	_ =	sdelay $0x1  }
0x8a: {  	s1 =	srdreg.scid  }
0x8b: {  	s0 =	sand.u32 $0x1, s1  }
0x8c: {  	s17 =	sshll.u32 s0, $0xA;
	s2 =	sadd.s32 s3, s2  }
0x8d: {  	s2 =	sadd.s32 s2, s17  }
0x8e: {  	[smem:$0x3F95] =	sst s2  }
0x8f: {  	_ = 	snop  }
0x90: {  	(tm) =	ssettm $0x1  }
0x91: {  	s18 =	sld [smem:$0x3FFB];
	_ =	sdelay $0x3  }
0x92: {  	_ =	strace s18  }
0x93: {  	s2 =	sld [smem:$0x3FFC];
	_ =	sdelay $0x3  }
0x94: {  	_ =	strace s2  }
0x95: {  	s2 =	sld [smem:$0x3FFD];
	_ =	sdelay $0x3  }
0x96: {  	_ =	strace s2  }
0x97: {  	_ =	strace $0x8FFFFFFF  }
0x98: {  	s19 =	sld [smem:$0x3FDB];
	_ =	sdelay $0x1  }
0x99: {  	s20 =	simm.s32 $_scs_section_size  }
0x9a: {  	s4 =	simm.s32 $_size__tile_overlayer_lowered;
	s5 =	simm.s32 $_tile_overlayer_lowered  }
0x9b: {  	s6 =	simm.s32 $0x1BFF;
	s21 =	sshll.u32 s5, $0x1;
	s3 =	sadd.s32 s20, s19  }
0x9c: {  	s22 =	simm.s32 $0x0;
	s4 =	sshll.u32 s4, $0x1;
	s5 =	sadd.s32 s21, s3  }
0x9d: {  	[timem:s22], [sflag:s6] =	dma.local [hbm:s5], s4  }
0x9e: {  	_ =	swait.ge [sflag:s6], s4  }
0x9f: {  	s4 =	ssub.s32 $0x0, s4;
	[sflag:s6] =	ssyncset.done $0x0  }
0xa0: {  	[sflag:s6] =	ssyncadd.s32 s4;
	_ =	sdelay $0x1  }
0xa1: {  	s23 =	simm.s32 $0x1B8B  }
0xa2: {  	_ =	swait.ge [sflag:s23], $0x1  }
0xa3: {  	[sflag:s23] =	ssyncset.done $0x0  }
0xa4: {  	[sflag:s23] =	ssyncadd.s32 $0xFFFFFFFF  }
0xa5: {  	s4 =	sld [smem:$0x0]  }
0xa6: {  	s5 =	sand.u32 $0xFFFFFFFE, s1  }
0xa7: {  	p0 =	sne.s32 s1, s5  }
0xa8: {  	s5 =	sshll.u32 @p0 s5, $0xE  }
0xa9: {  	s5 =	sadd.s32 @p0 $0x11B8D, s5;
	s6 =	sshll.u32 @p0 s4, $0x11  }
0xaa: {  	s5 =	sor.u32 @p0 s6, s5  }
0xab: {  	[sflag:s5] =	ssyncadd.remote.s32 @p0 $0x1;
	_ =	sdelay $0x1  }
0xac: {  	s5 =	simm.s32 @p0 $0x1B8D  }
0xad: {  	_ =	swait.eq @p0 [sflag:s5], $0x1  }
0xae: {  	[sflag:s5] =	ssyncadd.s32 @p0 $0xFFFFFFFF  }
0xaf: {  	s6 =	sshll.u32 @!p0 s1, $0xE  }
0xb0: {  	s6 =	sor.u32 @!p0 $0x4000, s6;
	s5 =	simm.s32 @!p0 $0x1B8D  }
0xb1: {  	s4 =	sshll.u32 @!p0 s4, $0x11;
	s6 =	sadd.s32 @!p0 $0x11B8D, s6;
	_ =	swait.eq @!p0 [sflag:s5], $0x1  }
0xb2: {  	s4 =	sor.u32 @!p0 s4, s6;
	[sflag:s5] =	ssyncadd.s32 @!p0 $0xFFFFFFFF  }
0xb3: {  	s25 =	simm.s32 $0x1B8E;
	s24 =	sld [smem:$0x3FFE];
	[sflag:s4] =	ssyncadd.remote.s32 @!p0 $0x1  }
0xb4: {  	s26 =	simm.s32 $execute0_lowered;
	[smem:$0x3FD2] =	sst s25  }
0xb5: {  	s5 =	sshll.u32 s26, $0x1;
	_ =	strace $0x8000005E;
	[dreg:$0x1] =	wrdreg $0xFFFFFFFF  }
0xb6: {  	s28 =	simm.s32 $_size_execute0_lowered;
	s3 =	sadd.s32 s3, s5;
	[dreg:$0x0] =	wrdreg $0x0  }
0xb7: {  	s5 =	sshll.u32 s28, $0x1;
	[dreg:$0x2] =	wrdreg s3  }
0xb8: {  	[dreg:$0x3] =	wrdreg s5  }
0xb9: {  	[dreg:$0x4] =	wrdreg $0xC0  }
0xba: {  	_ =	task [dreg:s22], $0x5FFFF  }
0xbb: {  	[dreg:$0x1] =	wrdreg $0xFFFFFFFF  }
0xbc: {  	[dreg:$0x0] =	wrdreg $0x60  }
0xbd: {  	[dreg:$0x2] =	wrdreg s24  }
0xbe: {  	[dreg:$0x3] =	wrdreg $0x54000  }
0xbf: {  	[dreg:$0x4] =	wrdreg $0x9  }
0xc0: {  	_ =	task.clear_ibuf [dreg:s22], $0x5FFFF;
	_ =	strace $0x9000005E  }
0xc1: {  	s29 =	simm.s32 $0x9;
	_ =	strace $0x80000060  }
0xc2: {  	_ =	swait.ge [sflag:s29], $0x1  }
0xc3: {  	[sflag:s29] =	ssyncadd.s32 $0xFFFFFFFF  }
0xc4: {  	_ =	strace $0x90000060  }
0xc5: {  	_ =	sfence  }
0xc6: {  	s30 =	sld [smem:$0x0];
	_ =	sdelay $0x2  }
0xc7: {  	s31 =	sshll.u32 s1, $0xD;
	s1 =	sshrl.u32 s1, $0x2  }
0xc8: {  	s4 =	sand.u32 $0x4000, s31;
	s1 =	sadd.s32 s1, s30  }
0xc9: {  	s0 =	sor.u32 s4, s0;
	s1 =	sshll.u32 s1, $0x11  }
0xca: {  	s0 =	sor.u32 s1, s0  }
0xcb: {  	s0 =	sadd.s32 $0x8F2B, s0  }
0xcc: {  	[sflag:s0] =	ssyncadd.remote.s32 $0x1  }
0xcd: {  	_ =	sfence.sel $0xFFFF  }
0xce: {  	[dreg:$0x0] =	wrdreg $0xFFFFFFFF;
	(pc) =	sbr.abs _section_cstart, $3  }
0xcf: {  	[dreg:$0x1] =	wrdreg $0xFFFFFFFF  }
0xd0: {  	_ =	task.clear_ibuf [dreg:s22], $0x2FFFF;
	_ =	strace $0x9FFFFFFF  }
0xd1: {  	(tm) =	ssettm $0x7FFFFFFF  }
tec
execute0_lowered:
.L_overlay_start_1:
0x0: {  	(tag) =	ssettag $0x1  }
0x1: {  	s4 =	rddreg [dreg:$0x0]  }
0x2: {  	s2 =	rddreg [dreg:$0x1]  }
0x3: {  	s0 =	rddreg [dreg:$0x2]  }
0x4: {  	s1 =	stileid.u32;
	s3 =	simm.s32 $0x0;
	s6 =	srdreg.scid  }
0x5: {  	s14 =	simm.s32 $0x0;
	s5 =	smul.u32 $0x27100, s1;
	[smem:$0x7FF] =	sst s3  }
0x6: {  	s6 =	sand.u32 $0x1, s6;
	s7 =	smul.u32 $0x14000, s1;
	s8 =	sshll.u32 s1, $0xC  }
0x7: {  	s28 =	smul.u32 $0x50000, s1;
	s31 =	sshll.u32 s1, $0x6;
	s9 =	sshll.u32 s6, $0xB  }
0x8: {  	s10 =	smul.u32 $0x140000, s6;
	_ =	strace $0x8000005F;
	s29 =	ssub.s32 $0x2, s6  }
0x9: {  	s12 =	smul.u32 $0x13880, s6;
	s8 =	sor.u32 s9, s8;
	s24 =	sadd.s32 s5, s4  }
0xa: {  	s11 =	sshrl.u32 s29, $0x1;
	s9 =	simm.s32 $0x1;
	s25 =	sadd.s32 s8, s4  }
0xb: {  	s26 =	sadd.s32 s7, s10;
	s7 =	sshrl.u32 s7, $0x3;
	s10 =	sshrl.u32 s28, $0x2  }
0xc: {  	s11 =	ssub.s32 s29, s11;
	s30 =	sadd.s32 s12, s24;
	s12 =	simm.s32 $0x4000  }
0xd: {  	s8 =	sshrl.u32 s26, $0x3;
	s7 =	sadd.s32 s7, s4;
	s13 =	sadd.s32 s10, s2  }
0xe: {  	s10 =	sor.u32 $0x1C01, s31;
	s8 =	sadd.s32 s8, s4;
	s4 =	sadd.s32 $0x5DFC00, s25  }
0xf: {  	s5 =	sadd.s32 $0x31200, s7;
	s7 =	smax.u32 s11, $0x1;
	s11 =	sshrl.u32 s13, $0x3  }
0x10: {  	s13 =	simm.s32 $0x28;
	s6 =	sadd.s32 $0x78600, s8;
	s8 =	sadd.s32 $0x5EFC00, s30  }
.LBB2_1:
0x11: {  	[tilespmem:s3], [sflag:$0x1] =	stream.linear.gather [hbm4b:s4+s3], $0x3E80, $0x38;
	[tilespmem:$0x19400] =	vst v63  }
0x12: {  	_ =	swait.ge [sflag:s9], $0x3E80  }
0x13: {  	[sflag:s9] =	ssyncset.done $0x0  }
0x14: {  	[sflag:s9] =	ssyncadd.s32 $0xFFFFC180  }
0x15: {  	[spmem:s11], [sflag:s10] =	dma.local [hbm:s5], $0x2800  }
0x16: {  	_ =	swait.ge [sflag:s9], $0x2800  }
0x17: {  	[sflag:s9] =	ssyncset.done $0x0  }
0x18: {  	[sflag:s9] =	ssyncadd.s32 $0xFFFFD800  }
0x19: {  	[bflag:$0x0] =	sbarrier.arrive $0xFFFF  }
0x1a: {  	[tilespmem:s12], [sflag:$0x1] =	stream.linear.gather [hbm4b:s8+s3], $0x1400, $0x38;
	[tilespmem:$0x19400] =	vst v63  }
0x1b: {  	_ =	swait.ge [sflag:s9], $0x1400  }
0x1c: {  	[sflag:s9] =	ssyncset.done $0x0  }
0x1d: {  	s15 =	simm.s32 $0x0;
	[sflag:s9] =	ssyncadd.s32 $0xFFFFEC00  }
0x1e: {  	[spmem:s2] =	stream.indirect.scatter.add.f32 [tilespmem:s12], [sflag:$0x1], $0x80, s15, s13, $0xb8;
	[tilespmem:$0x19400] =	vst v63  }
0x1f: {  	_ =	swait.ge [sflag:s9], $0x1400  }
0x20: {  	s16 =	smov.u32 s8;
	s15 =	simm.s32 $0x200;
	[sflag:s9] =	ssyncset.done $0x0  }
.LBB2_2:
0x21: {  	p0 =	sne.s32 s15, $0xF800;
	[sflag:s9] =	ssyncadd.s32 $0xFFFFEC00;
	s16 =	sadd.s32 $0x280, s16  }
0x22: {  	[tilespmem:s12], [sflag:$0x1] =	stream.linear.gather [hbm4b:s16+s3], $0x1400, $0x38;
	[tilespmem:$0x19400] =	vst v63  }
0x23: {  	s17 =	smov.u32 s15;
	s15 =	sadd.s32 $0x200, s15;
	_ =	swait.ge [sflag:s9], $0x1400  }
.Ltmp0:
0x24: {  	[sflag:s9] =	ssyncset.done $0x0;
	(pc) =	sbr.rel @p0 .LBB2_2-.Ltmp0, $4  }
0x25: {  	s17 =	sshra.s32 s17, $0x2;
	[sflag:s9] =	ssyncadd.s32 $0xFFFFEC00  }
0x26: {  	[spmem:s2] =	stream.indirect.scatter.add.f32 [tilespmem:s12], [sflag:$0x1], $0x80, s17, s13, $0xb8;
	[tilespmem:$0x19400] =	vst v63  }
0x27: {  	_ =	swait.ge [sflag:s9], $0x1400  }
0x28: {  	[sflag:s9] =	ssyncset.done $0x0  }
0x29: {  	s14 =	sadd.s32 $0x1, s14  }
0x2a: {  	[sflag:s9] =	ssyncadd.s32 $0xFFFFEC00;
	p0 =	sne.s32 s14, s7  }
.Ltmp1:
0x2b: {  	[bflag:$0x0] =	sbarrier.arrive $0xFFFF;
	(pc) =	sbr.rel @p0 .LBB2_1-.Ltmp1, $4  }
0x2c: {  	[hbm:s6], [sflag:s10] =	dma.local [spmem:s11], $0x2800  }
0x2d: {  	_ =	swait.ge [sflag:s9], $0x2800  }
0x2e: {  	[sflag:s9] =	ssyncset.done $0x0  }
0x2f: {  	[sflag:s9] =	ssyncadd.s32 $0xFFFFD800  }
0x30: {  	_ =	sfence.sel $0x180000  }
0x31: {  	[bflag:$0x0] =	sbarrier.arrive $0xFFFF  }
0x32: {  	p0 =	sne.s32 s1, $0x0;
	_ =	strace $0x9000005F  }
0x33: {  	s0 =	sadd.s32 @!p0 $0x100000, s0;
	[bflag:$0x2] =	sbarrier.arrive $0xFFFF  }
0x34: {  	[sflag:s0] =	ssyncadd.tile.s32 @!p0 $0x1;
	_ =	shalt  }
.Lfunc_end2:
_tile_overlayer_lowered:
.L_overlay_start_2:
0x35: {  	(tag) =	ssettag $0x2  }
0x36: {  	s0 =	rddreg [dreg:$0x0];
	s2 =	stileid.u32  }
0x37: {  	s1 =	rddreg [dreg:$0x1];
	p0 =	sne.s32 s2, $0x0  }
0x38: {  	s3 =	rddreg [dreg:$0x2];
	[bflag:$0x3] =	sbarrier.arrive $0xFFFF;
	s2 =	simm.s32 @!p0 $0x1C01  }
0x39: {  	[timem:s3], [sflag:s2] =	dma.local @!p0 [hbm:s0], s1  }
0x3a: {  	s0 =	simm.s32 @!p0 $0x1  }
0x3b: {  	_ =	swait.ge @!p0 [sflag:s0], s1  }
0x3c: {  	s1 =	ssub.s32 @!p0 $0x0, s1;
	[sflag:s0] =	ssyncset.done @!p0 $0x0  }
0x3d: {  	[sflag:s0] =	ssyncadd.s32 @!p0 s1  }
0x3e: {  	[bflag:$0x3] =	sbarrier.arrive $0xFFFF  }
0x3f: {  	_ =	shalt  }

</sc_bundles>
